<compile_context>
chip_gen: v7x
topology: tpu7x:2x2x1
jax: 0.10.2.dev20260603
libtpu: 0.0.44.dev20260713+nightly
codegen_flags: <defaults>
</compile_context>

<pallas_src>
import math

import jax
import jax.numpy as jnp
from jax import lax
from jax.experimental import pallas as pl
from jax.experimental.pallas import tpu as pltpu
from jax.experimental.pallas import tpu_sc as plsc

_D_MODEL = 64
_SCALE = math.sqrt(_D_MODEL)
_LANES = 16
_NC, _NS = 2, 16
_NW = _NC * _NS
_NBUF = 4


def _scale_chunk(src, dst, s):
    sv = src.at[0]
    dv = dst.at[0]

    @pl.loop(0, s, step=2)
    def _(r):
        for j in range(2):
            for c in range(_D_MODEL // _LANES):
                slc = (pl.ds(r + j, 1), pl.ds(c * _LANES, _LANES))
                dv.at[slc][...] = sv.at[slc][...] * _SCALE


def _sc_embed(lut, x, b, s):
    bpw = b // _NW
    nround = bpw // _NBUF
    assert bpw * _NW == b and nround * _NBUF == bpw and nround >= 3
    mesh = plsc.VectorSubcoreMesh(core_axis_name="c", subcore_axis_name="s")

    @pl.kernel(
        out_type=jax.ShapeDtypeStruct((b, s, _D_MODEL), jnp.float32),
        mesh=mesh,
        compiler_params=pltpu.CompilerParams(use_tc_tiling_on_sc=False),
        scratch_types=[
            pltpu.VMEM((bpw, s), jnp.int32),
            pltpu.VMEM((_NBUF, 1, s, _D_MODEL), jnp.float32),
            pltpu.VMEM((2, 1, s, _D_MODEL), jnp.float32),
            pltpu.SemaphoreType.DMA((_NBUF,)),
            pltpu.SemaphoreType.DMA((2,)),
            pltpu.SemaphoreType.DMA,
        ],
    )
    def k(lut_hbm, x_hbm, out_hbm, idx_v, rows, sbuf, gsem, ssem, isem):
        wid = lax.axis_index("s") * _NC + lax.axis_index("c")
        base = wid * bpw
        pltpu.async_copy(x_hbm.at[pl.ds(base, bpw)], idx_v, isem).wait()

        def fire_gather(c, bi):
            pltpu.async_copy(
                lut_hbm.at[idx_v.at[c]], rows.at[bi, 0], gsem.at[bi]
            )

        def wait_gather(c, bi):
            pltpu.make_async_copy(
                lut_hbm.at[idx_v.at[c]], rows.at[bi, 0], gsem.at[bi]
            ).wait()

        def fire_store(c, sb):
            pltpu.async_copy(
                sbuf.at[sb], out_hbm.at[pl.ds(base + c, 1)], ssem.at[sb]
            )

        def wait_store(c, sb):
            pltpu.make_async_copy(
                sbuf.at[sb], out_hbm.at[pl.ds(base + c, 1)], ssem.at[sb]
            ).wait()

        for bi in range(_NBUF):
            fire_gather(bi, bi)

        for bi in range(_NBUF):
            wait_gather(bi, bi)
            if bi >= 2:
                wait_store(bi - 2, bi % 2)
            _scale_chunk(rows.at[bi], sbuf.at[bi % 2], s)
            fire_gather(_NBUF + bi, bi)
            fire_store(bi, bi % 2)

        @pl.loop(1, nround - 1)
        def _(r):
            cb = r * _NBUF
            for bi in range(_NBUF):
                c = cb + bi
                wait_gather(c, bi)
                wait_store(c - 2, bi % 2)
                _scale_chunk(rows.at[bi], sbuf.at[bi % 2], s)
                fire_gather(c + _NBUF, bi)
                fire_store(c, bi % 2)

        cb = (nround - 1) * _NBUF
        for bi in range(_NBUF):
            c = cb + bi
            wait_gather(c, bi)
            wait_store(c - 2, bi % 2)
            _scale_chunk(rows.at[bi], sbuf.at[bi % 2], s)
            fire_store(c, bi % 2)

        wait_store(bpw - 2, (bpw - 2) % 2)
        wait_store(bpw - 1, (bpw - 1) % 2)

    return k(lut, x)


def kernel(x, lut):
    b, s = x.shape
    return _sc_embed(lut, x, b, s)

# --- scband reference (transcript-rebuilt; emitter-appended) ---
"""Pipeline reference for scband-embeddings-82832739271292 (READ-ONLY COPY).

The authoritative reference and input builder live on the scoring server;
editing this copy changes nothing except your own understanding.
"""

import jax, jax.numpy as jnp
import numpy as np
import math

D_MODEL = 64
VOCAB = 1000000
BATCH = 4096
SEQ = 200

def setup_inputs(seed: int = 0) -> dict:
    key = jax.random.key(seed)
    k_idx, k_tab = jax.random.split(key)
    x = jax.random.randint(k_idx, (BATCH, SEQ), 0, VOCAB, dtype=jnp.int64 if jax.config.jax_enable_x64 else jnp.int32)
    lut = jax.random.normal(k_tab, (VOCAB, D_MODEL), dtype=jnp.float32)
    return {"x": x, "lut": lut}

def reference(x, lut):
    # Faithful translation of: self.lut(x) * math.sqrt(self.d_model)
    emb = jnp.take(lut, x, axis=0)
    return emb * math.sqrt(D_MODEL)

if __name__ == "__main__":
    import jax
    _d = setup_inputs()
    print(jax.jit(kernel)(*tuple(_d.values())))

</pallas_src>

<mosaic_0001>
#map = affine_map<(d0, d1) -> (0, 0)>
#map1 = affine_map<(d0, d1) -> (0, 0, 0)>
module attributes {stable_mosaic.version = 14 : i64} {
  func.func @k(%arg0: i32, %arg1: i32, %arg2: memref<1000000x64xf32, #tpu.memory_space<hbm>>, %arg3: memref<4096x200xi32, #tpu.memory_space<hbm>>, %arg4: memref<4096x200x64xf32, #tpu.memory_space<hbm>>, %arg5: memref<128x200xi32, #tpu.memory_space<vmem>>, %arg6: memref<4x1x200x64xf32, #tpu.memory_space<vmem>>, %arg7: memref<2x1x200x64xf32, #tpu.memory_space<vmem>>, %arg8: memref<4x!tpu.dma_semaphore, #tpu.memory_space<semaphore_mem>>, %arg9: memref<2x!tpu.dma_semaphore, #tpu.memory_space<semaphore_mem>>, %arg10: memref<!tpu.dma_semaphore, #tpu.memory_space<semaphore_mem>>) attributes {dimension_semantics = [#tpu.dimension_semantics<core_parallel>, #tpu.dimension_semantics<subcore_parallel>], iteration_bounds = array<i64: 2, 16>, scalar_prefetch = 0 : i64, scratch_operands = 6 : i64, tpu.core_type = #tpu.core_type<sc_vector_subcore>, window_params = [{transform_indices = #map}, {transform_indices = #map}, {transform_indices = #map1}]} {
    %mul3A = arith.constant 2 : i32
    %mul3A_0 = arith.muli %arg1, %mul3A : i32
    %add3A = arith.addi %mul3A_0, %arg0 : i32
    %mul3A_1 = arith.constant 128 : i32
    %mul3A_2 = arith.muli %add3A, %mul3A_1 : i32
    %dma_start3A = arith.constant 0 : i32
    %dma_start3A_3 = tpu.memref_slice %arg3[%mul3A_2, %dma_start3A] : memref<4096x200xi32, #tpu.memory_space<hbm>> -> memref<128x200xi32, #tpu.memory_space<hbm>>
    %dma_start3A_4 = arith.constant 0 : i32
    %dma_start3A_5 = tpu.memref_slice %arg3[%mul3A_2, %dma_start3A_4] : memref<4096x200xi32, #tpu.memory_space<hbm>> -> memref<128x200xi32, #tpu.memory_space<hbm>>
    tpu.enqueue_dma source(%dma_start3A_5 : memref<128x200xi32, #tpu.memory_space<hbm>>) target(%arg5 : memref<128x200xi32, #tpu.memory_space<vmem>>) target_semaphore(%arg10 : memref<!tpu.dma_semaphore, #tpu.memory_space<semaphore_mem>>)
    %dma_wait3A = arith.constant 0 : i32
    %dma_wait3A_6 = tpu.memref_slice %arg3[%mul3A_2, %dma_wait3A] : memref<4096x200xi32, #tpu.memory_space<hbm>> -> memref<128x200xi32, #tpu.memory_space<hbm>>
    %dma_wait3A_7 = arith.constant 0 : i32
    %dma_wait3A_8 = tpu.memref_slice %arg3[%mul3A_2, %dma_wait3A_7] : memref<4096x200xi32, #tpu.memory_space<hbm>> -> memref<128x200xi32, #tpu.memory_space<hbm>>
    tpu.wait_dma2 semaphore(%arg10 : memref<!tpu.dma_semaphore, #tpu.memory_space<semaphore_mem>>) src(%dma_wait3A_8 : memref<128x200xi32, #tpu.memory_space<hbm>>) dst(%arg5 : memref<128x200xi32, #tpu.memory_space<vmem>>)
    %dma_start3A_9 = arith.constant 0 : i32
    %dma_start3A_10 = arith.constant 0 : i32
    %dma_start3A_11 = arith.constant 0 : i32
    %dma_start3A_12 = arith.constant 0 : i32
    %dma_start3A_13 = arith.constant 0 : i32
    %dma_start3A_14 = arith.constant 0 : i32
    %dma_start3A_15 = tpu.memref_slice %arg6[%dma_start3A_10, %dma_start3A_11, %dma_start3A_13, %dma_start3A_14] : memref<4x1x200x64xf32, #tpu.memory_space<vmem>> -> memref<1x1x200x64xf32, #tpu.memory_space<vmem>>
    %dma_start3A_16 = tpu.memref_squeeze %dma_start3A_15 : memref<1x1x200x64xf32, #tpu.memory_space<vmem>> -> memref<200x64xf32, #tpu.memory_space<vmem>>
    %dma_start3A_17 = arith.constant 0 : i32
    %dma_start3A_18 = tpu.memref_slice %arg5[%dma_start3A_9, %dma_start3A_17] : memref<128x200xi32, #tpu.memory_space<vmem>> -> memref<1x200xi32, #tpu.memory_space<vmem>>
    %dma_start3A_19 = tpu.memref_squeeze %dma_start3A_18 : memref<1x200xi32, #tpu.memory_space<vmem>> -> memref<200xi32, #tpu.memory_space<vmem>>
    %dma_start3A_20 = arith.constant 0 : i32
    %dma_start3A_21 = arith.constant 0 : i32
    %dma_start3A_22 = tpu.memref_slice %arg2[%dma_start3A_20, %dma_start3A_21] : memref<1000000x64xf32, #tpu.memory_space<hbm>> -> memref<1000000x64xf32, #tpu.memory_space<hbm>>
    %dma_start3A_23 = tpu.memref_slice %arg8[%dma_start3A_12] : memref<4x!tpu.dma_semaphore, #tpu.memory_space<semaphore_mem>> -> memref<1x!tpu.dma_semaphore, #tpu.memory_space<semaphore_mem>>
    %dma_start3A_24 = tpu.memref_squeeze %dma_start3A_23 : memref<1x!tpu.dma_semaphore, #tpu.memory_space<semaphore_mem>> -> memref<!tpu.dma_semaphore, #tpu.memory_space<semaphore_mem>>
    tpu.enqueue_indirect_dma source(%dma_start3A_22 : memref<1000000x64xf32, #tpu.memory_space<hbm>>) target(%dma_start3A_16 : memref<200x64xf32, #tpu.memory_space<vmem>>) offsets(%dma_start3A_19 : memref<200xi32, #tpu.memory_space<vmem>>) semaphore(%dma_start3A_24 : memref<!tpu.dma_semaphore, #tpu.memory_space<semaphore_mem>>)
    %dma_start3A_25 = arith.constant 1 : i32
    %dma_start3A_26 = arith.constant 1 : i32
    %dma_start3A_27 = arith.constant 0 : i32
    %dma_start3A_28 = arith.constant 1 : i32
    %dma_start3A_29 = arith.constant 0 : i32
    %dma_start3A_30 = arith.constant 0 : i32
    %dma_start3A_31 = tpu.memref_slice %arg6[%dma_start3A_26, %dma_start3A_27, %dma_start3A_29, %dma_start3A_30] : memref<4x1x200x64xf32, #tpu.memory_space<vmem>> -> memref<1x1x200x64xf32, #tpu.memory_space<vmem>>
    %dma_start3A_32 = tpu.memref_squeeze %dma_start3A_31 : memref<1x1x200x64xf32, #tpu.memory_space<vmem>> -> memref<200x64xf32, #tpu.memory_space<vmem>>
    %dma_start3A_33 = arith.constant 0 : i32
    %dma_start3A_34 = tpu.memref_slice %arg5[%dma_start3A_25, %dma_start3A_33] : memref<128x200xi32, #tpu.memory_space<vmem>> -> memref<1x200xi32, #tpu.memory_space<vmem>>
    %dma_start3A_35 = tpu.memref_squeeze %dma_start3A_34 : memref<1x200xi32, #tpu.memory_space<vmem>> -> memref<200xi32, #tpu.memory_space<vmem>>
    %dma_start3A_36 = arith.constant 0 : i32
    %dma_start3A_37 = arith.constant 0 : i32
    %dma_start3A_38 = tpu.memref_slice %arg2[%dma_start3A_36, %dma_start3A_37] : memref<1000000x64xf32, #tpu.memory_space<hbm>> -> memref<1000000x64xf32, #tpu.memory_space<hbm>>
    %dma_start3A_39 = tpu.memref_slice %arg8[%dma_start3A_28] : memref<4x!tpu.dma_semaphore, #tpu.memory_space<semaphore_mem>> -> memref<1x!tpu.dma_semaphore, #tpu.memory_space<semaphore_mem>>
    %dma_start3A_40 = tpu.memref_squeeze %dma_start3A_39 : memref<1x!tpu.dma_semaphore, #tpu.memory_space<semaphore_mem>> -> memref<!tpu.dma_semaphore, #tpu.memory_space<semaphore_mem>>
    tpu.enqueue_indirect_dma source(%dma_start3A_38 : memref<1000000x64xf32, #tpu.memory_space<hbm>>) target(%dma_start3A_32 : memref<200x64xf32, #tpu.memory_space<vmem>>) offsets(%dma_start3A_35 : memref<200xi32, #tpu.memory_space<vmem>>) semaphore(%dma_start3A_40 : memref<!tpu.dma_semaphore, #tpu.memory_space<semaphore_mem>>)
    %dma_start3A_41 = arith.constant 2 : i32
    %dma_start3A_42 = arith.constant 2 : i32
    %dma_start3A_43 = arith.constant 0 : i32
    %dma_start3A_44 = arith.constant 2 : i32
    %dma_start3A_45 = arith.constant 0 : i32
    %dma_start3A_46 = arith.constant 0 : i32
    %dma_start3A_47 = tpu.memref_slice %arg6[%dma_start3A_42, %dma_start3A_43, %dma_start3A_45, %dma_start3A_46] : memref<4x1x200x64xf32, #tpu.memory_space<vmem>> -> memref<1x1x200x64xf32, #tpu.memory_space<vmem>>
    %dma_start3A_48 = tpu.memref_squeeze %dma_start3A_47 : memref<1x1x200x64xf32, #tpu.memory_space<vmem>> -> memref<200x64xf32, #tpu.memory_space<vmem>>
    %dma_start3A_49 = arith.constant 0 : i32
    %dma_start3A_50 = tpu.memref_slice %arg5[%dma_start3A_41, %dma_start3A_49] : memref<128x200xi32, #tpu.memory_space<vmem>> -> memref<1x200xi32, #tpu.memory_space<vmem>>
    %dma_start3A_51 = tpu.memref_squeeze %dma_start3A_50 : memref<1x200xi32, #tpu.memory_space<vmem>> -> memref<200xi32, #tpu.memory_space<vmem>>
    %dma_start3A_52 = arith.constant 0 : i32
    %dma_start3A_53 = arith.constant 0 : i32
    %dma_start3A_54 = tpu.memref_slice %arg2[%dma_start3A_52, %dma_start3A_53] : memref<1000000x64xf32, #tpu.memory_space<hbm>> -> memref<1000000x64xf32, #tpu.memory_space<hbm>>
    %dma_start3A_55 = tpu.memref_slice %arg8[%dma_start3A_44] : memref<4x!tpu.dma_semaphore, #tpu.memory_space<semaphore_mem>> -> memref<1x!tpu.dma_semaphore, #tpu.memory_space<semaphore_mem>>
    %dma_start3A_56 = tpu.memref_squeeze %dma_start3A_55 : memref<1x!tpu.dma_semaphore, #tpu.memory_space<semaphore_mem>> -> memref<!tpu.dma_semaphore, #tpu.memory_space<semaphore_mem>>
    tpu.enqueue_indirect_dma source(%dma_start3A_54 : memref<1000000x64xf32, #tpu.memory_space<hbm>>) target(%dma_start3A_48 : memref<200x64xf32, #tpu.memory_space<vmem>>) offsets(%dma_start3A_51 : memref<200xi32, #tpu.memory_space<vmem>>) semaphore(%dma_start3A_56 : memref<!tpu.dma_semaphore, #tpu.memory_space<semaphore_mem>>)
    %dma_start3A_57 = arith.constant 3 : i32
    %dma_start3A_58 = arith.constant 3 : i32
    %dma_start3A_59 = arith.constant 0 : i32
    %dma_start3A_60 = arith.constant 3 : i32
    %dma_start3A_61 = arith.constant 0 : i32
    %dma_start3A_62 = arith.constant 0 : i32
    %dma_start3A_63 = tpu.memref_slice %arg6[%dma_start3A_58, %dma_start3A_59, %dma_start3A_61, %dma_start3A_62] : memref<4x1x200x64xf32, #tpu.memory_space<vmem>> -> memref<1x1x200x64xf32, #tpu.memory_space<vmem>>
    %dma_start3A_64 = tpu.memref_squeeze %dma_start3A_63 : memref<1x1x200x64xf32, #tpu.memory_space<vmem>> -> memref<200x64xf32, #tpu.memory_space<vmem>>
    %dma_start3A_65 = arith.constant 0 : i32
    %dma_start3A_66 = tpu.memref_slice %arg5[%dma_start3A_57, %dma_start3A_65] : memref<128x200xi32, #tpu.memory_space<vmem>> -> memref<1x200xi32, #tpu.memory_space<vmem>>
    %dma_start3A_67 = tpu.memref_squeeze %dma_start3A_66 : memref<1x200xi32, #tpu.memory_space<vmem>> -> memref<200xi32, #tpu.memory_space<vmem>>
    %dma_start3A_68 = arith.constant 0 : i32
    %dma_start3A_69 = arith.constant 0 : i32
    %dma_start3A_70 = tpu.memref_slice %arg2[%dma_start3A_68, %dma_start3A_69] : memref<1000000x64xf32, #tpu.memory_space<hbm>> -> memref<1000000x64xf32, #tpu.memory_space<hbm>>
    %dma_start3A_71 = tpu.memref_slice %arg8[%dma_start3A_60] : memref<4x!tpu.dma_semaphore, #tpu.memory_space<semaphore_mem>> -> memref<1x!tpu.dma_semaphore, #tpu.memory_space<semaphore_mem>>
    %dma_start3A_72 = tpu.memref_squeeze %dma_start3A_71 : memref<1x!tpu.dma_semaphore, #tpu.memory_space<semaphore_mem>> -> memref<!tpu.dma_semaphore, #tpu.memory_space<semaphore_mem>>
    tpu.enqueue_indirect_dma source(%dma_start3A_70 : memref<1000000x64xf32, #tpu.memory_space<hbm>>) target(%dma_start3A_64 : memref<200x64xf32, #tpu.memory_space<vmem>>) offsets(%dma_start3A_67 : memref<200xi32, #tpu.memory_space<vmem>>) semaphore(%dma_start3A_72 : memref<!tpu.dma_semaphore, #tpu.memory_space<semaphore_mem>>)
    %dma_wait3A_73 = arith.constant 0 : i32
    %dma_wait3A_74 = arith.constant 0 : i32
    %dma_wait3A_75 = arith.constant 0 : i32
    %dma_wait3A_76 = arith.constant 0 : i32
    %dma_wait3A_77 = arith.constant 0 : i32
    %dma_wait3A_78 = arith.constant 0 : i32
    %dma_wait3A_79 = tpu.memref_slice %arg6[%dma_wait3A_74, %dma_wait3A_75, %dma_wait3A_77, %dma_wait3A_78] : memref<4x1x200x64xf32, #tpu.memory_space<vmem>> -> memref<1x1x200x64xf32, #tpu.memory_space<vmem>>
    %dma_wait3A_80 = tpu.memref_squeeze %dma_wait3A_79 : memref<1x1x200x64xf32, #tpu.memory_space<vmem>> -> memref<200x64xf32, #tpu.memory_space<vmem>>
    %dma_wait3A_81 = arith.constant 0 : i32
    %dma_wait3A_82 = tpu.memref_slice %arg5[%dma_wait3A_73, %dma_wait3A_81] : memref<128x200xi32, #tpu.memory_space<vmem>> -> memref<1x200xi32, #tpu.memory_space<vmem>>
    %dma_wait3A_83 = tpu.memref_squeeze %dma_wait3A_82 : memref<1x200xi32, #tpu.memory_space<vmem>> -> memref<200xi32, #tpu.memory_space<vmem>>
    %dma_wait3A_84 = arith.constant 0 : i32
    %dma_wait3A_85 = arith.constant 0 : i32
    %dma_wait3A_86 = tpu.memref_slice %arg2[%dma_wait3A_84, %dma_wait3A_85] : memref<1000000x64xf32, #tpu.memory_space<hbm>> -> memref<1000000x64xf32, #tpu.memory_space<hbm>>
    %dma_wait3A_87 = tpu.memref_slice %arg8[%dma_wait3A_76] : memref<4x!tpu.dma_semaphore, #tpu.memory_space<semaphore_mem>> -> memref<1x!tpu.dma_semaphore, #tpu.memory_space<semaphore_mem>>
    %dma_wait3A_88 = tpu.memref_squeeze %dma_wait3A_87 : memref<1x!tpu.dma_semaphore, #tpu.memory_space<semaphore_mem>> -> memref<!tpu.dma_semaphore, #tpu.memory_space<semaphore_mem>>
    tpu.wait_indirect_dma semaphore(%dma_wait3A_88 : memref<!tpu.dma_semaphore, #tpu.memory_space<semaphore_mem>>) src(%dma_wait3A_86 : memref<1000000x64xf32, #tpu.memory_space<hbm>>) dst(%dma_wait3A_80 : memref<200x64xf32, #tpu.memory_space<vmem>>)
    %scan3A = arith.constant 0 : i32
    %scan3A_89 = arith.constant 0 : i32
    %scan3A_90 = arith.constant 0 : i32
    %scan3A_91 = arith.constant 0 : i32
    %scan3A_92 = arith.constant 0 : i32
    %scan3A_93 = arith.constant 100 : i32
    %scan3A_94 = arith.addi %scan3A_92, %scan3A_93 : i32
    %scan3A_95 = arith.constant 1 : i32
    scf.for %scan3A_693 = %scan3A_92 to %scan3A_94 step %scan3A_95  : i32 {
      %mul3A_694 = arith.constant 2 : i32
      %mul3A_695 = arith.muli %scan3A_693, %mul3A_694 : i32
      %add3A_696 = arith.constant 0 : i32
      %add3A_697 = arith.addi %add3A_696, %mul3A_695 : i32
      %add3A_698 = arith.constant 0 : i32
      %add3A_699 = arith.addi %add3A_697, %add3A_698 : i32
      %get3A = arith.constant 0 : i32
      %get3A_700 = arith.constant 0 : i32
      %get3A_701 = arith.constant 0 : i32
      %get3A_702 = tpu.memref_slice %arg6[%scan3A, %get3A, %get3A_700, %get3A_701] : memref<4x1x200x64xf32, #tpu.memory_space<vmem>> -> memref<1x1x200x64xf32, #tpu.memory_space<vmem>>
      %get3A_703 = tpu.memref_squeeze %get3A_702 : memref<1x1x200x64xf32, #tpu.memory_space<vmem>> -> memref<1x200x64xf32, #tpu.memory_space<vmem>>
      %get3A_704 = arith.constant 0 : i32
      %get3A_705 = arith.constant 0 : i32
      %get3A_706 = tpu.memref_slice %get3A_703[%scan3A_89, %get3A_704, %get3A_705] : memref<1x200x64xf32, #tpu.memory_space<vmem>> -> memref<1x200x64xf32, #tpu.memory_space<vmem>>
      %get3A_707 = tpu.memref_squeeze %get3A_706 : memref<1x200x64xf32, #tpu.memory_space<vmem>> -> memref<200x64xf32, #tpu.memory_space<vmem>>
      %get3A_708 = arith.index_cast %add3A_699 : i32 to index
      %get3A_709 = arith.constant 0 : index
      %get3A_710 = tpu.vector_load %get3A_707[%get3A_708, %get3A_709] {strides = array<i32>} : memref<200x64xf32, #tpu.memory_space<vmem>>, vector<1x16xf32>,
      %get3A_711 = vector.shape_cast %get3A_710 : vector<1x16xf32> to vector<1x16xf32>
      %mul3A_712 = arith.constant 8.000000e+00 : f32
      %mul3A_713 = vector.broadcast %mul3A_712 : f32 to vector<1x16xf32>
      %mul3A_714 = arith.mulf %get3A_711, %mul3A_713 : vector<1x16xf32>
      %swap3A = arith.constant 0 : i32
      %swap3A_715 = arith.constant 0 : i32
      %swap3A_716 = arith.constant 0 : i32
      %swap3A_717 = tpu.memref_slice %arg7[%scan3A_90, %swap3A, %swap3A_715, %swap3A_716] : memref<2x1x200x64xf32, #tpu.memory_space<vmem>> -> memref<1x1x200x64xf32, #tpu.memory_space<vmem>>
      %swap3A_718 = tpu.memref_squeeze %swap3A_717 : memref<1x1x200x64xf32, #tpu.memory_space<vmem>> -> memref<1x200x64xf32, #tpu.memory_space<vmem>>
      %swap3A_719 = arith.constant 0 : i32
      %swap3A_720 = arith.constant 0 : i32
      %swap3A_721 = tpu.memref_slice %swap3A_718[%scan3A_91, %swap3A_719, %swap3A_720] : memref<1x200x64xf32, #tpu.memory_space<vmem>> -> memref<1x200x64xf32, #tpu.memory_space<vmem>>
      %swap3A_722 = tpu.memref_squeeze %swap3A_721 : memref<1x200x64xf32, #tpu.memory_space<vmem>> -> memref<200x64xf32, #tpu.memory_space<vmem>>
      %swap3A_723 = arith.index_cast %add3A_699 : i32 to index
      %swap3A_724 = arith.constant 0 : index
      %swap3A_725 = tpu.vector_load %swap3A_722[%swap3A_723, %swap3A_724] {strides = array<i32>} : memref<200x64xf32, #tpu.memory_space<vmem>>, vector<1x16xf32>,
      %swap3A_726 = vector.shape_cast %swap3A_725 : vector<1x16xf32> to vector<1x16xf32>
      %swap3A_727 = vector.shape_cast %mul3A_714 : vector<1x16xf32> to vector<1x16xf32>
      tpu.vector_store %swap3A_722[%swap3A_723, %swap3A_724], %swap3A_727 {strides = array<i32>} : memref<200x64xf32, #tpu.memory_space<vmem>>, vector<1x16xf32>,
      %add3A_728 = arith.constant 0 : i32
      %add3A_729 = arith.addi %add3A_697, %add3A_728 : i32
      %get3A_730 = arith.constant 0 : i32
      %get3A_731 = arith.constant 0 : i32
      %get3A_732 = arith.constant 0 : i32
      %get3A_733 = tpu.memref_slice %arg6[%scan3A, %get3A_730, %get3A_731, %get3A_732] : memref<4x1x200x64xf32, #tpu.memory_space<vmem>> -> memref<1x1x200x64xf32, #tpu.memory_space<vmem>>
      %get3A_734 = tpu.memref_squeeze %get3A_733 : memref<1x1x200x64xf32, #tpu.memory_space<vmem>> -> memref<1x200x64xf32, #tpu.memory_space<vmem>>
      %get3A_735 = arith.constant 0 : i32
      %get3A_736 = arith.constant 0 : i32
      %get3A_737 = tpu.memref_slice %get3A_734[%scan3A_89, %get3A_735, %get3A_736] : memref<1x200x64xf32, #tpu.memory_space<vmem>> -> memref<1x200x64xf32, #tpu.memory_space<vmem>>
      %get3A_738 = tpu.memref_squeeze %get3A_737 : memref<1x200x64xf32, #tpu.memory_space<vmem>> -> memref<200x64xf32, #tpu.memory_space<vmem>>
      %get3A_739 = arith.index_cast %add3A_729 : i32 to index
      %get3A_740 = arith.constant 16 : index
      %get3A_741 = tpu.vector_load %get3A_738[%get3A_739, %get3A_740] {strides = array<i32>} : memref<200x64xf32, #tpu.memory_space<vmem>>, vector<1x16xf32>,
      %get3A_742 = vector.shape_cast %get3A_741 : vector<1x16xf32> to vector<1x16xf32>
      %mul3A_743 = arith.constant 8.000000e+00 : f32
      %mul3A_744 = vector.broadcast %mul3A_743 : f32 to vector<1x16xf32>
      %mul3A_745 = arith.mulf %get3A_742, %mul3A_744 : vector<1x16xf32>
      %swap3A_746 = arith.constant 0 : i32
      %swap3A_747 = arith.constant 0 : i32
      %swap3A_748 = arith.constant 0 : i32
      %swap3A_749 = tpu.memref_slice %arg7[%scan3A_90, %swap3A_746, %swap3A_747, %swap3A_748] : memref<2x1x200x64xf32, #tpu.memory_space<vmem>> -> memref<1x1x200x64xf32, #tpu.memory_space<vmem>>
      %swap3A_750 = tpu.memref_squeeze %swap3A_749 : memref<1x1x200x64xf32, #tpu.memory_space<vmem>> -> memref<1x200x64xf32, #tpu.memory_space<vmem>>
      %swap3A_751 = arith.constant 0 : i32
      %swap3A_752 = arith.constant 0 : i32
      %swap3A_753 = tpu.memref_slice %swap3A_750[%scan3A_91, %swap3A_751, %swap3A_752] : memref<1x200x64xf32, #tpu.memory_space<vmem>> -> memref<1x200x64xf32, #tpu.memory_space<vmem>>
      %swap3A_754 = tpu.memref_squeeze %swap3A_753 : memref<1x200x64xf32, #tpu.memory_space<vmem>> -> memref<200x64xf32, #tpu.memory_space<vmem>>
      %swap3A_755 = arith.index_cast %add3A_729 : i32 to index
      %swap3A_756 = arith.constant 16 : index
      %swap3A_757 = tpu.vector_load %swap3A_754[%swap3A_755, %swap3A_756] {strides = array<i32>} : memref<200x64xf32, #tpu.memory_space<vmem>>, vector<1x16xf32>,
      %swap3A_758 = vector.shape_cast %swap3A_757 : vector<1x16xf32> to vector<1x16xf32>
      %swap3A_759 = vector.shape_cast %mul3A_745 : vector<1x16xf32> to vector<1x16xf32>
      tpu.vector_store %swap3A_754[%swap3A_755, %swap3A_756], %swap3A_759 {strides = array<i32>} : memref<200x64xf32, #tpu.memory_space<vmem>>, vector<1x16xf32>,
      %add3A_760 = arith.constant 0 : i32
      %add3A_761 = arith.addi %add3A_697, %add3A_760 : i32
      %get3A_762 = arith.constant 0 : i32
      %get3A_763 = arith.constant 0 : i32
      %get3A_764 = arith.constant 0 : i32
      %get3A_765 = tpu.memref_slice %arg6[%scan3A, %get3A_762, %get3A_763, %get3A_764] : memref<4x1x200x64xf32, #tpu.memory_space<vmem>> -> memref<1x1x200x64xf32, #tpu.memory_space<vmem>>
      %get3A_766 = tpu.memref_squeeze %get3A_765 : memref<1x1x200x64xf32, #tpu.memory_space<vmem>> -> memref<1x200x64xf32, #tpu.memory_space<vmem>>
      %get3A_767 = arith.constant 0 : i32
      %get3A_768 = arith.constant 0 : i32
      %get3A_769 = tpu.memref_slice %get3A_766[%scan3A_89, %get3A_767, %get3A_768] : memref<1x200x64xf32, #tpu.memory_space<vmem>> -> memref<1x200x64xf32, #tpu.memory_space<vmem>>
      %get3A_770 = tpu.memref_squeeze %get3A_769 : memref<1x200x64xf32, #tpu.memory_space<vmem>> -> memref<200x64xf32, #tpu.memory_space<vmem>>
      %get3A_771 = arith.index_cast %add3A_761 : i32 to index
      %get3A_772 = arith.constant 32 : index
      %get3A_773 = tpu.vector_load %get3A_770[%get3A_771, %get3A_772] {strides = array<i32>} : memref<200x64xf32, #tpu.memory_space<vmem>>, vector<1x16xf32>,
      %get3A_774 = vector.shape_cast %get3A_773 : vector<1x16xf32> to vector<1x16xf32>
      %mul3A_775 = arith.constant 8.000000e+00 : f32
      %mul3A_776 = vector.broadcast %mul3A_775 : f32 to vector<1x16xf32>
      %mul3A_777 = arith.mulf %get3A_774, %mul3A_776 : vector<1x16xf32>
      %swap3A_778 = arith.constant 0 : i32
      %swap3A_779 = arith.constant 0 : i32
      %swap3A_780 = arith.constant 0 : i32
      %swap3A_781 = tpu.memref_slice %arg7[%scan3A_90, %swap3A_778, %swap3A_779, %swap3A_780] : memref<2x1x200x64xf32, #tpu.memory_space<vmem>> -> memref<1x1x200x64xf32, #tpu.memory_space<vmem>>
      %swap3A_782 = tpu.memref_squeeze %swap3A_781 : memref<1x1x200x64xf32, #tpu.memory_space<vmem>> -> memref<1x200x64xf32, #tpu.memory_space<vmem>>
      %swap3A_783 = arith.constant 0 : i32
      %swap3A_784 = arith.constant 0 : i32
      %swap3A_785 = tpu.memref_slice %swap3A_782[%scan3A_91, %swap3A_783, %swap3A_784] : memref<1x200x64xf32, #tpu.memory_space<vmem>> -> memref<1x200x64xf32, #tpu.memory_space<vmem>>
      %swap3A_786 = tpu.memref_squeeze %swap3A_785 : memref<1x200x64xf32, #tpu.memory_space<vmem>> -> memref<200x64xf32, #tpu.memory_space<vmem>>
      %swap3A_787 = arith.index_cast %add3A_761 : i32 to index
      %swap3A_788 = arith.constant 32 : index
      %swap3A_789 = tpu.vector_load %swap3A_786[%swap3A_787, %swap3A_788] {strides = array<i32>} : memref<200x64xf32, #tpu.memory_space<vmem>>, vector<1x16xf32>,
      %swap3A_790 = vector.shape_cast %swap3A_789 : vector<1x16xf32> to vector<1x16xf32>
      %swap3A_791 = vector.shape_cast %mul3A_777 : vector<1x16xf32> to vector<1x16xf32>
      tpu.vector_store %swap3A_786[%swap3A_787, %swap3A_788], %swap3A_791 {strides = array<i32>} : memref<200x64xf32, #tpu.memory_space<vmem>>, vector<1x16xf32>,
      %add3A_792 = arith.constant 0 : i32
      %add3A_793 = arith.addi %add3A_697, %add3A_792 : i32
      %get3A_794 = arith.constant 0 : i32
      %get3A_795 = arith.constant 0 : i32
      %get3A_796 = arith.constant 0 : i32
      %get3A_797 = tpu.memref_slice %arg6[%scan3A, %get3A_794, %get3A_795, %get3A_796] : memref<4x1x200x64xf32, #tpu.memory_space<vmem>> -> memref<1x1x200x64xf32, #tpu.memory_space<vmem>>
      %get3A_798 = tpu.memref_squeeze %get3A_797 : memref<1x1x200x64xf32, #tpu.memory_space<vmem>> -> memref<1x200x64xf32, #tpu.memory_space<vmem>>
      %get3A_799 = arith.constant 0 : i32
      %get3A_800 = arith.constant 0 : i32
      %get3A_801 = tpu.memref_slice %get3A_798[%scan3A_89, %get3A_799, %get3A_800] : memref<1x200x64xf32, #tpu.memory_space<vmem>> -> memref<1x200x64xf32, #tpu.memory_space<vmem>>
      %get3A_802 = tpu.memref_squeeze %get3A_801 : memref<1x200x64xf32, #tpu.memory_space<vmem>> -> memref<200x64xf32, #tpu.memory_space<vmem>>
      %get3A_803 = arith.index_cast %add3A_793 : i32 to index
      %get3A_804 = arith.constant 48 : index
      %get3A_805 = tpu.vector_load %get3A_802[%get3A_803, %get3A_804] {strides = array<i32>} : memref<200x64xf32, #tpu.memory_space<vmem>>, vector<1x16xf32>,
      %get3A_806 = vector.shape_cast %get3A_805 : vector<1x16xf32> to vector<1x16xf32>
      %mul3A_807 = arith.constant 8.000000e+00 : f32
      %mul3A_808 = vector.broadcast %mul3A_807 : f32 to vector<1x16xf32>
      %mul3A_809 = arith.mulf %get3A_806, %mul3A_808 : vector<1x16xf32>
      %swap3A_810 = arith.constant 0 : i32
      %swap3A_811 = arith.constant 0 : i32
      %swap3A_812 = arith.constant 0 : i32
      %swap3A_813 = tpu.memref_slice %arg7[%scan3A_90, %swap3A_810, %swap3A_811, %swap3A_812] : memref<2x1x200x64xf32, #tpu.memory_space<vmem>> -> memref<1x1x200x64xf32, #tpu.memory_space<vmem>>
      %swap3A_814 = tpu.memref_squeeze %swap3A_813 : memref<1x1x200x64xf32, #tpu.memory_space<vmem>> -> memref<1x200x64xf32, #tpu.memory_space<vmem>>
      %swap3A_815 = arith.constant 0 : i32
      %swap3A_816 = arith.constant 0 : i32
      %swap3A_817 = tpu.memref_slice %swap3A_814[%scan3A_91, %swap3A_815, %swap3A_816] : memref<1x200x64xf32, #tpu.memory_space<vmem>> -> memref<1x200x64xf32, #tpu.memory_space<vmem>>
      %swap3A_818 = tpu.memref_squeeze %swap3A_817 : memref<1x200x64xf32, #tpu.memory_space<vmem>> -> memref<200x64xf32, #tpu.memory_space<vmem>>
      %swap3A_819 = arith.index_cast %add3A_793 : i32 to index
      %swap3A_820 = arith.constant 48 : index
      %swap3A_821 = tpu.vector_load %swap3A_818[%swap3A_819, %swap3A_820] {strides = array<i32>} : memref<200x64xf32, #tpu.memory_space<vmem>>, vector<1x16xf32>,
      %swap3A_822 = vector.shape_cast %swap3A_821 : vector<1x16xf32> to vector<1x16xf32>
      %swap3A_823 = vector.shape_cast %mul3A_809 : vector<1x16xf32> to vector<1x16xf32>
      tpu.vector_store %swap3A_818[%swap3A_819, %swap3A_820], %swap3A_823 {strides = array<i32>} : memref<200x64xf32, #tpu.memory_space<vmem>>, vector<1x16xf32>,
      %add3A_824 = arith.constant 1 : i32
      %add3A_825 = arith.addi %add3A_697, %add3A_824 : i32
      %get3A_826 = arith.constant 0 : i32
      %get3A_827 = arith.constant 0 : i32
      %get3A_828 = arith.constant 0 : i32
      %get3A_829 = tpu.memref_slice %arg6[%scan3A, %get3A_826, %get3A_827, %get3A_828] : memref<4x1x200x64xf32, #tpu.memory_space<vmem>> -> memref<1x1x200x64xf32, #tpu.memory_space<vmem>>
      %get3A_830 = tpu.memref_squeeze %get3A_829 : memref<1x1x200x64xf32, #tpu.memory_space<vmem>> -> memref<1x200x64xf32, #tpu.memory_space<vmem>>
      %get3A_831 = arith.constant 0 : i32
      %get3A_832 = arith.constant 0 : i32
      %get3A_833 = tpu.memref_slice %get3A_830[%scan3A_89, %get3A_831, %get3A_832] : memref<1x200x64xf32, #tpu.memory_space<vmem>> -> memref<1x200x64xf32, #tpu.memory_space<vmem>>
      %get3A_834 = tpu.memref_squeeze %get3A_833 : memref<1x200x64xf32, #tpu.memory_space<vmem>> -> memref<200x64xf32, #tpu.memory_space<vmem>>
      %get3A_835 = arith.index_cast %add3A_825 : i32 to index
      %get3A_836 = arith.constant 0 : index
      %get3A_837 = tpu.vector_load %get3A_834[%get3A_835, %get3A_836] {strides = array<i32>} : memref<200x64xf32, #tpu.memory_space<vmem>>, vector<1x16xf32>,
      %get3A_838 = vector.shape_cast %get3A_837 : vector<1x16xf32> to vector<1x16xf32>
      %mul3A_839 = arith.constant 8.000000e+00 : f32
      %mul3A_840 = vector.broadcast %mul3A_839 : f32 to vector<1x16xf32>
      %mul3A_841 = arith.mulf %get3A_838, %mul3A_840 : vector<1x16xf32>
      %swap3A_842 = arith.constant 0 : i32
      %swap3A_843 = arith.constant 0 : i32
      %swap3A_844 = arith.constant 0 : i32
      %swap3A_845 = tpu.memref_slice %arg7[%scan3A_90, %swap3A_842, %swap3A_843, %swap3A_844] : memref<2x1x200x64xf32, #tpu.memory_space<vmem>> -> memref<1x1x200x64xf32, #tpu.memory_space<vmem>>
      %swap3A_846 = tpu.memref_squeeze %swap3A_845 : memref<1x1x200x64xf32, #tpu.memory_space<vmem>> -> memref<1x200x64xf32, #tpu.memory_space<vmem>>
      %swap3A_847 = arith.constant 0 : i32
      %swap3A_848 = arith.constant 0 : i32
      %swap3A_849 = tpu.memref_slice %swap3A_846[%scan3A_91, %swap3A_847, %swap3A_848] : memref<1x200x64xf32, #tpu.memory_space<vmem>> -> memref<1x200x64xf32, #tpu.memory_space<vmem>>
      %swap3A_850 = tpu.memref_squeeze %swap3A_849 : memref<1x200x64xf32, #tpu.memory_space<vmem>> -> memref<200x64xf32, #tpu.memory_space<vmem>>
      %swap3A_851 = arith.index_cast %add3A_825 : i32 to index
      %swap3A_852 = arith.constant 0 : index
      %swap3A_853 = tpu.vector_load %swap3A_850[%swap3A_851, %swap3A_852] {strides = array<i32>} : memref<200x64xf32, #tpu.memory_space<vmem>>, vector<1x16xf32>,
      %swap3A_854 = vector.shape_cast %swap3A_853 : vector<1x16xf32> to vector<1x16xf32>
      %swap3A_855 = vector.shape_cast %mul3A_841 : vector<1x16xf32> to vector<1x16xf32>
      tpu.vector_store %swap3A_850[%swap3A_851, %swap3A_852], %swap3A_855 {strides = array<i32>} : memref<200x64xf32, #tpu.memory_space<vmem>>, vector<1x16xf32>,
      %add3A_856 = arith.constant 1 : i32
      %add3A_857 = arith.addi %add3A_697, %add3A_856 : i32
      %get3A_858 = arith.constant 0 : i32
      %get3A_859 = arith.constant 0 : i32
      %get3A_860 = arith.constant 0 : i32
      %get3A_861 = tpu.memref_slice %arg6[%scan3A, %get3A_858, %get3A_859, %get3A_860] : memref<4x1x200x64xf32, #tpu.memory_space<vmem>> -> memref<1x1x200x64xf32, #tpu.memory_space<vmem>>
      %get3A_862 = tpu.memref_squeeze %get3A_861 : memref<1x1x200x64xf32, #tpu.memory_space<vmem>> -> memref<1x200x64xf32, #tpu.memory_space<vmem>>
      %get3A_863 = arith.constant 0 : i32
      %get3A_864 = arith.constant 0 : i32
      %get3A_865 = tpu.memref_slice %get3A_862[%scan3A_89, %get3A_863, %get3A_864] : memref<1x200x64xf32, #tpu.memory_space<vmem>> -> memref<1x200x64xf32, #tpu.memory_space<vmem>>
      %get3A_866 = tpu.memref_squeeze %get3A_865 : memref<1x200x64xf32, #tpu.memory_space<vmem>> -> memref<200x64xf32, #tpu.memory_space<vmem>>
      %get3A_867 = arith.index_cast %add3A_857 : i32 to index
      %get3A_868 = arith.constant 16 : index
      %get3A_869 = tpu.vector_load %get3A_866[%get3A_867, %get3A_868] {strides = array<i32>} : memref<200x64xf32, #tpu.memory_space<vmem>>, vector<1x16xf32>,
      %get3A_870 = vector.shape_cast %get3A_869 : vector<1x16xf32> to vector<1x16xf32>
      %mul3A_871 = arith.constant 8.000000e+00 : f32
      %mul3A_872 = vector.broadcast %mul3A_871 : f32 to vector<1x16xf32>
      %mul3A_873 = arith.mulf %get3A_870, %mul3A_872 : vector<1x16xf32>
      %swap3A_874 = arith.constant 0 : i32
      %swap3A_875 = arith.constant 0 : i32
      %swap3A_876 = arith.constant 0 : i32
      %swap3A_877 = tpu.memref_slice %arg7[%scan3A_90, %swap3A_874, %swap3A_875, %swap3A_876] : memref<2x1x200x64xf32, #tpu.memory_space<vmem>> -> memref<1x1x200x64xf32, #tpu.memory_space<vmem>>
      %swap3A_878 = tpu.memref_squeeze %swap3A_877 : memref<1x1x200x64xf32, #tpu.memory_space<vmem>> -> memref<1x200x64xf32, #tpu.memory_space<vmem>>
      %swap3A_879 = arith.constant 0 : i32
      %swap3A_880 = arith.constant 0 : i32
      %swap3A_881 = tpu.memref_slice %swap3A_878[%scan3A_91, %swap3A_879, %swap3A_880] : memref<1x200x64xf32, #tpu.memory_space<vmem>> -> memref<1x200x64xf32, #tpu.memory_space<vmem>>
      %swap3A_882 = tpu.memref_squeeze %swap3A_881 : memref<1x200x64xf32, #tpu.memory_space<vmem>> -> memref<200x64xf32, #tpu.memory_space<vmem>>
      %swap3A_883 = arith.index_cast %add3A_857 : i32 to index
      %swap3A_884 = arith.constant 16 : index
      %swap3A_885 = tpu.vector_load %swap3A_882[%swap3A_883, %swap3A_884] {strides = array<i32>} : memref<200x64xf32, #tpu.memory_space<vmem>>, vector<1x16xf32>,
      %swap3A_886 = vector.shape_cast %swap3A_885 : vector<1x16xf32> to vector<1x16xf32>
      %swap3A_887 = vector.shape_cast %mul3A_873 : vector<1x16xf32> to vector<1x16xf32>
      tpu.vector_store %swap3A_882[%swap3A_883, %swap3A_884], %swap3A_887 {strides = array<i32>} : memref<200x64xf32, #tpu.memory_space<vmem>>, vector<1x16xf32>,
      %add3A_888 = arith.constant 1 : i32
      %add3A_889 = arith.addi %add3A_697, %add3A_888 : i32
      %get3A_890 = arith.constant 0 : i32
      %get3A_891 = arith.constant 0 : i32
      %get3A_892 = arith.constant 0 : i32
      %get3A_893 = tpu.memref_slice %arg6[%scan3A, %get3A_890, %get3A_891, %get3A_892] : memref<4x1x200x64xf32, #tpu.memory_space<vmem>> -> memref<1x1x200x64xf32, #tpu.memory_space<vmem>>
      %get3A_894 = tpu.memref_squeeze %get3A_893 : memref<1x1x200x64xf32, #tpu.memory_space<vmem>> -> memref<1x200x64xf32, #tpu.memory_space<vmem>>
      %get3A_895 = arith.constant 0 : i32
      %get3A_896 = arith.constant 0 : i32
      %get3A_897 = tpu.memref_slice %get3A_894[%scan3A_89, %get3A_895, %get3A_896] : memref<1x200x64xf32, #tpu.memory_space<vmem>> -> memref<1x200x64xf32, #tpu.memory_space<vmem>>
      %get3A_898 = tpu.memref_squeeze %get3A_897 : memref<1x200x64xf32, #tpu.memory_space<vmem>> -> memref<200x64xf32, #tpu.memory_space<vmem>>
      %get3A_899 = arith.index_cast %add3A_889 : i32 to index
      %get3A_900 = arith.constant 32 : index
      %get3A_901 = tpu.vector_load %get3A_898[%get3A_899, %get3A_900] {strides = array<i32>} : memref<200x64xf32, #tpu.memory_space<vmem>>, vector<1x16xf32>,
      %get3A_902 = vector.shape_cast %get3A_901 : vector<1x16xf32> to vector<1x16xf32>
      %mul3A_903 = arith.constant 8.000000e+00 : f32
      %mul3A_904 = vector.broadcast %mul3A_903 : f32 to vector<1x16xf32>
      %mul3A_905 = arith.mulf %get3A_902, %mul3A_904 : vector<1x16xf32>
      %swap3A_906 = arith.constant 0 : i32
      %swap3A_907 = arith.constant 0 : i32
      %swap3A_908 = arith.constant 0 : i32
      %swap3A_909 = tpu.memref_slice %arg7[%scan3A_90, %swap3A_906, %swap3A_907, %swap3A_908] : memref<2x1x200x64xf32, #tpu.memory_space<vmem>> -> memref<1x1x200x64xf32, #tpu.memory_space<vmem>>
      %swap3A_910 = tpu.memref_squeeze %swap3A_909 : memref<1x1x200x64xf32, #tpu.memory_space<vmem>> -> memref<1x200x64xf32, #tpu.memory_space<vmem>>
      %swap3A_911 = arith.constant 0 : i32
      %swap3A_912 = arith.constant 0 : i32
      %swap3A_913 = tpu.memref_slice %swap3A_910[%scan3A_91, %swap3A_911, %swap3A_912] : memref<1x200x64xf32, #tpu.memory_space<vmem>> -> memref<1x200x64xf32, #tpu.memory_space<vmem>>
      %swap3A_914 = tpu.memref_squeeze %swap3A_913 : memref<1x200x64xf32, #tpu.memory_space<vmem>> -> memref<200x64xf32, #tpu.memory_space<vmem>>
      %swap3A_915 = arith.index_cast %add3A_889 : i32 to index
      %swap3A_916 = arith.constant 32 : index
      %swap3A_917 = tpu.vector_load %swap3A_914[%swap3A_915, %swap3A_916] {strides = array<i32>} : memref<200x64xf32, #tpu.memory_space<vmem>>, vector<1x16xf32>,
      %swap3A_918 = vector.shape_cast %swap3A_917 : vector<1x16xf32> to vector<1x16xf32>
      %swap3A_919 = vector.shape_cast %mul3A_905 : vector<1x16xf32> to vector<1x16xf32>
      tpu.vector_store %swap3A_914[%swap3A_915, %swap3A_916], %swap3A_919 {strides = array<i32>} : memref<200x64xf32, #tpu.memory_space<vmem>>, vector<1x16xf32>,
      %add3A_920 = arith.constant 1 : i32
      %add3A_921 = arith.addi %add3A_697, %add3A_920 : i32
      %get3A_922 = arith.constant 0 : i32
      %get3A_923 = arith.constant 0 : i32
      %get3A_924 = arith.constant 0 : i32
      %get3A_925 = tpu.memref_slice %arg6[%scan3A, %get3A_922, %get3A_923, %get3A_924] : memref<4x1x200x64xf32, #tpu.memory_space<vmem>> -> memref<1x1x200x64xf32, #tpu.memory_space<vmem>>
      %get3A_926 = tpu.memref_squeeze %get3A_925 : memref<1x1x200x64xf32, #tpu.memory_space<vmem>> -> memref<1x200x64xf32, #tpu.memory_space<vmem>>
      %get3A_927 = arith.constant 0 : i32
      %get3A_928 = arith.constant 0 : i32
      %get3A_929 = tpu.memref_slice %get3A_926[%scan3A_89, %get3A_927, %get3A_928] : memref<1x200x64xf32, #tpu.memory_space<vmem>> -> memref<1x200x64xf32, #tpu.memory_space<vmem>>
      %get3A_930 = tpu.memref_squeeze %get3A_929 : memref<1x200x64xf32, #tpu.memory_space<vmem>> -> memref<200x64xf32, #tpu.memory_space<vmem>>
      %get3A_931 = arith.index_cast %add3A_921 : i32 to index
      %get3A_932 = arith.constant 48 : index
      %get3A_933 = tpu.vector_load %get3A_930[%get3A_931, %get3A_932] {strides = array<i32>} : memref<200x64xf32, #tpu.memory_space<vmem>>, vector<1x16xf32>,
      %get3A_934 = vector.shape_cast %get3A_933 : vector<1x16xf32> to vector<1x16xf32>
      %mul3A_935 = arith.constant 8.000000e+00 : f32
      %mul3A_936 = vector.broadcast %mul3A_935 : f32 to vector<1x16xf32>
      %mul3A_937 = arith.mulf %get3A_934, %mul3A_936 : vector<1x16xf32>
      %swap3A_938 = arith.constant 0 : i32
      %swap3A_939 = arith.constant 0 : i32
      %swap3A_940 = arith.constant 0 : i32
      %swap3A_941 = tpu.memref_slice %arg7[%scan3A_90, %swap3A_938, %swap3A_939, %swap3A_940] : memref<2x1x200x64xf32, #tpu.memory_space<vmem>> -> memref<1x1x200x64xf32, #tpu.memory_space<vmem>>
      %swap3A_942 = tpu.memref_squeeze %swap3A_941 : memref<1x1x200x64xf32, #tpu.memory_space<vmem>> -> memref<1x200x64xf32, #tpu.memory_space<vmem>>
      %swap3A_943 = arith.constant 0 : i32
      %swap3A_944 = arith.constant 0 : i32
      %swap3A_945 = tpu.memref_slice %swap3A_942[%scan3A_91, %swap3A_943, %swap3A_944] : memref<1x200x64xf32, #tpu.memory_space<vmem>> -> memref<1x200x64xf32, #tpu.memory_space<vmem>>
      %swap3A_946 = tpu.memref_squeeze %swap3A_945 : memref<1x200x64xf32, #tpu.memory_space<vmem>> -> memref<200x64xf32, #tpu.memory_space<vmem>>
      %swap3A_947 = arith.index_cast %add3A_921 : i32 to index
      %swap3A_948 = arith.constant 48 : index
      %swap3A_949 = tpu.vector_load %swap3A_946[%swap3A_947, %swap3A_948] {strides = array<i32>} : memref<200x64xf32, #tpu.memory_space<vmem>>, vector<1x16xf32>,
      %swap3A_950 = vector.shape_cast %swap3A_949 : vector<1x16xf32> to vector<1x16xf32>
      %swap3A_951 = vector.shape_cast %mul3A_937 : vector<1x16xf32> to vector<1x16xf32>
      tpu.vector_store %swap3A_946[%swap3A_947, %swap3A_948], %swap3A_951 {strides = array<i32>} : memref<200x64xf32, #tpu.memory_space<vmem>>, vector<1x16xf32>,
    }
    %scan3A_96 = arith.constant 100 : i32
    %dma_start3A_97 = arith.constant 4 : i32
    %dma_start3A_98 = arith.constant 0 : i32
    %dma_start3A_99 = arith.constant 0 : i32
    %dma_start3A_100 = arith.constant 0 : i32
    %dma_start3A_101 = arith.constant 0 : i32
    %dma_start3A_102 = arith.constant 0 : i32
    %dma_start3A_103 = tpu.memref_slice %arg6[%dma_start3A_98, %dma_start3A_99, %dma_start3A_101, %dma_start3A_102] : memref<4x1x200x64xf32, #tpu.memory_space<vmem>> -> memref<1x1x200x64xf32, #tpu.memory_space<vmem>>
    %dma_start3A_104 = tpu.memref_squeeze %dma_start3A_103 : memref<1x1x200x64xf32, #tpu.memory_space<vmem>> -> memref<200x64xf32, #tpu.memory_space<vmem>>
    %dma_start3A_105 = arith.constant 0 : i32
    %dma_start3A_106 = tpu.memref_slice %arg5[%dma_start3A_97, %dma_start3A_105] : memref<128x200xi32, #tpu.memory_space<vmem>> -> memref<1x200xi32, #tpu.memory_space<vmem>>
    %dma_start3A_107 = tpu.memref_squeeze %dma_start3A_106 : memref<1x200xi32, #tpu.memory_space<vmem>> -> memref<200xi32, #tpu.memory_space<vmem>>
    %dma_start3A_108 = arith.constant 0 : i32
    %dma_start3A_109 = arith.constant 0 : i32
    %dma_start3A_110 = tpu.memref_slice %arg2[%dma_start3A_108, %dma_start3A_109] : memref<1000000x64xf32, #tpu.memory_space<hbm>> -> memref<1000000x64xf32, #tpu.memory_space<hbm>>
    %dma_start3A_111 = tpu.memref_slice %arg8[%dma_start3A_100] : memref<4x!tpu.dma_semaphore, #tpu.memory_space<semaphore_mem>> -> memref<1x!tpu.dma_semaphore, #tpu.memory_space<semaphore_mem>>
    %dma_start3A_112 = tpu.memref_squeeze %dma_start3A_111 : memref<1x!tpu.dma_semaphore, #tpu.memory_space<semaphore_mem>> -> memref<!tpu.dma_semaphore, #tpu.memory_space<semaphore_mem>>
    tpu.enqueue_indirect_dma source(%dma_start3A_110 : memref<1000000x64xf32, #tpu.memory_space<hbm>>) target(%dma_start3A_104 : memref<200x64xf32, #tpu.memory_space<vmem>>) offsets(%dma_start3A_107 : memref<200xi32, #tpu.memory_space<vmem>>) semaphore(%dma_start3A_112 : memref<!tpu.dma_semaphore, #tpu.memory_space<semaphore_mem>>)
    %add3A_113 = arith.constant 0 : i32
    %add3A_114 = arith.addi %mul3A_2, %add3A_113 : i32
    %dma_start3A_115 = arith.constant 0 : i32
    %dma_start3A_116 = arith.constant 0 : i32
    %dma_start3A_117 = arith.constant 0 : i32
    %dma_start3A_118 = arith.constant 0 : i32
    %dma_start3A_119 = arith.constant 0 : i32
    %dma_start3A_120 = tpu.memref_slice %arg7[%dma_start3A_115, %dma_start3A_117, %dma_start3A_118, %dma_start3A_119] : memref<2x1x200x64xf32, #tpu.memory_space<vmem>> -> memref<1x1x200x64xf32, #tpu.memory_space<vmem>>
    %dma_start3A_121 = tpu.memref_squeeze %dma_start3A_120 : memref<1x1x200x64xf32, #tpu.memory_space<vmem>> -> memref<1x200x64xf32, #tpu.memory_space<vmem>>
    %dma_start3A_122 = arith.constant 0 : i32
    %dma_start3A_123 = arith.constant 0 : i32
    %dma_start3A_124 = tpu.memref_slice %arg4[%add3A_114, %dma_start3A_122, %dma_start3A_123] : memref<4096x200x64xf32, #tpu.memory_space<hbm>> -> memref<1x200x64xf32, #tpu.memory_space<hbm>>
    %dma_start3A_125 = tpu.memref_slice %arg9[%dma_start3A_116] : memref<2x!tpu.dma_semaphore, #tpu.memory_space<semaphore_mem>> -> memref<1x!tpu.dma_semaphore, #tpu.memory_space<semaphore_mem>>
    %dma_start3A_126 = tpu.memref_squeeze %dma_start3A_125 : memref<1x!tpu.dma_semaphore, #tpu.memory_space<semaphore_mem>> -> memref<!tpu.dma_semaphore, #tpu.memory_space<semaphore_mem>>
    %dma_start3A_127 = arith.constant 0 : i32
    %dma_start3A_128 = arith.constant 0 : i32
    %dma_start3A_129 = tpu.memref_slice %arg4[%add3A_114, %dma_start3A_127, %dma_start3A_128] : memref<4096x200x64xf32, #tpu.memory_space<hbm>> -> memref<1x200x64xf32, #tpu.memory_space<hbm>>
    %dma_start3A_130 = arith.constant 0 : i32
    %dma_start3A_131 = arith.constant 0 : i32
    %dma_start3A_132 = arith.constant 0 : i32
    %dma_start3A_133 = tpu.memref_slice %arg7[%dma_start3A_115, %dma_start3A_130, %dma_start3A_131, %dma_start3A_132] : memref<2x1x200x64xf32, #tpu.memory_space<vmem>> -> memref<1x1x200x64xf32, #tpu.memory_space<vmem>>
    %dma_start3A_134 = tpu.memref_squeeze %dma_start3A_133 : memref<1x1x200x64xf32, #tpu.memory_space<vmem>> -> memref<1x200x64xf32, #tpu.memory_space<vmem>>
    tpu.enqueue_dma source(%dma_start3A_134 : memref<1x200x64xf32, #tpu.memory_space<vmem>>) target(%dma_start3A_129 : memref<1x200x64xf32, #tpu.memory_space<hbm>>) target_semaphore(%dma_start3A_126 : memref<!tpu.dma_semaphore, #tpu.memory_space<semaphore_mem>>)
    %dma_wait3A_135 = arith.constant 1 : i32
    %dma_wait3A_136 = arith.constant 1 : i32
    %dma_wait3A_137 = arith.constant 0 : i32
    %dma_wait3A_138 = arith.constant 1 : i32
    %dma_wait3A_139 = arith.constant 0 : i32
    %dma_wait3A_140 = arith.constant 0 : i32
    %dma_wait3A_141 = tpu.memref_slice %arg6[%dma_wait3A_136, %dma_wait3A_137, %dma_wait3A_139, %dma_wait3A_140] : memref<4x1x200x64xf32, #tpu.memory_space<vmem>> -> memref<1x1x200x64xf32, #tpu.memory_space<vmem>>
    %dma_wait3A_142 = tpu.memref_squeeze %dma_wait3A_141 : memref<1x1x200x64xf32, #tpu.memory_space<vmem>> -> memref<200x64xf32, #tpu.memory_space<vmem>>
    %dma_wait3A_143 = arith.constant 0 : i32
    %dma_wait3A_144 = tpu.memref_slice %arg5[%dma_wait3A_135, %dma_wait3A_143] : memref<128x200xi32, #tpu.memory_space<vmem>> -> memref<1x200xi32, #tpu.memory_space<vmem>>
    %dma_wait3A_145 = tpu.memref_squeeze %dma_wait3A_144 : memref<1x200xi32, #tpu.memory_space<vmem>> -> memref<200xi32, #tpu.memory_space<vmem>>
    %dma_wait3A_146 = arith.constant 0 : i32
    %dma_wait3A_147 = arith.constant 0 : i32
    %dma_wait3A_148 = tpu.memref_slice %arg2[%dma_wait3A_146, %dma_wait3A_147] : memref<1000000x64xf32, #tpu.memory_space<hbm>> -> memref<1000000x64xf32, #tpu.memory_space<hbm>>
    %dma_wait3A_149 = tpu.memref_slice %arg8[%dma_wait3A_138] : memref<4x!tpu.dma_semaphore, #tpu.memory_space<semaphore_mem>> -> memref<1x!tpu.dma_semaphore, #tpu.memory_space<semaphore_mem>>
    %dma_wait3A_150 = tpu.memref_squeeze %dma_wait3A_149 : memref<1x!tpu.dma_semaphore, #tpu.memory_space<semaphore_mem>> -> memref<!tpu.dma_semaphore, #tpu.memory_space<semaphore_mem>>
    tpu.wait_indirect_dma semaphore(%dma_wait3A_150 : memref<!tpu.dma_semaphore, #tpu.memory_space<semaphore_mem>>) src(%dma_wait3A_148 : memref<1000000x64xf32, #tpu.memory_space<hbm>>) dst(%dma_wait3A_142 : memref<200x64xf32, #tpu.memory_space<vmem>>)
    %scan3A_151 = arith.constant 1 : i32
    %scan3A_152 = arith.constant 0 : i32
    %scan3A_153 = arith.constant 1 : i32
    %scan3A_154 = arith.constant 0 : i32
    %scan3A_155 = arith.constant 0 : i32
    %scan3A_156 = arith.constant 100 : i32
    %scan3A_157 = arith.addi %scan3A_155, %scan3A_156 : i32
    %scan3A_158 = arith.constant 1 : i32
    scf.for %scan3A_693 = %scan3A_155 to %scan3A_157 step %scan3A_158  : i32 {
      %mul3A_694 = arith.constant 2 : i32
      %mul3A_695 = arith.muli %scan3A_693, %mul3A_694 : i32
      %add3A_696 = arith.constant 0 : i32
      %add3A_697 = arith.addi %add3A_696, %mul3A_695 : i32
      %add3A_698 = arith.constant 0 : i32
      %add3A_699 = arith.addi %add3A_697, %add3A_698 : i32
      %get3A = arith.constant 0 : i32
      %get3A_700 = arith.constant 0 : i32
      %get3A_701 = arith.constant 0 : i32
      %get3A_702 = tpu.memref_slice %arg6[%scan3A_151, %get3A, %get3A_700, %get3A_701] : memref<4x1x200x64xf32, #tpu.memory_space<vmem>> -> memref<1x1x200x64xf32, #tpu.memory_space<vmem>>
      %get3A_703 = tpu.memref_squeeze %get3A_702 : memref<1x1x200x64xf32, #tpu.memory_space<vmem>> -> memref<1x200x64xf32, #tpu.memory_space<vmem>>
      %get3A_704 = arith.constant 0 : i32
      %get3A_705 = arith.constant 0 : i32
      %get3A_706 = tpu.memref_slice %get3A_703[%scan3A_152, %get3A_704, %get3A_705] : memref<1x200x64xf32, #tpu.memory_space<vmem>> -> memref<1x200x64xf32, #tpu.memory_space<vmem>>
      %get3A_707 = tpu.memref_squeeze %get3A_706 : memref<1x200x64xf32, #tpu.memory_space<vmem>> -> memref<200x64xf32, #tpu.memory_space<vmem>>
      %get3A_708 = arith.index_cast %add3A_699 : i32 to index
      %get3A_709 = arith.constant 0 : index
      %get3A_710 = tpu.vector_load %get3A_707[%get3A_708, %get3A_709] {strides = array<i32>} : memref<200x64xf32, #tpu.memory_space<vmem>>, vector<1x16xf32>,
      %get3A_711 = vector.shape_cast %get3A_710 : vector<1x16xf32> to vector<1x16xf32>
      %mul3A_712 = arith.constant 8.000000e+00 : f32
      %mul3A_713 = vector.broadcast %mul3A_712 : f32 to vector<1x16xf32>
      %mul3A_714 = arith.mulf %get3A_711, %mul3A_713 : vector<1x16xf32>
      %swap3A = arith.constant 0 : i32
      %swap3A_715 = arith.constant 0 : i32
      %swap3A_716 = arith.constant 0 : i32
      %swap3A_717 = tpu.memref_slice %arg7[%scan3A_153, %swap3A, %swap3A_715, %swap3A_716] : memref<2x1x200x64xf32, #tpu.memory_space<vmem>> -> memref<1x1x200x64xf32, #tpu.memory_space<vmem>>
      %swap3A_718 = tpu.memref_squeeze %swap3A_717 : memref<1x1x200x64xf32, #tpu.memory_space<vmem>> -> memref<1x200x64xf32, #tpu.memory_space<vmem>>
      %swap3A_719 = arith.constant 0 : i32
      %swap3A_720 = arith.constant 0 : i32
      %swap3A_721 = tpu.memref_slice %swap3A_718[%scan3A_154, %swap3A_719, %swap3A_720] : memref<1x200x64xf32, #tpu.memory_space<vmem>> -> memref<1x200x64xf32, #tpu.memory_space<vmem>>
      %swap3A_722 = tpu.memref_squeeze %swap3A_721 : memref<1x200x64xf32, #tpu.memory_space<vmem>> -> memref<200x64xf32, #tpu.memory_space<vmem>>
      %swap3A_723 = arith.index_cast %add3A_699 : i32 to index
      %swap3A_724 = arith.constant 0 : index
      %swap3A_725 = tpu.vector_load %swap3A_722[%swap3A_723, %swap3A_724] {strides = array<i32>} : memref<200x64xf32, #tpu.memory_space<vmem>>, vector<1x16xf32>,
      %swap3A_726 = vector.shape_cast %swap3A_725 : vector<1x16xf32> to vector<1x16xf32>
      %swap3A_727 = vector.shape_cast %mul3A_714 : vector<1x16xf32> to vector<1x16xf32>
      tpu.vector_store %swap3A_722[%swap3A_723, %swap3A_724], %swap3A_727 {strides = array<i32>} : memref<200x64xf32, #tpu.memory_space<vmem>>, vector<1x16xf32>,
      %add3A_728 = arith.constant 0 : i32
      %add3A_729 = arith.addi %add3A_697, %add3A_728 : i32
      %get3A_730 = arith.constant 0 : i32
      %get3A_731 = arith.constant 0 : i32
      %get3A_732 = arith.constant 0 : i32
      %get3A_733 = tpu.memref_slice %arg6[%scan3A_151, %get3A_730, %get3A_731, %get3A_732] : memref<4x1x200x64xf32, #tpu.memory_space<vmem>> -> memref<1x1x200x64xf32, #tpu.memory_space<vmem>>
      %get3A_734 = tpu.memref_squeeze %get3A_733 : memref<1x1x200x64xf32, #tpu.memory_space<vmem>> -> memref<1x200x64xf32, #tpu.memory_space<vmem>>
      %get3A_735 = arith.constant 0 : i32
      %get3A_736 = arith.constant 0 : i32
      %get3A_737 = tpu.memref_slice %get3A_734[%scan3A_152, %get3A_735, %get3A_736] : memref<1x200x64xf32, #tpu.memory_space<vmem>> -> memref<1x200x64xf32, #tpu.memory_space<vmem>>
      %get3A_738 = tpu.memref_squeeze %get3A_737 : memref<1x200x64xf32, #tpu.memory_space<vmem>> -> memref<200x64xf32, #tpu.memory_space<vmem>>
      %get3A_739 = arith.index_cast %add3A_729 : i32 to index
      %get3A_740 = arith.constant 16 : index
      %get3A_741 = tpu.vector_load %get3A_738[%get3A_739, %get3A_740] {strides = array<i32>} : memref<200x64xf32, #tpu.memory_space<vmem>>, vector<1x16xf32>,
      %get3A_742 = vector.shape_cast %get3A_741 : vector<1x16xf32> to vector<1x16xf32>
      %mul3A_743 = arith.constant 8.000000e+00 : f32
      %mul3A_744 = vector.broadcast %mul3A_743 : f32 to vector<1x16xf32>
      %mul3A_745 = arith.mulf %get3A_742, %mul3A_744 : vector<1x16xf32>
      %swap3A_746 = arith.constant 0 : i32
      %swap3A_747 = arith.constant 0 : i32
      %swap3A_748 = arith.constant 0 : i32
      %swap3A_749 = tpu.memref_slice %arg7[%scan3A_153, %swap3A_746, %swap3A_747, %swap3A_748] : memref<2x1x200x64xf32, #tpu.memory_space<vmem>> -> memref<1x1x200x64xf32, #tpu.memory_space<vmem>>
      %swap3A_750 = tpu.memref_squeeze %swap3A_749 : memref<1x1x200x64xf32, #tpu.memory_space<vmem>> -> memref<1x200x64xf32, #tpu.memory_space<vmem>>
      %swap3A_751 = arith.constant 0 : i32
      %swap3A_752 = arith.constant 0 : i32
      %swap3A_753 = tpu.memref_slice %swap3A_750[%scan3A_154, %swap3A_751, %swap3A_752] : memref<1x200x64xf32, #tpu.memory_space<vmem>> -> memref<1x200x64xf32, #tpu.memory_space<vmem>>
      %swap3A_754 = tpu.memref_squeeze %swap3A_753 : memref<1x200x64xf32, #tpu.memory_space<vmem>> -> memref<200x64xf32, #tpu.memory_space<vmem>>
      %swap3A_755 = arith.index_cast %add3A_729 : i32 to index
      %swap3A_756 = arith.constant 16 : index
      %swap3A_757 = tpu.vector_load %swap3A_754[%swap3A_755, %swap3A_756] {strides = array<i32>} : memref<200x64xf32, #tpu.memory_space<vmem>>, vector<1x16xf32>,
      %swap3A_758 = vector.shape_cast %swap3A_757 : vector<1x16xf32> to vector<1x16xf32>
      %swap3A_759 = vector.shape_cast %mul3A_745 : vector<1x16xf32> to vector<1x16xf32>
      tpu.vector_store %swap3A_754[%swap3A_755, %swap3A_756], %swap3A_759 {strides = array<i32>} : memref<200x64xf32, #tpu.memory_space<vmem>>, vector<1x16xf32>,
      %add3A_760 = arith.constant 0 : i32
      %add3A_761 = arith.addi %add3A_697, %add3A_760 : i32
      %get3A_762 = arith.constant 0 : i32
      %get3A_763 = arith.constant 0 : i32
      %get3A_764 = arith.constant 0 : i32
      %get3A_765 = tpu.memref_slice %arg6[%scan3A_151, %get3A_762, %get3A_763, %get3A_764] : memref<4x1x200x64xf32, #tpu.memory_space<vmem>> -> memref<1x1x200x64xf32, #tpu.memory_space<vmem>>
      %get3A_766 = tpu.memref_squeeze %get3A_765 : memref<1x1x200x64xf32, #tpu.memory_space<vmem>> -> memref<1x200x64xf32, #tpu.memory_space<vmem>>
      %get3A_767 = arith.constant 0 : i32
      %get3A_768 = arith.constant 0 : i32
      %get3A_769 = tpu.memref_slice %get3A_766[%scan3A_152, %get3A_767, %get3A_768] : memref<1x200x64xf32, #tpu.memory_space<vmem>> -> memref<1x200x64xf32, #tpu.memory_space<vmem>>
      %get3A_770 = tpu.memref_squeeze %get3A_769 : memref<1x200x64xf32, #tpu.memory_space<vmem>> -> memref<200x64xf32, #tpu.memory_space<vmem>>
      %get3A_771 = arith.index_cast %add3A_761 : i32 to index
      %get3A_772 = arith.constant 32 : index
      %get3A_773 = tpu.vector_load %get3A_770[%get3A_771, %get3A_772] {strides = array<i32>} : memref<200x64xf32, #tpu.memory_space<vmem>>, vector<1x16xf32>,
      %get3A_774 = vector.shape_cast %get3A_773 : vector<1x16xf32> to vector<1x16xf32>
      %mul3A_775 = arith.constant 8.000000e+00 : f32
      %mul3A_776 = vector.broadcast %mul3A_775 : f32 to vector<1x16xf32>
      %mul3A_777 = arith.mulf %get3A_774, %mul3A_776 : vector<1x16xf32>
      %swap3A_778 = arith.constant 0 : i32
      %swap3A_779 = arith.constant 0 : i32
      %swap3A_780 = arith.constant 0 : i32
      %swap3A_781 = tpu.memref_slice %arg7[%scan3A_153, %swap3A_778, %swap3A_779, %swap3A_780] : memref<2x1x200x64xf32, #tpu.memory_space<vmem>> -> memref<1x1x200x64xf32, #tpu.memory_space<vmem>>
      %swap3A_782 = tpu.memref_squeeze %swap3A_781 : memref<1x1x200x64xf32, #tpu.memory_space<vmem>> -> memref<1x200x64xf32, #tpu.memory_space<vmem>>
      %swap3A_783 = arith.constant 0 : i32
      %swap3A_784 = arith.constant 0 : i32
      %swap3A_785 = tpu.memref_slice %swap3A_782[%scan3A_154, %swap3A_783, %swap3A_784] : memref<1x200x64xf32, #tpu.memory_space<vmem>> -> memref<1x200x64xf32, #tpu.memory_space<vmem>>
      %swap3A_786 = tpu.memref_squeeze %swap3A_785 : memref<1x200x64xf32, #tpu.memory_space<vmem>> -> memref<200x64xf32, #tpu.memory_space<vmem>>
      %swap3A_787 = arith.index_cast %add3A_761 : i32 to index
      %swap3A_788 = arith.constant 32 : index
      %swap3A_789 = tpu.vector_load %swap3A_786[%swap3A_787, %swap3A_788] {strides = array<i32>} : memref<200x64xf32, #tpu.memory_space<vmem>>, vector<1x16xf32>,
      %swap3A_790 = vector.shape_cast %swap3A_789 : vector<1x16xf32> to vector<1x16xf32>
      %swap3A_791 = vector.shape_cast %mul3A_777 : vector<1x16xf32> to vector<1x16xf32>
      tpu.vector_store %swap3A_786[%swap3A_787, %swap3A_788], %swap3A_791 {strides = array<i32>} : memref<200x64xf32, #tpu.memory_space<vmem>>, vector<1x16xf32>,
      %add3A_792 = arith.constant 0 : i32
      %add3A_793 = arith.addi %add3A_697, %add3A_792 : i32
      %get3A_794 = arith.constant 0 : i32
      %get3A_795 = arith.constant 0 : i32
      %get3A_796 = arith.constant 0 : i32
      %get3A_797 = tpu.memref_slice %arg6[%scan3A_151, %get3A_794, %get3A_795, %get3A_796] : memref<4x1x200x64xf32, #tpu.memory_space<vmem>> -> memref<1x1x200x64xf32, #tpu.memory_space<vmem>>
      %get3A_798 = tpu.memref_squeeze %get3A_797 : memref<1x1x200x64xf32, #tpu.memory_space<vmem>> -> memref<1x200x64xf32, #tpu.memory_space<vmem>>
      %get3A_799 = arith.constant 0 : i32
      %get3A_800 = arith.constant 0 : i32
      %get3A_801 = tpu.memref_slice %get3A_798[%scan3A_152, %get3A_799, %get3A_800] : memref<1x200x64xf32, #tpu.memory_space<vmem>> -> memref<1x200x64xf32, #tpu.memory_space<vmem>>
      %get3A_802 = tpu.memref_squeeze %get3A_801 : memref<1x200x64xf32, #tpu.memory_space<vmem>> -> memref<200x64xf32, #tpu.memory_space<vmem>>
      %get3A_803 = arith.index_cast %add3A_793 : i32 to index
      %get3A_804 = arith.constant 48 : index
      %get3A_805 = tpu.vector_load %get3A_802[%get3A_803, %get3A_804] {strides = array<i32>} : memref<200x64xf32, #tpu.memory_space<vmem>>, vector<1x16xf32>,
      %get3A_806 = vector.shape_cast %get3A_805 : vector<1x16xf32> to vector<1x16xf32>
      %mul3A_807 = arith.constant 8.000000e+00 : f32
      %mul3A_808 = vector.broadcast %mul3A_807 : f32 to vector<1x16xf32>
      %mul3A_809 = arith.mulf %get3A_806, %mul3A_808 : vector<1x16xf32>
      %swap3A_810 = arith.constant 0 : i32
      %swap3A_811 = arith.constant 0 : i32
      %swap3A_812 = arith.constant 0 : i32
      %swap3A_813 = tpu.memref_slice %arg7[%scan3A_153, %swap3A_810, %swap3A_811, %swap3A_812] : memref<2x1x200x64xf32, #tpu.memory_space<vmem>> -> memref<1x1x200x64xf32, #tpu.memory_space<vmem>>
      %swap3A_814 = tpu.memref_squeeze %swap3A_813 : memref<1x1x200x64xf32, #tpu.memory_space<vmem>> -> memref<1x200x64xf32, #tpu.memory_space<vmem>>
      %swap3A_815 = arith.constant 0 : i32
      %swap3A_816 = arith.constant 0 : i32
      %swap3A_817 = tpu.memref_slice %swap3A_814[%scan3A_154, %swap3A_815, %swap3A_816] : memref<1x200x64xf32, #tpu.memory_space<vmem>> -> memref<1x200x64xf32, #tpu.memory_space<vmem>>
      %swap3A_818 = tpu.memref_squeeze %swap3A_817 : memref<1x200x64xf32, #tpu.memory_space<vmem>> -> memref<200x64xf32, #tpu.memory_space<vmem>>
      %swap3A_819 = arith.index_cast %add3A_793 : i32 to index
      %swap3A_820 = arith.constant 48 : index
      %swap3A_821 = tpu.vector_load %swap3A_818[%swap3A_819, %swap3A_820] {strides = array<i32>} : memref<200x64xf32, #tpu.memory_space<vmem>>, vector<1x16xf32>,
      %swap3A_822 = vector.shape_cast %swap3A_821 : vector<1x16xf32> to vector<1x16xf32>
      %swap3A_823 = vector.shape_cast %mul3A_809 : vector<1x16xf32> to vector<1x16xf32>
      tpu.vector_store %swap3A_818[%swap3A_819, %swap3A_820], %swap3A_823 {strides = array<i32>} : memref<200x64xf32, #tpu.memory_space<vmem>>, vector<1x16xf32>,
      %add3A_824 = arith.constant 1 : i32
      %add3A_825 = arith.addi %add3A_697, %add3A_824 : i32
      %get3A_826 = arith.constant 0 : i32
      %get3A_827 = arith.constant 0 : i32
      %get3A_828 = arith.constant 0 : i32
      %get3A_829 = tpu.memref_slice %arg6[%scan3A_151, %get3A_826, %get3A_827, %get3A_828] : memref<4x1x200x64xf32, #tpu.memory_space<vmem>> -> memref<1x1x200x64xf32, #tpu.memory_space<vmem>>
      %get3A_830 = tpu.memref_squeeze %get3A_829 : memref<1x1x200x64xf32, #tpu.memory_space<vmem>> -> memref<1x200x64xf32, #tpu.memory_space<vmem>>
      %get3A_831 = arith.constant 0 : i32
      %get3A_832 = arith.constant 0 : i32
      %get3A_833 = tpu.memref_slice %get3A_830[%scan3A_152, %get3A_831, %get3A_832] : memref<1x200x64xf32, #tpu.memory_space<vmem>> -> memref<1x200x64xf32, #tpu.memory_space<vmem>>
      %get3A_834 = tpu.memref_squeeze %get3A_833 : memref<1x200x64xf32, #tpu.memory_space<vmem>> -> memref<200x64xf32, #tpu.memory_space<vmem>>
      %get3A_835 = arith.index_cast %add3A_825 : i32 to index
      %get3A_836 = arith.constant 0 : index
      %get3A_837 = tpu.vector_load %get3A_834[%get3A_835, %get3A_836] {strides = array<i32>} : memref<200x64xf32, #tpu.memory_space<vmem>>, vector<1x16xf32>,
      %get3A_838 = vector.shape_cast %get3A_837 : vector<1x16xf32> to vector<1x16xf32>
      %mul3A_839 = arith.constant 8.000000e+00 : f32
      %mul3A_840 = vector.broadcast %mul3A_839 : f32 to vector<1x16xf32>
      %mul3A_841 = arith.mulf %get3A_838, %mul3A_840 : vector<1x16xf32>
      %swap3A_842 = arith.constant 0 : i32
      %swap3A_843 = arith.constant 0 : i32
      %swap3A_844 = arith.constant 0 : i32
      %swap3A_845 = tpu.memref_slice %arg7[%scan3A_153, %swap3A_842, %swap3A_843, %swap3A_844] : memref<2x1x200x64xf32, #tpu.memory_space<vmem>> -> memref<1x1x200x64xf32, #tpu.memory_space<vmem>>
      %swap3A_846 = tpu.memref_squeeze %swap3A_845 : memref<1x1x200x64xf32, #tpu.memory_space<vmem>> -> memref<1x200x64xf32, #tpu.memory_space<vmem>>
      %swap3A_847 = arith.constant 0 : i32
      %swap3A_848 = arith.constant 0 : i32
      %swap3A_849 = tpu.memref_slice %swap3A_846[%scan3A_154, %swap3A_847, %swap3A_848] : memref<1x200x64xf32, #tpu.memory_space<vmem>> -> memref<1x200x64xf32, #tpu.memory_space<vmem>>
      %swap3A_850 = tpu.memref_squeeze %swap3A_849 : memref<1x200x64xf32, #tpu.memory_space<vmem>> -> memref<200x64xf32, #tpu.memory_space<vmem>>
      %swap3A_851 = arith.index_cast %add3A_825 : i32 to index
      %swap3A_852 = arith.constant 0 : index
      %swap3A_853 = tpu.vector_load %swap3A_850[%swap3A_851, %swap3A_852] {strides = array<i32>} : memref<200x64xf32, #tpu.memory_space<vmem>>, vector<1x16xf32>,
      %swap3A_854 = vector.shape_cast %swap3A_853 : vector<1x16xf32> to vector<1x16xf32>
      %swap3A_855 = vector.shape_cast %mul3A_841 : vector<1x16xf32> to vector<1x16xf32>
      tpu.vector_store %swap3A_850[%swap3A_851, %swap3A_852], %swap3A_855 {strides = array<i32>} : memref<200x64xf32, #tpu.memory_space<vmem>>, vector<1x16xf32>,
      %add3A_856 = arith.constant 1 : i32
      %add3A_857 = arith.addi %add3A_697, %add3A_856 : i32
      %get3A_858 = arith.constant 0 : i32
      %get3A_859 = arith.constant 0 : i32
      %get3A_860 = arith.constant 0 : i32
      %get3A_861 = tpu.memref_slice %arg6[%scan3A_151, %get3A_858, %get3A_859, %get3A_860] : memref<4x1x200x64xf32, #tpu.memory_space<vmem>> -> memref<1x1x200x64xf32, #tpu.memory_space<vmem>>
      %get3A_862 = tpu.memref_squeeze %get3A_861 : memref<1x1x200x64xf32, #tpu.memory_space<vmem>> -> memref<1x200x64xf32, #tpu.memory_space<vmem>>
      %get3A_863 = arith.constant 0 : i32
      %get3A_864 = arith.constant 0 : i32
      %get3A_865 = tpu.memref_slice %get3A_862[%scan3A_152, %get3A_863, %get3A_864] : memref<1x200x64xf32, #tpu.memory_space<vmem>> -> memref<1x200x64xf32, #tpu.memory_space<vmem>>
      %get3A_866 = tpu.memref_squeeze %get3A_865 : memref<1x200x64xf32, #tpu.memory_space<vmem>> -> memref<200x64xf32, #tpu.memory_space<vmem>>
      %get3A_867 = arith.index_cast %add3A_857 : i32 to index
      %get3A_868 = arith.constant 16 : index
      %get3A_869 = tpu.vector_load %get3A_866[%get3A_867, %get3A_868] {strides = array<i32>} : memref<200x64xf32, #tpu.memory_space<vmem>>, vector<1x16xf32>,
      %get3A_870 = vector.shape_cast %get3A_869 : vector<1x16xf32> to vector<1x16xf32>
      %mul3A_871 = arith.constant 8.000000e+00 : f32
      %mul3A_872 = vector.broadcast %mul3A_871 : f32 to vector<1x16xf32>
      %mul3A_873 = arith.mulf %get3A_870, %mul3A_872 : vector<1x16xf32>
      %swap3A_874 = arith.constant 0 : i32
      %swap3A_875 = arith.constant 0 : i32
      %swap3A_876 = arith.constant 0 : i32
      %swap3A_877 = tpu.memref_slice %arg7[%scan3A_153, %swap3A_874, %swap3A_875, %swap3A_876] : memref<2x1x200x64xf32, #tpu.memory_space<vmem>> -> memref<1x1x200x64xf32, #tpu.memory_space<vmem>>
      %swap3A_878 = tpu.memref_squeeze %swap3A_877 : memref<1x1x200x64xf32, #tpu.memory_space<vmem>> -> memref<1x200x64xf32, #tpu.memory_space<vmem>>
      %swap3A_879 = arith.constant 0 : i32
      %swap3A_880 = arith.constant 0 : i32
      %swap3A_881 = tpu.memref_slice %swap3A_878[%scan3A_154, %swap3A_879, %swap3A_880] : memref<1x200x64xf32, #tpu.memory_space<vmem>> -> memref<1x200x64xf32, #tpu.memory_space<vmem>>
      %swap3A_882 = tpu.memref_squeeze %swap3A_881 : memref<1x200x64xf32, #tpu.memory_space<vmem>> -> memref<200x64xf32, #tpu.memory_space<vmem>>
      %swap3A_883 = arith.index_cast %add3A_857 : i32 to index
      %swap3A_884 = arith.constant 16 : index
      %swap3A_885 = tpu.vector_load %swap3A_882[%swap3A_883, %swap3A_884] {strides = array<i32>} : memref<200x64xf32, #tpu.memory_space<vmem>>, vector<1x16xf32>,
      %swap3A_886 = vector.shape_cast %swap3A_885 : vector<1x16xf32> to vector<1x16xf32>
      %swap3A_887 = vector.shape_cast %mul3A_873 : vector<1x16xf32> to vector<1x16xf32>
      tpu.vector_store %swap3A_882[%swap3A_883, %swap3A_884], %swap3A_887 {strides = array<i32>} : memref<200x64xf32, #tpu.memory_space<vmem>>, vector<1x16xf32>,
      %add3A_888 = arith.constant 1 : i32
      %add3A_889 = arith.addi %add3A_697, %add3A_888 : i32
      %get3A_890 = arith.constant 0 : i32
      %get3A_891 = arith.constant 0 : i32
      %get3A_892 = arith.constant 0 : i32
      %get3A_893 = tpu.memref_slice %arg6[%scan3A_151, %get3A_890, %get3A_891, %get3A_892] : memref<4x1x200x64xf32, #tpu.memory_space<vmem>> -> memref<1x1x200x64xf32, #tpu.memory_space<vmem>>
      %get3A_894 = tpu.memref_squeeze %get3A_893 : memref<1x1x200x64xf32, #tpu.memory_space<vmem>> -> memref<1x200x64xf32, #tpu.memory_space<vmem>>
      %get3A_895 = arith.constant 0 : i32
      %get3A_896 = arith.constant 0 : i32
      %get3A_897 = tpu.memref_slice %get3A_894[%scan3A_152, %get3A_895, %get3A_896] : memref<1x200x64xf32, #tpu.memory_space<vmem>> -> memref<1x200x64xf32, #tpu.memory_space<vmem>>
      %get3A_898 = tpu.memref_squeeze %get3A_897 : memref<1x200x64xf32, #tpu.memory_space<vmem>> -> memref<200x64xf32, #tpu.memory_space<vmem>>
      %get3A_899 = arith.index_cast %add3A_889 : i32 to index
      %get3A_900 = arith.constant 32 : index
      %get3A_901 = tpu.vector_load %get3A_898[%get3A_899, %get3A_900] {strides = array<i32>} : memref<200x64xf32, #tpu.memory_space<vmem>>, vector<1x16xf32>,
      %get3A_902 = vector.shape_cast %get3A_901 : vector<1x16xf32> to vector<1x16xf32>
      %mul3A_903 = arith.constant 8.000000e+00 : f32
      %mul3A_904 = vector.broadcast %mul3A_903 : f32 to vector<1x16xf32>
      %mul3A_905 = arith.mulf %get3A_902, %mul3A_904 : vector<1x16xf32>
      %swap3A_906 = arith.constant 0 : i32
      %swap3A_907 = arith.constant 0 : i32
      %swap3A_908 = arith.constant 0 : i32
      %swap3A_909 = tpu.memref_slice %arg7[%scan3A_153, %swap3A_906, %swap3A_907, %swap3A_908] : memref<2x1x200x64xf32, #tpu.memory_space<vmem>> -> memref<1x1x200x64xf32, #tpu.memory_space<vmem>>
      %swap3A_910 = tpu.memref_squeeze %swap3A_909 : memref<1x1x200x64xf32, #tpu.memory_space<vmem>> -> memref<1x200x64xf32, #tpu.memory_space<vmem>>
      %swap3A_911 = arith.constant 0 : i32
      %swap3A_912 = arith.constant 0 : i32
      %swap3A_913 = tpu.memref_slice %swap3A_910[%scan3A_154, %swap3A_911, %swap3A_912] : memref<1x200x64xf32, #tpu.memory_space<vmem>> -> memref<1x200x64xf32, #tpu.memory_space<vmem>>
      %swap3A_914 = tpu.memref_squeeze %swap3A_913 : memref<1x200x64xf32, #tpu.memory_space<vmem>> -> memref<200x64xf32, #tpu.memory_space<vmem>>
      %swap3A_915 = arith.index_cast %add3A_889 : i32 to index
      %swap3A_916 = arith.constant 32 : index
      %swap3A_917 = tpu.vector_load %swap3A_914[%swap3A_915, %swap3A_916] {strides = array<i32>} : memref<200x64xf32, #tpu.memory_space<vmem>>, vector<1x16xf32>,
      %swap3A_918 = vector.shape_cast %swap3A_917 : vector<1x16xf32> to vector<1x16xf32>
      %swap3A_919 = vector.shape_cast %mul3A_905 : vector<1x16xf32> to vector<1x16xf32>
      tpu.vector_store %swap3A_914[%swap3A_915, %swap3A_916], %swap3A_919 {strides = array<i32>} : memref<200x64xf32, #tpu.memory_space<vmem>>, vector<1x16xf32>,
      %add3A_920 = arith.constant 1 : i32
      %add3A_921 = arith.addi %add3A_697, %add3A_920 : i32
      %get3A_922 = arith.constant 0 : i32
      %get3A_923 = arith.constant 0 : i32
      %get3A_924 = arith.constant 0 : i32
      %get3A_925 = tpu.memref_slice %arg6[%scan3A_151, %get3A_922, %get3A_923, %get3A_924] : memref<4x1x200x64xf32, #tpu.memory_space<vmem>> -> memref<1x1x200x64xf32, #tpu.memory_space<vmem>>
      %get3A_926 = tpu.memref_squeeze %get3A_925 : memref<1x1x200x64xf32, #tpu.memory_space<vmem>> -> memref<1x200x64xf32, #tpu.memory_space<vmem>>
      %get3A_927 = arith.constant 0 : i32
      %get3A_928 = arith.constant 0 : i32
      %get3A_929 = tpu.memref_slice %get3A_926[%scan3A_152, %get3A_927, %get3A_928] : memref<1x200x64xf32, #tpu.memory_space<vmem>> -> memref<1x200x64xf32, #tpu.memory_space<vmem>>
      %get3A_930 = tpu.memref_squeeze %get3A_929 : memref<1x200x64xf32, #tpu.memory_space<vmem>> -> memref<200x64xf32, #tpu.memory_space<vmem>>
      %get3A_931 = arith.index_cast %add3A_921 : i32 to index
      %get3A_932 = arith.constant 48 : index
      %get3A_933 = tpu.vector_load %get3A_930[%get3A_931, %get3A_932] {strides = array<i32>} : memref<200x64xf32, #tpu.memory_space<vmem>>, vector<1x16xf32>,
      %get3A_934 = vector.shape_cast %get3A_933 : vector<1x16xf32> to vector<1x16xf32>
      %mul3A_935 = arith.constant 8.000000e+00 : f32
      %mul3A_936 = vector.broadcast %mul3A_935 : f32 to vector<1x16xf32>
      %mul3A_937 = arith.mulf %get3A_934, %mul3A_936 : vector<1x16xf32>
      %swap3A_938 = arith.constant 0 : i32
      %swap3A_939 = arith.constant 0 : i32
      %swap3A_940 = arith.constant 0 : i32
      %swap3A_941 = tpu.memref_slice %arg7[%scan3A_153, %swap3A_938, %swap3A_939, %swap3A_940] : memref<2x1x200x64xf32, #tpu.memory_space<vmem>> -> memref<1x1x200x64xf32, #tpu.memory_space<vmem>>
      %swap3A_942 = tpu.memref_squeeze %swap3A_941 : memref<1x1x200x64xf32, #tpu.memory_space<vmem>> -> memref<1x200x64xf32, #tpu.memory_space<vmem>>
      %swap3A_943 = arith.constant 0 : i32
      %swap3A_944 = arith.constant 0 : i32
      %swap3A_945 = tpu.memref_slice %swap3A_942[%scan3A_154, %swap3A_943, %swap3A_944] : memref<1x200x64xf32, #tpu.memory_space<vmem>> -> memref<1x200x64xf32, #tpu.memory_space<vmem>>
      %swap3A_946 = tpu.memref_squeeze %swap3A_945 : memref<1x200x64xf32, #tpu.memory_space<vmem>> -> memref<200x64xf32, #tpu.memory_space<vmem>>
      %swap3A_947 = arith.index_cast %add3A_921 : i32 to index
      %swap3A_948 = arith.constant 48 : index
      %swap3A_949 = tpu.vector_load %swap3A_946[%swap3A_947, %swap3A_948] {strides = array<i32>} : memref<200x64xf32, #tpu.memory_space<vmem>>, vector<1x16xf32>,
      %swap3A_950 = vector.shape_cast %swap3A_949 : vector<1x16xf32> to vector<1x16xf32>
      %swap3A_951 = vector.shape_cast %mul3A_937 : vector<1x16xf32> to vector<1x16xf32>
      tpu.vector_store %swap3A_946[%swap3A_947, %swap3A_948], %swap3A_951 {strides = array<i32>} : memref<200x64xf32, #tpu.memory_space<vmem>>, vector<1x16xf32>,
    }
    %scan3A_159 = arith.constant 100 : i32
    %dma_start3A_160 = arith.constant 5 : i32
    %dma_start3A_161 = arith.constant 1 : i32
    %dma_start3A_162 = arith.constant 0 : i32
    %dma_start3A_163 = arith.constant 1 : i32
    %dma_start3A_164 = arith.constant 0 : i32
    %dma_start3A_165 = arith.constant 0 : i32
    %dma_start3A_166 = tpu.memref_slice %arg6[%dma_start3A_161, %dma_start3A_162, %dma_start3A_164, %dma_start3A_165] : memref<4x1x200x64xf32, #tpu.memory_space<vmem>> -> memref<1x1x200x64xf32, #tpu.memory_space<vmem>>
    %dma_start3A_167 = tpu.memref_squeeze %dma_start3A_166 : memref<1x1x200x64xf32, #tpu.memory_space<vmem>> -> memref<200x64xf32, #tpu.memory_space<vmem>>
    %dma_start3A_168 = arith.constant 0 : i32
    %dma_start3A_169 = tpu.memref_slice %arg5[%dma_start3A_160, %dma_start3A_168] : memref<128x200xi32, #tpu.memory_space<vmem>> -> memref<1x200xi32, #tpu.memory_space<vmem>>
    %dma_start3A_170 = tpu.memref_squeeze %dma_start3A_169 : memref<1x200xi32, #tpu.memory_space<vmem>> -> memref<200xi32, #tpu.memory_space<vmem>>
    %dma_start3A_171 = arith.constant 0 : i32
    %dma_start3A_172 = arith.constant 0 : i32
    %dma_start3A_173 = tpu.memref_slice %arg2[%dma_start3A_171, %dma_start3A_172] : memref<1000000x64xf32, #tpu.memory_space<hbm>> -> memref<1000000x64xf32, #tpu.memory_space<hbm>>
    %dma_start3A_174 = tpu.memref_slice %arg8[%dma_start3A_163] : memref<4x!tpu.dma_semaphore, #tpu.memory_space<semaphore_mem>> -> memref<1x!tpu.dma_semaphore, #tpu.memory_space<semaphore_mem>>
    %dma_start3A_175 = tpu.memref_squeeze %dma_start3A_174 : memref<1x!tpu.dma_semaphore, #tpu.memory_space<semaphore_mem>> -> memref<!tpu.dma_semaphore, #tpu.memory_space<semaphore_mem>>
    tpu.enqueue_indirect_dma source(%dma_start3A_173 : memref<1000000x64xf32, #tpu.memory_space<hbm>>) target(%dma_start3A_167 : memref<200x64xf32, #tpu.memory_space<vmem>>) offsets(%dma_start3A_170 : memref<200xi32, #tpu.memory_space<vmem>>) semaphore(%dma_start3A_175 : memref<!tpu.dma_semaphore, #tpu.memory_space<semaphore_mem>>)
    %add3A_176 = arith.constant 1 : i32
    %add3A_177 = arith.addi %mul3A_2, %add3A_176 : i32
    %dma_start3A_178 = arith.constant 1 : i32
    %dma_start3A_179 = arith.constant 1 : i32
    %dma_start3A_180 = arith.constant 0 : i32
    %dma_start3A_181 = arith.constant 0 : i32
    %dma_start3A_182 = arith.constant 0 : i32
    %dma_start3A_183 = tpu.memref_slice %arg7[%dma_start3A_178, %dma_start3A_180, %dma_start3A_181, %dma_start3A_182] : memref<2x1x200x64xf32, #tpu.memory_space<vmem>> -> memref<1x1x200x64xf32, #tpu.memory_space<vmem>>
    %dma_start3A_184 = tpu.memref_squeeze %dma_start3A_183 : memref<1x1x200x64xf32, #tpu.memory_space<vmem>> -> memref<1x200x64xf32, #tpu.memory_space<vmem>>
    %dma_start3A_185 = arith.constant 0 : i32
    %dma_start3A_186 = arith.constant 0 : i32
    %dma_start3A_187 = tpu.memref_slice %arg4[%add3A_177, %dma_start3A_185, %dma_start3A_186] : memref<4096x200x64xf32, #tpu.memory_space<hbm>> -> memref<1x200x64xf32, #tpu.memory_space<hbm>>
    %dma_start3A_188 = tpu.memref_slice %arg9[%dma_start3A_179] : memref<2x!tpu.dma_semaphore, #tpu.memory_space<semaphore_mem>> -> memref<1x!tpu.dma_semaphore, #tpu.memory_space<semaphore_mem>>
    %dma_start3A_189 = tpu.memref_squeeze %dma_start3A_188 : memref<1x!tpu.dma_semaphore, #tpu.memory_space<semaphore_mem>> -> memref<!tpu.dma_semaphore, #tpu.memory_space<semaphore_mem>>
    %dma_start3A_190 = arith.constant 0 : i32
    %dma_start3A_191 = arith.constant 0 : i32
    %dma_start3A_192 = tpu.memref_slice %arg4[%add3A_177, %dma_start3A_190, %dma_start3A_191] : memref<4096x200x64xf32, #tpu.memory_space<hbm>> -> memref<1x200x64xf32, #tpu.memory_space<hbm>>
    %dma_start3A_193 = arith.constant 0 : i32
    %dma_start3A_194 = arith.constant 0 : i32
    %dma_start3A_195 = arith.constant 0 : i32
    %dma_start3A_196 = tpu.memref_slice %arg7[%dma_start3A_178, %dma_start3A_193, %dma_start3A_194, %dma_start3A_195] : memref<2x1x200x64xf32, #tpu.memory_space<vmem>> -> memref<1x1x200x64xf32, #tpu.memory_space<vmem>>
    %dma_start3A_197 = tpu.memref_squeeze %dma_start3A_196 : memref<1x1x200x64xf32, #tpu.memory_space<vmem>> -> memref<1x200x64xf32, #tpu.memory_space<vmem>>
    tpu.enqueue_dma source(%dma_start3A_197 : memref<1x200x64xf32, #tpu.memory_space<vmem>>) target(%dma_start3A_192 : memref<1x200x64xf32, #tpu.memory_space<hbm>>) target_semaphore(%dma_start3A_189 : memref<!tpu.dma_semaphore, #tpu.memory_space<semaphore_mem>>)
    %dma_wait3A_198 = arith.constant 2 : i32
    %dma_wait3A_199 = arith.constant 2 : i32
    %dma_wait3A_200 = arith.constant 0 : i32
    %dma_wait3A_201 = arith.constant 2 : i32
    %dma_wait3A_202 = arith.constant 0 : i32
    %dma_wait3A_203 = arith.constant 0 : i32
    %dma_wait3A_204 = tpu.memref_slice %arg6[%dma_wait3A_199, %dma_wait3A_200, %dma_wait3A_202, %dma_wait3A_203] : memref<4x1x200x64xf32, #tpu.memory_space<vmem>> -> memref<1x1x200x64xf32, #tpu.memory_space<vmem>>
    %dma_wait3A_205 = tpu.memref_squeeze %dma_wait3A_204 : memref<1x1x200x64xf32, #tpu.memory_space<vmem>> -> memref<200x64xf32, #tpu.memory_space<vmem>>
    %dma_wait3A_206 = arith.constant 0 : i32
    %dma_wait3A_207 = tpu.memref_slice %arg5[%dma_wait3A_198, %dma_wait3A_206] : memref<128x200xi32, #tpu.memory_space<vmem>> -> memref<1x200xi32, #tpu.memory_space<vmem>>
    %dma_wait3A_208 = tpu.memref_squeeze %dma_wait3A_207 : memref<1x200xi32, #tpu.memory_space<vmem>> -> memref<200xi32, #tpu.memory_space<vmem>>
    %dma_wait3A_209 = arith.constant 0 : i32
    %dma_wait3A_210 = arith.constant 0 : i32
    %dma_wait3A_211 = tpu.memref_slice %arg2[%dma_wait3A_209, %dma_wait3A_210] : memref<1000000x64xf32, #tpu.memory_space<hbm>> -> memref<1000000x64xf32, #tpu.memory_space<hbm>>
    %dma_wait3A_212 = tpu.memref_slice %arg8[%dma_wait3A_201] : memref<4x!tpu.dma_semaphore, #tpu.memory_space<semaphore_mem>> -> memref<1x!tpu.dma_semaphore, #tpu.memory_space<semaphore_mem>>
    %dma_wait3A_213 = tpu.memref_squeeze %dma_wait3A_212 : memref<1x!tpu.dma_semaphore, #tpu.memory_space<semaphore_mem>> -> memref<!tpu.dma_semaphore, #tpu.memory_space<semaphore_mem>>
    tpu.wait_indirect_dma semaphore(%dma_wait3A_213 : memref<!tpu.dma_semaphore, #tpu.memory_space<semaphore_mem>>) src(%dma_wait3A_211 : memref<1000000x64xf32, #tpu.memory_space<hbm>>) dst(%dma_wait3A_205 : memref<200x64xf32, #tpu.memory_space<vmem>>)
    %add3A_214 = arith.constant 0 : i32
    %add3A_215 = arith.addi %mul3A_2, %add3A_214 : i32
    %dma_wait3A_216 = arith.constant 0 : i32
    %dma_wait3A_217 = arith.constant 0 : i32
    %dma_wait3A_218 = arith.constant 0 : i32
    %dma_wait3A_219 = arith.constant 0 : i32
    %dma_wait3A_220 = arith.constant 0 : i32
    %dma_wait3A_221 = tpu.memref_slice %arg7[%dma_wait3A_216, %dma_wait3A_218, %dma_wait3A_219, %dma_wait3A_220] : memref<2x1x200x64xf32, #tpu.memory_space<vmem>> -> memref<1x1x200x64xf32, #tpu.memory_space<vmem>>
    %dma_wait3A_222 = tpu.memref_squeeze %dma_wait3A_221 : memref<1x1x200x64xf32, #tpu.memory_space<vmem>> -> memref<1x200x64xf32, #tpu.memory_space<vmem>>
    %dma_wait3A_223 = arith.constant 0 : i32
    %dma_wait3A_224 = arith.constant 0 : i32
    %dma_wait3A_225 = tpu.memref_slice %arg4[%add3A_215, %dma_wait3A_223, %dma_wait3A_224] : memref<4096x200x64xf32, #tpu.memory_space<hbm>> -> memref<1x200x64xf32, #tpu.memory_space<hbm>>
    %dma_wait3A_226 = tpu.memref_slice %arg9[%dma_wait3A_217] : memref<2x!tpu.dma_semaphore, #tpu.memory_space<semaphore_mem>> -> memref<1x!tpu.dma_semaphore, #tpu.memory_space<semaphore_mem>>
    %dma_wait3A_227 = tpu.memref_squeeze %dma_wait3A_226 : memref<1x!tpu.dma_semaphore, #tpu.memory_space<semaphore_mem>> -> memref<!tpu.dma_semaphore, #tpu.memory_space<semaphore_mem>>
    %dma_wait3A_228 = arith.constant 0 : i32
    %dma_wait3A_229 = arith.constant 0 : i32
    %dma_wait3A_230 = tpu.memref_slice %arg4[%add3A_215, %dma_wait3A_228, %dma_wait3A_229] : memref<4096x200x64xf32, #tpu.memory_space<hbm>> -> memref<1x200x64xf32, #tpu.memory_space<hbm>>
    %dma_wait3A_231 = arith.constant 0 : i32
    %dma_wait3A_232 = arith.constant 0 : i32
    %dma_wait3A_233 = arith.constant 0 : i32
    %dma_wait3A_234 = tpu.memref_slice %arg7[%dma_wait3A_216, %dma_wait3A_231, %dma_wait3A_232, %dma_wait3A_233] : memref<2x1x200x64xf32, #tpu.memory_space<vmem>> -> memref<1x1x200x64xf32, #tpu.memory_space<vmem>>
    %dma_wait3A_235 = tpu.memref_squeeze %dma_wait3A_234 : memref<1x1x200x64xf32, #tpu.memory_space<vmem>> -> memref<1x200x64xf32, #tpu.memory_space<vmem>>
    tpu.wait_dma2 semaphore(%dma_wait3A_227 : memref<!tpu.dma_semaphore, #tpu.memory_space<semaphore_mem>>) src(%dma_wait3A_235 : memref<1x200x64xf32, #tpu.memory_space<vmem>>) dst(%dma_wait3A_230 : memref<1x200x64xf32, #tpu.memory_space<hbm>>)
    %scan3A_236 = arith.constant 2 : i32
    %scan3A_237 = arith.constant 0 : i32
    %scan3A_238 = arith.constant 0 : i32
    %scan3A_239 = arith.constant 0 : i32
    %scan3A_240 = arith.constant 0 : i32
    %scan3A_241 = arith.constant 100 : i32
    %scan3A_242 = arith.addi %scan3A_240, %scan3A_241 : i32
    %scan3A_243 = arith.constant 1 : i32
    scf.for %scan3A_693 = %scan3A_240 to %scan3A_242 step %scan3A_243  : i32 {
      %mul3A_694 = arith.constant 2 : i32
      %mul3A_695 = arith.muli %scan3A_693, %mul3A_694 : i32
      %add3A_696 = arith.constant 0 : i32
      %add3A_697 = arith.addi %add3A_696, %mul3A_695 : i32
      %add3A_698 = arith.constant 0 : i32
      %add3A_699 = arith.addi %add3A_697, %add3A_698 : i32
      %get3A = arith.constant 0 : i32
      %get3A_700 = arith.constant 0 : i32
      %get3A_701 = arith.constant 0 : i32
      %get3A_702 = tpu.memref_slice %arg6[%scan3A_236, %get3A, %get3A_700, %get3A_701] : memref<4x1x200x64xf32, #tpu.memory_space<vmem>> -> memref<1x1x200x64xf32, #tpu.memory_space<vmem>>
      %get3A_703 = tpu.memref_squeeze %get3A_702 : memref<1x1x200x64xf32, #tpu.memory_space<vmem>> -> memref<1x200x64xf32, #tpu.memory_space<vmem>>
      %get3A_704 = arith.constant 0 : i32
      %get3A_705 = arith.constant 0 : i32
      %get3A_706 = tpu.memref_slice %get3A_703[%scan3A_237, %get3A_704, %get3A_705] : memref<1x200x64xf32, #tpu.memory_space<vmem>> -> memref<1x200x64xf32, #tpu.memory_space<vmem>>
      %get3A_707 = tpu.memref_squeeze %get3A_706 : memref<1x200x64xf32, #tpu.memory_space<vmem>> -> memref<200x64xf32, #tpu.memory_space<vmem>>
      %get3A_708 = arith.index_cast %add3A_699 : i32 to index
      %get3A_709 = arith.constant 0 : index
      %get3A_710 = tpu.vector_load %get3A_707[%get3A_708, %get3A_709] {strides = array<i32>} : memref<200x64xf32, #tpu.memory_space<vmem>>, vector<1x16xf32>,
      %get3A_711 = vector.shape_cast %get3A_710 : vector<1x16xf32> to vector<1x16xf32>
      %mul3A_712 = arith.constant 8.000000e+00 : f32
      %mul3A_713 = vector.broadcast %mul3A_712 : f32 to vector<1x16xf32>
      %mul3A_714 = arith.mulf %get3A_711, %mul3A_713 : vector<1x16xf32>
      %swap3A = arith.constant 0 : i32
      %swap3A_715 = arith.constant 0 : i32
      %swap3A_716 = arith.constant 0 : i32
      %swap3A_717 = tpu.memref_slice %arg7[%scan3A_238, %swap3A, %swap3A_715, %swap3A_716] : memref<2x1x200x64xf32, #tpu.memory_space<vmem>> -> memref<1x1x200x64xf32, #tpu.memory_space<vmem>>
      %swap3A_718 = tpu.memref_squeeze %swap3A_717 : memref<1x1x200x64xf32, #tpu.memory_space<vmem>> -> memref<1x200x64xf32, #tpu.memory_space<vmem>>
      %swap3A_719 = arith.constant 0 : i32
      %swap3A_720 = arith.constant 0 : i32
      %swap3A_721 = tpu.memref_slice %swap3A_718[%scan3A_239, %swap3A_719, %swap3A_720] : memref<1x200x64xf32, #tpu.memory_space<vmem>> -> memref<1x200x64xf32, #tpu.memory_space<vmem>>
      %swap3A_722 = tpu.memref_squeeze %swap3A_721 : memref<1x200x64xf32, #tpu.memory_space<vmem>> -> memref<200x64xf32, #tpu.memory_space<vmem>>
      %swap3A_723 = arith.index_cast %add3A_699 : i32 to index
      %swap3A_724 = arith.constant 0 : index
      %swap3A_725 = tpu.vector_load %swap3A_722[%swap3A_723, %swap3A_724] {strides = array<i32>} : memref<200x64xf32, #tpu.memory_space<vmem>>, vector<1x16xf32>,
      %swap3A_726 = vector.shape_cast %swap3A_725 : vector<1x16xf32> to vector<1x16xf32>
      %swap3A_727 = vector.shape_cast %mul3A_714 : vector<1x16xf32> to vector<1x16xf32>
      tpu.vector_store %swap3A_722[%swap3A_723, %swap3A_724], %swap3A_727 {strides = array<i32>} : memref<200x64xf32, #tpu.memory_space<vmem>>, vector<1x16xf32>,
      %add3A_728 = arith.constant 0 : i32
      %add3A_729 = arith.addi %add3A_697, %add3A_728 : i32
      %get3A_730 = arith.constant 0 : i32
      %get3A_731 = arith.constant 0 : i32
      %get3A_732 = arith.constant 0 : i32
      %get3A_733 = tpu.memref_slice %arg6[%scan3A_236, %get3A_730, %get3A_731, %get3A_732] : memref<4x1x200x64xf32, #tpu.memory_space<vmem>> -> memref<1x1x200x64xf32, #tpu.memory_space<vmem>>
      %get3A_734 = tpu.memref_squeeze %get3A_733 : memref<1x1x200x64xf32, #tpu.memory_space<vmem>> -> memref<1x200x64xf32, #tpu.memory_space<vmem>>
      %get3A_735 = arith.constant 0 : i32
      %get3A_736 = arith.constant 0 : i32
      %get3A_737 = tpu.memref_slice %get3A_734[%scan3A_237, %get3A_735, %get3A_736] : memref<1x200x64xf32, #tpu.memory_space<vmem>> -> memref<1x200x64xf32, #tpu.memory_space<vmem>>
      %get3A_738 = tpu.memref_squeeze %get3A_737 : memref<1x200x64xf32, #tpu.memory_space<vmem>> -> memref<200x64xf32, #tpu.memory_space<vmem>>
      %get3A_739 = arith.index_cast %add3A_729 : i32 to index
      %get3A_740 = arith.constant 16 : index
      %get3A_741 = tpu.vector_load %get3A_738[%get3A_739, %get3A_740] {strides = array<i32>} : memref<200x64xf32, #tpu.memory_space<vmem>>, vector<1x16xf32>,
      %get3A_742 = vector.shape_cast %get3A_741 : vector<1x16xf32> to vector<1x16xf32>
      %mul3A_743 = arith.constant 8.000000e+00 : f32
      %mul3A_744 = vector.broadcast %mul3A_743 : f32 to vector<1x16xf32>
      %mul3A_745 = arith.mulf %get3A_742, %mul3A_744 : vector<1x16xf32>
      %swap3A_746 = arith.constant 0 : i32
      %swap3A_747 = arith.constant 0 : i32
      %swap3A_748 = arith.constant 0 : i32
      %swap3A_749 = tpu.memref_slice %arg7[%scan3A_238, %swap3A_746, %swap3A_747, %swap3A_748] : memref<2x1x200x64xf32, #tpu.memory_space<vmem>> -> memref<1x1x200x64xf32, #tpu.memory_space<vmem>>
      %swap3A_750 = tpu.memref_squeeze %swap3A_749 : memref<1x1x200x64xf32, #tpu.memory_space<vmem>> -> memref<1x200x64xf32, #tpu.memory_space<vmem>>
      %swap3A_751 = arith.constant 0 : i32
      %swap3A_752 = arith.constant 0 : i32
      %swap3A_753 = tpu.memref_slice %swap3A_750[%scan3A_239, %swap3A_751, %swap3A_752] : memref<1x200x64xf32, #tpu.memory_space<vmem>> -> memref<1x200x64xf32, #tpu.memory_space<vmem>>
      %swap3A_754 = tpu.memref_squeeze %swap3A_753 : memref<1x200x64xf32, #tpu.memory_space<vmem>> -> memref<200x64xf32, #tpu.memory_space<vmem>>
      %swap3A_755 = arith.index_cast %add3A_729 : i32 to index
      %swap3A_756 = arith.constant 16 : index
      %swap3A_757 = tpu.vector_load %swap3A_754[%swap3A_755, %swap3A_756] {strides = array<i32>} : memref<200x64xf32, #tpu.memory_space<vmem>>, vector<1x16xf32>,
      %swap3A_758 = vector.shape_cast %swap3A_757 : vector<1x16xf32> to vector<1x16xf32>
      %swap3A_759 = vector.shape_cast %mul3A_745 : vector<1x16xf32> to vector<1x16xf32>
      tpu.vector_store %swap3A_754[%swap3A_755, %swap3A_756], %swap3A_759 {strides = array<i32>} : memref<200x64xf32, #tpu.memory_space<vmem>>, vector<1x16xf32>,
      %add3A_760 = arith.constant 0 : i32
      %add3A_761 = arith.addi %add3A_697, %add3A_760 : i32
      %get3A_762 = arith.constant 0 : i32
      %get3A_763 = arith.constant 0 : i32
      %get3A_764 = arith.constant 0 : i32
      %get3A_765 = tpu.memref_slice %arg6[%scan3A_236, %get3A_762, %get3A_763, %get3A_764] : memref<4x1x200x64xf32, #tpu.memory_space<vmem>> -> memref<1x1x200x64xf32, #tpu.memory_space<vmem>>
      %get3A_766 = tpu.memref_squeeze %get3A_765 : memref<1x1x200x64xf32, #tpu.memory_space<vmem>> -> memref<1x200x64xf32, #tpu.memory_space<vmem>>
      %get3A_767 = arith.constant 0 : i32
      %get3A_768 = arith.constant 0 : i32
      %get3A_769 = tpu.memref_slice %get3A_766[%scan3A_237, %get3A_767, %get3A_768] : memref<1x200x64xf32, #tpu.memory_space<vmem>> -> memref<1x200x64xf32, #tpu.memory_space<vmem>>
      %get3A_770 = tpu.memref_squeeze %get3A_769 : memref<1x200x64xf32, #tpu.memory_space<vmem>> -> memref<200x64xf32, #tpu.memory_space<vmem>>
      %get3A_771 = arith.index_cast %add3A_761 : i32 to index
      %get3A_772 = arith.constant 32 : index
      %get3A_773 = tpu.vector_load %get3A_770[%get3A_771, %get3A_772] {strides = array<i32>} : memref<200x64xf32, #tpu.memory_space<vmem>>, vector<1x16xf32>,
      %get3A_774 = vector.shape_cast %get3A_773 : vector<1x16xf32> to vector<1x16xf32>
      %mul3A_775 = arith.constant 8.000000e+00 : f32
      %mul3A_776 = vector.broadcast %mul3A_775 : f32 to vector<1x16xf32>
      %mul3A_777 = arith.mulf %get3A_774, %mul3A_776 : vector<1x16xf32>
      %swap3A_778 = arith.constant 0 : i32
      %swap3A_779 = arith.constant 0 : i32
      %swap3A_780 = arith.constant 0 : i32
      %swap3A_781 = tpu.memref_slice %arg7[%scan3A_238, %swap3A_778, %swap3A_779, %swap3A_780] : memref<2x1x200x64xf32, #tpu.memory_space<vmem>> -> memref<1x1x200x64xf32, #tpu.memory_space<vmem>>
      %swap3A_782 = tpu.memref_squeeze %swap3A_781 : memref<1x1x200x64xf32, #tpu.memory_space<vmem>> -> memref<1x200x64xf32, #tpu.memory_space<vmem>>
      %swap3A_783 = arith.constant 0 : i32
      %swap3A_784 = arith.constant 0 : i32
      %swap3A_785 = tpu.memref_slice %swap3A_782[%scan3A_239, %swap3A_783, %swap3A_784] : memref<1x200x64xf32, #tpu.memory_space<vmem>> -> memref<1x200x64xf32, #tpu.memory_space<vmem>>
      %swap3A_786 = tpu.memref_squeeze %swap3A_785 : memref<1x200x64xf32, #tpu.memory_space<vmem>> -> memref<200x64xf32, #tpu.memory_space<vmem>>
      %swap3A_787 = arith.index_cast %add3A_761 : i32 to index
      %swap3A_788 = arith.constant 32 : index
      %swap3A_789 = tpu.vector_load %swap3A_786[%swap3A_787, %swap3A_788] {strides = array<i32>} : memref<200x64xf32, #tpu.memory_space<vmem>>, vector<1x16xf32>,
      %swap3A_790 = vector.shape_cast %swap3A_789 : vector<1x16xf32> to vector<1x16xf32>
      %swap3A_791 = vector.shape_cast %mul3A_777 : vector<1x16xf32> to vector<1x16xf32>
      tpu.vector_store %swap3A_786[%swap3A_787, %swap3A_788], %swap3A_791 {strides = array<i32>} : memref<200x64xf32, #tpu.memory_space<vmem>>, vector<1x16xf32>,
      %add3A_792 = arith.constant 0 : i32
      %add3A_793 = arith.addi %add3A_697, %add3A_792 : i32
      %get3A_794 = arith.constant 0 : i32
      %get3A_795 = arith.constant 0 : i32
      %get3A_796 = arith.constant 0 : i32
      %get3A_797 = tpu.memref_slice %arg6[%scan3A_236, %get3A_794, %get3A_795, %get3A_796] : memref<4x1x200x64xf32, #tpu.memory_space<vmem>> -> memref<1x1x200x64xf32, #tpu.memory_space<vmem>>
      %get3A_798 = tpu.memref_squeeze %get3A_797 : memref<1x1x200x64xf32, #tpu.memory_space<vmem>> -> memref<1x200x64xf32, #tpu.memory_space<vmem>>
      %get3A_799 = arith.constant 0 : i32
      %get3A_800 = arith.constant 0 : i32
      %get3A_801 = tpu.memref_slice %get3A_798[%scan3A_237, %get3A_799, %get3A_800] : memref<1x200x64xf32, #tpu.memory_space<vmem>> -> memref<1x200x64xf32, #tpu.memory_space<vmem>>
      %get3A_802 = tpu.memref_squeeze %get3A_801 : memref<1x200x64xf32, #tpu.memory_space<vmem>> -> memref<200x64xf32, #tpu.memory_space<vmem>>
      %get3A_803 = arith.index_cast %add3A_793 : i32 to index
      %get3A_804 = arith.constant 48 : index
      %get3A_805 = tpu.vector_load %get3A_802[%get3A_803, %get3A_804] {strides = array<i32>} : memref<200x64xf32, #tpu.memory_space<vmem>>, vector<1x16xf32>,
      %get3A_806 = vector.shape_cast %get3A_805 : vector<1x16xf32> to vector<1x16xf32>
      %mul3A_807 = arith.constant 8.000000e+00 : f32
      %mul3A_808 = vector.broadcast %mul3A_807 : f32 to vector<1x16xf32>
      %mul3A_809 = arith.mulf %get3A_806, %mul3A_808 : vector<1x16xf32>
      %swap3A_810 = arith.constant 0 : i32
      %swap3A_811 = arith.constant 0 : i32
      %swap3A_812 = arith.constant 0 : i32
      %swap3A_813 = tpu.memref_slice %arg7[%scan3A_238, %swap3A_810, %swap3A_811, %swap3A_812] : memref<2x1x200x64xf32, #tpu.memory_space<vmem>> -> memref<1x1x200x64xf32, #tpu.memory_space<vmem>>
      %swap3A_814 = tpu.memref_squeeze %swap3A_813 : memref<1x1x200x64xf32, #tpu.memory_space<vmem>> -> memref<1x200x64xf32, #tpu.memory_space<vmem>>
      %swap3A_815 = arith.constant 0 : i32
      %swap3A_816 = arith.constant 0 : i32
      %swap3A_817 = tpu.memref_slice %swap3A_814[%scan3A_239, %swap3A_815, %swap3A_816] : memref<1x200x64xf32, #tpu.memory_space<vmem>> -> memref<1x200x64xf32, #tpu.memory_space<vmem>>
      %swap3A_818 = tpu.memref_squeeze %swap3A_817 : memref<1x200x64xf32, #tpu.memory_space<vmem>> -> memref<200x64xf32, #tpu.memory_space<vmem>>
      %swap3A_819 = arith.index_cast %add3A_793 : i32 to index
      %swap3A_820 = arith.constant 48 : index
      %swap3A_821 = tpu.vector_load %swap3A_818[%swap3A_819, %swap3A_820] {strides = array<i32>} : memref<200x64xf32, #tpu.memory_space<vmem>>, vector<1x16xf32>,
      %swap3A_822 = vector.shape_cast %swap3A_821 : vector<1x16xf32> to vector<1x16xf32>
      %swap3A_823 = vector.shape_cast %mul3A_809 : vector<1x16xf32> to vector<1x16xf32>
      tpu.vector_store %swap3A_818[%swap3A_819, %swap3A_820], %swap3A_823 {strides = array<i32>} : memref<200x64xf32, #tpu.memory_space<vmem>>, vector<1x16xf32>,
      %add3A_824 = arith.constant 1 : i32
      %add3A_825 = arith.addi %add3A_697, %add3A_824 : i32
      %get3A_826 = arith.constant 0 : i32
      %get3A_827 = arith.constant 0 : i32
      %get3A_828 = arith.constant 0 : i32
      %get3A_829 = tpu.memref_slice %arg6[%scan3A_236, %get3A_826, %get3A_827, %get3A_828] : memref<4x1x200x64xf32, #tpu.memory_space<vmem>> -> memref<1x1x200x64xf32, #tpu.memory_space<vmem>>
      %get3A_830 = tpu.memref_squeeze %get3A_829 : memref<1x1x200x64xf32, #tpu.memory_space<vmem>> -> memref<1x200x64xf32, #tpu.memory_space<vmem>>
      %get3A_831 = arith.constant 0 : i32
      %get3A_832 = arith.constant 0 : i32
      %get3A_833 = tpu.memref_slice %get3A_830[%scan3A_237, %get3A_831, %get3A_832] : memref<1x200x64xf32, #tpu.memory_space<vmem>> -> memref<1x200x64xf32, #tpu.memory_space<vmem>>
      %get3A_834 = tpu.memref_squeeze %get3A_833 : memref<1x200x64xf32, #tpu.memory_space<vmem>> -> memref<200x64xf32, #tpu.memory_space<vmem>>
      %get3A_835 = arith.index_cast %add3A_825 : i32 to index
      %get3A_836 = arith.constant 0 : index
      %get3A_837 = tpu.vector_load %get3A_834[%get3A_835, %get3A_836] {strides = array<i32>} : memref<200x64xf32, #tpu.memory_space<vmem>>, vector<1x16xf32>,
      %get3A_838 = vector.shape_cast %get3A_837 : vector<1x16xf32> to vector<1x16xf32>
      %mul3A_839 = arith.constant 8.000000e+00 : f32
      %mul3A_840 = vector.broadcast %mul3A_839 : f32 to vector<1x16xf32>
      %mul3A_841 = arith.mulf %get3A_838, %mul3A_840 : vector<1x16xf32>
      %swap3A_842 = arith.constant 0 : i32
      %swap3A_843 = arith.constant 0 : i32
      %swap3A_844 = arith.constant 0 : i32
      %swap3A_845 = tpu.memref_slice %arg7[%scan3A_238, %swap3A_842, %swap3A_843, %swap3A_844] : memref<2x1x200x64xf32, #tpu.memory_space<vmem>> -> memref<1x1x200x64xf32, #tpu.memory_space<vmem>>
      %swap3A_846 = tpu.memref_squeeze %swap3A_845 : memref<1x1x200x64xf32, #tpu.memory_space<vmem>> -> memref<1x200x64xf32, #tpu.memory_space<vmem>>
      %swap3A_847 = arith.constant 0 : i32
      %swap3A_848 = arith.constant 0 : i32
      %swap3A_849 = tpu.memref_slice %swap3A_846[%scan3A_239, %swap3A_847, %swap3A_848] : memref<1x200x64xf32, #tpu.memory_space<vmem>> -> memref<1x200x64xf32, #tpu.memory_space<vmem>>
      %swap3A_850 = tpu.memref_squeeze %swap3A_849 : memref<1x200x64xf32, #tpu.memory_space<vmem>> -> memref<200x64xf32, #tpu.memory_space<vmem>>
      %swap3A_851 = arith.index_cast %add3A_825 : i32 to index
      %swap3A_852 = arith.constant 0 : index
      %swap3A_853 = tpu.vector_load %swap3A_850[%swap3A_851, %swap3A_852] {strides = array<i32>} : memref<200x64xf32, #tpu.memory_space<vmem>>, vector<1x16xf32>,
      %swap3A_854 = vector.shape_cast %swap3A_853 : vector<1x16xf32> to vector<1x16xf32>
      %swap3A_855 = vector.shape_cast %mul3A_841 : vector<1x16xf32> to vector<1x16xf32>
      tpu.vector_store %swap3A_850[%swap3A_851, %swap3A_852], %swap3A_855 {strides = array<i32>} : memref<200x64xf32, #tpu.memory_space<vmem>>, vector<1x16xf32>,
      %add3A_856 = arith.constant 1 : i32
      %add3A_857 = arith.addi %add3A_697, %add3A_856 : i32
      %get3A_858 = arith.constant 0 : i32
      %get3A_859 = arith.constant 0 : i32
      %get3A_860 = arith.constant 0 : i32
      %get3A_861 = tpu.memref_slice %arg6[%scan3A_236, %get3A_858, %get3A_859, %get3A_860] : memref<4x1x200x64xf32, #tpu.memory_space<vmem>> -> memref<1x1x200x64xf32, #tpu.memory_space<vmem>>
      %get3A_862 = tpu.memref_squeeze %get3A_861 : memref<1x1x200x64xf32, #tpu.memory_space<vmem>> -> memref<1x200x64xf32, #tpu.memory_space<vmem>>
      %get3A_863 = arith.constant 0 : i32
      %get3A_864 = arith.constant 0 : i32
      %get3A_865 = tpu.memref_slice %get3A_862[%scan3A_237, %get3A_863, %get3A_864] : memref<1x200x64xf32, #tpu.memory_space<vmem>> -> memref<1x200x64xf32, #tpu.memory_space<vmem>>
      %get3A_866 = tpu.memref_squeeze %get3A_865 : memref<1x200x64xf32, #tpu.memory_space<vmem>> -> memref<200x64xf32, #tpu.memory_space<vmem>>
      %get3A_867 = arith.index_cast %add3A_857 : i32 to index
      %get3A_868 = arith.constant 16 : index
      %get3A_869 = tpu.vector_load %get3A_866[%get3A_867, %get3A_868] {strides = array<i32>} : memref<200x64xf32, #tpu.memory_space<vmem>>, vector<1x16xf32>,
      %get3A_870 = vector.shape_cast %get3A_869 : vector<1x16xf32> to vector<1x16xf32>
      %mul3A_871 = arith.constant 8.000000e+00 : f32
      %mul3A_872 = vector.broadcast %mul3A_871 : f32 to vector<1x16xf32>
      %mul3A_873 = arith.mulf %get3A_870, %mul3A_872 : vector<1x16xf32>
      %swap3A_874 = arith.constant 0 : i32
      %swap3A_875 = arith.constant 0 : i32
      %swap3A_876 = arith.constant 0 : i32
      %swap3A_877 = tpu.memref_slice %arg7[%scan3A_238, %swap3A_874, %swap3A_875, %swap3A_876] : memref<2x1x200x64xf32, #tpu.memory_space<vmem>> -> memref<1x1x200x64xf32, #tpu.memory_space<vmem>>
      %swap3A_878 = tpu.memref_squeeze %swap3A_877 : memref<1x1x200x64xf32, #tpu.memory_space<vmem>> -> memref<1x200x64xf32, #tpu.memory_space<vmem>>
      %swap3A_879 = arith.constant 0 : i32
      %swap3A_880 = arith.constant 0 : i32
      %swap3A_881 = tpu.memref_slice %swap3A_878[%scan3A_239, %swap3A_879, %swap3A_880] : memref<1x200x64xf32, #tpu.memory_space<vmem>> -> memref<1x200x64xf32, #tpu.memory_space<vmem>>
      %swap3A_882 = tpu.memref_squeeze %swap3A_881 : memref<1x200x64xf32, #tpu.memory_space<vmem>> -> memref<200x64xf32, #tpu.memory_space<vmem>>
      %swap3A_883 = arith.index_cast %add3A_857 : i32 to index
      %swap3A_884 = arith.constant 16 : index
      %swap3A_885 = tpu.vector_load %swap3A_882[%swap3A_883, %swap3A_884] {strides = array<i32>} : memref<200x64xf32, #tpu.memory_space<vmem>>, vector<1x16xf32>,
      %swap3A_886 = vector.shape_cast %swap3A_885 : vector<1x16xf32> to vector<1x16xf32>
      %swap3A_887 = vector.shape_cast %mul3A_873 : vector<1x16xf32> to vector<1x16xf32>
      tpu.vector_store %swap3A_882[%swap3A_883, %swap3A_884], %swap3A_887 {strides = array<i32>} : memref<200x64xf32, #tpu.memory_space<vmem>>, vector<1x16xf32>,
      %add3A_888 = arith.constant 1 : i32
      %add3A_889 = arith.addi %add3A_697, %add3A_888 : i32
      %get3A_890 = arith.constant 0 : i32
      %get3A_891 = arith.constant 0 : i32
      %get3A_892 = arith.constant 0 : i32
      %get3A_893 = tpu.memref_slice %arg6[%scan3A_236, %get3A_890, %get3A_891, %get3A_892] : memref<4x1x200x64xf32, #tpu.memory_space<vmem>> -> memref<1x1x200x64xf32, #tpu.memory_space<vmem>>
      %get3A_894 = tpu.memref_squeeze %get3A_893 : memref<1x1x200x64xf32, #tpu.memory_space<vmem>> -> memref<1x200x64xf32, #tpu.memory_space<vmem>>
      %get3A_895 = arith.constant 0 : i32
      %get3A_896 = arith.constant 0 : i32
      %get3A_897 = tpu.memref_slice %get3A_894[%scan3A_237, %get3A_895, %get3A_896] : memref<1x200x64xf32, #tpu.memory_space<vmem>> -> memref<1x200x64xf32, #tpu.memory_space<vmem>>
      %get3A_898 = tpu.memref_squeeze %get3A_897 : memref<1x200x64xf32, #tpu.memory_space<vmem>> -> memref<200x64xf32, #tpu.memory_space<vmem>>
      %get3A_899 = arith.index_cast %add3A_889 : i32 to index
      %get3A_900 = arith.constant 32 : index
      %get3A_901 = tpu.vector_load %get3A_898[%get3A_899, %get3A_900] {strides = array<i32>} : memref<200x64xf32, #tpu.memory_space<vmem>>, vector<1x16xf32>,
      %get3A_902 = vector.shape_cast %get3A_901 : vector<1x16xf32> to vector<1x16xf32>
      %mul3A_903 = arith.constant 8.000000e+00 : f32
      %mul3A_904 = vector.broadcast %mul3A_903 : f32 to vector<1x16xf32>
      %mul3A_905 = arith.mulf %get3A_902, %mul3A_904 : vector<1x16xf32>
      %swap3A_906 = arith.constant 0 : i32
      %swap3A_907 = arith.constant 0 : i32
      %swap3A_908 = arith.constant 0 : i32
      %swap3A_909 = tpu.memref_slice %arg7[%scan3A_238, %swap3A_906, %swap3A_907, %swap3A_908] : memref<2x1x200x64xf32, #tpu.memory_space<vmem>> -> memref<1x1x200x64xf32, #tpu.memory_space<vmem>>
      %swap3A_910 = tpu.memref_squeeze %swap3A_909 : memref<1x1x200x64xf32, #tpu.memory_space<vmem>> -> memref<1x200x64xf32, #tpu.memory_space<vmem>>
      %swap3A_911 = arith.constant 0 : i32
      %swap3A_912 = arith.constant 0 : i32
      %swap3A_913 = tpu.memref_slice %swap3A_910[%scan3A_239, %swap3A_911, %swap3A_912] : memref<1x200x64xf32, #tpu.memory_space<vmem>> -> memref<1x200x64xf32, #tpu.memory_space<vmem>>
      %swap3A_914 = tpu.memref_squeeze %swap3A_913 : memref<1x200x64xf32, #tpu.memory_space<vmem>> -> memref<200x64xf32, #tpu.memory_space<vmem>>
      %swap3A_915 = arith.index_cast %add3A_889 : i32 to index
      %swap3A_916 = arith.constant 32 : index
      %swap3A_917 = tpu.vector_load %swap3A_914[%swap3A_915, %swap3A_916] {strides = array<i32>} : memref<200x64xf32, #tpu.memory_space<vmem>>, vector<1x16xf32>,
      %swap3A_918 = vector.shape_cast %swap3A_917 : vector<1x16xf32> to vector<1x16xf32>
      %swap3A_919 = vector.shape_cast %mul3A_905 : vector<1x16xf32> to vector<1x16xf32>
      tpu.vector_store %swap3A_914[%swap3A_915, %swap3A_916], %swap3A_919 {strides = array<i32>} : memref<200x64xf32, #tpu.memory_space<vmem>>, vector<1x16xf32>,
      %add3A_920 = arith.constant 1 : i32
      %add3A_921 = arith.addi %add3A_697, %add3A_920 : i32
      %get3A_922 = arith.constant 0 : i32
      %get3A_923 = arith.constant 0 : i32
      %get3A_924 = arith.constant 0 : i32
      %get3A_925 = tpu.memref_slice %arg6[%scan3A_236, %get3A_922, %get3A_923, %get3A_924] : memref<4x1x200x64xf32, #tpu.memory_space<vmem>> -> memref<1x1x200x64xf32, #tpu.memory_space<vmem>>
      %get3A_926 = tpu.memref_squeeze %get3A_925 : memref<1x1x200x64xf32, #tpu.memory_space<vmem>> -> memref<1x200x64xf32, #tpu.memory_space<vmem>>
      %get3A_927 = arith.constant 0 : i32
      %get3A_928 = arith.constant 0 : i32
      %get3A_929 = tpu.memref_slice %get3A_926[%scan3A_237, %get3A_927, %get3A_928] : memref<1x200x64xf32, #tpu.memory_space<vmem>> -> memref<1x200x64xf32, #tpu.memory_space<vmem>>
      %get3A_930 = tpu.memref_squeeze %get3A_929 : memref<1x200x64xf32, #tpu.memory_space<vmem>> -> memref<200x64xf32, #tpu.memory_space<vmem>>
      %get3A_931 = arith.index_cast %add3A_921 : i32 to index
      %get3A_932 = arith.constant 48 : index
      %get3A_933 = tpu.vector_load %get3A_930[%get3A_931, %get3A_932] {strides = array<i32>} : memref<200x64xf32, #tpu.memory_space<vmem>>, vector<1x16xf32>,
      %get3A_934 = vector.shape_cast %get3A_933 : vector<1x16xf32> to vector<1x16xf32>
      %mul3A_935 = arith.constant 8.000000e+00 : f32
      %mul3A_936 = vector.broadcast %mul3A_935 : f32 to vector<1x16xf32>
      %mul3A_937 = arith.mulf %get3A_934, %mul3A_936 : vector<1x16xf32>
      %swap3A_938 = arith.constant 0 : i32
      %swap3A_939 = arith.constant 0 : i32
      %swap3A_940 = arith.constant 0 : i32
      %swap3A_941 = tpu.memref_slice %arg7[%scan3A_238, %swap3A_938, %swap3A_939, %swap3A_940] : memref<2x1x200x64xf32, #tpu.memory_space<vmem>> -> memref<1x1x200x64xf32, #tpu.memory_space<vmem>>
      %swap3A_942 = tpu.memref_squeeze %swap3A_941 : memref<1x1x200x64xf32, #tpu.memory_space<vmem>> -> memref<1x200x64xf32, #tpu.memory_space<vmem>>
      %swap3A_943 = arith.constant 0 : i32
      %swap3A_944 = arith.constant 0 : i32
      %swap3A_945 = tpu.memref_slice %swap3A_942[%scan3A_239, %swap3A_943, %swap3A_944] : memref<1x200x64xf32, #tpu.memory_space<vmem>> -> memref<1x200x64xf32, #tpu.memory_space<vmem>>
      %swap3A_946 = tpu.memref_squeeze %swap3A_945 : memref<1x200x64xf32, #tpu.memory_space<vmem>> -> memref<200x64xf32, #tpu.memory_space<vmem>>
      %swap3A_947 = arith.index_cast %add3A_921 : i32 to index
      %swap3A_948 = arith.constant 48 : index
      %swap3A_949 = tpu.vector_load %swap3A_946[%swap3A_947, %swap3A_948] {strides = array<i32>} : memref<200x64xf32, #tpu.memory_space<vmem>>, vector<1x16xf32>,
      %swap3A_950 = vector.shape_cast %swap3A_949 : vector<1x16xf32> to vector<1x16xf32>
      %swap3A_951 = vector.shape_cast %mul3A_937 : vector<1x16xf32> to vector<1x16xf32>
      tpu.vector_store %swap3A_946[%swap3A_947, %swap3A_948], %swap3A_951 {strides = array<i32>} : memref<200x64xf32, #tpu.memory_space<vmem>>, vector<1x16xf32>,
    }
    %scan3A_244 = arith.constant 100 : i32
    %dma_start3A_245 = arith.constant 6 : i32
    %dma_start3A_246 = arith.constant 2 : i32
    %dma_start3A_247 = arith.constant 0 : i32
    %dma_start3A_248 = arith.constant 2 : i32
    %dma_start3A_249 = arith.constant 0 : i32
    %dma_start3A_250 = arith.constant 0 : i32
    %dma_start3A_251 = tpu.memref_slice %arg6[%dma_start3A_246, %dma_start3A_247, %dma_start3A_249, %dma_start3A_250] : memref<4x1x200x64xf32, #tpu.memory_space<vmem>> -> memref<1x1x200x64xf32, #tpu.memory_space<vmem>>
    %dma_start3A_252 = tpu.memref_squeeze %dma_start3A_251 : memref<1x1x200x64xf32, #tpu.memory_space<vmem>> -> memref<200x64xf32, #tpu.memory_space<vmem>>
    %dma_start3A_253 = arith.constant 0 : i32
    %dma_start3A_254 = tpu.memref_slice %arg5[%dma_start3A_245, %dma_start3A_253] : memref<128x200xi32, #tpu.memory_space<vmem>> -> memref<1x200xi32, #tpu.memory_space<vmem>>
    %dma_start3A_255 = tpu.memref_squeeze %dma_start3A_254 : memref<1x200xi32, #tpu.memory_space<vmem>> -> memref<200xi32, #tpu.memory_space<vmem>>
    %dma_start3A_256 = arith.constant 0 : i32
    %dma_start3A_257 = arith.constant 0 : i32
    %dma_start3A_258 = tpu.memref_slice %arg2[%dma_start3A_256, %dma_start3A_257] : memref<1000000x64xf32, #tpu.memory_space<hbm>> -> memref<1000000x64xf32, #tpu.memory_space<hbm>>
    %dma_start3A_259 = tpu.memref_slice %arg8[%dma_start3A_248] : memref<4x!tpu.dma_semaphore, #tpu.memory_space<semaphore_mem>> -> memref<1x!tpu.dma_semaphore, #tpu.memory_space<semaphore_mem>>
    %dma_start3A_260 = tpu.memref_squeeze %dma_start3A_259 : memref<1x!tpu.dma_semaphore, #tpu.memory_space<semaphore_mem>> -> memref<!tpu.dma_semaphore, #tpu.memory_space<semaphore_mem>>
    tpu.enqueue_indirect_dma source(%dma_start3A_258 : memref<1000000x64xf32, #tpu.memory_space<hbm>>) target(%dma_start3A_252 : memref<200x64xf32, #tpu.memory_space<vmem>>) offsets(%dma_start3A_255 : memref<200xi32, #tpu.memory_space<vmem>>) semaphore(%dma_start3A_260 : memref<!tpu.dma_semaphore, #tpu.memory_space<semaphore_mem>>)
    %add3A_261 = arith.constant 2 : i32
    %add3A_262 = arith.addi %mul3A_2, %add3A_261 : i32
    %dma_start3A_263 = arith.constant 0 : i32
    %dma_start3A_264 = arith.constant 0 : i32
    %dma_start3A_265 = arith.constant 0 : i32
    %dma_start3A_266 = arith.constant 0 : i32
    %dma_start3A_267 = arith.constant 0 : i32
    %dma_start3A_268 = tpu.memref_slice %arg7[%dma_start3A_263, %dma_start3A_265, %dma_start3A_266, %dma_start3A_267] : memref<2x1x200x64xf32, #tpu.memory_space<vmem>> -> memref<1x1x200x64xf32, #tpu.memory_space<vmem>>
    %dma_start3A_269 = tpu.memref_squeeze %dma_start3A_268 : memref<1x1x200x64xf32, #tpu.memory_space<vmem>> -> memref<1x200x64xf32, #tpu.memory_space<vmem>>
    %dma_start3A_270 = arith.constant 0 : i32
    %dma_start3A_271 = arith.constant 0 : i32
    %dma_start3A_272 = tpu.memref_slice %arg4[%add3A_262, %dma_start3A_270, %dma_start3A_271] : memref<4096x200x64xf32, #tpu.memory_space<hbm>> -> memref<1x200x64xf32, #tpu.memory_space<hbm>>
    %dma_start3A_273 = tpu.memref_slice %arg9[%dma_start3A_264] : memref<2x!tpu.dma_semaphore, #tpu.memory_space<semaphore_mem>> -> memref<1x!tpu.dma_semaphore, #tpu.memory_space<semaphore_mem>>
    %dma_start3A_274 = tpu.memref_squeeze %dma_start3A_273 : memref<1x!tpu.dma_semaphore, #tpu.memory_space<semaphore_mem>> -> memref<!tpu.dma_semaphore, #tpu.memory_space<semaphore_mem>>
    %dma_start3A_275 = arith.constant 0 : i32
    %dma_start3A_276 = arith.constant 0 : i32
    %dma_start3A_277 = tpu.memref_slice %arg4[%add3A_262, %dma_start3A_275, %dma_start3A_276] : memref<4096x200x64xf32, #tpu.memory_space<hbm>> -> memref<1x200x64xf32, #tpu.memory_space<hbm>>
    %dma_start3A_278 = arith.constant 0 : i32
    %dma_start3A_279 = arith.constant 0 : i32
    %dma_start3A_280 = arith.constant 0 : i32
    %dma_start3A_281 = tpu.memref_slice %arg7[%dma_start3A_263, %dma_start3A_278, %dma_start3A_279, %dma_start3A_280] : memref<2x1x200x64xf32, #tpu.memory_space<vmem>> -> memref<1x1x200x64xf32, #tpu.memory_space<vmem>>
    %dma_start3A_282 = tpu.memref_squeeze %dma_start3A_281 : memref<1x1x200x64xf32, #tpu.memory_space<vmem>> -> memref<1x200x64xf32, #tpu.memory_space<vmem>>
    tpu.enqueue_dma source(%dma_start3A_282 : memref<1x200x64xf32, #tpu.memory_space<vmem>>) target(%dma_start3A_277 : memref<1x200x64xf32, #tpu.memory_space<hbm>>) target_semaphore(%dma_start3A_274 : memref<!tpu.dma_semaphore, #tpu.memory_space<semaphore_mem>>)
    %dma_wait3A_283 = arith.constant 3 : i32
    %dma_wait3A_284 = arith.constant 3 : i32
    %dma_wait3A_285 = arith.constant 0 : i32
    %dma_wait3A_286 = arith.constant 3 : i32
    %dma_wait3A_287 = arith.constant 0 : i32
    %dma_wait3A_288 = arith.constant 0 : i32
    %dma_wait3A_289 = tpu.memref_slice %arg6[%dma_wait3A_284, %dma_wait3A_285, %dma_wait3A_287, %dma_wait3A_288] : memref<4x1x200x64xf32, #tpu.memory_space<vmem>> -> memref<1x1x200x64xf32, #tpu.memory_space<vmem>>
    %dma_wait3A_290 = tpu.memref_squeeze %dma_wait3A_289 : memref<1x1x200x64xf32, #tpu.memory_space<vmem>> -> memref<200x64xf32, #tpu.memory_space<vmem>>
    %dma_wait3A_291 = arith.constant 0 : i32
    %dma_wait3A_292 = tpu.memref_slice %arg5[%dma_wait3A_283, %dma_wait3A_291] : memref<128x200xi32, #tpu.memory_space<vmem>> -> memref<1x200xi32, #tpu.memory_space<vmem>>
    %dma_wait3A_293 = tpu.memref_squeeze %dma_wait3A_292 : memref<1x200xi32, #tpu.memory_space<vmem>> -> memref<200xi32, #tpu.memory_space<vmem>>
    %dma_wait3A_294 = arith.constant 0 : i32
    %dma_wait3A_295 = arith.constant 0 : i32
    %dma_wait3A_296 = tpu.memref_slice %arg2[%dma_wait3A_294, %dma_wait3A_295] : memref<1000000x64xf32, #tpu.memory_space<hbm>> -> memref<1000000x64xf32, #tpu.memory_space<hbm>>
    %dma_wait3A_297 = tpu.memref_slice %arg8[%dma_wait3A_286] : memref<4x!tpu.dma_semaphore, #tpu.memory_space<semaphore_mem>> -> memref<1x!tpu.dma_semaphore, #tpu.memory_space<semaphore_mem>>
    %dma_wait3A_298 = tpu.memref_squeeze %dma_wait3A_297 : memref<1x!tpu.dma_semaphore, #tpu.memory_space<semaphore_mem>> -> memref<!tpu.dma_semaphore, #tpu.memory_space<semaphore_mem>>
    tpu.wait_indirect_dma semaphore(%dma_wait3A_298 : memref<!tpu.dma_semaphore, #tpu.memory_space<semaphore_mem>>) src(%dma_wait3A_296 : memref<1000000x64xf32, #tpu.memory_space<hbm>>) dst(%dma_wait3A_290 : memref<200x64xf32, #tpu.memory_space<vmem>>)
    %add3A_299 = arith.constant 1 : i32
    %add3A_300 = arith.addi %mul3A_2, %add3A_299 : i32
    %dma_wait3A_301 = arith.constant 1 : i32
    %dma_wait3A_302 = arith.constant 1 : i32
    %dma_wait3A_303 = arith.constant 0 : i32
    %dma_wait3A_304 = arith.constant 0 : i32
    %dma_wait3A_305 = arith.constant 0 : i32
    %dma_wait3A_306 = tpu.memref_slice %arg7[%dma_wait3A_301, %dma_wait3A_303, %dma_wait3A_304, %dma_wait3A_305] : memref<2x1x200x64xf32, #tpu.memory_space<vmem>> -> memref<1x1x200x64xf32, #tpu.memory_space<vmem>>
    %dma_wait3A_307 = tpu.memref_squeeze %dma_wait3A_306 : memref<1x1x200x64xf32, #tpu.memory_space<vmem>> -> memref<1x200x64xf32, #tpu.memory_space<vmem>>
    %dma_wait3A_308 = arith.constant 0 : i32
    %dma_wait3A_309 = arith.constant 0 : i32
    %dma_wait3A_310 = tpu.memref_slice %arg4[%add3A_300, %dma_wait3A_308, %dma_wait3A_309] : memref<4096x200x64xf32, #tpu.memory_space<hbm>> -> memref<1x200x64xf32, #tpu.memory_space<hbm>>
    %dma_wait3A_311 = tpu.memref_slice %arg9[%dma_wait3A_302] : memref<2x!tpu.dma_semaphore, #tpu.memory_space<semaphore_mem>> -> memref<1x!tpu.dma_semaphore, #tpu.memory_space<semaphore_mem>>
    %dma_wait3A_312 = tpu.memref_squeeze %dma_wait3A_311 : memref<1x!tpu.dma_semaphore, #tpu.memory_space<semaphore_mem>> -> memref<!tpu.dma_semaphore, #tpu.memory_space<semaphore_mem>>
    %dma_wait3A_313 = arith.constant 0 : i32
    %dma_wait3A_314 = arith.constant 0 : i32
    %dma_wait3A_315 = tpu.memref_slice %arg4[%add3A_300, %dma_wait3A_313, %dma_wait3A_314] : memref<4096x200x64xf32, #tpu.memory_space<hbm>> -> memref<1x200x64xf32, #tpu.memory_space<hbm>>
    %dma_wait3A_316 = arith.constant 0 : i32
    %dma_wait3A_317 = arith.constant 0 : i32
    %dma_wait3A_318 = arith.constant 0 : i32
    %dma_wait3A_319 = tpu.memref_slice %arg7[%dma_wait3A_301, %dma_wait3A_316, %dma_wait3A_317, %dma_wait3A_318] : memref<2x1x200x64xf32, #tpu.memory_space<vmem>> -> memref<1x1x200x64xf32, #tpu.memory_space<vmem>>
    %dma_wait3A_320 = tpu.memref_squeeze %dma_wait3A_319 : memref<1x1x200x64xf32, #tpu.memory_space<vmem>> -> memref<1x200x64xf32, #tpu.memory_space<vmem>>
    tpu.wait_dma2 semaphore(%dma_wait3A_312 : memref<!tpu.dma_semaphore, #tpu.memory_space<semaphore_mem>>) src(%dma_wait3A_320 : memref<1x200x64xf32, #tpu.memory_space<vmem>>) dst(%dma_wait3A_315 : memref<1x200x64xf32, #tpu.memory_space<hbm>>)
    %scan3A_321 = arith.constant 3 : i32
    %scan3A_322 = arith.constant 0 : i32
    %scan3A_323 = arith.constant 1 : i32
    %scan3A_324 = arith.constant 0 : i32
    %scan3A_325 = arith.constant 0 : i32
    %scan3A_326 = arith.constant 100 : i32
    %scan3A_327 = arith.addi %scan3A_325, %scan3A_326 : i32
    %scan3A_328 = arith.constant 1 : i32
    scf.for %scan3A_693 = %scan3A_325 to %scan3A_327 step %scan3A_328  : i32 {
      %mul3A_694 = arith.constant 2 : i32
      %mul3A_695 = arith.muli %scan3A_693, %mul3A_694 : i32
      %add3A_696 = arith.constant 0 : i32
      %add3A_697 = arith.addi %add3A_696, %mul3A_695 : i32
      %add3A_698 = arith.constant 0 : i32
      %add3A_699 = arith.addi %add3A_697, %add3A_698 : i32
      %get3A = arith.constant 0 : i32
      %get3A_700 = arith.constant 0 : i32
      %get3A_701 = arith.constant 0 : i32
      %get3A_702 = tpu.memref_slice %arg6[%scan3A_321, %get3A, %get3A_700, %get3A_701] : memref<4x1x200x64xf32, #tpu.memory_space<vmem>> -> memref<1x1x200x64xf32, #tpu.memory_space<vmem>>
      %get3A_703 = tpu.memref_squeeze %get3A_702 : memref<1x1x200x64xf32, #tpu.memory_space<vmem>> -> memref<1x200x64xf32, #tpu.memory_space<vmem>>
      %get3A_704 = arith.constant 0 : i32
      %get3A_705 = arith.constant 0 : i32
      %get3A_706 = tpu.memref_slice %get3A_703[%scan3A_322, %get3A_704, %get3A_705] : memref<1x200x64xf32, #tpu.memory_space<vmem>> -> memref<1x200x64xf32, #tpu.memory_space<vmem>>
      %get3A_707 = tpu.memref_squeeze %get3A_706 : memref<1x200x64xf32, #tpu.memory_space<vmem>> -> memref<200x64xf32, #tpu.memory_space<vmem>>
      %get3A_708 = arith.index_cast %add3A_699 : i32 to index
      %get3A_709 = arith.constant 0 : index
      %get3A_710 = tpu.vector_load %get3A_707[%get3A_708, %get3A_709] {strides = array<i32>} : memref<200x64xf32, #tpu.memory_space<vmem>>, vector<1x16xf32>,
      %get3A_711 = vector.shape_cast %get3A_710 : vector<1x16xf32> to vector<1x16xf32>
      %mul3A_712 = arith.constant 8.000000e+00 : f32
      %mul3A_713 = vector.broadcast %mul3A_712 : f32 to vector<1x16xf32>
      %mul3A_714 = arith.mulf %get3A_711, %mul3A_713 : vector<1x16xf32>
      %swap3A = arith.constant 0 : i32
      %swap3A_715 = arith.constant 0 : i32
      %swap3A_716 = arith.constant 0 : i32
      %swap3A_717 = tpu.memref_slice %arg7[%scan3A_323, %swap3A, %swap3A_715, %swap3A_716] : memref<2x1x200x64xf32, #tpu.memory_space<vmem>> -> memref<1x1x200x64xf32, #tpu.memory_space<vmem>>
      %swap3A_718 = tpu.memref_squeeze %swap3A_717 : memref<1x1x200x64xf32, #tpu.memory_space<vmem>> -> memref<1x200x64xf32, #tpu.memory_space<vmem>>
      %swap3A_719 = arith.constant 0 : i32
      %swap3A_720 = arith.constant 0 : i32
      %swap3A_721 = tpu.memref_slice %swap3A_718[%scan3A_324, %swap3A_719, %swap3A_720] : memref<1x200x64xf32, #tpu.memory_space<vmem>> -> memref<1x200x64xf32, #tpu.memory_space<vmem>>
      %swap3A_722 = tpu.memref_squeeze %swap3A_721 : memref<1x200x64xf32, #tpu.memory_space<vmem>> -> memref<200x64xf32, #tpu.memory_space<vmem>>
      %swap3A_723 = arith.index_cast %add3A_699 : i32 to index
      %swap3A_724 = arith.constant 0 : index
      %swap3A_725 = tpu.vector_load %swap3A_722[%swap3A_723, %swap3A_724] {strides = array<i32>} : memref<200x64xf32, #tpu.memory_space<vmem>>, vector<1x16xf32>,
      %swap3A_726 = vector.shape_cast %swap3A_725 : vector<1x16xf32> to vector<1x16xf32>
      %swap3A_727 = vector.shape_cast %mul3A_714 : vector<1x16xf32> to vector<1x16xf32>
      tpu.vector_store %swap3A_722[%swap3A_723, %swap3A_724], %swap3A_727 {strides = array<i32>} : memref<200x64xf32, #tpu.memory_space<vmem>>, vector<1x16xf32>,
      %add3A_728 = arith.constant 0 : i32
      %add3A_729 = arith.addi %add3A_697, %add3A_728 : i32
      %get3A_730 = arith.constant 0 : i32
      %get3A_731 = arith.constant 0 : i32
      %get3A_732 = arith.constant 0 : i32
      %get3A_733 = tpu.memref_slice %arg6[%scan3A_321, %get3A_730, %get3A_731, %get3A_732] : memref<4x1x200x64xf32, #tpu.memory_space<vmem>> -> memref<1x1x200x64xf32, #tpu.memory_space<vmem>>
      %get3A_734 = tpu.memref_squeeze %get3A_733 : memref<1x1x200x64xf32, #tpu.memory_space<vmem>> -> memref<1x200x64xf32, #tpu.memory_space<vmem>>
      %get3A_735 = arith.constant 0 : i32
      %get3A_736 = arith.constant 0 : i32
      %get3A_737 = tpu.memref_slice %get3A_734[%scan3A_322, %get3A_735, %get3A_736] : memref<1x200x64xf32, #tpu.memory_space<vmem>> -> memref<1x200x64xf32, #tpu.memory_space<vmem>>
      %get3A_738 = tpu.memref_squeeze %get3A_737 : memref<1x200x64xf32, #tpu.memory_space<vmem>> -> memref<200x64xf32, #tpu.memory_space<vmem>>
      %get3A_739 = arith.index_cast %add3A_729 : i32 to index
      %get3A_740 = arith.constant 16 : index
      %get3A_741 = tpu.vector_load %get3A_738[%get3A_739, %get3A_740] {strides = array<i32>} : memref<200x64xf32, #tpu.memory_space<vmem>>, vector<1x16xf32>,
      %get3A_742 = vector.shape_cast %get3A_741 : vector<1x16xf32> to vector<1x16xf32>
      %mul3A_743 = arith.constant 8.000000e+00 : f32
      %mul3A_744 = vector.broadcast %mul3A_743 : f32 to vector<1x16xf32>
      %mul3A_745 = arith.mulf %get3A_742, %mul3A_744 : vector<1x16xf32>
      %swap3A_746 = arith.constant 0 : i32
      %swap3A_747 = arith.constant 0 : i32
      %swap3A_748 = arith.constant 0 : i32
      %swap3A_749 = tpu.memref_slice %arg7[%scan3A_323, %swap3A_746, %swap3A_747, %swap3A_748] : memref<2x1x200x64xf32, #tpu.memory_space<vmem>> -> memref<1x1x200x64xf32, #tpu.memory_space<vmem>>
      %swap3A_750 = tpu.memref_squeeze %swap3A_749 : memref<1x1x200x64xf32, #tpu.memory_space<vmem>> -> memref<1x200x64xf32, #tpu.memory_space<vmem>>
      %swap3A_751 = arith.constant 0 : i32
      %swap3A_752 = arith.constant 0 : i32
      %swap3A_753 = tpu.memref_slice %swap3A_750[%scan3A_324, %swap3A_751, %swap3A_752] : memref<1x200x64xf32, #tpu.memory_space<vmem>> -> memref<1x200x64xf32, #tpu.memory_space<vmem>>
      %swap3A_754 = tpu.memref_squeeze %swap3A_753 : memref<1x200x64xf32, #tpu.memory_space<vmem>> -> memref<200x64xf32, #tpu.memory_space<vmem>>
      %swap3A_755 = arith.index_cast %add3A_729 : i32 to index
      %swap3A_756 = arith.constant 16 : index
      %swap3A_757 = tpu.vector_load %swap3A_754[%swap3A_755, %swap3A_756] {strides = array<i32>} : memref<200x64xf32, #tpu.memory_space<vmem>>, vector<1x16xf32>,
      %swap3A_758 = vector.shape_cast %swap3A_757 : vector<1x16xf32> to vector<1x16xf32>
      %swap3A_759 = vector.shape_cast %mul3A_745 : vector<1x16xf32> to vector<1x16xf32>
      tpu.vector_store %swap3A_754[%swap3A_755, %swap3A_756], %swap3A_759 {strides = array<i32>} : memref<200x64xf32, #tpu.memory_space<vmem>>, vector<1x16xf32>,
      %add3A_760 = arith.constant 0 : i32
      %add3A_761 = arith.addi %add3A_697, %add3A_760 : i32
      %get3A_762 = arith.constant 0 : i32
      %get3A_763 = arith.constant 0 : i32
      %get3A_764 = arith.constant 0 : i32
      %get3A_765 = tpu.memref_slice %arg6[%scan3A_321, %get3A_762, %get3A_763, %get3A_764] : memref<4x1x200x64xf32, #tpu.memory_space<vmem>> -> memref<1x1x200x64xf32, #tpu.memory_space<vmem>>
      %get3A_766 = tpu.memref_squeeze %get3A_765 : memref<1x1x200x64xf32, #tpu.memory_space<vmem>> -> memref<1x200x64xf32, #tpu.memory_space<vmem>>
      %get3A_767 = arith.constant 0 : i32
      %get3A_768 = arith.constant 0 : i32
      %get3A_769 = tpu.memref_slice %get3A_766[%scan3A_322, %get3A_767, %get3A_768] : memref<1x200x64xf32, #tpu.memory_space<vmem>> -> memref<1x200x64xf32, #tpu.memory_space<vmem>>
      %get3A_770 = tpu.memref_squeeze %get3A_769 : memref<1x200x64xf32, #tpu.memory_space<vmem>> -> memref<200x64xf32, #tpu.memory_space<vmem>>
      %get3A_771 = arith.index_cast %add3A_761 : i32 to index
      %get3A_772 = arith.constant 32 : index
      %get3A_773 = tpu.vector_load %get3A_770[%get3A_771, %get3A_772] {strides = array<i32>} : memref<200x64xf32, #tpu.memory_space<vmem>>, vector<1x16xf32>,
      %get3A_774 = vector.shape_cast %get3A_773 : vector<1x16xf32> to vector<1x16xf32>
      %mul3A_775 = arith.constant 8.000000e+00 : f32
      %mul3A_776 = vector.broadcast %mul3A_775 : f32 to vector<1x16xf32>
      %mul3A_777 = arith.mulf %get3A_774, %mul3A_776 : vector<1x16xf32>
      %swap3A_778 = arith.constant 0 : i32
      %swap3A_779 = arith.constant 0 : i32
      %swap3A_780 = arith.constant 0 : i32
      %swap3A_781 = tpu.memref_slice %arg7[%scan3A_323, %swap3A_778, %swap3A_779, %swap3A_780] : memref<2x1x200x64xf32, #tpu.memory_space<vmem>> -> memref<1x1x200x64xf32, #tpu.memory_space<vmem>>
      %swap3A_782 = tpu.memref_squeeze %swap3A_781 : memref<1x1x200x64xf32, #tpu.memory_space<vmem>> -> memref<1x200x64xf32, #tpu.memory_space<vmem>>
      %swap3A_783 = arith.constant 0 : i32
      %swap3A_784 = arith.constant 0 : i32
      %swap3A_785 = tpu.memref_slice %swap3A_782[%scan3A_324, %swap3A_783, %swap3A_784] : memref<1x200x64xf32, #tpu.memory_space<vmem>> -> memref<1x200x64xf32, #tpu.memory_space<vmem>>
      %swap3A_786 = tpu.memref_squeeze %swap3A_785 : memref<1x200x64xf32, #tpu.memory_space<vmem>> -> memref<200x64xf32, #tpu.memory_space<vmem>>
      %swap3A_787 = arith.index_cast %add3A_761 : i32 to index
      %swap3A_788 = arith.constant 32 : index
      %swap3A_789 = tpu.vector_load %swap3A_786[%swap3A_787, %swap3A_788] {strides = array<i32>} : memref<200x64xf32, #tpu.memory_space<vmem>>, vector<1x16xf32>,
      %swap3A_790 = vector.shape_cast %swap3A_789 : vector<1x16xf32> to vector<1x16xf32>
      %swap3A_791 = vector.shape_cast %mul3A_777 : vector<1x16xf32> to vector<1x16xf32>
      tpu.vector_store %swap3A_786[%swap3A_787, %swap3A_788], %swap3A_791 {strides = array<i32>} : memref<200x64xf32, #tpu.memory_space<vmem>>, vector<1x16xf32>,
      %add3A_792 = arith.constant 0 : i32
      %add3A_793 = arith.addi %add3A_697, %add3A_792 : i32
      %get3A_794 = arith.constant 0 : i32
      %get3A_795 = arith.constant 0 : i32
      %get3A_796 = arith.constant 0 : i32
      %get3A_797 = tpu.memref_slice %arg6[%scan3A_321, %get3A_794, %get3A_795, %get3A_796] : memref<4x1x200x64xf32, #tpu.memory_space<vmem>> -> memref<1x1x200x64xf32, #tpu.memory_space<vmem>>
      %get3A_798 = tpu.memref_squeeze %get3A_797 : memref<1x1x200x64xf32, #tpu.memory_space<vmem>> -> memref<1x200x64xf32, #tpu.memory_space<vmem>>
      %get3A_799 = arith.constant 0 : i32
      %get3A_800 = arith.constant 0 : i32
      %get3A_801 = tpu.memref_slice %get3A_798[%scan3A_322, %get3A_799, %get3A_800] : memref<1x200x64xf32, #tpu.memory_space<vmem>> -> memref<1x200x64xf32, #tpu.memory_space<vmem>>
      %get3A_802 = tpu.memref_squeeze %get3A_801 : memref<1x200x64xf32, #tpu.memory_space<vmem>> -> memref<200x64xf32, #tpu.memory_space<vmem>>
      %get3A_803 = arith.index_cast %add3A_793 : i32 to index
      %get3A_804 = arith.constant 48 : index
      %get3A_805 = tpu.vector_load %get3A_802[%get3A_803, %get3A_804] {strides = array<i32>} : memref<200x64xf32, #tpu.memory_space<vmem>>, vector<1x16xf32>,
      %get3A_806 = vector.shape_cast %get3A_805 : vector<1x16xf32> to vector<1x16xf32>
      %mul3A_807 = arith.constant 8.000000e+00 : f32
      %mul3A_808 = vector.broadcast %mul3A_807 : f32 to vector<1x16xf32>
      %mul3A_809 = arith.mulf %get3A_806, %mul3A_808 : vector<1x16xf32>
      %swap3A_810 = arith.constant 0 : i32
      %swap3A_811 = arith.constant 0 : i32
      %swap3A_812 = arith.constant 0 : i32
      %swap3A_813 = tpu.memref_slice %arg7[%scan3A_323, %swap3A_810, %swap3A_811, %swap3A_812] : memref<2x1x200x64xf32, #tpu.memory_space<vmem>> -> memref<1x1x200x64xf32, #tpu.memory_space<vmem>>
      %swap3A_814 = tpu.memref_squeeze %swap3A_813 : memref<1x1x200x64xf32, #tpu.memory_space<vmem>> -> memref<1x200x64xf32, #tpu.memory_space<vmem>>
      %swap3A_815 = arith.constant 0 : i32
      %swap3A_816 = arith.constant 0 : i32
      %swap3A_817 = tpu.memref_slice %swap3A_814[%scan3A_324, %swap3A_815, %swap3A_816] : memref<1x200x64xf32, #tpu.memory_space<vmem>> -> memref<1x200x64xf32, #tpu.memory_space<vmem>>
      %swap3A_818 = tpu.memref_squeeze %swap3A_817 : memref<1x200x64xf32, #tpu.memory_space<vmem>> -> memref<200x64xf32, #tpu.memory_space<vmem>>
      %swap3A_819 = arith.index_cast %add3A_793 : i32 to index
      %swap3A_820 = arith.constant 48 : index
      %swap3A_821 = tpu.vector_load %swap3A_818[%swap3A_819, %swap3A_820] {strides = array<i32>} : memref<200x64xf32, #tpu.memory_space<vmem>>, vector<1x16xf32>,
      %swap3A_822 = vector.shape_cast %swap3A_821 : vector<1x16xf32> to vector<1x16xf32>
      %swap3A_823 = vector.shape_cast %mul3A_809 : vector<1x16xf32> to vector<1x16xf32>
      tpu.vector_store %swap3A_818[%swap3A_819, %swap3A_820], %swap3A_823 {strides = array<i32>} : memref<200x64xf32, #tpu.memory_space<vmem>>, vector<1x16xf32>,
      %add3A_824 = arith.constant 1 : i32
      %add3A_825 = arith.addi %add3A_697, %add3A_824 : i32
      %get3A_826 = arith.constant 0 : i32
      %get3A_827 = arith.constant 0 : i32
      %get3A_828 = arith.constant 0 : i32
      %get3A_829 = tpu.memref_slice %arg6[%scan3A_321, %get3A_826, %get3A_827, %get3A_828] : memref<4x1x200x64xf32, #tpu.memory_space<vmem>> -> memref<1x1x200x64xf32, #tpu.memory_space<vmem>>
      %get3A_830 = tpu.memref_squeeze %get3A_829 : memref<1x1x200x64xf32, #tpu.memory_space<vmem>> -> memref<1x200x64xf32, #tpu.memory_space<vmem>>
      %get3A_831 = arith.constant 0 : i32
      %get3A_832 = arith.constant 0 : i32
      %get3A_833 = tpu.memref_slice %get3A_830[%scan3A_322, %get3A_831, %get3A_832] : memref<1x200x64xf32, #tpu.memory_space<vmem>> -> memref<1x200x64xf32, #tpu.memory_space<vmem>>
      %get3A_834 = tpu.memref_squeeze %get3A_833 : memref<1x200x64xf32, #tpu.memory_space<vmem>> -> memref<200x64xf32, #tpu.memory_space<vmem>>
      %get3A_835 = arith.index_cast %add3A_825 : i32 to index
      %get3A_836 = arith.constant 0 : index
      %get3A_837 = tpu.vector_load %get3A_834[%get3A_835, %get3A_836] {strides = array<i32>} : memref<200x64xf32, #tpu.memory_space<vmem>>, vector<1x16xf32>,
      %get3A_838 = vector.shape_cast %get3A_837 : vector<1x16xf32> to vector<1x16xf32>
      %mul3A_839 = arith.constant 8.000000e+00 : f32
      %mul3A_840 = vector.broadcast %mul3A_839 : f32 to vector<1x16xf32>
      %mul3A_841 = arith.mulf %get3A_838, %mul3A_840 : vector<1x16xf32>
      %swap3A_842 = arith.constant 0 : i32
      %swap3A_843 = arith.constant 0 : i32
      %swap3A_844 = arith.constant 0 : i32
      %swap3A_845 = tpu.memref_slice %arg7[%scan3A_323, %swap3A_842, %swap3A_843, %swap3A_844] : memref<2x1x200x64xf32, #tpu.memory_space<vmem>> -> memref<1x1x200x64xf32, #tpu.memory_space<vmem>>
      %swap3A_846 = tpu.memref_squeeze %swap3A_845 : memref<1x1x200x64xf32, #tpu.memory_space<vmem>> -> memref<1x200x64xf32, #tpu.memory_space<vmem>>
      %swap3A_847 = arith.constant 0 : i32
      %swap3A_848 = arith.constant 0 : i32
      %swap3A_849 = tpu.memref_slice %swap3A_846[%scan3A_324, %swap3A_847, %swap3A_848] : memref<1x200x64xf32, #tpu.memory_space<vmem>> -> memref<1x200x64xf32, #tpu.memory_space<vmem>>
      %swap3A_850 = tpu.memref_squeeze %swap3A_849 : memref<1x200x64xf32, #tpu.memory_space<vmem>> -> memref<200x64xf32, #tpu.memory_space<vmem>>
      %swap3A_851 = arith.index_cast %add3A_825 : i32 to index
      %swap3A_852 = arith.constant 0 : index
      %swap3A_853 = tpu.vector_load %swap3A_850[%swap3A_851, %swap3A_852] {strides = array<i32>} : memref<200x64xf32, #tpu.memory_space<vmem>>, vector<1x16xf32>,
      %swap3A_854 = vector.shape_cast %swap3A_853 : vector<1x16xf32> to vector<1x16xf32>
      %swap3A_855 = vector.shape_cast %mul3A_841 : vector<1x16xf32> to vector<1x16xf32>
      tpu.vector_store %swap3A_850[%swap3A_851, %swap3A_852], %swap3A_855 {strides = array<i32>} : memref<200x64xf32, #tpu.memory_space<vmem>>, vector<1x16xf32>,
      %add3A_856 = arith.constant 1 : i32
      %add3A_857 = arith.addi %add3A_697, %add3A_856 : i32
      %get3A_858 = arith.constant 0 : i32
      %get3A_859 = arith.constant 0 : i32
      %get3A_860 = arith.constant 0 : i32
      %get3A_861 = tpu.memref_slice %arg6[%scan3A_321, %get3A_858, %get3A_859, %get3A_860] : memref<4x1x200x64xf32, #tpu.memory_space<vmem>> -> memref<1x1x200x64xf32, #tpu.memory_space<vmem>>
      %get3A_862 = tpu.memref_squeeze %get3A_861 : memref<1x1x200x64xf32, #tpu.memory_space<vmem>> -> memref<1x200x64xf32, #tpu.memory_space<vmem>>
      %get3A_863 = arith.constant 0 : i32
      %get3A_864 = arith.constant 0 : i32
      %get3A_865 = tpu.memref_slice %get3A_862[%scan3A_322, %get3A_863, %get3A_864] : memref<1x200x64xf32, #tpu.memory_space<vmem>> -> memref<1x200x64xf32, #tpu.memory_space<vmem>>
      %get3A_866 = tpu.memref_squeeze %get3A_865 : memref<1x200x64xf32, #tpu.memory_space<vmem>> -> memref<200x64xf32, #tpu.memory_space<vmem>>
      %get3A_867 = arith.index_cast %add3A_857 : i32 to index
      %get3A_868 = arith.constant 16 : index
      %get3A_869 = tpu.vector_load %get3A_866[%get3A_867, %get3A_868] {strides = array<i32>} : memref<200x64xf32, #tpu.memory_space<vmem>>, vector<1x16xf32>,
      %get3A_870 = vector.shape_cast %get3A_869 : vector<1x16xf32> to vector<1x16xf32>
      %mul3A_871 = arith.constant 8.000000e+00 : f32
      %mul3A_872 = vector.broadcast %mul3A_871 : f32 to vector<1x16xf32>
      %mul3A_873 = arith.mulf %get3A_870, %mul3A_872 : vector<1x16xf32>
      %swap3A_874 = arith.constant 0 : i32
      %swap3A_875 = arith.constant 0 : i32
      %swap3A_876 = arith.constant 0 : i32
      %swap3A_877 = tpu.memref_slice %arg7[%scan3A_323, %swap3A_874, %swap3A_875, %swap3A_876] : memref<2x1x200x64xf32, #tpu.memory_space<vmem>> -> memref<1x1x200x64xf32, #tpu.memory_space<vmem>>
      %swap3A_878 = tpu.memref_squeeze %swap3A_877 : memref<1x1x200x64xf32, #tpu.memory_space<vmem>> -> memref<1x200x64xf32, #tpu.memory_space<vmem>>
      %swap3A_879 = arith.constant 0 : i32
      %swap3A_880 = arith.constant 0 : i32
      %swap3A_881 = tpu.memref_slice %swap3A_878[%scan3A_324, %swap3A_879, %swap3A_880] : memref<1x200x64xf32, #tpu.memory_space<vmem>> -> memref<1x200x64xf32, #tpu.memory_space<vmem>>
      %swap3A_882 = tpu.memref_squeeze %swap3A_881 : memref<1x200x64xf32, #tpu.memory_space<vmem>> -> memref<200x64xf32, #tpu.memory_space<vmem>>
      %swap3A_883 = arith.index_cast %add3A_857 : i32 to index
      %swap3A_884 = arith.constant 16 : index
      %swap3A_885 = tpu.vector_load %swap3A_882[%swap3A_883, %swap3A_884] {strides = array<i32>} : memref<200x64xf32, #tpu.memory_space<vmem>>, vector<1x16xf32>,
      %swap3A_886 = vector.shape_cast %swap3A_885 : vector<1x16xf32> to vector<1x16xf32>
      %swap3A_887 = vector.shape_cast %mul3A_873 : vector<1x16xf32> to vector<1x16xf32>
      tpu.vector_store %swap3A_882[%swap3A_883, %swap3A_884], %swap3A_887 {strides = array<i32>} : memref<200x64xf32, #tpu.memory_space<vmem>>, vector<1x16xf32>,
      %add3A_888 = arith.constant 1 : i32
      %add3A_889 = arith.addi %add3A_697, %add3A_888 : i32
      %get3A_890 = arith.constant 0 : i32
      %get3A_891 = arith.constant 0 : i32
      %get3A_892 = arith.constant 0 : i32
      %get3A_893 = tpu.memref_slice %arg6[%scan3A_321, %get3A_890, %get3A_891, %get3A_892] : memref<4x1x200x64xf32, #tpu.memory_space<vmem>> -> memref<1x1x200x64xf32, #tpu.memory_space<vmem>>
      %get3A_894 = tpu.memref_squeeze %get3A_893 : memref<1x1x200x64xf32, #tpu.memory_space<vmem>> -> memref<1x200x64xf32, #tpu.memory_space<vmem>>
      %get3A_895 = arith.constant 0 : i32
      %get3A_896 = arith.constant 0 : i32
      %get3A_897 = tpu.memref_slice %get3A_894[%scan3A_322, %get3A_895, %get3A_896] : memref<1x200x64xf32, #tpu.memory_space<vmem>> -> memref<1x200x64xf32, #tpu.memory_space<vmem>>
      %get3A_898 = tpu.memref_squeeze %get3A_897 : memref<1x200x64xf32, #tpu.memory_space<vmem>> -> memref<200x64xf32, #tpu.memory_space<vmem>>
      %get3A_899 = arith.index_cast %add3A_889 : i32 to index
      %get3A_900 = arith.constant 32 : index
      %get3A_901 = tpu.vector_load %get3A_898[%get3A_899, %get3A_900] {strides = array<i32>} : memref<200x64xf32, #tpu.memory_space<vmem>>, vector<1x16xf32>,
      %get3A_902 = vector.shape_cast %get3A_901 : vector<1x16xf32> to vector<1x16xf32>
      %mul3A_903 = arith.constant 8.000000e+00 : f32
      %mul3A_904 = vector.broadcast %mul3A_903 : f32 to vector<1x16xf32>
      %mul3A_905 = arith.mulf %get3A_902, %mul3A_904 : vector<1x16xf32>
      %swap3A_906 = arith.constant 0 : i32
      %swap3A_907 = arith.constant 0 : i32
      %swap3A_908 = arith.constant 0 : i32
      %swap3A_909 = tpu.memref_slice %arg7[%scan3A_323, %swap3A_906, %swap3A_907, %swap3A_908] : memref<2x1x200x64xf32, #tpu.memory_space<vmem>> -> memref<1x1x200x64xf32, #tpu.memory_space<vmem>>
      %swap3A_910 = tpu.memref_squeeze %swap3A_909 : memref<1x1x200x64xf32, #tpu.memory_space<vmem>> -> memref<1x200x64xf32, #tpu.memory_space<vmem>>
      %swap3A_911 = arith.constant 0 : i32
      %swap3A_912 = arith.constant 0 : i32
      %swap3A_913 = tpu.memref_slice %swap3A_910[%scan3A_324, %swap3A_911, %swap3A_912] : memref<1x200x64xf32, #tpu.memory_space<vmem>> -> memref<1x200x64xf32, #tpu.memory_space<vmem>>
      %swap3A_914 = tpu.memref_squeeze %swap3A_913 : memref<1x200x64xf32, #tpu.memory_space<vmem>> -> memref<200x64xf32, #tpu.memory_space<vmem>>
      %swap3A_915 = arith.index_cast %add3A_889 : i32 to index
      %swap3A_916 = arith.constant 32 : index
      %swap3A_917 = tpu.vector_load %swap3A_914[%swap3A_915, %swap3A_916] {strides = array<i32>} : memref<200x64xf32, #tpu.memory_space<vmem>>, vector<1x16xf32>,
      %swap3A_918 = vector.shape_cast %swap3A_917 : vector<1x16xf32> to vector<1x16xf32>
      %swap3A_919 = vector.shape_cast %mul3A_905 : vector<1x16xf32> to vector<1x16xf32>
      tpu.vector_store %swap3A_914[%swap3A_915, %swap3A_916], %swap3A_919 {strides = array<i32>} : memref<200x64xf32, #tpu.memory_space<vmem>>, vector<1x16xf32>,
      %add3A_920 = arith.constant 1 : i32
      %add3A_921 = arith.addi %add3A_697, %add3A_920 : i32
      %get3A_922 = arith.constant 0 : i32
      %get3A_923 = arith.constant 0 : i32
      %get3A_924 = arith.constant 0 : i32
      %get3A_925 = tpu.memref_slice %arg6[%scan3A_321, %get3A_922, %get3A_923, %get3A_924] : memref<4x1x200x64xf32, #tpu.memory_space<vmem>> -> memref<1x1x200x64xf32, #tpu.memory_space<vmem>>
      %get3A_926 = tpu.memref_squeeze %get3A_925 : memref<1x1x200x64xf32, #tpu.memory_space<vmem>> -> memref<1x200x64xf32, #tpu.memory_space<vmem>>
      %get3A_927 = arith.constant 0 : i32
      %get3A_928 = arith.constant 0 : i32
      %get3A_929 = tpu.memref_slice %get3A_926[%scan3A_322, %get3A_927, %get3A_928] : memref<1x200x64xf32, #tpu.memory_space<vmem>> -> memref<1x200x64xf32, #tpu.memory_space<vmem>>
      %get3A_930 = tpu.memref_squeeze %get3A_929 : memref<1x200x64xf32, #tpu.memory_space<vmem>> -> memref<200x64xf32, #tpu.memory_space<vmem>>
      %get3A_931 = arith.index_cast %add3A_921 : i32 to index
      %get3A_932 = arith.constant 48 : index
      %get3A_933 = tpu.vector_load %get3A_930[%get3A_931, %get3A_932] {strides = array<i32>} : memref<200x64xf32, #tpu.memory_space<vmem>>, vector<1x16xf32>,
      %get3A_934 = vector.shape_cast %get3A_933 : vector<1x16xf32> to vector<1x16xf32>
      %mul3A_935 = arith.constant 8.000000e+00 : f32
      %mul3A_936 = vector.broadcast %mul3A_935 : f32 to vector<1x16xf32>
      %mul3A_937 = arith.mulf %get3A_934, %mul3A_936 : vector<1x16xf32>
      %swap3A_938 = arith.constant 0 : i32
      %swap3A_939 = arith.constant 0 : i32
      %swap3A_940 = arith.constant 0 : i32
      %swap3A_941 = tpu.memref_slice %arg7[%scan3A_323, %swap3A_938, %swap3A_939, %swap3A_940] : memref<2x1x200x64xf32, #tpu.memory_space<vmem>> -> memref<1x1x200x64xf32, #tpu.memory_space<vmem>>
      %swap3A_942 = tpu.memref_squeeze %swap3A_941 : memref<1x1x200x64xf32, #tpu.memory_space<vmem>> -> memref<1x200x64xf32, #tpu.memory_space<vmem>>
      %swap3A_943 = arith.constant 0 : i32
      %swap3A_944 = arith.constant 0 : i32
      %swap3A_945 = tpu.memref_slice %swap3A_942[%scan3A_324, %swap3A_943, %swap3A_944] : memref<1x200x64xf32, #tpu.memory_space<vmem>> -> memref<1x200x64xf32, #tpu.memory_space<vmem>>
      %swap3A_946 = tpu.memref_squeeze %swap3A_945 : memref<1x200x64xf32, #tpu.memory_space<vmem>> -> memref<200x64xf32, #tpu.memory_space<vmem>>
      %swap3A_947 = arith.index_cast %add3A_921 : i32 to index
      %swap3A_948 = arith.constant 48 : index
      %swap3A_949 = tpu.vector_load %swap3A_946[%swap3A_947, %swap3A_948] {strides = array<i32>} : memref<200x64xf32, #tpu.memory_space<vmem>>, vector<1x16xf32>,
      %swap3A_950 = vector.shape_cast %swap3A_949 : vector<1x16xf32> to vector<1x16xf32>
      %swap3A_951 = vector.shape_cast %mul3A_937 : vector<1x16xf32> to vector<1x16xf32>
      tpu.vector_store %swap3A_946[%swap3A_947, %swap3A_948], %swap3A_951 {strides = array<i32>} : memref<200x64xf32, #tpu.memory_space<vmem>>, vector<1x16xf32>,
    }
    %scan3A_329 = arith.constant 100 : i32
    %dma_start3A_330 = arith.constant 7 : i32
    %dma_start3A_331 = arith.constant 3 : i32
    %dma_start3A_332 = arith.constant 0 : i32
    %dma_start3A_333 = arith.constant 3 : i32
    %dma_start3A_334 = arith.constant 0 : i32
    %dma_start3A_335 = arith.constant 0 : i32
    %dma_start3A_336 = tpu.memref_slice %arg6[%dma_start3A_331, %dma_start3A_332, %dma_start3A_334, %dma_start3A_335] : memref<4x1x200x64xf32, #tpu.memory_space<vmem>> -> memref<1x1x200x64xf32, #tpu.memory_space<vmem>>
    %dma_start3A_337 = tpu.memref_squeeze %dma_start3A_336 : memref<1x1x200x64xf32, #tpu.memory_space<vmem>> -> memref<200x64xf32, #tpu.memory_space<vmem>>
    %dma_start3A_338 = arith.constant 0 : i32
    %dma_start3A_339 = tpu.memref_slice %arg5[%dma_start3A_330, %dma_start3A_338] : memref<128x200xi32, #tpu.memory_space<vmem>> -> memref<1x200xi32, #tpu.memory_space<vmem>>
    %dma_start3A_340 = tpu.memref_squeeze %dma_start3A_339 : memref<1x200xi32, #tpu.memory_space<vmem>> -> memref<200xi32, #tpu.memory_space<vmem>>
    %dma_start3A_341 = arith.constant 0 : i32
    %dma_start3A_342 = arith.constant 0 : i32
    %dma_start3A_343 = tpu.memref_slice %arg2[%dma_start3A_341, %dma_start3A_342] : memref<1000000x64xf32, #tpu.memory_space<hbm>> -> memref<1000000x64xf32, #tpu.memory_space<hbm>>
    %dma_start3A_344 = tpu.memref_slice %arg8[%dma_start3A_333] : memref<4x!tpu.dma_semaphore, #tpu.memory_space<semaphore_mem>> -> memref<1x!tpu.dma_semaphore, #tpu.memory_space<semaphore_mem>>
    %dma_start3A_345 = tpu.memref_squeeze %dma_start3A_344 : memref<1x!tpu.dma_semaphore, #tpu.memory_space<semaphore_mem>> -> memref<!tpu.dma_semaphore, #tpu.memory_space<semaphore_mem>>
    tpu.enqueue_indirect_dma source(%dma_start3A_343 : memref<1000000x64xf32, #tpu.memory_space<hbm>>) target(%dma_start3A_337 : memref<200x64xf32, #tpu.memory_space<vmem>>) offsets(%dma_start3A_340 : memref<200xi32, #tpu.memory_space<vmem>>) semaphore(%dma_start3A_345 : memref<!tpu.dma_semaphore, #tpu.memory_space<semaphore_mem>>)
    %add3A_346 = arith.constant 3 : i32
    %add3A_347 = arith.addi %mul3A_2, %add3A_346 : i32
    %dma_start3A_348 = arith.constant 1 : i32
    %dma_start3A_349 = arith.constant 1 : i32
    %dma_start3A_350 = arith.constant 0 : i32
    %dma_start3A_351 = arith.constant 0 : i32
    %dma_start3A_352 = arith.constant 0 : i32
    %dma_start3A_353 = tpu.memref_slice %arg7[%dma_start3A_348, %dma_start3A_350, %dma_start3A_351, %dma_start3A_352] : memref<2x1x200x64xf32, #tpu.memory_space<vmem>> -> memref<1x1x200x64xf32, #tpu.memory_space<vmem>>
    %dma_start3A_354 = tpu.memref_squeeze %dma_start3A_353 : memref<1x1x200x64xf32, #tpu.memory_space<vmem>> -> memref<1x200x64xf32, #tpu.memory_space<vmem>>
    %dma_start3A_355 = arith.constant 0 : i32
    %dma_start3A_356 = arith.constant 0 : i32
    %dma_start3A_357 = tpu.memref_slice %arg4[%add3A_347, %dma_start3A_355, %dma_start3A_356] : memref<4096x200x64xf32, #tpu.memory_space<hbm>> -> memref<1x200x64xf32, #tpu.memory_space<hbm>>
    %dma_start3A_358 = tpu.memref_slice %arg9[%dma_start3A_349] : memref<2x!tpu.dma_semaphore, #tpu.memory_space<semaphore_mem>> -> memref<1x!tpu.dma_semaphore, #tpu.memory_space<semaphore_mem>>
    %dma_start3A_359 = tpu.memref_squeeze %dma_start3A_358 : memref<1x!tpu.dma_semaphore, #tpu.memory_space<semaphore_mem>> -> memref<!tpu.dma_semaphore, #tpu.memory_space<semaphore_mem>>
    %dma_start3A_360 = arith.constant 0 : i32
    %dma_start3A_361 = arith.constant 0 : i32
    %dma_start3A_362 = tpu.memref_slice %arg4[%add3A_347, %dma_start3A_360, %dma_start3A_361] : memref<4096x200x64xf32, #tpu.memory_space<hbm>> -> memref<1x200x64xf32, #tpu.memory_space<hbm>>
    %dma_start3A_363 = arith.constant 0 : i32
    %dma_start3A_364 = arith.constant 0 : i32
    %dma_start3A_365 = arith.constant 0 : i32
    %dma_start3A_366 = tpu.memref_slice %arg7[%dma_start3A_348, %dma_start3A_363, %dma_start3A_364, %dma_start3A_365] : memref<2x1x200x64xf32, #tpu.memory_space<vmem>> -> memref<1x1x200x64xf32, #tpu.memory_space<vmem>>
    %dma_start3A_367 = tpu.memref_squeeze %dma_start3A_366 : memref<1x1x200x64xf32, #tpu.memory_space<vmem>> -> memref<1x200x64xf32, #tpu.memory_space<vmem>>
    tpu.enqueue_dma source(%dma_start3A_367 : memref<1x200x64xf32, #tpu.memory_space<vmem>>) target(%dma_start3A_362 : memref<1x200x64xf32, #tpu.memory_space<hbm>>) target_semaphore(%dma_start3A_359 : memref<!tpu.dma_semaphore, #tpu.memory_space<semaphore_mem>>)
    %scan3A_368 = arith.constant 0 : i32
    %scan3A_369 = arith.constant 30 : i32
    %scan3A_370 = arith.addi %scan3A_368, %scan3A_369 : i32
    %scan3A_371 = arith.constant 1 : i32
    scf.for %scan3A_693 = %scan3A_368 to %scan3A_370 step %scan3A_371  : i32 {
      %mul3A_694 = arith.constant 1 : i32
      %mul3A_695 = arith.muli %scan3A_693, %mul3A_694 : i32
      %add3A_696 = arith.constant 1 : i32
      %add3A_697 = arith.addi %add3A_696, %mul3A_695 : i32
      %mul3A_698 = arith.constant 4 : i32
      %mul3A_699 = arith.muli %add3A_697, %mul3A_698 : i32
      %add3A_700 = arith.constant 0 : i32
      %add3A_701 = arith.addi %mul3A_699, %add3A_700 : i32
      %dma_wait3A_702 = arith.constant 0 : i32
      %dma_wait3A_703 = arith.constant 0 : i32
      %dma_wait3A_704 = arith.constant 0 : i32
      %dma_wait3A_705 = arith.constant 0 : i32
      %dma_wait3A_706 = arith.constant 0 : i32
      %dma_wait3A_707 = tpu.memref_slice %arg6[%dma_wait3A_702, %dma_wait3A_703, %dma_wait3A_705, %dma_wait3A_706] : memref<4x1x200x64xf32, #tpu.memory_space<vmem>> -> memref<1x1x200x64xf32, #tpu.memory_space<vmem>>
      %dma_wait3A_708 = tpu.memref_squeeze %dma_wait3A_707 : memref<1x1x200x64xf32, #tpu.memory_space<vmem>> -> memref<200x64xf32, #tpu.memory_space<vmem>>
      %dma_wait3A_709 = arith.constant 0 : i32
      %dma_wait3A_710 = tpu.memref_slice %arg5[%add3A_701, %dma_wait3A_709] : memref<128x200xi32, #tpu.memory_space<vmem>> -> memref<1x200xi32, #tpu.memory_space<vmem>>
      %dma_wait3A_711 = tpu.memref_squeeze %dma_wait3A_710 : memref<1x200xi32, #tpu.memory_space<vmem>> -> memref<200xi32, #tpu.memory_space<vmem>>
      %dma_wait3A_712 = arith.constant 0 : i32
      %dma_wait3A_713 = arith.constant 0 : i32
      %dma_wait3A_714 = tpu.memref_slice %arg2[%dma_wait3A_712, %dma_wait3A_713] : memref<1000000x64xf32, #tpu.memory_space<hbm>> -> memref<1000000x64xf32, #tpu.memory_space<hbm>>
      %dma_wait3A_715 = tpu.memref_slice %arg8[%dma_wait3A_704] : memref<4x!tpu.dma_semaphore, #tpu.memory_space<semaphore_mem>> -> memref<1x!tpu.dma_semaphore, #tpu.memory_space<semaphore_mem>>
      %dma_wait3A_716 = tpu.memref_squeeze %dma_wait3A_715 : memref<1x!tpu.dma_semaphore, #tpu.memory_space<semaphore_mem>> -> memref<!tpu.dma_semaphore, #tpu.memory_space<semaphore_mem>>
      tpu.wait_indirect_dma semaphore(%dma_wait3A_716 : memref<!tpu.dma_semaphore, #tpu.memory_space<semaphore_mem>>) src(%dma_wait3A_714 : memref<1000000x64xf32, #tpu.memory_space<hbm>>) dst(%dma_wait3A_708 : memref<200x64xf32, #tpu.memory_space<vmem>>)
      %sub3A = arith.constant 2 : i32
      %sub3A_717 = arith.subi %add3A_701, %sub3A : i32
      %add3A_718 = arith.addi %mul3A_2, %sub3A_717 : i32
      %dma_wait3A_719 = arith.constant 0 : i32
      %dma_wait3A_720 = arith.constant 0 : i32
      %dma_wait3A_721 = arith.constant 0 : i32
      %dma_wait3A_722 = arith.constant 0 : i32
      %dma_wait3A_723 = arith.constant 0 : i32
      %dma_wait3A_724 = tpu.memref_slice %arg7[%dma_wait3A_719, %dma_wait3A_721, %dma_wait3A_722, %dma_wait3A_723] : memref<2x1x200x64xf32, #tpu.memory_space<vmem>> -> memref<1x1x200x64xf32, #tpu.memory_space<vmem>>
      %dma_wait3A_725 = tpu.memref_squeeze %dma_wait3A_724 : memref<1x1x200x64xf32, #tpu.memory_space<vmem>> -> memref<1x200x64xf32, #tpu.memory_space<vmem>>
      %dma_wait3A_726 = arith.constant 0 : i32
      %dma_wait3A_727 = arith.constant 0 : i32
      %dma_wait3A_728 = tpu.memref_slice %arg4[%add3A_718, %dma_wait3A_726, %dma_wait3A_727] : memref<4096x200x64xf32, #tpu.memory_space<hbm>> -> memref<1x200x64xf32, #tpu.memory_space<hbm>>
      %dma_wait3A_729 = tpu.memref_slice %arg9[%dma_wait3A_720] : memref<2x!tpu.dma_semaphore, #tpu.memory_space<semaphore_mem>> -> memref<1x!tpu.dma_semaphore, #tpu.memory_space<semaphore_mem>>
      %dma_wait3A_730 = tpu.memref_squeeze %dma_wait3A_729 : memref<1x!tpu.dma_semaphore, #tpu.memory_space<semaphore_mem>> -> memref<!tpu.dma_semaphore, #tpu.memory_space<semaphore_mem>>
      %dma_wait3A_731 = arith.constant 0 : i32
      %dma_wait3A_732 = arith.constant 0 : i32
      %dma_wait3A_733 = tpu.memref_slice %arg4[%add3A_718, %dma_wait3A_731, %dma_wait3A_732] : memref<4096x200x64xf32, #tpu.memory_space<hbm>> -> memref<1x200x64xf32, #tpu.memory_space<hbm>>
      %dma_wait3A_734 = arith.constant 0 : i32
      %dma_wait3A_735 = arith.constant 0 : i32
      %dma_wait3A_736 = arith.constant 0 : i32
      %dma_wait3A_737 = tpu.memref_slice %arg7[%dma_wait3A_719, %dma_wait3A_734, %dma_wait3A_735, %dma_wait3A_736] : memref<2x1x200x64xf32, #tpu.memory_space<vmem>> -> memref<1x1x200x64xf32, #tpu.memory_space<vmem>>
      %dma_wait3A_738 = tpu.memref_squeeze %dma_wait3A_737 : memref<1x1x200x64xf32, #tpu.memory_space<vmem>> -> memref<1x200x64xf32, #tpu.memory_space<vmem>>
      tpu.wait_dma2 semaphore(%dma_wait3A_730 : memref<!tpu.dma_semaphore, #tpu.memory_space<semaphore_mem>>) src(%dma_wait3A_738 : memref<1x200x64xf32, #tpu.memory_space<vmem>>) dst(%dma_wait3A_733 : memref<1x200x64xf32, #tpu.memory_space<hbm>>)
      %scan3A_739 = arith.constant 0 : i32
      %scan3A_740 = arith.constant 0 : i32
      %scan3A_741 = arith.constant 0 : i32
      %scan3A_742 = arith.constant 0 : i32
      %scan3A_743 = arith.constant 0 : i32
      %scan3A_744 = arith.constant 100 : i32
      %scan3A_745 = arith.addi %scan3A_743, %scan3A_744 : i32
      %scan3A_746 = arith.constant 1 : i32
      scf.for %scan3A_1047 = %scan3A_743 to %scan3A_745 step %scan3A_746  : i32 {
        %mul3A_1048 = arith.constant 2 : i32
        %mul3A_1049 = arith.muli %scan3A_1047, %mul3A_1048 : i32
        %add3A_1050 = arith.constant 0 : i32
        %add3A_1051 = arith.addi %add3A_1050, %mul3A_1049 : i32
        %add3A_1052 = arith.constant 0 : i32
        %add3A_1053 = arith.addi %add3A_1051, %add3A_1052 : i32
        %get3A = arith.constant 0 : i32
        %get3A_1054 = arith.constant 0 : i32
        %get3A_1055 = arith.constant 0 : i32
        %get3A_1056 = tpu.memref_slice %arg6[%scan3A_739, %get3A, %get3A_1054, %get3A_1055] : memref<4x1x200x64xf32, #tpu.memory_space<vmem>> -> memref<1x1x200x64xf32, #tpu.memory_space<vmem>>
        %get3A_1057 = tpu.memref_squeeze %get3A_1056 : memref<1x1x200x64xf32, #tpu.memory_space<vmem>> -> memref<1x200x64xf32, #tpu.memory_space<vmem>>
        %get3A_1058 = arith.constant 0 : i32
        %get3A_1059 = arith.constant 0 : i32
        %get3A_1060 = tpu.memref_slice %get3A_1057[%scan3A_740, %get3A_1058, %get3A_1059] : memref<1x200x64xf32, #tpu.memory_space<vmem>> -> memref<1x200x64xf32, #tpu.memory_space<vmem>>
        %get3A_1061 = tpu.memref_squeeze %get3A_1060 : memref<1x200x64xf32, #tpu.memory_space<vmem>> -> memref<200x64xf32, #tpu.memory_space<vmem>>
        %get3A_1062 = arith.index_cast %add3A_1053 : i32 to index
        %get3A_1063 = arith.constant 0 : index
        %get3A_1064 = tpu.vector_load %get3A_1061[%get3A_1062, %get3A_1063] {strides = array<i32>} : memref<200x64xf32, #tpu.memory_space<vmem>>, vector<1x16xf32>,
        %get3A_1065 = vector.shape_cast %get3A_1064 : vector<1x16xf32> to vector<1x16xf32>
        %mul3A_1066 = arith.constant 8.000000e+00 : f32
        %mul3A_1067 = vector.broadcast %mul3A_1066 : f32 to vector<1x16xf32>
        %mul3A_1068 = arith.mulf %get3A_1065, %mul3A_1067 : vector<1x16xf32>
        %swap3A = arith.constant 0 : i32
        %swap3A_1069 = arith.constant 0 : i32
        %swap3A_1070 = arith.constant 0 : i32
        %swap3A_1071 = tpu.memref_slice %arg7[%scan3A_741, %swap3A, %swap3A_1069, %swap3A_1070] : memref<2x1x200x64xf32, #tpu.memory_space<vmem>> -> memref<1x1x200x64xf32, #tpu.memory_space<vmem>>
        %swap3A_1072 = tpu.memref_squeeze %swap3A_1071 : memref<1x1x200x64xf32, #tpu.memory_space<vmem>> -> memref<1x200x64xf32, #tpu.memory_space<vmem>>
        %swap3A_1073 = arith.constant 0 : i32
        %swap3A_1074 = arith.constant 0 : i32
        %swap3A_1075 = tpu.memref_slice %swap3A_1072[%scan3A_742, %swap3A_1073, %swap3A_1074] : memref<1x200x64xf32, #tpu.memory_space<vmem>> -> memref<1x200x64xf32, #tpu.memory_space<vmem>>
        %swap3A_1076 = tpu.memref_squeeze %swap3A_1075 : memref<1x200x64xf32, #tpu.memory_space<vmem>> -> memref<200x64xf32, #tpu.memory_space<vmem>>
        %swap3A_1077 = arith.index_cast %add3A_1053 : i32 to index
        %swap3A_1078 = arith.constant 0 : index
        %swap3A_1079 = tpu.vector_load %swap3A_1076[%swap3A_1077, %swap3A_1078] {strides = array<i32>} : memref<200x64xf32, #tpu.memory_space<vmem>>, vector<1x16xf32>,
        %swap3A_1080 = vector.shape_cast %swap3A_1079 : vector<1x16xf32> to vector<1x16xf32>
        %swap3A_1081 = vector.shape_cast %mul3A_1068 : vector<1x16xf32> to vector<1x16xf32>
        tpu.vector_store %swap3A_1076[%swap3A_1077, %swap3A_1078], %swap3A_1081 {strides = array<i32>} : memref<200x64xf32, #tpu.memory_space<vmem>>, vector<1x16xf32>,
        %add3A_1082 = arith.constant 0 : i32
        %add3A_1083 = arith.addi %add3A_1051, %add3A_1082 : i32
        %get3A_1084 = arith.constant 0 : i32
        %get3A_1085 = arith.constant 0 : i32
        %get3A_1086 = arith.constant 0 : i32
        %get3A_1087 = tpu.memref_slice %arg6[%scan3A_739, %get3A_1084, %get3A_1085, %get3A_1086] : memref<4x1x200x64xf32, #tpu.memory_space<vmem>> -> memref<1x1x200x64xf32, #tpu.memory_space<vmem>>
        %get3A_1088 = tpu.memref_squeeze %get3A_1087 : memref<1x1x200x64xf32, #tpu.memory_space<vmem>> -> memref<1x200x64xf32, #tpu.memory_space<vmem>>
        %get3A_1089 = arith.constant 0 : i32
        %get3A_1090 = arith.constant 0 : i32
        %get3A_1091 = tpu.memref_slice %get3A_1088[%scan3A_740, %get3A_1089, %get3A_1090] : memref<1x200x64xf32, #tpu.memory_space<vmem>> -> memref<1x200x64xf32, #tpu.memory_space<vmem>>
        %get3A_1092 = tpu.memref_squeeze %get3A_1091 : memref<1x200x64xf32, #tpu.memory_space<vmem>> -> memref<200x64xf32, #tpu.memory_space<vmem>>
        %get3A_1093 = arith.index_cast %add3A_1083 : i32 to index
        %get3A_1094 = arith.constant 16 : index
        %get3A_1095 = tpu.vector_load %get3A_1092[%get3A_1093, %get3A_1094] {strides = array<i32>} : memref<200x64xf32, #tpu.memory_space<vmem>>, vector<1x16xf32>,
        %get3A_1096 = vector.shape_cast %get3A_1095 : vector<1x16xf32> to vector<1x16xf32>
        %mul3A_1097 = arith.constant 8.000000e+00 : f32
        %mul3A_1098 = vector.broadcast %mul3A_1097 : f32 to vector<1x16xf32>
        %mul3A_1099 = arith.mulf %get3A_1096, %mul3A_1098 : vector<1x16xf32>
        %swap3A_1100 = arith.constant 0 : i32
        %swap3A_1101 = arith.constant 0 : i32
        %swap3A_1102 = arith.constant 0 : i32
        %swap3A_1103 = tpu.memref_slice %arg7[%scan3A_741, %swap3A_1100, %swap3A_1101, %swap3A_1102] : memref<2x1x200x64xf32, #tpu.memory_space<vmem>> -> memref<1x1x200x64xf32, #tpu.memory_space<vmem>>
        %swap3A_1104 = tpu.memref_squeeze %swap3A_1103 : memref<1x1x200x64xf32, #tpu.memory_space<vmem>> -> memref<1x200x64xf32, #tpu.memory_space<vmem>>
        %swap3A_1105 = arith.constant 0 : i32
        %swap3A_1106 = arith.constant 0 : i32
        %swap3A_1107 = tpu.memref_slice %swap3A_1104[%scan3A_742, %swap3A_1105, %swap3A_1106] : memref<1x200x64xf32, #tpu.memory_space<vmem>> -> memref<1x200x64xf32, #tpu.memory_space<vmem>>
        %swap3A_1108 = tpu.memref_squeeze %swap3A_1107 : memref<1x200x64xf32, #tpu.memory_space<vmem>> -> memref<200x64xf32, #tpu.memory_space<vmem>>
        %swap3A_1109 = arith.index_cast %add3A_1083 : i32 to index
        %swap3A_1110 = arith.constant 16 : index
        %swap3A_1111 = tpu.vector_load %swap3A_1108[%swap3A_1109, %swap3A_1110] {strides = array<i32>} : memref<200x64xf32, #tpu.memory_space<vmem>>, vector<1x16xf32>,
        %swap3A_1112 = vector.shape_cast %swap3A_1111 : vector<1x16xf32> to vector<1x16xf32>
        %swap3A_1113 = vector.shape_cast %mul3A_1099 : vector<1x16xf32> to vector<1x16xf32>
        tpu.vector_store %swap3A_1108[%swap3A_1109, %swap3A_1110], %swap3A_1113 {strides = array<i32>} : memref<200x64xf32, #tpu.memory_space<vmem>>, vector<1x16xf32>,
        %add3A_1114 = arith.constant 0 : i32
        %add3A_1115 = arith.addi %add3A_1051, %add3A_1114 : i32
        %get3A_1116 = arith.constant 0 : i32
        %get3A_1117 = arith.constant 0 : i32
        %get3A_1118 = arith.constant 0 : i32
        %get3A_1119 = tpu.memref_slice %arg6[%scan3A_739, %get3A_1116, %get3A_1117, %get3A_1118] : memref<4x1x200x64xf32, #tpu.memory_space<vmem>> -> memref<1x1x200x64xf32, #tpu.memory_space<vmem>>
        %get3A_1120 = tpu.memref_squeeze %get3A_1119 : memref<1x1x200x64xf32, #tpu.memory_space<vmem>> -> memref<1x200x64xf32, #tpu.memory_space<vmem>>
        %get3A_1121 = arith.constant 0 : i32
        %get3A_1122 = arith.constant 0 : i32
        %get3A_1123 = tpu.memref_slice %get3A_1120[%scan3A_740, %get3A_1121, %get3A_1122] : memref<1x200x64xf32, #tpu.memory_space<vmem>> -> memref<1x200x64xf32, #tpu.memory_space<vmem>>
        %get3A_1124 = tpu.memref_squeeze %get3A_1123 : memref<1x200x64xf32, #tpu.memory_space<vmem>> -> memref<200x64xf32, #tpu.memory_space<vmem>>
        %get3A_1125 = arith.index_cast %add3A_1115 : i32 to index
        %get3A_1126 = arith.constant 32 : index
        %get3A_1127 = tpu.vector_load %get3A_1124[%get3A_1125, %get3A_1126] {strides = array<i32>} : memref<200x64xf32, #tpu.memory_space<vmem>>, vector<1x16xf32>,
        %get3A_1128 = vector.shape_cast %get3A_1127 : vector<1x16xf32> to vector<1x16xf32>
        %mul3A_1129 = arith.constant 8.000000e+00 : f32
        %mul3A_1130 = vector.broadcast %mul3A_1129 : f32 to vector<1x16xf32>
        %mul3A_1131 = arith.mulf %get3A_1128, %mul3A_1130 : vector<1x16xf32>
        %swap3A_1132 = arith.constant 0 : i32
        %swap3A_1133 = arith.constant 0 : i32
        %swap3A_1134 = arith.constant 0 : i32
        %swap3A_1135 = tpu.memref_slice %arg7[%scan3A_741, %swap3A_1132, %swap3A_1133, %swap3A_1134] : memref<2x1x200x64xf32, #tpu.memory_space<vmem>> -> memref<1x1x200x64xf32, #tpu.memory_space<vmem>>
        %swap3A_1136 = tpu.memref_squeeze %swap3A_1135 : memref<1x1x200x64xf32, #tpu.memory_space<vmem>> -> memref<1x200x64xf32, #tpu.memory_space<vmem>>
        %swap3A_1137 = arith.constant 0 : i32
        %swap3A_1138 = arith.constant 0 : i32
        %swap3A_1139 = tpu.memref_slice %swap3A_1136[%scan3A_742, %swap3A_1137, %swap3A_1138] : memref<1x200x64xf32, #tpu.memory_space<vmem>> -> memref<1x200x64xf32, #tpu.memory_space<vmem>>
        %swap3A_1140 = tpu.memref_squeeze %swap3A_1139 : memref<1x200x64xf32, #tpu.memory_space<vmem>> -> memref<200x64xf32, #tpu.memory_space<vmem>>
        %swap3A_1141 = arith.index_cast %add3A_1115 : i32 to index
        %swap3A_1142 = arith.constant 32 : index
        %swap3A_1143 = tpu.vector_load %swap3A_1140[%swap3A_1141, %swap3A_1142] {strides = array<i32>} : memref<200x64xf32, #tpu.memory_space<vmem>>, vector<1x16xf32>,
        %swap3A_1144 = vector.shape_cast %swap3A_1143 : vector<1x16xf32> to vector<1x16xf32>
        %swap3A_1145 = vector.shape_cast %mul3A_1131 : vector<1x16xf32> to vector<1x16xf32>
        tpu.vector_store %swap3A_1140[%swap3A_1141, %swap3A_1142], %swap3A_1145 {strides = array<i32>} : memref<200x64xf32, #tpu.memory_space<vmem>>, vector<1x16xf32>,
        %add3A_1146 = arith.constant 0 : i32
        %add3A_1147 = arith.addi %add3A_1051, %add3A_1146 : i32
        %get3A_1148 = arith.constant 0 : i32
        %get3A_1149 = arith.constant 0 : i32
        %get3A_1150 = arith.constant 0 : i32
        %get3A_1151 = tpu.memref_slice %arg6[%scan3A_739, %get3A_1148, %get3A_1149, %get3A_1150] : memref<4x1x200x64xf32, #tpu.memory_space<vmem>> -> memref<1x1x200x64xf32, #tpu.memory_space<vmem>>
        %get3A_1152 = tpu.memref_squeeze %get3A_1151 : memref<1x1x200x64xf32, #tpu.memory_space<vmem>> -> memref<1x200x64xf32, #tpu.memory_space<vmem>>
        %get3A_1153 = arith.constant 0 : i32
        %get3A_1154 = arith.constant 0 : i32
        %get3A_1155 = tpu.memref_slice %get3A_1152[%scan3A_740, %get3A_1153, %get3A_1154] : memref<1x200x64xf32, #tpu.memory_space<vmem>> -> memref<1x200x64xf32, #tpu.memory_space<vmem>>
        %get3A_1156 = tpu.memref_squeeze %get3A_1155 : memref<1x200x64xf32, #tpu.memory_space<vmem>> -> memref<200x64xf32, #tpu.memory_space<vmem>>
        %get3A_1157 = arith.index_cast %add3A_1147 : i32 to index
        %get3A_1158 = arith.constant 48 : index
        %get3A_1159 = tpu.vector_load %get3A_1156[%get3A_1157, %get3A_1158] {strides = array<i32>} : memref<200x64xf32, #tpu.memory_space<vmem>>, vector<1x16xf32>,
        %get3A_1160 = vector.shape_cast %get3A_1159 : vector<1x16xf32> to vector<1x16xf32>
        %mul3A_1161 = arith.constant 8.000000e+00 : f32
        %mul3A_1162 = vector.broadcast %mul3A_1161 : f32 to vector<1x16xf32>
        %mul3A_1163 = arith.mulf %get3A_1160, %mul3A_1162 : vector<1x16xf32>
        %swap3A_1164 = arith.constant 0 : i32
        %swap3A_1165 = arith.constant 0 : i32
        %swap3A_1166 = arith.constant 0 : i32
        %swap3A_1167 = tpu.memref_slice %arg7[%scan3A_741, %swap3A_1164, %swap3A_1165, %swap3A_1166] : memref<2x1x200x64xf32, #tpu.memory_space<vmem>> -> memref<1x1x200x64xf32, #tpu.memory_space<vmem>>
        %swap3A_1168 = tpu.memref_squeeze %swap3A_1167 : memref<1x1x200x64xf32, #tpu.memory_space<vmem>> -> memref<1x200x64xf32, #tpu.memory_space<vmem>>
        %swap3A_1169 = arith.constant 0 : i32
        %swap3A_1170 = arith.constant 0 : i32
        %swap3A_1171 = tpu.memref_slice %swap3A_1168[%scan3A_742, %swap3A_1169, %swap3A_1170] : memref<1x200x64xf32, #tpu.memory_space<vmem>> -> memref<1x200x64xf32, #tpu.memory_space<vmem>>
        %swap3A_1172 = tpu.memref_squeeze %swap3A_1171 : memref<1x200x64xf32, #tpu.memory_space<vmem>> -> memref<200x64xf32, #tpu.memory_space<vmem>>
        %swap3A_1173 = arith.index_cast %add3A_1147 : i32 to index
        %swap3A_1174 = arith.constant 48 : index
        %swap3A_1175 = tpu.vector_load %swap3A_1172[%swap3A_1173, %swap3A_1174] {strides = array<i32>} : memref<200x64xf32, #tpu.memory_space<vmem>>, vector<1x16xf32>,
        %swap3A_1176 = vector.shape_cast %swap3A_1175 : vector<1x16xf32> to vector<1x16xf32>
        %swap3A_1177 = vector.shape_cast %mul3A_1163 : vector<1x16xf32> to vector<1x16xf32>
        tpu.vector_store %swap3A_1172[%swap3A_1173, %swap3A_1174], %swap3A_1177 {strides = array<i32>} : memref<200x64xf32, #tpu.memory_space<vmem>>, vector<1x16xf32>,
        %add3A_1178 = arith.constant 1 : i32
        %add3A_1179 = arith.addi %add3A_1051, %add3A_1178 : i32
        %get3A_1180 = arith.constant 0 : i32
        %get3A_1181 = arith.constant 0 : i32
        %get3A_1182 = arith.constant 0 : i32
        %get3A_1183 = tpu.memref_slice %arg6[%scan3A_739, %get3A_1180, %get3A_1181, %get3A_1182] : memref<4x1x200x64xf32, #tpu.memory_space<vmem>> -> memref<1x1x200x64xf32, #tpu.memory_space<vmem>>
        %get3A_1184 = tpu.memref_squeeze %get3A_1183 : memref<1x1x200x64xf32, #tpu.memory_space<vmem>> -> memref<1x200x64xf32, #tpu.memory_space<vmem>>
        %get3A_1185 = arith.constant 0 : i32
        %get3A_1186 = arith.constant 0 : i32
        %get3A_1187 = tpu.memref_slice %get3A_1184[%scan3A_740, %get3A_1185, %get3A_1186] : memref<1x200x64xf32, #tpu.memory_space<vmem>> -> memref<1x200x64xf32, #tpu.memory_space<vmem>>
        %get3A_1188 = tpu.memref_squeeze %get3A_1187 : memref<1x200x64xf32, #tpu.memory_space<vmem>> -> memref<200x64xf32, #tpu.memory_space<vmem>>
        %get3A_1189 = arith.index_cast %add3A_1179 : i32 to index
        %get3A_1190 = arith.constant 0 : index
        %get3A_1191 = tpu.vector_load %get3A_1188[%get3A_1189, %get3A_1190] {strides = array<i32>} : memref<200x64xf32, #tpu.memory_space<vmem>>, vector<1x16xf32>,
        %get3A_1192 = vector.shape_cast %get3A_1191 : vector<1x16xf32> to vector<1x16xf32>
        %mul3A_1193 = arith.constant 8.000000e+00 : f32
        %mul3A_1194 = vector.broadcast %mul3A_1193 : f32 to vector<1x16xf32>
        %mul3A_1195 = arith.mulf %get3A_1192, %mul3A_1194 : vector<1x16xf32>
        %swap3A_1196 = arith.constant 0 : i32
        %swap3A_1197 = arith.constant 0 : i32
        %swap3A_1198 = arith.constant 0 : i32
        %swap3A_1199 = tpu.memref_slice %arg7[%scan3A_741, %swap3A_1196, %swap3A_1197, %swap3A_1198] : memref<2x1x200x64xf32, #tpu.memory_space<vmem>> -> memref<1x1x200x64xf32, #tpu.memory_space<vmem>>
        %swap3A_1200 = tpu.memref_squeeze %swap3A_1199 : memref<1x1x200x64xf32, #tpu.memory_space<vmem>> -> memref<1x200x64xf32, #tpu.memory_space<vmem>>
        %swap3A_1201 = arith.constant 0 : i32
        %swap3A_1202 = arith.constant 0 : i32
        %swap3A_1203 = tpu.memref_slice %swap3A_1200[%scan3A_742, %swap3A_1201, %swap3A_1202] : memref<1x200x64xf32, #tpu.memory_space<vmem>> -> memref<1x200x64xf32, #tpu.memory_space<vmem>>
        %swap3A_1204 = tpu.memref_squeeze %swap3A_1203 : memref<1x200x64xf32, #tpu.memory_space<vmem>> -> memref<200x64xf32, #tpu.memory_space<vmem>>
        %swap3A_1205 = arith.index_cast %add3A_1179 : i32 to index
        %swap3A_1206 = arith.constant 0 : index
        %swap3A_1207 = tpu.vector_load %swap3A_1204[%swap3A_1205, %swap3A_1206] {strides = array<i32>} : memref<200x64xf32, #tpu.memory_space<vmem>>, vector<1x16xf32>,
        %swap3A_1208 = vector.shape_cast %swap3A_1207 : vector<1x16xf32> to vector<1x16xf32>
        %swap3A_1209 = vector.shape_cast %mul3A_1195 : vector<1x16xf32> to vector<1x16xf32>
        tpu.vector_store %swap3A_1204[%swap3A_1205, %swap3A_1206], %swap3A_1209 {strides = array<i32>} : memref<200x64xf32, #tpu.memory_space<vmem>>, vector<1x16xf32>,
        %add3A_1210 = arith.constant 1 : i32
        %add3A_1211 = arith.addi %add3A_1051, %add3A_1210 : i32
        %get3A_1212 = arith.constant 0 : i32
        %get3A_1213 = arith.constant 0 : i32
        %get3A_1214 = arith.constant 0 : i32
        %get3A_1215 = tpu.memref_slice %arg6[%scan3A_739, %get3A_1212, %get3A_1213, %get3A_1214] : memref<4x1x200x64xf32, #tpu.memory_space<vmem>> -> memref<1x1x200x64xf32, #tpu.memory_space<vmem>>
        %get3A_1216 = tpu.memref_squeeze %get3A_1215 : memref<1x1x200x64xf32, #tpu.memory_space<vmem>> -> memref<1x200x64xf32, #tpu.memory_space<vmem>>
        %get3A_1217 = arith.constant 0 : i32
        %get3A_1218 = arith.constant 0 : i32
        %get3A_1219 = tpu.memref_slice %get3A_1216[%scan3A_740, %get3A_1217, %get3A_1218] : memref<1x200x64xf32, #tpu.memory_space<vmem>> -> memref<1x200x64xf32, #tpu.memory_space<vmem>>
        %get3A_1220 = tpu.memref_squeeze %get3A_1219 : memref<1x200x64xf32, #tpu.memory_space<vmem>> -> memref<200x64xf32, #tpu.memory_space<vmem>>
        %get3A_1221 = arith.index_cast %add3A_1211 : i32 to index
        %get3A_1222 = arith.constant 16 : index
        %get3A_1223 = tpu.vector_load %get3A_1220[%get3A_1221, %get3A_1222] {strides = array<i32>} : memref<200x64xf32, #tpu.memory_space<vmem>>, vector<1x16xf32>,
        %get3A_1224 = vector.shape_cast %get3A_1223 : vector<1x16xf32> to vector<1x16xf32>
        %mul3A_1225 = arith.constant 8.000000e+00 : f32
        %mul3A_1226 = vector.broadcast %mul3A_1225 : f32 to vector<1x16xf32>
        %mul3A_1227 = arith.mulf %get3A_1224, %mul3A_1226 : vector<1x16xf32>
        %swap3A_1228 = arith.constant 0 : i32
        %swap3A_1229 = arith.constant 0 : i32
        %swap3A_1230 = arith.constant 0 : i32
        %swap3A_1231 = tpu.memref_slice %arg7[%scan3A_741, %swap3A_1228, %swap3A_1229, %swap3A_1230] : memref<2x1x200x64xf32, #tpu.memory_space<vmem>> -> memref<1x1x200x64xf32, #tpu.memory_space<vmem>>
        %swap3A_1232 = tpu.memref_squeeze %swap3A_1231 : memref<1x1x200x64xf32, #tpu.memory_space<vmem>> -> memref<1x200x64xf32, #tpu.memory_space<vmem>>
        %swap3A_1233 = arith.constant 0 : i32
        %swap3A_1234 = arith.constant 0 : i32
        %swap3A_1235 = tpu.memref_slice %swap3A_1232[%scan3A_742, %swap3A_1233, %swap3A_1234] : memref<1x200x64xf32, #tpu.memory_space<vmem>> -> memref<1x200x64xf32, #tpu.memory_space<vmem>>
        %swap3A_1236 = tpu.memref_squeeze %swap3A_1235 : memref<1x200x64xf32, #tpu.memory_space<vmem>> -> memref<200x64xf32, #tpu.memory_space<vmem>>
        %swap3A_1237 = arith.index_cast %add3A_1211 : i32 to index
        %swap3A_1238 = arith.constant 16 : index
        %swap3A_1239 = tpu.vector_load %swap3A_1236[%swap3A_1237, %swap3A_1238] {strides = array<i32>} : memref<200x64xf32, #tpu.memory_space<vmem>>, vector<1x16xf32>,
        %swap3A_1240 = vector.shape_cast %swap3A_1239 : vector<1x16xf32> to vector<1x16xf32>
        %swap3A_1241 = vector.shape_cast %mul3A_1227 : vector<1x16xf32> to vector<1x16xf32>
        tpu.vector_store %swap3A_1236[%swap3A_1237, %swap3A_1238], %swap3A_1241 {strides = array<i32>} : memref<200x64xf32, #tpu.memory_space<vmem>>, vector<1x16xf32>,
        %add3A_1242 = arith.constant 1 : i32
        %add3A_1243 = arith.addi %add3A_1051, %add3A_1242 : i32
        %get3A_1244 = arith.constant 0 : i32
        %get3A_1245 = arith.constant 0 : i32
        %get3A_1246 = arith.constant 0 : i32
        %get3A_1247 = tpu.memref_slice %arg6[%scan3A_739, %get3A_1244, %get3A_1245, %get3A_1246] : memref<4x1x200x64xf32, #tpu.memory_space<vmem>> -> memref<1x1x200x64xf32, #tpu.memory_space<vmem>>
        %get3A_1248 = tpu.memref_squeeze %get3A_1247 : memref<1x1x200x64xf32, #tpu.memory_space<vmem>> -> memref<1x200x64xf32, #tpu.memory_space<vmem>>
        %get3A_1249 = arith.constant 0 : i32
        %get3A_1250 = arith.constant 0 : i32
        %get3A_1251 = tpu.memref_slice %get3A_1248[%scan3A_740, %get3A_1249, %get3A_1250] : memref<1x200x64xf32, #tpu.memory_space<vmem>> -> memref<1x200x64xf32, #tpu.memory_space<vmem>>
        %get3A_1252 = tpu.memref_squeeze %get3A_1251 : memref<1x200x64xf32, #tpu.memory_space<vmem>> -> memref<200x64xf32, #tpu.memory_space<vmem>>
        %get3A_1253 = arith.index_cast %add3A_1243 : i32 to index
        %get3A_1254 = arith.constant 32 : index
        %get3A_1255 = tpu.vector_load %get3A_1252[%get3A_1253, %get3A_1254] {strides = array<i32>} : memref<200x64xf32, #tpu.memory_space<vmem>>, vector<1x16xf32>,
        %get3A_1256 = vector.shape_cast %get3A_1255 : vector<1x16xf32> to vector<1x16xf32>
        %mul3A_1257 = arith.constant 8.000000e+00 : f32
        %mul3A_1258 = vector.broadcast %mul3A_1257 : f32 to vector<1x16xf32>
        %mul3A_1259 = arith.mulf %get3A_1256, %mul3A_1258 : vector<1x16xf32>
        %swap3A_1260 = arith.constant 0 : i32
        %swap3A_1261 = arith.constant 0 : i32
        %swap3A_1262 = arith.constant 0 : i32
        %swap3A_1263 = tpu.memref_slice %arg7[%scan3A_741, %swap3A_1260, %swap3A_1261, %swap3A_1262] : memref<2x1x200x64xf32, #tpu.memory_space<vmem>> -> memref<1x1x200x64xf32, #tpu.memory_space<vmem>>
        %swap3A_1264 = tpu.memref_squeeze %swap3A_1263 : memref<1x1x200x64xf32, #tpu.memory_space<vmem>> -> memref<1x200x64xf32, #tpu.memory_space<vmem>>
        %swap3A_1265 = arith.constant 0 : i32
        %swap3A_1266 = arith.constant 0 : i32
        %swap3A_1267 = tpu.memref_slice %swap3A_1264[%scan3A_742, %swap3A_1265, %swap3A_1266] : memref<1x200x64xf32, #tpu.memory_space<vmem>> -> memref<1x200x64xf32, #tpu.memory_space<vmem>>
        %swap3A_1268 = tpu.memref_squeeze %swap3A_1267 : memref<1x200x64xf32, #tpu.memory_space<vmem>> -> memref<200x64xf32, #tpu.memory_space<vmem>>
        %swap3A_1269 = arith.index_cast %add3A_1243 : i32 to index
        %swap3A_1270 = arith.constant 32 : index
        %swap3A_1271 = tpu.vector_load %swap3A_1268[%swap3A_1269, %swap3A_1270] {strides = array<i32>} : memref<200x64xf32, #tpu.memory_space<vmem>>, vector<1x16xf32>,
        %swap3A_1272 = vector.shape_cast %swap3A_1271 : vector<1x16xf32> to vector<1x16xf32>
        %swap3A_1273 = vector.shape_cast %mul3A_1259 : vector<1x16xf32> to vector<1x16xf32>
        tpu.vector_store %swap3A_1268[%swap3A_1269, %swap3A_1270], %swap3A_1273 {strides = array<i32>} : memref<200x64xf32, #tpu.memory_space<vmem>>, vector<1x16xf32>,
        %add3A_1274 = arith.constant 1 : i32
        %add3A_1275 = arith.addi %add3A_1051, %add3A_1274 : i32
        %get3A_1276 = arith.constant 0 : i32
        %get3A_1277 = arith.constant 0 : i32
        %get3A_1278 = arith.constant 0 : i32
        %get3A_1279 = tpu.memref_slice %arg6[%scan3A_739, %get3A_1276, %get3A_1277, %get3A_1278] : memref<4x1x200x64xf32, #tpu.memory_space<vmem>> -> memref<1x1x200x64xf32, #tpu.memory_space<vmem>>
        %get3A_1280 = tpu.memref_squeeze %get3A_1279 : memref<1x1x200x64xf32, #tpu.memory_space<vmem>> -> memref<1x200x64xf32, #tpu.memory_space<vmem>>
        %get3A_1281 = arith.constant 0 : i32
        %get3A_1282 = arith.constant 0 : i32
        %get3A_1283 = tpu.memref_slice %get3A_1280[%scan3A_740, %get3A_1281, %get3A_1282] : memref<1x200x64xf32, #tpu.memory_space<vmem>> -> memref<1x200x64xf32, #tpu.memory_space<vmem>>
        %get3A_1284 = tpu.memref_squeeze %get3A_1283 : memref<1x200x64xf32, #tpu.memory_space<vmem>> -> memref<200x64xf32, #tpu.memory_space<vmem>>
        %get3A_1285 = arith.index_cast %add3A_1275 : i32 to index
        %get3A_1286 = arith.constant 48 : index
        %get3A_1287 = tpu.vector_load %get3A_1284[%get3A_1285, %get3A_1286] {strides = array<i32>} : memref<200x64xf32, #tpu.memory_space<vmem>>, vector<1x16xf32>,
        %get3A_1288 = vector.shape_cast %get3A_1287 : vector<1x16xf32> to vector<1x16xf32>
        %mul3A_1289 = arith.constant 8.000000e+00 : f32
        %mul3A_1290 = vector.broadcast %mul3A_1289 : f32 to vector<1x16xf32>
        %mul3A_1291 = arith.mulf %get3A_1288, %mul3A_1290 : vector<1x16xf32>
        %swap3A_1292 = arith.constant 0 : i32
        %swap3A_1293 = arith.constant 0 : i32
        %swap3A_1294 = arith.constant 0 : i32
        %swap3A_1295 = tpu.memref_slice %arg7[%scan3A_741, %swap3A_1292, %swap3A_1293, %swap3A_1294] : memref<2x1x200x64xf32, #tpu.memory_space<vmem>> -> memref<1x1x200x64xf32, #tpu.memory_space<vmem>>
        %swap3A_1296 = tpu.memref_squeeze %swap3A_1295 : memref<1x1x200x64xf32, #tpu.memory_space<vmem>> -> memref<1x200x64xf32, #tpu.memory_space<vmem>>
        %swap3A_1297 = arith.constant 0 : i32
        %swap3A_1298 = arith.constant 0 : i32
        %swap3A_1299 = tpu.memref_slice %swap3A_1296[%scan3A_742, %swap3A_1297, %swap3A_1298] : memref<1x200x64xf32, #tpu.memory_space<vmem>> -> memref<1x200x64xf32, #tpu.memory_space<vmem>>
        %swap3A_1300 = tpu.memref_squeeze %swap3A_1299 : memref<1x200x64xf32, #tpu.memory_space<vmem>> -> memref<200x64xf32, #tpu.memory_space<vmem>>
        %swap3A_1301 = arith.index_cast %add3A_1275 : i32 to index
        %swap3A_1302 = arith.constant 48 : index
        %swap3A_1303 = tpu.vector_load %swap3A_1300[%swap3A_1301, %swap3A_1302] {strides = array<i32>} : memref<200x64xf32, #tpu.memory_space<vmem>>, vector<1x16xf32>,
        %swap3A_1304 = vector.shape_cast %swap3A_1303 : vector<1x16xf32> to vector<1x16xf32>
        %swap3A_1305 = vector.shape_cast %mul3A_1291 : vector<1x16xf32> to vector<1x16xf32>
        tpu.vector_store %swap3A_1300[%swap3A_1301, %swap3A_1302], %swap3A_1305 {strides = array<i32>} : memref<200x64xf32, #tpu.memory_space<vmem>>, vector<1x16xf32>,
      }
      %scan3A_747 = arith.constant 100 : i32
      %add3A_748 = arith.constant 4 : i32
      %add3A_749 = arith.addi %add3A_701, %add3A_748 : i32
      %dma_start3A_750 = arith.constant 0 : i32
      %dma_start3A_751 = arith.constant 0 : i32
      %dma_start3A_752 = arith.constant 0 : i32
      %dma_start3A_753 = arith.constant 0 : i32
      %dma_start3A_754 = arith.constant 0 : i32
      %dma_start3A_755 = tpu.memref_slice %arg6[%dma_start3A_750, %dma_start3A_751, %dma_start3A_753, %dma_start3A_754] : memref<4x1x200x64xf32, #tpu.memory_space<vmem>> -> memref<1x1x200x64xf32, #tpu.memory_space<vmem>>
      %dma_start3A_756 = tpu.memref_squeeze %dma_start3A_755 : memref<1x1x200x64xf32, #tpu.memory_space<vmem>> -> memref<200x64xf32, #tpu.memory_space<vmem>>
      %dma_start3A_757 = arith.constant 0 : i32
      %dma_start3A_758 = tpu.memref_slice %arg5[%add3A_749, %dma_start3A_757] : memref<128x200xi32, #tpu.memory_space<vmem>> -> memref<1x200xi32, #tpu.memory_space<vmem>>
      %dma_start3A_759 = tpu.memref_squeeze %dma_start3A_758 : memref<1x200xi32, #tpu.memory_space<vmem>> -> memref<200xi32, #tpu.memory_space<vmem>>
      %dma_start3A_760 = arith.constant 0 : i32
      %dma_start3A_761 = arith.constant 0 : i32
      %dma_start3A_762 = tpu.memref_slice %arg2[%dma_start3A_760, %dma_start3A_761] : memref<1000000x64xf32, #tpu.memory_space<hbm>> -> memref<1000000x64xf32, #tpu.memory_space<hbm>>
      %dma_start3A_763 = tpu.memref_slice %arg8[%dma_start3A_752] : memref<4x!tpu.dma_semaphore, #tpu.memory_space<semaphore_mem>> -> memref<1x!tpu.dma_semaphore, #tpu.memory_space<semaphore_mem>>
      %dma_start3A_764 = tpu.memref_squeeze %dma_start3A_763 : memref<1x!tpu.dma_semaphore, #tpu.memory_space<semaphore_mem>> -> memref<!tpu.dma_semaphore, #tpu.memory_space<semaphore_mem>>
      tpu.enqueue_indirect_dma source(%dma_start3A_762 : memref<1000000x64xf32, #tpu.memory_space<hbm>>) target(%dma_start3A_756 : memref<200x64xf32, #tpu.memory_space<vmem>>) offsets(%dma_start3A_759 : memref<200xi32, #tpu.memory_space<vmem>>) semaphore(%dma_start3A_764 : memref<!tpu.dma_semaphore, #tpu.memory_space<semaphore_mem>>)
      %add3A_765 = arith.addi %mul3A_2, %add3A_701 : i32
      %dma_start3A_766 = arith.constant 0 : i32
      %dma_start3A_767 = arith.constant 0 : i32
      %dma_start3A_768 = arith.constant 0 : i32
      %dma_start3A_769 = arith.constant 0 : i32
      %dma_start3A_770 = arith.constant 0 : i32
      %dma_start3A_771 = tpu.memref_slice %arg7[%dma_start3A_766, %dma_start3A_768, %dma_start3A_769, %dma_start3A_770] : memref<2x1x200x64xf32, #tpu.memory_space<vmem>> -> memref<1x1x200x64xf32, #tpu.memory_space<vmem>>
      %dma_start3A_772 = tpu.memref_squeeze %dma_start3A_771 : memref<1x1x200x64xf32, #tpu.memory_space<vmem>> -> memref<1x200x64xf32, #tpu.memory_space<vmem>>
      %dma_start3A_773 = arith.constant 0 : i32
      %dma_start3A_774 = arith.constant 0 : i32
      %dma_start3A_775 = tpu.memref_slice %arg4[%add3A_765, %dma_start3A_773, %dma_start3A_774] : memref<4096x200x64xf32, #tpu.memory_space<hbm>> -> memref<1x200x64xf32, #tpu.memory_space<hbm>>
      %dma_start3A_776 = tpu.memref_slice %arg9[%dma_start3A_767] : memref<2x!tpu.dma_semaphore, #tpu.memory_space<semaphore_mem>> -> memref<1x!tpu.dma_semaphore, #tpu.memory_space<semaphore_mem>>
      %dma_start3A_777 = tpu.memref_squeeze %dma_start3A_776 : memref<1x!tpu.dma_semaphore, #tpu.memory_space<semaphore_mem>> -> memref<!tpu.dma_semaphore, #tpu.memory_space<semaphore_mem>>
      %dma_start3A_778 = arith.constant 0 : i32
      %dma_start3A_779 = arith.constant 0 : i32
      %dma_start3A_780 = tpu.memref_slice %arg4[%add3A_765, %dma_start3A_778, %dma_start3A_779] : memref<4096x200x64xf32, #tpu.memory_space<hbm>> -> memref<1x200x64xf32, #tpu.memory_space<hbm>>
      %dma_start3A_781 = arith.constant 0 : i32
      %dma_start3A_782 = arith.constant 0 : i32
      %dma_start3A_783 = arith.constant 0 : i32
      %dma_start3A_784 = tpu.memref_slice %arg7[%dma_start3A_766, %dma_start3A_781, %dma_start3A_782, %dma_start3A_783] : memref<2x1x200x64xf32, #tpu.memory_space<vmem>> -> memref<1x1x200x64xf32, #tpu.memory_space<vmem>>
      %dma_start3A_785 = tpu.memref_squeeze %dma_start3A_784 : memref<1x1x200x64xf32, #tpu.memory_space<vmem>> -> memref<1x200x64xf32, #tpu.memory_space<vmem>>
      tpu.enqueue_dma source(%dma_start3A_785 : memref<1x200x64xf32, #tpu.memory_space<vmem>>) target(%dma_start3A_780 : memref<1x200x64xf32, #tpu.memory_space<hbm>>) target_semaphore(%dma_start3A_777 : memref<!tpu.dma_semaphore, #tpu.memory_space<semaphore_mem>>)
      %add3A_786 = arith.constant 1 : i32
      %add3A_787 = arith.addi %mul3A_699, %add3A_786 : i32
      %dma_wait3A_788 = arith.constant 1 : i32
      %dma_wait3A_789 = arith.constant 0 : i32
      %dma_wait3A_790 = arith.constant 1 : i32
      %dma_wait3A_791 = arith.constant 0 : i32
      %dma_wait3A_792 = arith.constant 0 : i32
      %dma_wait3A_793 = tpu.memref_slice %arg6[%dma_wait3A_788, %dma_wait3A_789, %dma_wait3A_791, %dma_wait3A_792] : memref<4x1x200x64xf32, #tpu.memory_space<vmem>> -> memref<1x1x200x64xf32, #tpu.memory_space<vmem>>
      %dma_wait3A_794 = tpu.memref_squeeze %dma_wait3A_793 : memref<1x1x200x64xf32, #tpu.memory_space<vmem>> -> memref<200x64xf32, #tpu.memory_space<vmem>>
      %dma_wait3A_795 = arith.constant 0 : i32
      %dma_wait3A_796 = tpu.memref_slice %arg5[%add3A_787, %dma_wait3A_795] : memref<128x200xi32, #tpu.memory_space<vmem>> -> memref<1x200xi32, #tpu.memory_space<vmem>>
      %dma_wait3A_797 = tpu.memref_squeeze %dma_wait3A_796 : memref<1x200xi32, #tpu.memory_space<vmem>> -> memref<200xi32, #tpu.memory_space<vmem>>
      %dma_wait3A_798 = arith.constant 0 : i32
      %dma_wait3A_799 = arith.constant 0 : i32
      %dma_wait3A_800 = tpu.memref_slice %arg2[%dma_wait3A_798, %dma_wait3A_799] : memref<1000000x64xf32, #tpu.memory_space<hbm>> -> memref<1000000x64xf32, #tpu.memory_space<hbm>>
      %dma_wait3A_801 = tpu.memref_slice %arg8[%dma_wait3A_790] : memref<4x!tpu.dma_semaphore, #tpu.memory_space<semaphore_mem>> -> memref<1x!tpu.dma_semaphore, #tpu.memory_space<semaphore_mem>>
      %dma_wait3A_802 = tpu.memref_squeeze %dma_wait3A_801 : memref<1x!tpu.dma_semaphore, #tpu.memory_space<semaphore_mem>> -> memref<!tpu.dma_semaphore, #tpu.memory_space<semaphore_mem>>
      tpu.wait_indirect_dma semaphore(%dma_wait3A_802 : memref<!tpu.dma_semaphore, #tpu.memory_space<semaphore_mem>>) src(%dma_wait3A_800 : memref<1000000x64xf32, #tpu.memory_space<hbm>>) dst(%dma_wait3A_794 : memref<200x64xf32, #tpu.memory_space<vmem>>)
      %sub3A_803 = arith.constant 2 : i32
      %sub3A_804 = arith.subi %add3A_787, %sub3A_803 : i32
      %add3A_805 = arith.addi %mul3A_2, %sub3A_804 : i32
      %dma_wait3A_806 = arith.constant 1 : i32
      %dma_wait3A_807 = arith.constant 1 : i32
      %dma_wait3A_808 = arith.constant 0 : i32
      %dma_wait3A_809 = arith.constant 0 : i32
      %dma_wait3A_810 = arith.constant 0 : i32
      %dma_wait3A_811 = tpu.memref_slice %arg7[%dma_wait3A_806, %dma_wait3A_808, %dma_wait3A_809, %dma_wait3A_810] : memref<2x1x200x64xf32, #tpu.memory_space<vmem>> -> memref<1x1x200x64xf32, #tpu.memory_space<vmem>>
      %dma_wait3A_812 = tpu.memref_squeeze %dma_wait3A_811 : memref<1x1x200x64xf32, #tpu.memory_space<vmem>> -> memref<1x200x64xf32, #tpu.memory_space<vmem>>
      %dma_wait3A_813 = arith.constant 0 : i32
      %dma_wait3A_814 = arith.constant 0 : i32
      %dma_wait3A_815 = tpu.memref_slice %arg4[%add3A_805, %dma_wait3A_813, %dma_wait3A_814] : memref<4096x200x64xf32, #tpu.memory_space<hbm>> -> memref<1x200x64xf32, #tpu.memory_space<hbm>>
      %dma_wait3A_816 = tpu.memref_slice %arg9[%dma_wait3A_807] : memref<2x!tpu.dma_semaphore, #tpu.memory_space<semaphore_mem>> -> memref<1x!tpu.dma_semaphore, #tpu.memory_space<semaphore_mem>>
      %dma_wait3A_817 = tpu.memref_squeeze %dma_wait3A_816 : memref<1x!tpu.dma_semaphore, #tpu.memory_space<semaphore_mem>> -> memref<!tpu.dma_semaphore, #tpu.memory_space<semaphore_mem>>
      %dma_wait3A_818 = arith.constant 0 : i32
      %dma_wait3A_819 = arith.constant 0 : i32
      %dma_wait3A_820 = tpu.memref_slice %arg4[%add3A_805, %dma_wait3A_818, %dma_wait3A_819] : memref<4096x200x64xf32, #tpu.memory_space<hbm>> -> memref<1x200x64xf32, #tpu.memory_space<hbm>>
      %dma_wait3A_821 = arith.constant 0 : i32
      %dma_wait3A_822 = arith.constant 0 : i32
      %dma_wait3A_823 = arith.constant 0 : i32
      %dma_wait3A_824 = tpu.memref_slice %arg7[%dma_wait3A_806, %dma_wait3A_821, %dma_wait3A_822, %dma_wait3A_823] : memref<2x1x200x64xf32, #tpu.memory_space<vmem>> -> memref<1x1x200x64xf32, #tpu.memory_space<vmem>>
      %dma_wait3A_825 = tpu.memref_squeeze %dma_wait3A_824 : memref<1x1x200x64xf32, #tpu.memory_space<vmem>> -> memref<1x200x64xf32, #tpu.memory_space<vmem>>
      tpu.wait_dma2 semaphore(%dma_wait3A_817 : memref<!tpu.dma_semaphore, #tpu.memory_space<semaphore_mem>>) src(%dma_wait3A_825 : memref<1x200x64xf32, #tpu.memory_space<vmem>>) dst(%dma_wait3A_820 : memref<1x200x64xf32, #tpu.memory_space<hbm>>)
      %scan3A_826 = arith.constant 1 : i32
      %scan3A_827 = arith.constant 0 : i32
      %scan3A_828 = arith.constant 1 : i32
      %scan3A_829 = arith.constant 0 : i32
      %scan3A_830 = arith.constant 0 : i32
      %scan3A_831 = arith.constant 100 : i32
      %scan3A_832 = arith.addi %scan3A_830, %scan3A_831 : i32
      %scan3A_833 = arith.constant 1 : i32
      scf.for %scan3A_1047 = %scan3A_830 to %scan3A_832 step %scan3A_833  : i32 {
        %mul3A_1048 = arith.constant 2 : i32
        %mul3A_1049 = arith.muli %scan3A_1047, %mul3A_1048 : i32
        %add3A_1050 = arith.constant 0 : i32
        %add3A_1051 = arith.addi %add3A_1050, %mul3A_1049 : i32
        %add3A_1052 = arith.constant 0 : i32
        %add3A_1053 = arith.addi %add3A_1051, %add3A_1052 : i32
        %get3A = arith.constant 0 : i32
        %get3A_1054 = arith.constant 0 : i32
        %get3A_1055 = arith.constant 0 : i32
        %get3A_1056 = tpu.memref_slice %arg6[%scan3A_826, %get3A, %get3A_1054, %get3A_1055] : memref<4x1x200x64xf32, #tpu.memory_space<vmem>> -> memref<1x1x200x64xf32, #tpu.memory_space<vmem>>
        %get3A_1057 = tpu.memref_squeeze %get3A_1056 : memref<1x1x200x64xf32, #tpu.memory_space<vmem>> -> memref<1x200x64xf32, #tpu.memory_space<vmem>>
        %get3A_1058 = arith.constant 0 : i32
        %get3A_1059 = arith.constant 0 : i32
        %get3A_1060 = tpu.memref_slice %get3A_1057[%scan3A_827, %get3A_1058, %get3A_1059] : memref<1x200x64xf32, #tpu.memory_space<vmem>> -> memref<1x200x64xf32, #tpu.memory_space<vmem>>
        %get3A_1061 = tpu.memref_squeeze %get3A_1060 : memref<1x200x64xf32, #tpu.memory_space<vmem>> -> memref<200x64xf32, #tpu.memory_space<vmem>>
        %get3A_1062 = arith.index_cast %add3A_1053 : i32 to index
        %get3A_1063 = arith.constant 0 : index
        %get3A_1064 = tpu.vector_load %get3A_1061[%get3A_1062, %get3A_1063] {strides = array<i32>} : memref<200x64xf32, #tpu.memory_space<vmem>>, vector<1x16xf32>,
        %get3A_1065 = vector.shape_cast %get3A_1064 : vector<1x16xf32> to vector<1x16xf32>
        %mul3A_1066 = arith.constant 8.000000e+00 : f32
        %mul3A_1067 = vector.broadcast %mul3A_1066 : f32 to vector<1x16xf32>
        %mul3A_1068 = arith.mulf %get3A_1065, %mul3A_1067 : vector<1x16xf32>
        %swap3A = arith.constant 0 : i32
        %swap3A_1069 = arith.constant 0 : i32
        %swap3A_1070 = arith.constant 0 : i32
        %swap3A_1071 = tpu.memref_slice %arg7[%scan3A_828, %swap3A, %swap3A_1069, %swap3A_1070] : memref<2x1x200x64xf32, #tpu.memory_space<vmem>> -> memref<1x1x200x64xf32, #tpu.memory_space<vmem>>
        %swap3A_1072 = tpu.memref_squeeze %swap3A_1071 : memref<1x1x200x64xf32, #tpu.memory_space<vmem>> -> memref<1x200x64xf32, #tpu.memory_space<vmem>>
        %swap3A_1073 = arith.constant 0 : i32
        %swap3A_1074 = arith.constant 0 : i32
        %swap3A_1075 = tpu.memref_slice %swap3A_1072[%scan3A_829, %swap3A_1073, %swap3A_1074] : memref<1x200x64xf32, #tpu.memory_space<vmem>> -> memref<1x200x64xf32, #tpu.memory_space<vmem>>
        %swap3A_1076 = tpu.memref_squeeze %swap3A_1075 : memref<1x200x64xf32, #tpu.memory_space<vmem>> -> memref<200x64xf32, #tpu.memory_space<vmem>>
        %swap3A_1077 = arith.index_cast %add3A_1053 : i32 to index
        %swap3A_1078 = arith.constant 0 : index
        %swap3A_1079 = tpu.vector_load %swap3A_1076[%swap3A_1077, %swap3A_1078] {strides = array<i32>} : memref<200x64xf32, #tpu.memory_space<vmem>>, vector<1x16xf32>,
        %swap3A_1080 = vector.shape_cast %swap3A_1079 : vector<1x16xf32> to vector<1x16xf32>
        %swap3A_1081 = vector.shape_cast %mul3A_1068 : vector<1x16xf32> to vector<1x16xf32>
        tpu.vector_store %swap3A_1076[%swap3A_1077, %swap3A_1078], %swap3A_1081 {strides = array<i32>} : memref<200x64xf32, #tpu.memory_space<vmem>>, vector<1x16xf32>,
        %add3A_1082 = arith.constant 0 : i32
        %add3A_1083 = arith.addi %add3A_1051, %add3A_1082 : i32
        %get3A_1084 = arith.constant 0 : i32
        %get3A_1085 = arith.constant 0 : i32
        %get3A_1086 = arith.constant 0 : i32
        %get3A_1087 = tpu.memref_slice %arg6[%scan3A_826, %get3A_1084, %get3A_1085, %get3A_1086] : memref<4x1x200x64xf32, #tpu.memory_space<vmem>> -> memref<1x1x200x64xf32, #tpu.memory_space<vmem>>
        %get3A_1088 = tpu.memref_squeeze %get3A_1087 : memref<1x1x200x64xf32, #tpu.memory_space<vmem>> -> memref<1x200x64xf32, #tpu.memory_space<vmem>>
        %get3A_1089 = arith.constant 0 : i32
        %get3A_1090 = arith.constant 0 : i32
        %get3A_1091 = tpu.memref_slice %get3A_1088[%scan3A_827, %get3A_1089, %get3A_1090] : memref<1x200x64xf32, #tpu.memory_space<vmem>> -> memref<1x200x64xf32, #tpu.memory_space<vmem>>
        %get3A_1092 = tpu.memref_squeeze %get3A_1091 : memref<1x200x64xf32, #tpu.memory_space<vmem>> -> memref<200x64xf32, #tpu.memory_space<vmem>>
        %get3A_1093 = arith.index_cast %add3A_1083 : i32 to index
        %get3A_1094 = arith.constant 16 : index
        %get3A_1095 = tpu.vector_load %get3A_1092[%get3A_1093, %get3A_1094] {strides = array<i32>} : memref<200x64xf32, #tpu.memory_space<vmem>>, vector<1x16xf32>,
        %get3A_1096 = vector.shape_cast %get3A_1095 : vector<1x16xf32> to vector<1x16xf32>
        %mul3A_1097 = arith.constant 8.000000e+00 : f32
        %mul3A_1098 = vector.broadcast %mul3A_1097 : f32 to vector<1x16xf32>
        %mul3A_1099 = arith.mulf %get3A_1096, %mul3A_1098 : vector<1x16xf32>
        %swap3A_1100 = arith.constant 0 : i32
        %swap3A_1101 = arith.constant 0 : i32
        %swap3A_1102 = arith.constant 0 : i32
        %swap3A_1103 = tpu.memref_slice %arg7[%scan3A_828, %swap3A_1100, %swap3A_1101, %swap3A_1102] : memref<2x1x200x64xf32, #tpu.memory_space<vmem>> -> memref<1x1x200x64xf32, #tpu.memory_space<vmem>>
        %swap3A_1104 = tpu.memref_squeeze %swap3A_1103 : memref<1x1x200x64xf32, #tpu.memory_space<vmem>> -> memref<1x200x64xf32, #tpu.memory_space<vmem>>
        %swap3A_1105 = arith.constant 0 : i32
        %swap3A_1106 = arith.constant 0 : i32
        %swap3A_1107 = tpu.memref_slice %swap3A_1104[%scan3A_829, %swap3A_1105, %swap3A_1106] : memref<1x200x64xf32, #tpu.memory_space<vmem>> -> memref<1x200x64xf32, #tpu.memory_space<vmem>>
        %swap3A_1108 = tpu.memref_squeeze %swap3A_1107 : memref<1x200x64xf32, #tpu.memory_space<vmem>> -> memref<200x64xf32, #tpu.memory_space<vmem>>
        %swap3A_1109 = arith.index_cast %add3A_1083 : i32 to index
        %swap3A_1110 = arith.constant 16 : index
        %swap3A_1111 = tpu.vector_load %swap3A_1108[%swap3A_1109, %swap3A_1110] {strides = array<i32>} : memref<200x64xf32, #tpu.memory_space<vmem>>, vector<1x16xf32>,
        %swap3A_1112 = vector.shape_cast %swap3A_1111 : vector<1x16xf32> to vector<1x16xf32>
        %swap3A_1113 = vector.shape_cast %mul3A_1099 : vector<1x16xf32> to vector<1x16xf32>
        tpu.vector_store %swap3A_1108[%swap3A_1109, %swap3A_1110], %swap3A_1113 {strides = array<i32>} : memref<200x64xf32, #tpu.memory_space<vmem>>, vector<1x16xf32>,
        %add3A_1114 = arith.constant 0 : i32
        %add3A_1115 = arith.addi %add3A_1051, %add3A_1114 : i32
        %get3A_1116 = arith.constant 0 : i32
        %get3A_1117 = arith.constant 0 : i32
        %get3A_1118 = arith.constant 0 : i32
        %get3A_1119 = tpu.memref_slice %arg6[%scan3A_826, %get3A_1116, %get3A_1117, %get3A_1118] : memref<4x1x200x64xf32, #tpu.memory_space<vmem>> -> memref<1x1x200x64xf32, #tpu.memory_space<vmem>>
        %get3A_1120 = tpu.memref_squeeze %get3A_1119 : memref<1x1x200x64xf32, #tpu.memory_space<vmem>> -> memref<1x200x64xf32, #tpu.memory_space<vmem>>
        %get3A_1121 = arith.constant 0 : i32
        %get3A_1122 = arith.constant 0 : i32
        %get3A_1123 = tpu.memref_slice %get3A_1120[%scan3A_827, %get3A_1121, %get3A_1122] : memref<1x200x64xf32, #tpu.memory_space<vmem>> -> memref<1x200x64xf32, #tpu.memory_space<vmem>>
        %get3A_1124 = tpu.memref_squeeze %get3A_1123 : memref<1x200x64xf32, #tpu.memory_space<vmem>> -> memref<200x64xf32, #tpu.memory_space<vmem>>
        %get3A_1125 = arith.index_cast %add3A_1115 : i32 to index
        %get3A_1126 = arith.constant 32 : index
        %get3A_1127 = tpu.vector_load %get3A_1124[%get3A_1125, %get3A_1126] {strides = array<i32>} : memref<200x64xf32, #tpu.memory_space<vmem>>, vector<1x16xf32>,
        %get3A_1128 = vector.shape_cast %get3A_1127 : vector<1x16xf32> to vector<1x16xf32>
        %mul3A_1129 = arith.constant 8.000000e+00 : f32
        %mul3A_1130 = vector.broadcast %mul3A_1129 : f32 to vector<1x16xf32>
        %mul3A_1131 = arith.mulf %get3A_1128, %mul3A_1130 : vector<1x16xf32>
        %swap3A_1132 = arith.constant 0 : i32
        %swap3A_1133 = arith.constant 0 : i32
        %swap3A_1134 = arith.constant 0 : i32
        %swap3A_1135 = tpu.memref_slice %arg7[%scan3A_828, %swap3A_1132, %swap3A_1133, %swap3A_1134] : memref<2x1x200x64xf32, #tpu.memory_space<vmem>> -> memref<1x1x200x64xf32, #tpu.memory_space<vmem>>
        %swap3A_1136 = tpu.memref_squeeze %swap3A_1135 : memref<1x1x200x64xf32, #tpu.memory_space<vmem>> -> memref<1x200x64xf32, #tpu.memory_space<vmem>>
        %swap3A_1137 = arith.constant 0 : i32
        %swap3A_1138 = arith.constant 0 : i32
        %swap3A_1139 = tpu.memref_slice %swap3A_1136[%scan3A_829, %swap3A_1137, %swap3A_1138] : memref<1x200x64xf32, #tpu.memory_space<vmem>> -> memref<1x200x64xf32, #tpu.memory_space<vmem>>
        %swap3A_1140 = tpu.memref_squeeze %swap3A_1139 : memref<1x200x64xf32, #tpu.memory_space<vmem>> -> memref<200x64xf32, #tpu.memory_space<vmem>>
        %swap3A_1141 = arith.index_cast %add3A_1115 : i32 to index
        %swap3A_1142 = arith.constant 32 : index
        %swap3A_1143 = tpu.vector_load %swap3A_1140[%swap3A_1141, %swap3A_1142] {strides = array<i32>} : memref<200x64xf32, #tpu.memory_space<vmem>>, vector<1x16xf32>,
        %swap3A_1144 = vector.shape_cast %swap3A_1143 : vector<1x16xf32> to vector<1x16xf32>
        %swap3A_1145 = vector.shape_cast %mul3A_1131 : vector<1x16xf32> to vector<1x16xf32>
        tpu.vector_store %swap3A_1140[%swap3A_1141, %swap3A_1142], %swap3A_1145 {strides = array<i32>} : memref<200x64xf32, #tpu.memory_space<vmem>>, vector<1x16xf32>,
        %add3A_1146 = arith.constant 0 : i32
        %add3A_1147 = arith.addi %add3A_1051, %add3A_1146 : i32
        %get3A_1148 = arith.constant 0 : i32
        %get3A_1149 = arith.constant 0 : i32
        %get3A_1150 = arith.constant 0 : i32
        %get3A_1151 = tpu.memref_slice %arg6[%scan3A_826, %get3A_1148, %get3A_1149, %get3A_1150] : memref<4x1x200x64xf32, #tpu.memory_space<vmem>> -> memref<1x1x200x64xf32, #tpu.memory_space<vmem>>
        %get3A_1152 = tpu.memref_squeeze %get3A_1151 : memref<1x1x200x64xf32, #tpu.memory_space<vmem>> -> memref<1x200x64xf32, #tpu.memory_space<vmem>>
        %get3A_1153 = arith.constant 0 : i32
        %get3A_1154 = arith.constant 0 : i32
        %get3A_1155 = tpu.memref_slice %get3A_1152[%scan3A_827, %get3A_1153, %get3A_1154] : memref<1x200x64xf32, #tpu.memory_space<vmem>> -> memref<1x200x64xf32, #tpu.memory_space<vmem>>
        %get3A_1156 = tpu.memref_squeeze %get3A_1155 : memref<1x200x64xf32, #tpu.memory_space<vmem>> -> memref<200x64xf32, #tpu.memory_space<vmem>>
        %get3A_1157 = arith.index_cast %add3A_1147 : i32 to index
        %get3A_1158 = arith.constant 48 : index
        %get3A_1159 = tpu.vector_load %get3A_1156[%get3A_1157, %get3A_1158] {strides = array<i32>} : memref<200x64xf32, #tpu.memory_space<vmem>>, vector<1x16xf32>,
        %get3A_1160 = vector.shape_cast %get3A_1159 : vector<1x16xf32> to vector<1x16xf32>
        %mul3A_1161 = arith.constant 8.000000e+00 : f32
        %mul3A_1162 = vector.broadcast %mul3A_1161 : f32 to vector<1x16xf32>
        %mul3A_1163 = arith.mulf %get3A_1160, %mul3A_1162 : vector<1x16xf32>
        %swap3A_1164 = arith.constant 0 : i32
        %swap3A_1165 = arith.constant 0 : i32
        %swap3A_1166 = arith.constant 0 : i32
        %swap3A_1167 = tpu.memref_slice %arg7[%scan3A_828, %swap3A_1164, %swap3A_1165, %swap3A_1166] : memref<2x1x200x64xf32, #tpu.memory_space<vmem>> -> memref<1x1x200x64xf32, #tpu.memory_space<vmem>>
        %swap3A_1168 = tpu.memref_squeeze %swap3A_1167 : memref<1x1x200x64xf32, #tpu.memory_space<vmem>> -> memref<1x200x64xf32, #tpu.memory_space<vmem>>
        %swap3A_1169 = arith.constant 0 : i32
        %swap3A_1170 = arith.constant 0 : i32
        %swap3A_1171 = tpu.memref_slice %swap3A_1168[%scan3A_829, %swap3A_1169, %swap3A_1170] : memref<1x200x64xf32, #tpu.memory_space<vmem>> -> memref<1x200x64xf32, #tpu.memory_space<vmem>>
        %swap3A_1172 = tpu.memref_squeeze %swap3A_1171 : memref<1x200x64xf32, #tpu.memory_space<vmem>> -> memref<200x64xf32, #tpu.memory_space<vmem>>
        %swap3A_1173 = arith.index_cast %add3A_1147 : i32 to index
        %swap3A_1174 = arith.constant 48 : index
        %swap3A_1175 = tpu.vector_load %swap3A_1172[%swap3A_1173, %swap3A_1174] {strides = array<i32>} : memref<200x64xf32, #tpu.memory_space<vmem>>, vector<1x16xf32>,
        %swap3A_1176 = vector.shape_cast %swap3A_1175 : vector<1x16xf32> to vector<1x16xf32>
        %swap3A_1177 = vector.shape_cast %mul3A_1163 : vector<1x16xf32> to vector<1x16xf32>
        tpu.vector_store %swap3A_1172[%swap3A_1173, %swap3A_1174], %swap3A_1177 {strides = array<i32>} : memref<200x64xf32, #tpu.memory_space<vmem>>, vector<1x16xf32>,
        %add3A_1178 = arith.constant 1 : i32
        %add3A_1179 = arith.addi %add3A_1051, %add3A_1178 : i32
        %get3A_1180 = arith.constant 0 : i32
        %get3A_1181 = arith.constant 0 : i32
        %get3A_1182 = arith.constant 0 : i32
        %get3A_1183 = tpu.memref_slice %arg6[%scan3A_826, %get3A_1180, %get3A_1181, %get3A_1182] : memref<4x1x200x64xf32, #tpu.memory_space<vmem>> -> memref<1x1x200x64xf32, #tpu.memory_space<vmem>>
        %get3A_1184 = tpu.memref_squeeze %get3A_1183 : memref<1x1x200x64xf32, #tpu.memory_space<vmem>> -> memref<1x200x64xf32, #tpu.memory_space<vmem>>
        %get3A_1185 = arith.constant 0 : i32
        %get3A_1186 = arith.constant 0 : i32
        %get3A_1187 = tpu.memref_slice %get3A_1184[%scan3A_827, %get3A_1185, %get3A_1186] : memref<1x200x64xf32, #tpu.memory_space<vmem>> -> memref<1x200x64xf32, #tpu.memory_space<vmem>>
        %get3A_1188 = tpu.memref_squeeze %get3A_1187 : memref<1x200x64xf32, #tpu.memory_space<vmem>> -> memref<200x64xf32, #tpu.memory_space<vmem>>
        %get3A_1189 = arith.index_cast %add3A_1179 : i32 to index
        %get3A_1190 = arith.constant 0 : index
        %get3A_1191 = tpu.vector_load %get3A_1188[%get3A_1189, %get3A_1190] {strides = array<i32>} : memref<200x64xf32, #tpu.memory_space<vmem>>, vector<1x16xf32>,
        %get3A_1192 = vector.shape_cast %get3A_1191 : vector<1x16xf32> to vector<1x16xf32>
        %mul3A_1193 = arith.constant 8.000000e+00 : f32
        %mul3A_1194 = vector.broadcast %mul3A_1193 : f32 to vector<1x16xf32>
        %mul3A_1195 = arith.mulf %get3A_1192, %mul3A_1194 : vector<1x16xf32>
        %swap3A_1196 = arith.constant 0 : i32
        %swap3A_1197 = arith.constant 0 : i32
        %swap3A_1198 = arith.constant 0 : i32
        %swap3A_1199 = tpu.memref_slice %arg7[%scan3A_828, %swap3A_1196, %swap3A_1197, %swap3A_1198] : memref<2x1x200x64xf32, #tpu.memory_space<vmem>> -> memref<1x1x200x64xf32, #tpu.memory_space<vmem>>
        %swap3A_1200 = tpu.memref_squeeze %swap3A_1199 : memref<1x1x200x64xf32, #tpu.memory_space<vmem>> -> memref<1x200x64xf32, #tpu.memory_space<vmem>>
        %swap3A_1201 = arith.constant 0 : i32
        %swap3A_1202 = arith.constant 0 : i32
        %swap3A_1203 = tpu.memref_slice %swap3A_1200[%scan3A_829, %swap3A_1201, %swap3A_1202] : memref<1x200x64xf32, #tpu.memory_space<vmem>> -> memref<1x200x64xf32, #tpu.memory_space<vmem>>
        %swap3A_1204 = tpu.memref_squeeze %swap3A_1203 : memref<1x200x64xf32, #tpu.memory_space<vmem>> -> memref<200x64xf32, #tpu.memory_space<vmem>>
        %swap3A_1205 = arith.index_cast %add3A_1179 : i32 to index
        %swap3A_1206 = arith.constant 0 : index
        %swap3A_1207 = tpu.vector_load %swap3A_1204[%swap3A_1205, %swap3A_1206] {strides = array<i32>} : memref<200x64xf32, #tpu.memory_space<vmem>>, vector<1x16xf32>,
        %swap3A_1208 = vector.shape_cast %swap3A_1207 : vector<1x16xf32> to vector<1x16xf32>
        %swap3A_1209 = vector.shape_cast %mul3A_1195 : vector<1x16xf32> to vector<1x16xf32>
        tpu.vector_store %swap3A_1204[%swap3A_1205, %swap3A_1206], %swap3A_1209 {strides = array<i32>} : memref<200x64xf32, #tpu.memory_space<vmem>>, vector<1x16xf32>,
        %add3A_1210 = arith.constant 1 : i32
        %add3A_1211 = arith.addi %add3A_1051, %add3A_1210 : i32
        %get3A_1212 = arith.constant 0 : i32
        %get3A_1213 = arith.constant 0 : i32
        %get3A_1214 = arith.constant 0 : i32
        %get3A_1215 = tpu.memref_slice %arg6[%scan3A_826, %get3A_1212, %get3A_1213, %get3A_1214] : memref<4x1x200x64xf32, #tpu.memory_space<vmem>> -> memref<1x1x200x64xf32, #tpu.memory_space<vmem>>
        %get3A_1216 = tpu.memref_squeeze %get3A_1215 : memref<1x1x200x64xf32, #tpu.memory_space<vmem>> -> memref<1x200x64xf32, #tpu.memory_space<vmem>>
        %get3A_1217 = arith.constant 0 : i32
        %get3A_1218 = arith.constant 0 : i32
        %get3A_1219 = tpu.memref_slice %get3A_1216[%scan3A_827, %get3A_1217, %get3A_1218] : memref<1x200x64xf32, #tpu.memory_space<vmem>> -> memref<1x200x64xf32, #tpu.memory_space<vmem>>
        %get3A_1220 = tpu.memref_squeeze %get3A_1219 : memref<1x200x64xf32, #tpu.memory_space<vmem>> -> memref<200x64xf32, #tpu.memory_space<vmem>>
        %get3A_1221 = arith.index_cast %add3A_1211 : i32 to index
        %get3A_1222 = arith.constant 16 : index
        %get3A_1223 = tpu.vector_load %get3A_1220[%get3A_1221, %get3A_1222] {strides = array<i32>} : memref<200x64xf32, #tpu.memory_space<vmem>>, vector<1x16xf32>,
        %get3A_1224 = vector.shape_cast %get3A_1223 : vector<1x16xf32> to vector<1x16xf32>
        %mul3A_1225 = arith.constant 8.000000e+00 : f32
        %mul3A_1226 = vector.broadcast %mul3A_1225 : f32 to vector<1x16xf32>
        %mul3A_1227 = arith.mulf %get3A_1224, %mul3A_1226 : vector<1x16xf32>
        %swap3A_1228 = arith.constant 0 : i32
        %swap3A_1229 = arith.constant 0 : i32
        %swap3A_1230 = arith.constant 0 : i32
        %swap3A_1231 = tpu.memref_slice %arg7[%scan3A_828, %swap3A_1228, %swap3A_1229, %swap3A_1230] : memref<2x1x200x64xf32, #tpu.memory_space<vmem>> -> memref<1x1x200x64xf32, #tpu.memory_space<vmem>>
        %swap3A_1232 = tpu.memref_squeeze %swap3A_1231 : memref<1x1x200x64xf32, #tpu.memory_space<vmem>> -> memref<1x200x64xf32, #tpu.memory_space<vmem>>
        %swap3A_1233 = arith.constant 0 : i32
        %swap3A_1234 = arith.constant 0 : i32
        %swap3A_1235 = tpu.memref_slice %swap3A_1232[%scan3A_829, %swap3A_1233, %swap3A_1234] : memref<1x200x64xf32, #tpu.memory_space<vmem>> -> memref<1x200x64xf32, #tpu.memory_space<vmem>>
        %swap3A_1236 = tpu.memref_squeeze %swap3A_1235 : memref<1x200x64xf32, #tpu.memory_space<vmem>> -> memref<200x64xf32, #tpu.memory_space<vmem>>
        %swap3A_1237 = arith.index_cast %add3A_1211 : i32 to index
        %swap3A_1238 = arith.constant 16 : index
        %swap3A_1239 = tpu.vector_load %swap3A_1236[%swap3A_1237, %swap3A_1238] {strides = array<i32>} : memref<200x64xf32, #tpu.memory_space<vmem>>, vector<1x16xf32>,
        %swap3A_1240 = vector.shape_cast %swap3A_1239 : vector<1x16xf32> to vector<1x16xf32>
        %swap3A_1241 = vector.shape_cast %mul3A_1227 : vector<1x16xf32> to vector<1x16xf32>
        tpu.vector_store %swap3A_1236[%swap3A_1237, %swap3A_1238], %swap3A_1241 {strides = array<i32>} : memref<200x64xf32, #tpu.memory_space<vmem>>, vector<1x16xf32>,
        %add3A_1242 = arith.constant 1 : i32
        %add3A_1243 = arith.addi %add3A_1051, %add3A_1242 : i32
        %get3A_1244 = arith.constant 0 : i32
        %get3A_1245 = arith.constant 0 : i32
        %get3A_1246 = arith.constant 0 : i32
        %get3A_1247 = tpu.memref_slice %arg6[%scan3A_826, %get3A_1244, %get3A_1245, %get3A_1246] : memref<4x1x200x64xf32, #tpu.memory_space<vmem>> -> memref<1x1x200x64xf32, #tpu.memory_space<vmem>>
        %get3A_1248 = tpu.memref_squeeze %get3A_1247 : memref<1x1x200x64xf32, #tpu.memory_space<vmem>> -> memref<1x200x64xf32, #tpu.memory_space<vmem>>
        %get3A_1249 = arith.constant 0 : i32
        %get3A_1250 = arith.constant 0 : i32
        %get3A_1251 = tpu.memref_slice %get3A_1248[%scan3A_827, %get3A_1249, %get3A_1250] : memref<1x200x64xf32, #tpu.memory_space<vmem>> -> memref<1x200x64xf32, #tpu.memory_space<vmem>>
        %get3A_1252 = tpu.memref_squeeze %get3A_1251 : memref<1x200x64xf32, #tpu.memory_space<vmem>> -> memref<200x64xf32, #tpu.memory_space<vmem>>
        %get3A_1253 = arith.index_cast %add3A_1243 : i32 to index
        %get3A_1254 = arith.constant 32 : index
        %get3A_1255 = tpu.vector_load %get3A_1252[%get3A_1253, %get3A_1254] {strides = array<i32>} : memref<200x64xf32, #tpu.memory_space<vmem>>, vector<1x16xf32>,
        %get3A_1256 = vector.shape_cast %get3A_1255 : vector<1x16xf32> to vector<1x16xf32>
        %mul3A_1257 = arith.constant 8.000000e+00 : f32
        %mul3A_1258 = vector.broadcast %mul3A_1257 : f32 to vector<1x16xf32>
        %mul3A_1259 = arith.mulf %get3A_1256, %mul3A_1258 : vector<1x16xf32>
        %swap3A_1260 = arith.constant 0 : i32
        %swap3A_1261 = arith.constant 0 : i32
        %swap3A_1262 = arith.constant 0 : i32
        %swap3A_1263 = tpu.memref_slice %arg7[%scan3A_828, %swap3A_1260, %swap3A_1261, %swap3A_1262] : memref<2x1x200x64xf32, #tpu.memory_space<vmem>> -> memref<1x1x200x64xf32, #tpu.memory_space<vmem>>
        %swap3A_1264 = tpu.memref_squeeze %swap3A_1263 : memref<1x1x200x64xf32, #tpu.memory_space<vmem>> -> memref<1x200x64xf32, #tpu.memory_space<vmem>>
        %swap3A_1265 = arith.constant 0 : i32
        %swap3A_1266 = arith.constant 0 : i32
        %swap3A_1267 = tpu.memref_slice %swap3A_1264[%scan3A_829, %swap3A_1265, %swap3A_1266] : memref<1x200x64xf32, #tpu.memory_space<vmem>> -> memref<1x200x64xf32, #tpu.memory_space<vmem>>
        %swap3A_1268 = tpu.memref_squeeze %swap3A_1267 : memref<1x200x64xf32, #tpu.memory_space<vmem>> -> memref<200x64xf32, #tpu.memory_space<vmem>>
        %swap3A_1269 = arith.index_cast %add3A_1243 : i32 to index
        %swap3A_1270 = arith.constant 32 : index
        %swap3A_1271 = tpu.vector_load %swap3A_1268[%swap3A_1269, %swap3A_1270] {strides = array<i32>} : memref<200x64xf32, #tpu.memory_space<vmem>>, vector<1x16xf32>,
        %swap3A_1272 = vector.shape_cast %swap3A_1271 : vector<1x16xf32> to vector<1x16xf32>
        %swap3A_1273 = vector.shape_cast %mul3A_1259 : vector<1x16xf32> to vector<1x16xf32>
        tpu.vector_store %swap3A_1268[%swap3A_1269, %swap3A_1270], %swap3A_1273 {strides = array<i32>} : memref<200x64xf32, #tpu.memory_space<vmem>>, vector<1x16xf32>,
        %add3A_1274 = arith.constant 1 : i32
        %add3A_1275 = arith.addi %add3A_1051, %add3A_1274 : i32
        %get3A_1276 = arith.constant 0 : i32
        %get3A_1277 = arith.constant 0 : i32
        %get3A_1278 = arith.constant 0 : i32
        %get3A_1279 = tpu.memref_slice %arg6[%scan3A_826, %get3A_1276, %get3A_1277, %get3A_1278] : memref<4x1x200x64xf32, #tpu.memory_space<vmem>> -> memref<1x1x200x64xf32, #tpu.memory_space<vmem>>
        %get3A_1280 = tpu.memref_squeeze %get3A_1279 : memref<1x1x200x64xf32, #tpu.memory_space<vmem>> -> memref<1x200x64xf32, #tpu.memory_space<vmem>>
        %get3A_1281 = arith.constant 0 : i32
        %get3A_1282 = arith.constant 0 : i32
        %get3A_1283 = tpu.memref_slice %get3A_1280[%scan3A_827, %get3A_1281, %get3A_1282] : memref<1x200x64xf32, #tpu.memory_space<vmem>> -> memref<1x200x64xf32, #tpu.memory_space<vmem>>
        %get3A_1284 = tpu.memref_squeeze %get3A_1283 : memref<1x200x64xf32, #tpu.memory_space<vmem>> -> memref<200x64xf32, #tpu.memory_space<vmem>>
        %get3A_1285 = arith.index_cast %add3A_1275 : i32 to index
        %get3A_1286 = arith.constant 48 : index
        %get3A_1287 = tpu.vector_load %get3A_1284[%get3A_1285, %get3A_1286] {strides = array<i32>} : memref<200x64xf32, #tpu.memory_space<vmem>>, vector<1x16xf32>,
        %get3A_1288 = vector.shape_cast %get3A_1287 : vector<1x16xf32> to vector<1x16xf32>
        %mul3A_1289 = arith.constant 8.000000e+00 : f32
        %mul3A_1290 = vector.broadcast %mul3A_1289 : f32 to vector<1x16xf32>
        %mul3A_1291 = arith.mulf %get3A_1288, %mul3A_1290 : vector<1x16xf32>
        %swap3A_1292 = arith.constant 0 : i32
        %swap3A_1293 = arith.constant 0 : i32
        %swap3A_1294 = arith.constant 0 : i32
        %swap3A_1295 = tpu.memref_slice %arg7[%scan3A_828, %swap3A_1292, %swap3A_1293, %swap3A_1294] : memref<2x1x200x64xf32, #tpu.memory_space<vmem>> -> memref<1x1x200x64xf32, #tpu.memory_space<vmem>>
        %swap3A_1296 = tpu.memref_squeeze %swap3A_1295 : memref<1x1x200x64xf32, #tpu.memory_space<vmem>> -> memref<1x200x64xf32, #tpu.memory_space<vmem>>
        %swap3A_1297 = arith.constant 0 : i32
        %swap3A_1298 = arith.constant 0 : i32
        %swap3A_1299 = tpu.memref_slice %swap3A_1296[%scan3A_829, %swap3A_1297, %swap3A_1298] : memref<1x200x64xf32, #tpu.memory_space<vmem>> -> memref<1x200x64xf32, #tpu.memory_space<vmem>>
        %swap3A_1300 = tpu.memref_squeeze %swap3A_1299 : memref<1x200x64xf32, #tpu.memory_space<vmem>> -> memref<200x64xf32, #tpu.memory_space<vmem>>
        %swap3A_1301 = arith.index_cast %add3A_1275 : i32 to index
        %swap3A_1302 = arith.constant 48 : index
        %swap3A_1303 = tpu.vector_load %swap3A_1300[%swap3A_1301, %swap3A_1302] {strides = array<i32>} : memref<200x64xf32, #tpu.memory_space<vmem>>, vector<1x16xf32>,
        %swap3A_1304 = vector.shape_cast %swap3A_1303 : vector<1x16xf32> to vector<1x16xf32>
        %swap3A_1305 = vector.shape_cast %mul3A_1291 : vector<1x16xf32> to vector<1x16xf32>
        tpu.vector_store %swap3A_1300[%swap3A_1301, %swap3A_1302], %swap3A_1305 {strides = array<i32>} : memref<200x64xf32, #tpu.memory_space<vmem>>, vector<1x16xf32>,
      }
      %scan3A_834 = arith.constant 100 : i32
      %add3A_835 = arith.constant 4 : i32
      %add3A_836 = arith.addi %add3A_787, %add3A_835 : i32
      %dma_start3A_837 = arith.constant 1 : i32
      %dma_start3A_838 = arith.constant 0 : i32
      %dma_start3A_839 = arith.constant 1 : i32
      %dma_start3A_840 = arith.constant 0 : i32
      %dma_start3A_841 = arith.constant 0 : i32
      %dma_start3A_842 = tpu.memref_slice %arg6[%dma_start3A_837, %dma_start3A_838, %dma_start3A_840, %dma_start3A_841] : memref<4x1x200x64xf32, #tpu.memory_space<vmem>> -> memref<1x1x200x64xf32, #tpu.memory_space<vmem>>
      %dma_start3A_843 = tpu.memref_squeeze %dma_start3A_842 : memref<1x1x200x64xf32, #tpu.memory_space<vmem>> -> memref<200x64xf32, #tpu.memory_space<vmem>>
      %dma_start3A_844 = arith.constant 0 : i32
      %dma_start3A_845 = tpu.memref_slice %arg5[%add3A_836, %dma_start3A_844] : memref<128x200xi32, #tpu.memory_space<vmem>> -> memref<1x200xi32, #tpu.memory_space<vmem>>
      %dma_start3A_846 = tpu.memref_squeeze %dma_start3A_845 : memref<1x200xi32, #tpu.memory_space<vmem>> -> memref<200xi32, #tpu.memory_space<vmem>>
      %dma_start3A_847 = arith.constant 0 : i32
      %dma_start3A_848 = arith.constant 0 : i32
      %dma_start3A_849 = tpu.memref_slice %arg2[%dma_start3A_847, %dma_start3A_848] : memref<1000000x64xf32, #tpu.memory_space<hbm>> -> memref<1000000x64xf32, #tpu.memory_space<hbm>>
      %dma_start3A_850 = tpu.memref_slice %arg8[%dma_start3A_839] : memref<4x!tpu.dma_semaphore, #tpu.memory_space<semaphore_mem>> -> memref<1x!tpu.dma_semaphore, #tpu.memory_space<semaphore_mem>>
      %dma_start3A_851 = tpu.memref_squeeze %dma_start3A_850 : memref<1x!tpu.dma_semaphore, #tpu.memory_space<semaphore_mem>> -> memref<!tpu.dma_semaphore, #tpu.memory_space<semaphore_mem>>
      tpu.enqueue_indirect_dma source(%dma_start3A_849 : memref<1000000x64xf32, #tpu.memory_space<hbm>>) target(%dma_start3A_843 : memref<200x64xf32, #tpu.memory_space<vmem>>) offsets(%dma_start3A_846 : memref<200xi32, #tpu.memory_space<vmem>>) semaphore(%dma_start3A_851 : memref<!tpu.dma_semaphore, #tpu.memory_space<semaphore_mem>>)
      %add3A_852 = arith.addi %mul3A_2, %add3A_787 : i32
      %dma_start3A_853 = arith.constant 1 : i32
      %dma_start3A_854 = arith.constant 1 : i32
      %dma_start3A_855 = arith.constant 0 : i32
      %dma_start3A_856 = arith.constant 0 : i32
      %dma_start3A_857 = arith.constant 0 : i32
      %dma_start3A_858 = tpu.memref_slice %arg7[%dma_start3A_853, %dma_start3A_855, %dma_start3A_856, %dma_start3A_857] : memref<2x1x200x64xf32, #tpu.memory_space<vmem>> -> memref<1x1x200x64xf32, #tpu.memory_space<vmem>>
      %dma_start3A_859 = tpu.memref_squeeze %dma_start3A_858 : memref<1x1x200x64xf32, #tpu.memory_space<vmem>> -> memref<1x200x64xf32, #tpu.memory_space<vmem>>
      %dma_start3A_860 = arith.constant 0 : i32
      %dma_start3A_861 = arith.constant 0 : i32
      %dma_start3A_862 = tpu.memref_slice %arg4[%add3A_852, %dma_start3A_860, %dma_start3A_861] : memref<4096x200x64xf32, #tpu.memory_space<hbm>> -> memref<1x200x64xf32, #tpu.memory_space<hbm>>
      %dma_start3A_863 = tpu.memref_slice %arg9[%dma_start3A_854] : memref<2x!tpu.dma_semaphore, #tpu.memory_space<semaphore_mem>> -> memref<1x!tpu.dma_semaphore, #tpu.memory_space<semaphore_mem>>
      %dma_start3A_864 = tpu.memref_squeeze %dma_start3A_863 : memref<1x!tpu.dma_semaphore, #tpu.memory_space<semaphore_mem>> -> memref<!tpu.dma_semaphore, #tpu.memory_space<semaphore_mem>>
      %dma_start3A_865 = arith.constant 0 : i32
      %dma_start3A_866 = arith.constant 0 : i32
      %dma_start3A_867 = tpu.memref_slice %arg4[%add3A_852, %dma_start3A_865, %dma_start3A_866] : memref<4096x200x64xf32, #tpu.memory_space<hbm>> -> memref<1x200x64xf32, #tpu.memory_space<hbm>>
      %dma_start3A_868 = arith.constant 0 : i32
      %dma_start3A_869 = arith.constant 0 : i32
      %dma_start3A_870 = arith.constant 0 : i32
      %dma_start3A_871 = tpu.memref_slice %arg7[%dma_start3A_853, %dma_start3A_868, %dma_start3A_869, %dma_start3A_870] : memref<2x1x200x64xf32, #tpu.memory_space<vmem>> -> memref<1x1x200x64xf32, #tpu.memory_space<vmem>>
      %dma_start3A_872 = tpu.memref_squeeze %dma_start3A_871 : memref<1x1x200x64xf32, #tpu.memory_space<vmem>> -> memref<1x200x64xf32, #tpu.memory_space<vmem>>
      tpu.enqueue_dma source(%dma_start3A_872 : memref<1x200x64xf32, #tpu.memory_space<vmem>>) target(%dma_start3A_867 : memref<1x200x64xf32, #tpu.memory_space<hbm>>) target_semaphore(%dma_start3A_864 : memref<!tpu.dma_semaphore, #tpu.memory_space<semaphore_mem>>)
      %add3A_873 = arith.constant 2 : i32
      %add3A_874 = arith.addi %mul3A_699, %add3A_873 : i32
      %dma_wait3A_875 = arith.constant 2 : i32
      %dma_wait3A_876 = arith.constant 0 : i32
      %dma_wait3A_877 = arith.constant 2 : i32
      %dma_wait3A_878 = arith.constant 0 : i32
      %dma_wait3A_879 = arith.constant 0 : i32
      %dma_wait3A_880 = tpu.memref_slice %arg6[%dma_wait3A_875, %dma_wait3A_876, %dma_wait3A_878, %dma_wait3A_879] : memref<4x1x200x64xf32, #tpu.memory_space<vmem>> -> memref<1x1x200x64xf32, #tpu.memory_space<vmem>>
      %dma_wait3A_881 = tpu.memref_squeeze %dma_wait3A_880 : memref<1x1x200x64xf32, #tpu.memory_space<vmem>> -> memref<200x64xf32, #tpu.memory_space<vmem>>
      %dma_wait3A_882 = arith.constant 0 : i32
      %dma_wait3A_883 = tpu.memref_slice %arg5[%add3A_874, %dma_wait3A_882] : memref<128x200xi32, #tpu.memory_space<vmem>> -> memref<1x200xi32, #tpu.memory_space<vmem>>
      %dma_wait3A_884 = tpu.memref_squeeze %dma_wait3A_883 : memref<1x200xi32, #tpu.memory_space<vmem>> -> memref<200xi32, #tpu.memory_space<vmem>>
      %dma_wait3A_885 = arith.constant 0 : i32
      %dma_wait3A_886 = arith.constant 0 : i32
      %dma_wait3A_887 = tpu.memref_slice %arg2[%dma_wait3A_885, %dma_wait3A_886] : memref<1000000x64xf32, #tpu.memory_space<hbm>> -> memref<1000000x64xf32, #tpu.memory_space<hbm>>
      %dma_wait3A_888 = tpu.memref_slice %arg8[%dma_wait3A_877] : memref<4x!tpu.dma_semaphore, #tpu.memory_space<semaphore_mem>> -> memref<1x!tpu.dma_semaphore, #tpu.memory_space<semaphore_mem>>
      %dma_wait3A_889 = tpu.memref_squeeze %dma_wait3A_888 : memref<1x!tpu.dma_semaphore, #tpu.memory_space<semaphore_mem>> -> memref<!tpu.dma_semaphore, #tpu.memory_space<semaphore_mem>>
      tpu.wait_indirect_dma semaphore(%dma_wait3A_889 : memref<!tpu.dma_semaphore, #tpu.memory_space<semaphore_mem>>) src(%dma_wait3A_887 : memref<1000000x64xf32, #tpu.memory_space<hbm>>) dst(%dma_wait3A_881 : memref<200x64xf32, #tpu.memory_space<vmem>>)
      %sub3A_890 = arith.constant 2 : i32
      %sub3A_891 = arith.subi %add3A_874, %sub3A_890 : i32
      %add3A_892 = arith.addi %mul3A_2, %sub3A_891 : i32
      %dma_wait3A_893 = arith.constant 0 : i32
      %dma_wait3A_894 = arith.constant 0 : i32
      %dma_wait3A_895 = arith.constant 0 : i32
      %dma_wait3A_896 = arith.constant 0 : i32
      %dma_wait3A_897 = arith.constant 0 : i32
      %dma_wait3A_898 = tpu.memref_slice %arg7[%dma_wait3A_893, %dma_wait3A_895, %dma_wait3A_896, %dma_wait3A_897] : memref<2x1x200x64xf32, #tpu.memory_space<vmem>> -> memref<1x1x200x64xf32, #tpu.memory_space<vmem>>
      %dma_wait3A_899 = tpu.memref_squeeze %dma_wait3A_898 : memref<1x1x200x64xf32, #tpu.memory_space<vmem>> -> memref<1x200x64xf32, #tpu.memory_space<vmem>>
      %dma_wait3A_900 = arith.constant 0 : i32
      %dma_wait3A_901 = arith.constant 0 : i32
      %dma_wait3A_902 = tpu.memref_slice %arg4[%add3A_892, %dma_wait3A_900, %dma_wait3A_901] : memref<4096x200x64xf32, #tpu.memory_space<hbm>> -> memref<1x200x64xf32, #tpu.memory_space<hbm>>
      %dma_wait3A_903 = tpu.memref_slice %arg9[%dma_wait3A_894] : memref<2x!tpu.dma_semaphore, #tpu.memory_space<semaphore_mem>> -> memref<1x!tpu.dma_semaphore, #tpu.memory_space<semaphore_mem>>
      %dma_wait3A_904 = tpu.memref_squeeze %dma_wait3A_903 : memref<1x!tpu.dma_semaphore, #tpu.memory_space<semaphore_mem>> -> memref<!tpu.dma_semaphore, #tpu.memory_space<semaphore_mem>>
      %dma_wait3A_905 = arith.constant 0 : i32
      %dma_wait3A_906 = arith.constant 0 : i32
      %dma_wait3A_907 = tpu.memref_slice %arg4[%add3A_892, %dma_wait3A_905, %dma_wait3A_906] : memref<4096x200x64xf32, #tpu.memory_space<hbm>> -> memref<1x200x64xf32, #tpu.memory_space<hbm>>
      %dma_wait3A_908 = arith.constant 0 : i32
      %dma_wait3A_909 = arith.constant 0 : i32
      %dma_wait3A_910 = arith.constant 0 : i32
      %dma_wait3A_911 = tpu.memref_slice %arg7[%dma_wait3A_893, %dma_wait3A_908, %dma_wait3A_909, %dma_wait3A_910] : memref<2x1x200x64xf32, #tpu.memory_space<vmem>> -> memref<1x1x200x64xf32, #tpu.memory_space<vmem>>
      %dma_wait3A_912 = tpu.memref_squeeze %dma_wait3A_911 : memref<1x1x200x64xf32, #tpu.memory_space<vmem>> -> memref<1x200x64xf32, #tpu.memory_space<vmem>>
      tpu.wait_dma2 semaphore(%dma_wait3A_904 : memref<!tpu.dma_semaphore, #tpu.memory_space<semaphore_mem>>) src(%dma_wait3A_912 : memref<1x200x64xf32, #tpu.memory_space<vmem>>) dst(%dma_wait3A_907 : memref<1x200x64xf32, #tpu.memory_space<hbm>>)
      %scan3A_913 = arith.constant 2 : i32
      %scan3A_914 = arith.constant 0 : i32
      %scan3A_915 = arith.constant 0 : i32
      %scan3A_916 = arith.constant 0 : i32
      %scan3A_917 = arith.constant 0 : i32
      %scan3A_918 = arith.constant 100 : i32
      %scan3A_919 = arith.addi %scan3A_917, %scan3A_918 : i32
      %scan3A_920 = arith.constant 1 : i32
      scf.for %scan3A_1047 = %scan3A_917 to %scan3A_919 step %scan3A_920  : i32 {
        %mul3A_1048 = arith.constant 2 : i32
        %mul3A_1049 = arith.muli %scan3A_1047, %mul3A_1048 : i32
        %add3A_1050 = arith.constant 0 : i32
        %add3A_1051 = arith.addi %add3A_1050, %mul3A_1049 : i32
        %add3A_1052 = arith.constant 0 : i32
        %add3A_1053 = arith.addi %add3A_1051, %add3A_1052 : i32
        %get3A = arith.constant 0 : i32
        %get3A_1054 = arith.constant 0 : i32
        %get3A_1055 = arith.constant 0 : i32
        %get3A_1056 = tpu.memref_slice %arg6[%scan3A_913, %get3A, %get3A_1054, %get3A_1055] : memref<4x1x200x64xf32, #tpu.memory_space<vmem>> -> memref<1x1x200x64xf32, #tpu.memory_space<vmem>>
        %get3A_1057 = tpu.memref_squeeze %get3A_1056 : memref<1x1x200x64xf32, #tpu.memory_space<vmem>> -> memref<1x200x64xf32, #tpu.memory_space<vmem>>
        %get3A_1058 = arith.constant 0 : i32
        %get3A_1059 = arith.constant 0 : i32
        %get3A_1060 = tpu.memref_slice %get3A_1057[%scan3A_914, %get3A_1058, %get3A_1059] : memref<1x200x64xf32, #tpu.memory_space<vmem>> -> memref<1x200x64xf32, #tpu.memory_space<vmem>>
        %get3A_1061 = tpu.memref_squeeze %get3A_1060 : memref<1x200x64xf32, #tpu.memory_space<vmem>> -> memref<200x64xf32, #tpu.memory_space<vmem>>
        %get3A_1062 = arith.index_cast %add3A_1053 : i32 to index
        %get3A_1063 = arith.constant 0 : index
        %get3A_1064 = tpu.vector_load %get3A_1061[%get3A_1062, %get3A_1063] {strides = array<i32>} : memref<200x64xf32, #tpu.memory_space<vmem>>, vector<1x16xf32>,
        %get3A_1065 = vector.shape_cast %get3A_1064 : vector<1x16xf32> to vector<1x16xf32>
        %mul3A_1066 = arith.constant 8.000000e+00 : f32
        %mul3A_1067 = vector.broadcast %mul3A_1066 : f32 to vector<1x16xf32>
        %mul3A_1068 = arith.mulf %get3A_1065, %mul3A_1067 : vector<1x16xf32>
        %swap3A = arith.constant 0 : i32
        %swap3A_1069 = arith.constant 0 : i32
        %swap3A_1070 = arith.constant 0 : i32
        %swap3A_1071 = tpu.memref_slice %arg7[%scan3A_915, %swap3A, %swap3A_1069, %swap3A_1070] : memref<2x1x200x64xf32, #tpu.memory_space<vmem>> -> memref<1x1x200x64xf32, #tpu.memory_space<vmem>>
        %swap3A_1072 = tpu.memref_squeeze %swap3A_1071 : memref<1x1x200x64xf32, #tpu.memory_space<vmem>> -> memref<1x200x64xf32, #tpu.memory_space<vmem>>
        %swap3A_1073 = arith.constant 0 : i32
        %swap3A_1074 = arith.constant 0 : i32
        %swap3A_1075 = tpu.memref_slice %swap3A_1072[%scan3A_916, %swap3A_1073, %swap3A_1074] : memref<1x200x64xf32, #tpu.memory_space<vmem>> -> memref<1x200x64xf32, #tpu.memory_space<vmem>>
        %swap3A_1076 = tpu.memref_squeeze %swap3A_1075 : memref<1x200x64xf32, #tpu.memory_space<vmem>> -> memref<200x64xf32, #tpu.memory_space<vmem>>
        %swap3A_1077 = arith.index_cast %add3A_1053 : i32 to index
        %swap3A_1078 = arith.constant 0 : index
        %swap3A_1079 = tpu.vector_load %swap3A_1076[%swap3A_1077, %swap3A_1078] {strides = array<i32>} : memref<200x64xf32, #tpu.memory_space<vmem>>, vector<1x16xf32>,
        %swap3A_1080 = vector.shape_cast %swap3A_1079 : vector<1x16xf32> to vector<1x16xf32>
        %swap3A_1081 = vector.shape_cast %mul3A_1068 : vector<1x16xf32> to vector<1x16xf32>
        tpu.vector_store %swap3A_1076[%swap3A_1077, %swap3A_1078], %swap3A_1081 {strides = array<i32>} : memref<200x64xf32, #tpu.memory_space<vmem>>, vector<1x16xf32>,
        %add3A_1082 = arith.constant 0 : i32
        %add3A_1083 = arith.addi %add3A_1051, %add3A_1082 : i32
        %get3A_1084 = arith.constant 0 : i32
        %get3A_1085 = arith.constant 0 : i32
        %get3A_1086 = arith.constant 0 : i32
        %get3A_1087 = tpu.memref_slice %arg6[%scan3A_913, %get3A_1084, %get3A_1085, %get3A_1086] : memref<4x1x200x64xf32, #tpu.memory_space<vmem>> -> memref<1x1x200x64xf32, #tpu.memory_space<vmem>>
        %get3A_1088 = tpu.memref_squeeze %get3A_1087 : memref<1x1x200x64xf32, #tpu.memory_space<vmem>> -> memref<1x200x64xf32, #tpu.memory_space<vmem>>
        %get3A_1089 = arith.constant 0 : i32
        %get3A_1090 = arith.constant 0 : i32
        %get3A_1091 = tpu.memref_slice %get3A_1088[%scan3A_914, %get3A_1089, %get3A_1090] : memref<1x200x64xf32, #tpu.memory_space<vmem>> -> memref<1x200x64xf32, #tpu.memory_space<vmem>>
        %get3A_1092 = tpu.memref_squeeze %get3A_1091 : memref<1x200x64xf32, #tpu.memory_space<vmem>> -> memref<200x64xf32, #tpu.memory_space<vmem>>
        %get3A_1093 = arith.index_cast %add3A_1083 : i32 to index
        %get3A_1094 = arith.constant 16 : index
        %get3A_1095 = tpu.vector_load %get3A_1092[%get3A_1093, %get3A_1094] {strides = array<i32>} : memref<200x64xf32, #tpu.memory_space<vmem>>, vector<1x16xf32>,
        %get3A_1096 = vector.shape_cast %get3A_1095 : vector<1x16xf32> to vector<1x16xf32>
        %mul3A_1097 = arith.constant 8.000000e+00 : f32
        %mul3A_1098 = vector.broadcast %mul3A_1097 : f32 to vector<1x16xf32>
        %mul3A_1099 = arith.mulf %get3A_1096, %mul3A_1098 : vector<1x16xf32>
        %swap3A_1100 = arith.constant 0 : i32
        %swap3A_1101 = arith.constant 0 : i32
        %swap3A_1102 = arith.constant 0 : i32
        %swap3A_1103 = tpu.memref_slice %arg7[%scan3A_915, %swap3A_1100, %swap3A_1101, %swap3A_1102] : memref<2x1x200x64xf32, #tpu.memory_space<vmem>> -> memref<1x1x200x64xf32, #tpu.memory_space<vmem>>
        %swap3A_1104 = tpu.memref_squeeze %swap3A_1103 : memref<1x1x200x64xf32, #tpu.memory_space<vmem>> -> memref<1x200x64xf32, #tpu.memory_space<vmem>>
        %swap3A_1105 = arith.constant 0 : i32
        %swap3A_1106 = arith.constant 0 : i32
        %swap3A_1107 = tpu.memref_slice %swap3A_1104[%scan3A_916, %swap3A_1105, %swap3A_1106] : memref<1x200x64xf32, #tpu.memory_space<vmem>> -> memref<1x200x64xf32, #tpu.memory_space<vmem>>
        %swap3A_1108 = tpu.memref_squeeze %swap3A_1107 : memref<1x200x64xf32, #tpu.memory_space<vmem>> -> memref<200x64xf32, #tpu.memory_space<vmem>>
        %swap3A_1109 = arith.index_cast %add3A_1083 : i32 to index
        %swap3A_1110 = arith.constant 16 : index
        %swap3A_1111 = tpu.vector_load %swap3A_1108[%swap3A_1109, %swap3A_1110] {strides = array<i32>} : memref<200x64xf32, #tpu.memory_space<vmem>>, vector<1x16xf32>,
        %swap3A_1112 = vector.shape_cast %swap3A_1111 : vector<1x16xf32> to vector<1x16xf32>
        %swap3A_1113 = vector.shape_cast %mul3A_1099 : vector<1x16xf32> to vector<1x16xf32>
        tpu.vector_store %swap3A_1108[%swap3A_1109, %swap3A_1110], %swap3A_1113 {strides = array<i32>} : memref<200x64xf32, #tpu.memory_space<vmem>>, vector<1x16xf32>,
        %add3A_1114 = arith.constant 0 : i32
        %add3A_1115 = arith.addi %add3A_1051, %add3A_1114 : i32
        %get3A_1116 = arith.constant 0 : i32
        %get3A_1117 = arith.constant 0 : i32
        %get3A_1118 = arith.constant 0 : i32
        %get3A_1119 = tpu.memref_slice %arg6[%scan3A_913, %get3A_1116, %get3A_1117, %get3A_1118] : memref<4x1x200x64xf32, #tpu.memory_space<vmem>> -> memref<1x1x200x64xf32, #tpu.memory_space<vmem>>
        %get3A_1120 = tpu.memref_squeeze %get3A_1119 : memref<1x1x200x64xf32, #tpu.memory_space<vmem>> -> memref<1x200x64xf32, #tpu.memory_space<vmem>>
        %get3A_1121 = arith.constant 0 : i32
        %get3A_1122 = arith.constant 0 : i32
        %get3A_1123 = tpu.memref_slice %get3A_1120[%scan3A_914, %get3A_1121, %get3A_1122] : memref<1x200x64xf32, #tpu.memory_space<vmem>> -> memref<1x200x64xf32, #tpu.memory_space<vmem>>
        %get3A_1124 = tpu.memref_squeeze %get3A_1123 : memref<1x200x64xf32, #tpu.memory_space<vmem>> -> memref<200x64xf32, #tpu.memory_space<vmem>>
        %get3A_1125 = arith.index_cast %add3A_1115 : i32 to index
        %get3A_1126 = arith.constant 32 : index
        %get3A_1127 = tpu.vector_load %get3A_1124[%get3A_1125, %get3A_1126] {strides = array<i32>} : memref<200x64xf32, #tpu.memory_space<vmem>>, vector<1x16xf32>,
        %get3A_1128 = vector.shape_cast %get3A_1127 : vector<1x16xf32> to vector<1x16xf32>
        %mul3A_1129 = arith.constant 8.000000e+00 : f32
        %mul3A_1130 = vector.broadcast %mul3A_1129 : f32 to vector<1x16xf32>
        %mul3A_1131 = arith.mulf %get3A_1128, %mul3A_1130 : vector<1x16xf32>
        %swap3A_1132 = arith.constant 0 : i32
        %swap3A_1133 = arith.constant 0 : i32
        %swap3A_1134 = arith.constant 0 : i32
        %swap3A_1135 = tpu.memref_slice %arg7[%scan3A_915, %swap3A_1132, %swap3A_1133, %swap3A_1134] : memref<2x1x200x64xf32, #tpu.memory_space<vmem>> -> memref<1x1x200x64xf32, #tpu.memory_space<vmem>>
        %swap3A_1136 = tpu.memref_squeeze %swap3A_1135 : memref<1x1x200x64xf32, #tpu.memory_space<vmem>> -> memref<1x200x64xf32, #tpu.memory_space<vmem>>
        %swap3A_1137 = arith.constant 0 : i32
        %swap3A_1138 = arith.constant 0 : i32
        %swap3A_1139 = tpu.memref_slice %swap3A_1136[%scan3A_916, %swap3A_1137, %swap3A_1138] : memref<1x200x64xf32, #tpu.memory_space<vmem>> -> memref<1x200x64xf32, #tpu.memory_space<vmem>>
        %swap3A_1140 = tpu.memref_squeeze %swap3A_1139 : memref<1x200x64xf32, #tpu.memory_space<vmem>> -> memref<200x64xf32, #tpu.memory_space<vmem>>
        %swap3A_1141 = arith.index_cast %add3A_1115 : i32 to index
        %swap3A_1142 = arith.constant 32 : index
        %swap3A_1143 = tpu.vector_load %swap3A_1140[%swap3A_1141, %swap3A_1142] {strides = array<i32>} : memref<200x64xf32, #tpu.memory_space<vmem>>, vector<1x16xf32>,
        %swap3A_1144 = vector.shape_cast %swap3A_1143 : vector<1x16xf32> to vector<1x16xf32>
        %swap3A_1145 = vector.shape_cast %mul3A_1131 : vector<1x16xf32> to vector<1x16xf32>
        tpu.vector_store %swap3A_1140[%swap3A_1141, %swap3A_1142], %swap3A_1145 {strides = array<i32>} : memref<200x64xf32, #tpu.memory_space<vmem>>, vector<1x16xf32>,
        %add3A_1146 = arith.constant 0 : i32
        %add3A_1147 = arith.addi %add3A_1051, %add3A_1146 : i32
        %get3A_1148 = arith.constant 0 : i32
        %get3A_1149 = arith.constant 0 : i32
        %get3A_1150 = arith.constant 0 : i32
        %get3A_1151 = tpu.memref_slice %arg6[%scan3A_913, %get3A_1148, %get3A_1149, %get3A_1150] : memref<4x1x200x64xf32, #tpu.memory_space<vmem>> -> memref<1x1x200x64xf32, #tpu.memory_space<vmem>>
        %get3A_1152 = tpu.memref_squeeze %get3A_1151 : memref<1x1x200x64xf32, #tpu.memory_space<vmem>> -> memref<1x200x64xf32, #tpu.memory_space<vmem>>
        %get3A_1153 = arith.constant 0 : i32
        %get3A_1154 = arith.constant 0 : i32
        %get3A_1155 = tpu.memref_slice %get3A_1152[%scan3A_914, %get3A_1153, %get3A_1154] : memref<1x200x64xf32, #tpu.memory_space<vmem>> -> memref<1x200x64xf32, #tpu.memory_space<vmem>>
        %get3A_1156 = tpu.memref_squeeze %get3A_1155 : memref<1x200x64xf32, #tpu.memory_space<vmem>> -> memref<200x64xf32, #tpu.memory_space<vmem>>
        %get3A_1157 = arith.index_cast %add3A_1147 : i32 to index
        %get3A_1158 = arith.constant 48 : index
        %get3A_1159 = tpu.vector_load %get3A_1156[%get3A_1157, %get3A_1158] {strides = array<i32>} : memref<200x64xf32, #tpu.memory_space<vmem>>, vector<1x16xf32>,
        %get3A_1160 = vector.shape_cast %get3A_1159 : vector<1x16xf32> to vector<1x16xf32>
        %mul3A_1161 = arith.constant 8.000000e+00 : f32
        %mul3A_1162 = vector.broadcast %mul3A_1161 : f32 to vector<1x16xf32>
        %mul3A_1163 = arith.mulf %get3A_1160, %mul3A_1162 : vector<1x16xf32>
        %swap3A_1164 = arith.constant 0 : i32
        %swap3A_1165 = arith.constant 0 : i32
        %swap3A_1166 = arith.constant 0 : i32
        %swap3A_1167 = tpu.memref_slice %arg7[%scan3A_915, %swap3A_1164, %swap3A_1165, %swap3A_1166] : memref<2x1x200x64xf32, #tpu.memory_space<vmem>> -> memref<1x1x200x64xf32, #tpu.memory_space<vmem>>
        %swap3A_1168 = tpu.memref_squeeze %swap3A_1167 : memref<1x1x200x64xf32, #tpu.memory_space<vmem>> -> memref<1x200x64xf32, #tpu.memory_space<vmem>>
        %swap3A_1169 = arith.constant 0 : i32
        %swap3A_1170 = arith.constant 0 : i32
        %swap3A_1171 = tpu.memref_slice %swap3A_1168[%scan3A_916, %swap3A_1169, %swap3A_1170] : memref<1x200x64xf32, #tpu.memory_space<vmem>> -> memref<1x200x64xf32, #tpu.memory_space<vmem>>
        %swap3A_1172 = tpu.memref_squeeze %swap3A_1171 : memref<1x200x64xf32, #tpu.memory_space<vmem>> -> memref<200x64xf32, #tpu.memory_space<vmem>>
        %swap3A_1173 = arith.index_cast %add3A_1147 : i32 to index
        %swap3A_1174 = arith.constant 48 : index
        %swap3A_1175 = tpu.vector_load %swap3A_1172[%swap3A_1173, %swap3A_1174] {strides = array<i32>} : memref<200x64xf32, #tpu.memory_space<vmem>>, vector<1x16xf32>,
        %swap3A_1176 = vector.shape_cast %swap3A_1175 : vector<1x16xf32> to vector<1x16xf32>
        %swap3A_1177 = vector.shape_cast %mul3A_1163 : vector<1x16xf32> to vector<1x16xf32>
        tpu.vector_store %swap3A_1172[%swap3A_1173, %swap3A_1174], %swap3A_1177 {strides = array<i32>} : memref<200x64xf32, #tpu.memory_space<vmem>>, vector<1x16xf32>,
        %add3A_1178 = arith.constant 1 : i32
        %add3A_1179 = arith.addi %add3A_1051, %add3A_1178 : i32
        %get3A_1180 = arith.constant 0 : i32
        %get3A_1181 = arith.constant 0 : i32
        %get3A_1182 = arith.constant 0 : i32
        %get3A_1183 = tpu.memref_slice %arg6[%scan3A_913, %get3A_1180, %get3A_1181, %get3A_1182] : memref<4x1x200x64xf32, #tpu.memory_space<vmem>> -> memref<1x1x200x64xf32, #tpu.memory_space<vmem>>
        %get3A_1184 = tpu.memref_squeeze %get3A_1183 : memref<1x1x200x64xf32, #tpu.memory_space<vmem>> -> memref<1x200x64xf32, #tpu.memory_space<vmem>>
        %get3A_1185 = arith.constant 0 : i32
        %get3A_1186 = arith.constant 0 : i32
        %get3A_1187 = tpu.memref_slice %get3A_1184[%scan3A_914, %get3A_1185, %get3A_1186] : memref<1x200x64xf32, #tpu.memory_space<vmem>> -> memref<1x200x64xf32, #tpu.memory_space<vmem>>
        %get3A_1188 = tpu.memref_squeeze %get3A_1187 : memref<1x200x64xf32, #tpu.memory_space<vmem>> -> memref<200x64xf32, #tpu.memory_space<vmem>>
        %get3A_1189 = arith.index_cast %add3A_1179 : i32 to index
        %get3A_1190 = arith.constant 0 : index
        %get3A_1191 = tpu.vector_load %get3A_1188[%get3A_1189, %get3A_1190] {strides = array<i32>} : memref<200x64xf32, #tpu.memory_space<vmem>>, vector<1x16xf32>,
        %get3A_1192 = vector.shape_cast %get3A_1191 : vector<1x16xf32> to vector<1x16xf32>
        %mul3A_1193 = arith.constant 8.000000e+00 : f32
        %mul3A_1194 = vector.broadcast %mul3A_1193 : f32 to vector<1x16xf32>
        %mul3A_1195 = arith.mulf %get3A_1192, %mul3A_1194 : vector<1x16xf32>
        %swap3A_1196 = arith.constant 0 : i32
        %swap3A_1197 = arith.constant 0 : i32
        %swap3A_1198 = arith.constant 0 : i32
        %swap3A_1199 = tpu.memref_slice %arg7[%scan3A_915, %swap3A_1196, %swap3A_1197, %swap3A_1198] : memref<2x1x200x64xf32, #tpu.memory_space<vmem>> -> memref<1x1x200x64xf32, #tpu.memory_space<vmem>>
        %swap3A_1200 = tpu.memref_squeeze %swap3A_1199 : memref<1x1x200x64xf32, #tpu.memory_space<vmem>> -> memref<1x200x64xf32, #tpu.memory_space<vmem>>
        %swap3A_1201 = arith.constant 0 : i32
        %swap3A_1202 = arith.constant 0 : i32
        %swap3A_1203 = tpu.memref_slice %swap3A_1200[%scan3A_916, %swap3A_1201, %swap3A_1202] : memref<1x200x64xf32, #tpu.memory_space<vmem>> -> memref<1x200x64xf32, #tpu.memory_space<vmem>>
        %swap3A_1204 = tpu.memref_squeeze %swap3A_1203 : memref<1x200x64xf32, #tpu.memory_space<vmem>> -> memref<200x64xf32, #tpu.memory_space<vmem>>
        %swap3A_1205 = arith.index_cast %add3A_1179 : i32 to index
        %swap3A_1206 = arith.constant 0 : index
        %swap3A_1207 = tpu.vector_load %swap3A_1204[%swap3A_1205, %swap3A_1206] {strides = array<i32>} : memref<200x64xf32, #tpu.memory_space<vmem>>, vector<1x16xf32>,
        %swap3A_1208 = vector.shape_cast %swap3A_1207 : vector<1x16xf32> to vector<1x16xf32>
        %swap3A_1209 = vector.shape_cast %mul3A_1195 : vector<1x16xf32> to vector<1x16xf32>
        tpu.vector_store %swap3A_1204[%swap3A_1205, %swap3A_1206], %swap3A_1209 {strides = array<i32>} : memref<200x64xf32, #tpu.memory_space<vmem>>, vector<1x16xf32>,
        %add3A_1210 = arith.constant 1 : i32
        %add3A_1211 = arith.addi %add3A_1051, %add3A_1210 : i32
        %get3A_1212 = arith.constant 0 : i32
        %get3A_1213 = arith.constant 0 : i32
        %get3A_1214 = arith.constant 0 : i32
        %get3A_1215 = tpu.memref_slice %arg6[%scan3A_913, %get3A_1212, %get3A_1213, %get3A_1214] : memref<4x1x200x64xf32, #tpu.memory_space<vmem>> -> memref<1x1x200x64xf32, #tpu.memory_space<vmem>>
        %get3A_1216 = tpu.memref_squeeze %get3A_1215 : memref<1x1x200x64xf32, #tpu.memory_space<vmem>> -> memref<1x200x64xf32, #tpu.memory_space<vmem>>
        %get3A_1217 = arith.constant 0 : i32
        %get3A_1218 = arith.constant 0 : i32
        %get3A_1219 = tpu.memref_slice %get3A_1216[%scan3A_914, %get3A_1217, %get3A_1218] : memref<1x200x64xf32, #tpu.memory_space<vmem>> -> memref<1x200x64xf32, #tpu.memory_space<vmem>>
        %get3A_1220 = tpu.memref_squeeze %get3A_1219 : memref<1x200x64xf32, #tpu.memory_space<vmem>> -> memref<200x64xf32, #tpu.memory_space<vmem>>
        %get3A_1221 = arith.index_cast %add3A_1211 : i32 to index
        %get3A_1222 = arith.constant 16 : index
        %get3A_1223 = tpu.vector_load %get3A_1220[%get3A_1221, %get3A_1222] {strides = array<i32>} : memref<200x64xf32, #tpu.memory_space<vmem>>, vector<1x16xf32>,
        %get3A_1224 = vector.shape_cast %get3A_1223 : vector<1x16xf32> to vector<1x16xf32>
        %mul3A_1225 = arith.constant 8.000000e+00 : f32
        %mul3A_1226 = vector.broadcast %mul3A_1225 : f32 to vector<1x16xf32>
        %mul3A_1227 = arith.mulf %get3A_1224, %mul3A_1226 : vector<1x16xf32>
        %swap3A_1228 = arith.constant 0 : i32
        %swap3A_1229 = arith.constant 0 : i32
        %swap3A_1230 = arith.constant 0 : i32
        %swap3A_1231 = tpu.memref_slice %arg7[%scan3A_915, %swap3A_1228, %swap3A_1229, %swap3A_1230] : memref<2x1x200x64xf32, #tpu.memory_space<vmem>> -> memref<1x1x200x64xf32, #tpu.memory_space<vmem>>
        %swap3A_1232 = tpu.memref_squeeze %swap3A_1231 : memref<1x1x200x64xf32, #tpu.memory_space<vmem>> -> memref<1x200x64xf32, #tpu.memory_space<vmem>>
        %swap3A_1233 = arith.constant 0 : i32
        %swap3A_1234 = arith.constant 0 : i32
        %swap3A_1235 = tpu.memref_slice %swap3A_1232[%scan3A_916, %swap3A_1233, %swap3A_1234] : memref<1x200x64xf32, #tpu.memory_space<vmem>> -> memref<1x200x64xf32, #tpu.memory_space<vmem>>
        %swap3A_1236 = tpu.memref_squeeze %swap3A_1235 : memref<1x200x64xf32, #tpu.memory_space<vmem>> -> memref<200x64xf32, #tpu.memory_space<vmem>>
        %swap3A_1237 = arith.index_cast %add3A_1211 : i32 to index
        %swap3A_1238 = arith.constant 16 : index
        %swap3A_1239 = tpu.vector_load %swap3A_1236[%swap3A_1237, %swap3A_1238] {strides = array<i32>} : memref<200x64xf32, #tpu.memory_space<vmem>>, vector<1x16xf32>,
        %swap3A_1240 = vector.shape_cast %swap3A_1239 : vector<1x16xf32> to vector<1x16xf32>
        %swap3A_1241 = vector.shape_cast %mul3A_1227 : vector<1x16xf32> to vector<1x16xf32>
        tpu.vector_store %swap3A_1236[%swap3A_1237, %swap3A_1238], %swap3A_1241 {strides = array<i32>} : memref<200x64xf32, #tpu.memory_space<vmem>>, vector<1x16xf32>,
        %add3A_1242 = arith.constant 1 : i32
        %add3A_1243 = arith.addi %add3A_1051, %add3A_1242 : i32
        %get3A_1244 = arith.constant 0 : i32
        %get3A_1245 = arith.constant 0 : i32
        %get3A_1246 = arith.constant 0 : i32
        %get3A_1247 = tpu.memref_slice %arg6[%scan3A_913, %get3A_1244, %get3A_1245, %get3A_1246] : memref<4x1x200x64xf32, #tpu.memory_space<vmem>> -> memref<1x1x200x64xf32, #tpu.memory_space<vmem>>
        %get3A_1248 = tpu.memref_squeeze %get3A_1247 : memref<1x1x200x64xf32, #tpu.memory_space<vmem>> -> memref<1x200x64xf32, #tpu.memory_space<vmem>>
        %get3A_1249 = arith.constant 0 : i32
        %get3A_1250 = arith.constant 0 : i32
        %get3A_1251 = tpu.memref_slice %get3A_1248[%scan3A_914, %get3A_1249, %get3A_1250] : memref<1x200x64xf32, #tpu.memory_space<vmem>> -> memref<1x200x64xf32, #tpu.memory_space<vmem>>
        %get3A_1252 = tpu.memref_squeeze %get3A_1251 : memref<1x200x64xf32, #tpu.memory_space<vmem>> -> memref<200x64xf32, #tpu.memory_space<vmem>>
        %get3A_1253 = arith.index_cast %add3A_1243 : i32 to index
        %get3A_1254 = arith.constant 32 : index
        %get3A_1255 = tpu.vector_load %get3A_1252[%get3A_1253, %get3A_1254] {strides = array<i32>} : memref<200x64xf32, #tpu.memory_space<vmem>>, vector<1x16xf32>,
        %get3A_1256 = vector.shape_cast %get3A_1255 : vector<1x16xf32> to vector<1x16xf32>
        %mul3A_1257 = arith.constant 8.000000e+00 : f32
        %mul3A_1258 = vector.broadcast %mul3A_1257 : f32 to vector<1x16xf32>
        %mul3A_1259 = arith.mulf %get3A_1256, %mul3A_1258 : vector<1x16xf32>
        %swap3A_1260 = arith.constant 0 : i32
        %swap3A_1261 = arith.constant 0 : i32
        %swap3A_1262 = arith.constant 0 : i32
        %swap3A_1263 = tpu.memref_slice %arg7[%scan3A_915, %swap3A_1260, %swap3A_1261, %swap3A_1262] : memref<2x1x200x64xf32, #tpu.memory_space<vmem>> -> memref<1x1x200x64xf32, #tpu.memory_space<vmem>>
        %swap3A_1264 = tpu.memref_squeeze %swap3A_1263 : memref<1x1x200x64xf32, #tpu.memory_space<vmem>> -> memref<1x200x64xf32, #tpu.memory_space<vmem>>
        %swap3A_1265 = arith.constant 0 : i32
        %swap3A_1266 = arith.constant 0 : i32
        %swap3A_1267 = tpu.memref_slice %swap3A_1264[%scan3A_916, %swap3A_1265, %swap3A_1266] : memref<1x200x64xf32, #tpu.memory_space<vmem>> -> memref<1x200x64xf32, #tpu.memory_space<vmem>>
        %swap3A_1268 = tpu.memref_squeeze %swap3A_1267 : memref<1x200x64xf32, #tpu.memory_space<vmem>> -> memref<200x64xf32, #tpu.memory_space<vmem>>
        %swap3A_1269 = arith.index_cast %add3A_1243 : i32 to index
        %swap3A_1270 = arith.constant 32 : index
        %swap3A_1271 = tpu.vector_load %swap3A_1268[%swap3A_1269, %swap3A_1270] {strides = array<i32>} : memref<200x64xf32, #tpu.memory_space<vmem>>, vector<1x16xf32>,
        %swap3A_1272 = vector.shape_cast %swap3A_1271 : vector<1x16xf32> to vector<1x16xf32>
        %swap3A_1273 = vector.shape_cast %mul3A_1259 : vector<1x16xf32> to vector<1x16xf32>
        tpu.vector_store %swap3A_1268[%swap3A_1269, %swap3A_1270], %swap3A_1273 {strides = array<i32>} : memref<200x64xf32, #tpu.memory_space<vmem>>, vector<1x16xf32>,
        %add3A_1274 = arith.constant 1 : i32
        %add3A_1275 = arith.addi %add3A_1051, %add3A_1274 : i32
        %get3A_1276 = arith.constant 0 : i32
        %get3A_1277 = arith.constant 0 : i32
        %get3A_1278 = arith.constant 0 : i32
        %get3A_1279 = tpu.memref_slice %arg6[%scan3A_913, %get3A_1276, %get3A_1277, %get3A_1278] : memref<4x1x200x64xf32, #tpu.memory_space<vmem>> -> memref<1x1x200x64xf32, #tpu.memory_space<vmem>>
        %get3A_1280 = tpu.memref_squeeze %get3A_1279 : memref<1x1x200x64xf32, #tpu.memory_space<vmem>> -> memref<1x200x64xf32, #tpu.memory_space<vmem>>
        %get3A_1281 = arith.constant 0 : i32
        %get3A_1282 = arith.constant 0 : i32
        %get3A_1283 = tpu.memref_slice %get3A_1280[%scan3A_914, %get3A_1281, %get3A_1282] : memref<1x200x64xf32, #tpu.memory_space<vmem>> -> memref<1x200x64xf32, #tpu.memory_space<vmem>>
        %get3A_1284 = tpu.memref_squeeze %get3A_1283 : memref<1x200x64xf32, #tpu.memory_space<vmem>> -> memref<200x64xf32, #tpu.memory_space<vmem>>
        %get3A_1285 = arith.index_cast %add3A_1275 : i32 to index
        %get3A_1286 = arith.constant 48 : index
        %get3A_1287 = tpu.vector_load %get3A_1284[%get3A_1285, %get3A_1286] {strides = array<i32>} : memref<200x64xf32, #tpu.memory_space<vmem>>, vector<1x16xf32>,
        %get3A_1288 = vector.shape_cast %get3A_1287 : vector<1x16xf32> to vector<1x16xf32>
        %mul3A_1289 = arith.constant 8.000000e+00 : f32
        %mul3A_1290 = vector.broadcast %mul3A_1289 : f32 to vector<1x16xf32>
        %mul3A_1291 = arith.mulf %get3A_1288, %mul3A_1290 : vector<1x16xf32>
        %swap3A_1292 = arith.constant 0 : i32
        %swap3A_1293 = arith.constant 0 : i32
        %swap3A_1294 = arith.constant 0 : i32
        %swap3A_1295 = tpu.memref_slice %arg7[%scan3A_915, %swap3A_1292, %swap3A_1293, %swap3A_1294] : memref<2x1x200x64xf32, #tpu.memory_space<vmem>> -> memref<1x1x200x64xf32, #tpu.memory_space<vmem>>
        %swap3A_1296 = tpu.memref_squeeze %swap3A_1295 : memref<1x1x200x64xf32, #tpu.memory_space<vmem>> -> memref<1x200x64xf32, #tpu.memory_space<vmem>>
        %swap3A_1297 = arith.constant 0 : i32
        %swap3A_1298 = arith.constant 0 : i32
        %swap3A_1299 = tpu.memref_slice %swap3A_1296[%scan3A_916, %swap3A_1297, %swap3A_1298] : memref<1x200x64xf32, #tpu.memory_space<vmem>> -> memref<1x200x64xf32, #tpu.memory_space<vmem>>
        %swap3A_1300 = tpu.memref_squeeze %swap3A_1299 : memref<1x200x64xf32, #tpu.memory_space<vmem>> -> memref<200x64xf32, #tpu.memory_space<vmem>>
        %swap3A_1301 = arith.index_cast %add3A_1275 : i32 to index
        %swap3A_1302 = arith.constant 48 : index
        %swap3A_1303 = tpu.vector_load %swap3A_1300[%swap3A_1301, %swap3A_1302] {strides = array<i32>} : memref<200x64xf32, #tpu.memory_space<vmem>>, vector<1x16xf32>,
        %swap3A_1304 = vector.shape_cast %swap3A_1303 : vector<1x16xf32> to vector<1x16xf32>
        %swap3A_1305 = vector.shape_cast %mul3A_1291 : vector<1x16xf32> to vector<1x16xf32>
        tpu.vector_store %swap3A_1300[%swap3A_1301, %swap3A_1302], %swap3A_1305 {strides = array<i32>} : memref<200x64xf32, #tpu.memory_space<vmem>>, vector<1x16xf32>,
      }
      %scan3A_921 = arith.constant 100 : i32
      %add3A_922 = arith.constant 4 : i32
      %add3A_923 = arith.addi %add3A_874, %add3A_922 : i32
      %dma_start3A_924 = arith.constant 2 : i32
      %dma_start3A_925 = arith.constant 0 : i32
      %dma_start3A_926 = arith.constant 2 : i32
      %dma_start3A_927 = arith.constant 0 : i32
      %dma_start3A_928 = arith.constant 0 : i32
      %dma_start3A_929 = tpu.memref_slice %arg6[%dma_start3A_924, %dma_start3A_925, %dma_start3A_927, %dma_start3A_928] : memref<4x1x200x64xf32, #tpu.memory_space<vmem>> -> memref<1x1x200x64xf32, #tpu.memory_space<vmem>>
      %dma_start3A_930 = tpu.memref_squeeze %dma_start3A_929 : memref<1x1x200x64xf32, #tpu.memory_space<vmem>> -> memref<200x64xf32, #tpu.memory_space<vmem>>
      %dma_start3A_931 = arith.constant 0 : i32
      %dma_start3A_932 = tpu.memref_slice %arg5[%add3A_923, %dma_start3A_931] : memref<128x200xi32, #tpu.memory_space<vmem>> -> memref<1x200xi32, #tpu.memory_space<vmem>>
      %dma_start3A_933 = tpu.memref_squeeze %dma_start3A_932 : memref<1x200xi32, #tpu.memory_space<vmem>> -> memref<200xi32, #tpu.memory_space<vmem>>
      %dma_start3A_934 = arith.constant 0 : i32
      %dma_start3A_935 = arith.constant 0 : i32
      %dma_start3A_936 = tpu.memref_slice %arg2[%dma_start3A_934, %dma_start3A_935] : memref<1000000x64xf32, #tpu.memory_space<hbm>> -> memref<1000000x64xf32, #tpu.memory_space<hbm>>
      %dma_start3A_937 = tpu.memref_slice %arg8[%dma_start3A_926] : memref<4x!tpu.dma_semaphore, #tpu.memory_space<semaphore_mem>> -> memref<1x!tpu.dma_semaphore, #tpu.memory_space<semaphore_mem>>
      %dma_start3A_938 = tpu.memref_squeeze %dma_start3A_937 : memref<1x!tpu.dma_semaphore, #tpu.memory_space<semaphore_mem>> -> memref<!tpu.dma_semaphore, #tpu.memory_space<semaphore_mem>>
      tpu.enqueue_indirect_dma source(%dma_start3A_936 : memref<1000000x64xf32, #tpu.memory_space<hbm>>) target(%dma_start3A_930 : memref<200x64xf32, #tpu.memory_space<vmem>>) offsets(%dma_start3A_933 : memref<200xi32, #tpu.memory_space<vmem>>) semaphore(%dma_start3A_938 : memref<!tpu.dma_semaphore, #tpu.memory_space<semaphore_mem>>)
      %add3A_939 = arith.addi %mul3A_2, %add3A_874 : i32
      %dma_start3A_940 = arith.constant 0 : i32
      %dma_start3A_941 = arith.constant 0 : i32
      %dma_start3A_942 = arith.constant 0 : i32
      %dma_start3A_943 = arith.constant 0 : i32
      %dma_start3A_944 = arith.constant 0 : i32
      %dma_start3A_945 = tpu.memref_slice %arg7[%dma_start3A_940, %dma_start3A_942, %dma_start3A_943, %dma_start3A_944] : memref<2x1x200x64xf32, #tpu.memory_space<vmem>> -> memref<1x1x200x64xf32, #tpu.memory_space<vmem>>
      %dma_start3A_946 = tpu.memref_squeeze %dma_start3A_945 : memref<1x1x200x64xf32, #tpu.memory_space<vmem>> -> memref<1x200x64xf32, #tpu.memory_space<vmem>>
      %dma_start3A_947 = arith.constant 0 : i32
      %dma_start3A_948 = arith.constant 0 : i32
      %dma_start3A_949 = tpu.memref_slice %arg4[%add3A_939, %dma_start3A_947, %dma_start3A_948] : memref<4096x200x64xf32, #tpu.memory_space<hbm>> -> memref<1x200x64xf32, #tpu.memory_space<hbm>>
      %dma_start3A_950 = tpu.memref_slice %arg9[%dma_start3A_941] : memref<2x!tpu.dma_semaphore, #tpu.memory_space<semaphore_mem>> -> memref<1x!tpu.dma_semaphore, #tpu.memory_space<semaphore_mem>>
      %dma_start3A_951 = tpu.memref_squeeze %dma_start3A_950 : memref<1x!tpu.dma_semaphore, #tpu.memory_space<semaphore_mem>> -> memref<!tpu.dma_semaphore, #tpu.memory_space<semaphore_mem>>
      %dma_start3A_952 = arith.constant 0 : i32
      %dma_start3A_953 = arith.constant 0 : i32
      %dma_start3A_954 = tpu.memref_slice %arg4[%add3A_939, %dma_start3A_952, %dma_start3A_953] : memref<4096x200x64xf32, #tpu.memory_space<hbm>> -> memref<1x200x64xf32, #tpu.memory_space<hbm>>
      %dma_start3A_955 = arith.constant 0 : i32
      %dma_start3A_956 = arith.constant 0 : i32
      %dma_start3A_957 = arith.constant 0 : i32
      %dma_start3A_958 = tpu.memref_slice %arg7[%dma_start3A_940, %dma_start3A_955, %dma_start3A_956, %dma_start3A_957] : memref<2x1x200x64xf32, #tpu.memory_space<vmem>> -> memref<1x1x200x64xf32, #tpu.memory_space<vmem>>
      %dma_start3A_959 = tpu.memref_squeeze %dma_start3A_958 : memref<1x1x200x64xf32, #tpu.memory_space<vmem>> -> memref<1x200x64xf32, #tpu.memory_space<vmem>>
      tpu.enqueue_dma source(%dma_start3A_959 : memref<1x200x64xf32, #tpu.memory_space<vmem>>) target(%dma_start3A_954 : memref<1x200x64xf32, #tpu.memory_space<hbm>>) target_semaphore(%dma_start3A_951 : memref<!tpu.dma_semaphore, #tpu.memory_space<semaphore_mem>>)
      %add3A_960 = arith.constant 3 : i32
      %add3A_961 = arith.addi %mul3A_699, %add3A_960 : i32
      %dma_wait3A_962 = arith.constant 3 : i32
      %dma_wait3A_963 = arith.constant 0 : i32
      %dma_wait3A_964 = arith.constant 3 : i32
      %dma_wait3A_965 = arith.constant 0 : i32
      %dma_wait3A_966 = arith.constant 0 : i32
      %dma_wait3A_967 = tpu.memref_slice %arg6[%dma_wait3A_962, %dma_wait3A_963, %dma_wait3A_965, %dma_wait3A_966] : memref<4x1x200x64xf32, #tpu.memory_space<vmem>> -> memref<1x1x200x64xf32, #tpu.memory_space<vmem>>
      %dma_wait3A_968 = tpu.memref_squeeze %dma_wait3A_967 : memref<1x1x200x64xf32, #tpu.memory_space<vmem>> -> memref<200x64xf32, #tpu.memory_space<vmem>>
      %dma_wait3A_969 = arith.constant 0 : i32
      %dma_wait3A_970 = tpu.memref_slice %arg5[%add3A_961, %dma_wait3A_969] : memref<128x200xi32, #tpu.memory_space<vmem>> -> memref<1x200xi32, #tpu.memory_space<vmem>>
      %dma_wait3A_971 = tpu.memref_squeeze %dma_wait3A_970 : memref<1x200xi32, #tpu.memory_space<vmem>> -> memref<200xi32, #tpu.memory_space<vmem>>
      %dma_wait3A_972 = arith.constant 0 : i32
      %dma_wait3A_973 = arith.constant 0 : i32
      %dma_wait3A_974 = tpu.memref_slice %arg2[%dma_wait3A_972, %dma_wait3A_973] : memref<1000000x64xf32, #tpu.memory_space<hbm>> -> memref<1000000x64xf32, #tpu.memory_space<hbm>>
      %dma_wait3A_975 = tpu.memref_slice %arg8[%dma_wait3A_964] : memref<4x!tpu.dma_semaphore, #tpu.memory_space<semaphore_mem>> -> memref<1x!tpu.dma_semaphore, #tpu.memory_space<semaphore_mem>>
      %dma_wait3A_976 = tpu.memref_squeeze %dma_wait3A_975 : memref<1x!tpu.dma_semaphore, #tpu.memory_space<semaphore_mem>> -> memref<!tpu.dma_semaphore, #tpu.memory_space<semaphore_mem>>
      tpu.wait_indirect_dma semaphore(%dma_wait3A_976 : memref<!tpu.dma_semaphore, #tpu.memory_space<semaphore_mem>>) src(%dma_wait3A_974 : memref<1000000x64xf32, #tpu.memory_space<hbm>>) dst(%dma_wait3A_968 : memref<200x64xf32, #tpu.memory_space<vmem>>)
      %sub3A_977 = arith.constant 2 : i32
      %sub3A_978 = arith.subi %add3A_961, %sub3A_977 : i32
      %add3A_979 = arith.addi %mul3A_2, %sub3A_978 : i32
      %dma_wait3A_980 = arith.constant 1 : i32
      %dma_wait3A_981 = arith.constant 1 : i32
      %dma_wait3A_982 = arith.constant 0 : i32
      %dma_wait3A_983 = arith.constant 0 : i32
      %dma_wait3A_984 = arith.constant 0 : i32
      %dma_wait3A_985 = tpu.memref_slice %arg7[%dma_wait3A_980, %dma_wait3A_982, %dma_wait3A_983, %dma_wait3A_984] : memref<2x1x200x64xf32, #tpu.memory_space<vmem>> -> memref<1x1x200x64xf32, #tpu.memory_space<vmem>>
      %dma_wait3A_986 = tpu.memref_squeeze %dma_wait3A_985 : memref<1x1x200x64xf32, #tpu.memory_space<vmem>> -> memref<1x200x64xf32, #tpu.memory_space<vmem>>
      %dma_wait3A_987 = arith.constant 0 : i32
      %dma_wait3A_988 = arith.constant 0 : i32
      %dma_wait3A_989 = tpu.memref_slice %arg4[%add3A_979, %dma_wait3A_987, %dma_wait3A_988] : memref<4096x200x64xf32, #tpu.memory_space<hbm>> -> memref<1x200x64xf32, #tpu.memory_space<hbm>>
      %dma_wait3A_990 = tpu.memref_slice %arg9[%dma_wait3A_981] : memref<2x!tpu.dma_semaphore, #tpu.memory_space<semaphore_mem>> -> memref<1x!tpu.dma_semaphore, #tpu.memory_space<semaphore_mem>>
      %dma_wait3A_991 = tpu.memref_squeeze %dma_wait3A_990 : memref<1x!tpu.dma_semaphore, #tpu.memory_space<semaphore_mem>> -> memref<!tpu.dma_semaphore, #tpu.memory_space<semaphore_mem>>
      %dma_wait3A_992 = arith.constant 0 : i32
      %dma_wait3A_993 = arith.constant 0 : i32
      %dma_wait3A_994 = tpu.memref_slice %arg4[%add3A_979, %dma_wait3A_992, %dma_wait3A_993] : memref<4096x200x64xf32, #tpu.memory_space<hbm>> -> memref<1x200x64xf32, #tpu.memory_space<hbm>>
      %dma_wait3A_995 = arith.constant 0 : i32
      %dma_wait3A_996 = arith.constant 0 : i32
      %dma_wait3A_997 = arith.constant 0 : i32
      %dma_wait3A_998 = tpu.memref_slice %arg7[%dma_wait3A_980, %dma_wait3A_995, %dma_wait3A_996, %dma_wait3A_997] : memref<2x1x200x64xf32, #tpu.memory_space<vmem>> -> memref<1x1x200x64xf32, #tpu.memory_space<vmem>>
      %dma_wait3A_999 = tpu.memref_squeeze %dma_wait3A_998 : memref<1x1x200x64xf32, #tpu.memory_space<vmem>> -> memref<1x200x64xf32, #tpu.memory_space<vmem>>
      tpu.wait_dma2 semaphore(%dma_wait3A_991 : memref<!tpu.dma_semaphore, #tpu.memory_space<semaphore_mem>>) src(%dma_wait3A_999 : memref<1x200x64xf32, #tpu.memory_space<vmem>>) dst(%dma_wait3A_994 : memref<1x200x64xf32, #tpu.memory_space<hbm>>)
      %scan3A_1000 = arith.constant 3 : i32
      %scan3A_1001 = arith.constant 0 : i32
      %scan3A_1002 = arith.constant 1 : i32
      %scan3A_1003 = arith.constant 0 : i32
      %scan3A_1004 = arith.constant 0 : i32
      %scan3A_1005 = arith.constant 100 : i32
      %scan3A_1006 = arith.addi %scan3A_1004, %scan3A_1005 : i32
      %scan3A_1007 = arith.constant 1 : i32
      scf.for %scan3A_1047 = %scan3A_1004 to %scan3A_1006 step %scan3A_1007  : i32 {
        %mul3A_1048 = arith.constant 2 : i32
        %mul3A_1049 = arith.muli %scan3A_1047, %mul3A_1048 : i32
        %add3A_1050 = arith.constant 0 : i32
        %add3A_1051 = arith.addi %add3A_1050, %mul3A_1049 : i32
        %add3A_1052 = arith.constant 0 : i32
        %add3A_1053 = arith.addi %add3A_1051, %add3A_1052 : i32
        %get3A = arith.constant 0 : i32
        %get3A_1054 = arith.constant 0 : i32
        %get3A_1055 = arith.constant 0 : i32
        %get3A_1056 = tpu.memref_slice %arg6[%scan3A_1000, %get3A, %get3A_1054, %get3A_1055] : memref<4x1x200x64xf32, #tpu.memory_space<vmem>> -> memref<1x1x200x64xf32, #tpu.memory_space<vmem>>
        %get3A_1057 = tpu.memref_squeeze %get3A_1056 : memref<1x1x200x64xf32, #tpu.memory_space<vmem>> -> memref<1x200x64xf32, #tpu.memory_space<vmem>>
        %get3A_1058 = arith.constant 0 : i32
        %get3A_1059 = arith.constant 0 : i32
        %get3A_1060 = tpu.memref_slice %get3A_1057[%scan3A_1001, %get3A_1058, %get3A_1059] : memref<1x200x64xf32, #tpu.memory_space<vmem>> -> memref<1x200x64xf32, #tpu.memory_space<vmem>>
        %get3A_1061 = tpu.memref_squeeze %get3A_1060 : memref<1x200x64xf32, #tpu.memory_space<vmem>> -> memref<200x64xf32, #tpu.memory_space<vmem>>
        %get3A_1062 = arith.index_cast %add3A_1053 : i32 to index
        %get3A_1063 = arith.constant 0 : index
        %get3A_1064 = tpu.vector_load %get3A_1061[%get3A_1062, %get3A_1063] {strides = array<i32>} : memref<200x64xf32, #tpu.memory_space<vmem>>, vector<1x16xf32>,
        %get3A_1065 = vector.shape_cast %get3A_1064 : vector<1x16xf32> to vector<1x16xf32>
        %mul3A_1066 = arith.constant 8.000000e+00 : f32
        %mul3A_1067 = vector.broadcast %mul3A_1066 : f32 to vector<1x16xf32>
        %mul3A_1068 = arith.mulf %get3A_1065, %mul3A_1067 : vector<1x16xf32>
        %swap3A = arith.constant 0 : i32
        %swap3A_1069 = arith.constant 0 : i32
        %swap3A_1070 = arith.constant 0 : i32
        %swap3A_1071 = tpu.memref_slice %arg7[%scan3A_1002, %swap3A, %swap3A_1069, %swap3A_1070] : memref<2x1x200x64xf32, #tpu.memory_space<vmem>> -> memref<1x1x200x64xf32, #tpu.memory_space<vmem>>
        %swap3A_1072 = tpu.memref_squeeze %swap3A_1071 : memref<1x1x200x64xf32, #tpu.memory_space<vmem>> -> memref<1x200x64xf32, #tpu.memory_space<vmem>>
        %swap3A_1073 = arith.constant 0 : i32
        %swap3A_1074 = arith.constant 0 : i32
        %swap3A_1075 = tpu.memref_slice %swap3A_1072[%scan3A_1003, %swap3A_1073, %swap3A_1074] : memref<1x200x64xf32, #tpu.memory_space<vmem>> -> memref<1x200x64xf32, #tpu.memory_space<vmem>>
        %swap3A_1076 = tpu.memref_squeeze %swap3A_1075 : memref<1x200x64xf32, #tpu.memory_space<vmem>> -> memref<200x64xf32, #tpu.memory_space<vmem>>
        %swap3A_1077 = arith.index_cast %add3A_1053 : i32 to index
        %swap3A_1078 = arith.constant 0 : index
        %swap3A_1079 = tpu.vector_load %swap3A_1076[%swap3A_1077, %swap3A_1078] {strides = array<i32>} : memref<200x64xf32, #tpu.memory_space<vmem>>, vector<1x16xf32>,
        %swap3A_1080 = vector.shape_cast %swap3A_1079 : vector<1x16xf32> to vector<1x16xf32>
        %swap3A_1081 = vector.shape_cast %mul3A_1068 : vector<1x16xf32> to vector<1x16xf32>
        tpu.vector_store %swap3A_1076[%swap3A_1077, %swap3A_1078], %swap3A_1081 {strides = array<i32>} : memref<200x64xf32, #tpu.memory_space<vmem>>, vector<1x16xf32>,
        %add3A_1082 = arith.constant 0 : i32
        %add3A_1083 = arith.addi %add3A_1051, %add3A_1082 : i32
        %get3A_1084 = arith.constant 0 : i32
        %get3A_1085 = arith.constant 0 : i32
        %get3A_1086 = arith.constant 0 : i32
        %get3A_1087 = tpu.memref_slice %arg6[%scan3A_1000, %get3A_1084, %get3A_1085, %get3A_1086] : memref<4x1x200x64xf32, #tpu.memory_space<vmem>> -> memref<1x1x200x64xf32, #tpu.memory_space<vmem>>
        %get3A_1088 = tpu.memref_squeeze %get3A_1087 : memref<1x1x200x64xf32, #tpu.memory_space<vmem>> -> memref<1x200x64xf32, #tpu.memory_space<vmem>>
        %get3A_1089 = arith.constant 0 : i32
        %get3A_1090 = arith.constant 0 : i32
        %get3A_1091 = tpu.memref_slice %get3A_1088[%scan3A_1001, %get3A_1089, %get3A_1090] : memref<1x200x64xf32, #tpu.memory_space<vmem>> -> memref<1x200x64xf32, #tpu.memory_space<vmem>>
        %get3A_1092 = tpu.memref_squeeze %get3A_1091 : memref<1x200x64xf32, #tpu.memory_space<vmem>> -> memref<200x64xf32, #tpu.memory_space<vmem>>
        %get3A_1093 = arith.index_cast %add3A_1083 : i32 to index
        %get3A_1094 = arith.constant 16 : index
        %get3A_1095 = tpu.vector_load %get3A_1092[%get3A_1093, %get3A_1094] {strides = array<i32>} : memref<200x64xf32, #tpu.memory_space<vmem>>, vector<1x16xf32>,
        %get3A_1096 = vector.shape_cast %get3A_1095 : vector<1x16xf32> to vector<1x16xf32>
        %mul3A_1097 = arith.constant 8.000000e+00 : f32
        %mul3A_1098 = vector.broadcast %mul3A_1097 : f32 to vector<1x16xf32>
        %mul3A_1099 = arith.mulf %get3A_1096, %mul3A_1098 : vector<1x16xf32>
        %swap3A_1100 = arith.constant 0 : i32
        %swap3A_1101 = arith.constant 0 : i32
        %swap3A_1102 = arith.constant 0 : i32
        %swap3A_1103 = tpu.memref_slice %arg7[%scan3A_1002, %swap3A_1100, %swap3A_1101, %swap3A_1102] : memref<2x1x200x64xf32, #tpu.memory_space<vmem>> -> memref<1x1x200x64xf32, #tpu.memory_space<vmem>>
        %swap3A_1104 = tpu.memref_squeeze %swap3A_1103 : memref<1x1x200x64xf32, #tpu.memory_space<vmem>> -> memref<1x200x64xf32, #tpu.memory_space<vmem>>
        %swap3A_1105 = arith.constant 0 : i32
        %swap3A_1106 = arith.constant 0 : i32
        %swap3A_1107 = tpu.memref_slice %swap3A_1104[%scan3A_1003, %swap3A_1105, %swap3A_1106] : memref<1x200x64xf32, #tpu.memory_space<vmem>> -> memref<1x200x64xf32, #tpu.memory_space<vmem>>
        %swap3A_1108 = tpu.memref_squeeze %swap3A_1107 : memref<1x200x64xf32, #tpu.memory_space<vmem>> -> memref<200x64xf32, #tpu.memory_space<vmem>>
        %swap3A_1109 = arith.index_cast %add3A_1083 : i32 to index
        %swap3A_1110 = arith.constant 16 : index
        %swap3A_1111 = tpu.vector_load %swap3A_1108[%swap3A_1109, %swap3A_1110] {strides = array<i32>} : memref<200x64xf32, #tpu.memory_space<vmem>>, vector<1x16xf32>,
        %swap3A_1112 = vector.shape_cast %swap3A_1111 : vector<1x16xf32> to vector<1x16xf32>
        %swap3A_1113 = vector.shape_cast %mul3A_1099 : vector<1x16xf32> to vector<1x16xf32>
        tpu.vector_store %swap3A_1108[%swap3A_1109, %swap3A_1110], %swap3A_1113 {strides = array<i32>} : memref<200x64xf32, #tpu.memory_space<vmem>>, vector<1x16xf32>,
        %add3A_1114 = arith.constant 0 : i32
        %add3A_1115 = arith.addi %add3A_1051, %add3A_1114 : i32
        %get3A_1116 = arith.constant 0 : i32
        %get3A_1117 = arith.constant 0 : i32
        %get3A_1118 = arith.constant 0 : i32
        %get3A_1119 = tpu.memref_slice %arg6[%scan3A_1000, %get3A_1116, %get3A_1117, %get3A_1118] : memref<4x1x200x64xf32, #tpu.memory_space<vmem>> -> memref<1x1x200x64xf32, #tpu.memory_space<vmem>>
        %get3A_1120 = tpu.memref_squeeze %get3A_1119 : memref<1x1x200x64xf32, #tpu.memory_space<vmem>> -> memref<1x200x64xf32, #tpu.memory_space<vmem>>
        %get3A_1121 = arith.constant 0 : i32
        %get3A_1122 = arith.constant 0 : i32
        %get3A_1123 = tpu.memref_slice %get3A_1120[%scan3A_1001, %get3A_1121, %get3A_1122] : memref<1x200x64xf32, #tpu.memory_space<vmem>> -> memref<1x200x64xf32, #tpu.memory_space<vmem>>
        %get3A_1124 = tpu.memref_squeeze %get3A_1123 : memref<1x200x64xf32, #tpu.memory_space<vmem>> -> memref<200x64xf32, #tpu.memory_space<vmem>>
        %get3A_1125 = arith.index_cast %add3A_1115 : i32 to index
        %get3A_1126 = arith.constant 32 : index
        %get3A_1127 = tpu.vector_load %get3A_1124[%get3A_1125, %get3A_1126] {strides = array<i32>} : memref<200x64xf32, #tpu.memory_space<vmem>>, vector<1x16xf32>,
        %get3A_1128 = vector.shape_cast %get3A_1127 : vector<1x16xf32> to vector<1x16xf32>
        %mul3A_1129 = arith.constant 8.000000e+00 : f32
        %mul3A_1130 = vector.broadcast %mul3A_1129 : f32 to vector<1x16xf32>
        %mul3A_1131 = arith.mulf %get3A_1128, %mul3A_1130 : vector<1x16xf32>
        %swap3A_1132 = arith.constant 0 : i32
        %swap3A_1133 = arith.constant 0 : i32
        %swap3A_1134 = arith.constant 0 : i32
        %swap3A_1135 = tpu.memref_slice %arg7[%scan3A_1002, %swap3A_1132, %swap3A_1133, %swap3A_1134] : memref<2x1x200x64xf32, #tpu.memory_space<vmem>> -> memref<1x1x200x64xf32, #tpu.memory_space<vmem>>
        %swap3A_1136 = tpu.memref_squeeze %swap3A_1135 : memref<1x1x200x64xf32, #tpu.memory_space<vmem>> -> memref<1x200x64xf32, #tpu.memory_space<vmem>>
        %swap3A_1137 = arith.constant 0 : i32
        %swap3A_1138 = arith.constant 0 : i32
        %swap3A_1139 = tpu.memref_slice %swap3A_1136[%scan3A_1003, %swap3A_1137, %swap3A_1138] : memref<1x200x64xf32, #tpu.memory_space<vmem>> -> memref<1x200x64xf32, #tpu.memory_space<vmem>>
        %swap3A_1140 = tpu.memref_squeeze %swap3A_1139 : memref<1x200x64xf32, #tpu.memory_space<vmem>> -> memref<200x64xf32, #tpu.memory_space<vmem>>
        %swap3A_1141 = arith.index_cast %add3A_1115 : i32 to index
        %swap3A_1142 = arith.constant 32 : index
        %swap3A_1143 = tpu.vector_load %swap3A_1140[%swap3A_1141, %swap3A_1142] {strides = array<i32>} : memref<200x64xf32, #tpu.memory_space<vmem>>, vector<1x16xf32>,
        %swap3A_1144 = vector.shape_cast %swap3A_1143 : vector<1x16xf32> to vector<1x16xf32>
        %swap3A_1145 = vector.shape_cast %mul3A_1131 : vector<1x16xf32> to vector<1x16xf32>
        tpu.vector_store %swap3A_1140[%swap3A_1141, %swap3A_1142], %swap3A_1145 {strides = array<i32>} : memref<200x64xf32, #tpu.memory_space<vmem>>, vector<1x16xf32>,
        %add3A_1146 = arith.constant 0 : i32
        %add3A_1147 = arith.addi %add3A_1051, %add3A_1146 : i32
        %get3A_1148 = arith.constant 0 : i32
        %get3A_1149 = arith.constant 0 : i32
        %get3A_1150 = arith.constant 0 : i32
        %get3A_1151 = tpu.memref_slice %arg6[%scan3A_1000, %get3A_1148, %get3A_1149, %get3A_1150] : memref<4x1x200x64xf32, #tpu.memory_space<vmem>> -> memref<1x1x200x64xf32, #tpu.memory_space<vmem>>
        %get3A_1152 = tpu.memref_squeeze %get3A_1151 : memref<1x1x200x64xf32, #tpu.memory_space<vmem>> -> memref<1x200x64xf32, #tpu.memory_space<vmem>>
        %get3A_1153 = arith.constant 0 : i32
        %get3A_1154 = arith.constant 0 : i32
        %get3A_1155 = tpu.memref_slice %get3A_1152[%scan3A_1001, %get3A_1153, %get3A_1154] : memref<1x200x64xf32, #tpu.memory_space<vmem>> -> memref<1x200x64xf32, #tpu.memory_space<vmem>>
        %get3A_1156 = tpu.memref_squeeze %get3A_1155 : memref<1x200x64xf32, #tpu.memory_space<vmem>> -> memref<200x64xf32, #tpu.memory_space<vmem>>
        %get3A_1157 = arith.index_cast %add3A_1147 : i32 to index
        %get3A_1158 = arith.constant 48 : index
        %get3A_1159 = tpu.vector_load %get3A_1156[%get3A_1157, %get3A_1158] {strides = array<i32>} : memref<200x64xf32, #tpu.memory_space<vmem>>, vector<1x16xf32>,
        %get3A_1160 = vector.shape_cast %get3A_1159 : vector<1x16xf32> to vector<1x16xf32>
        %mul3A_1161 = arith.constant 8.000000e+00 : f32
        %mul3A_1162 = vector.broadcast %mul3A_1161 : f32 to vector<1x16xf32>
        %mul3A_1163 = arith.mulf %get3A_1160, %mul3A_1162 : vector<1x16xf32>
        %swap3A_1164 = arith.constant 0 : i32
        %swap3A_1165 = arith.constant 0 : i32
        %swap3A_1166 = arith.constant 0 : i32
        %swap3A_1167 = tpu.memref_slice %arg7[%scan3A_1002, %swap3A_1164, %swap3A_1165, %swap3A_1166] : memref<2x1x200x64xf32, #tpu.memory_space<vmem>> -> memref<1x1x200x64xf32, #tpu.memory_space<vmem>>
        %swap3A_1168 = tpu.memref_squeeze %swap3A_1167 : memref<1x1x200x64xf32, #tpu.memory_space<vmem>> -> memref<1x200x64xf32, #tpu.memory_space<vmem>>
        %swap3A_1169 = arith.constant 0 : i32
        %swap3A_1170 = arith.constant 0 : i32
        %swap3A_1171 = tpu.memref_slice %swap3A_1168[%scan3A_1003, %swap3A_1169, %swap3A_1170] : memref<1x200x64xf32, #tpu.memory_space<vmem>> -> memref<1x200x64xf32, #tpu.memory_space<vmem>>
        %swap3A_1172 = tpu.memref_squeeze %swap3A_1171 : memref<1x200x64xf32, #tpu.memory_space<vmem>> -> memref<200x64xf32, #tpu.memory_space<vmem>>
        %swap3A_1173 = arith.index_cast %add3A_1147 : i32 to index
        %swap3A_1174 = arith.constant 48 : index
        %swap3A_1175 = tpu.vector_load %swap3A_1172[%swap3A_1173, %swap3A_1174] {strides = array<i32>} : memref<200x64xf32, #tpu.memory_space<vmem>>, vector<1x16xf32>,
        %swap3A_1176 = vector.shape_cast %swap3A_1175 : vector<1x16xf32> to vector<1x16xf32>
        %swap3A_1177 = vector.shape_cast %mul3A_1163 : vector<1x16xf32> to vector<1x16xf32>
        tpu.vector_store %swap3A_1172[%swap3A_1173, %swap3A_1174], %swap3A_1177 {strides = array<i32>} : memref<200x64xf32, #tpu.memory_space<vmem>>, vector<1x16xf32>,
        %add3A_1178 = arith.constant 1 : i32
        %add3A_1179 = arith.addi %add3A_1051, %add3A_1178 : i32
        %get3A_1180 = arith.constant 0 : i32
        %get3A_1181 = arith.constant 0 : i32
        %get3A_1182 = arith.constant 0 : i32
        %get3A_1183 = tpu.memref_slice %arg6[%scan3A_1000, %get3A_1180, %get3A_1181, %get3A_1182] : memref<4x1x200x64xf32, #tpu.memory_space<vmem>> -> memref<1x1x200x64xf32, #tpu.memory_space<vmem>>
        %get3A_1184 = tpu.memref_squeeze %get3A_1183 : memref<1x1x200x64xf32, #tpu.memory_space<vmem>> -> memref<1x200x64xf32, #tpu.memory_space<vmem>>
        %get3A_1185 = arith.constant 0 : i32
        %get3A_1186 = arith.constant 0 : i32
        %get3A_1187 = tpu.memref_slice %get3A_1184[%scan3A_1001, %get3A_1185, %get3A_1186] : memref<1x200x64xf32, #tpu.memory_space<vmem>> -> memref<1x200x64xf32, #tpu.memory_space<vmem>>
        %get3A_1188 = tpu.memref_squeeze %get3A_1187 : memref<1x200x64xf32, #tpu.memory_space<vmem>> -> memref<200x64xf32, #tpu.memory_space<vmem>>
        %get3A_1189 = arith.index_cast %add3A_1179 : i32 to index
        %get3A_1190 = arith.constant 0 : index
        %get3A_1191 = tpu.vector_load %get3A_1188[%get3A_1189, %get3A_1190] {strides = array<i32>} : memref<200x64xf32, #tpu.memory_space<vmem>>, vector<1x16xf32>,
        %get3A_1192 = vector.shape_cast %get3A_1191 : vector<1x16xf32> to vector<1x16xf32>
        %mul3A_1193 = arith.constant 8.000000e+00 : f32
        %mul3A_1194 = vector.broadcast %mul3A_1193 : f32 to vector<1x16xf32>
        %mul3A_1195 = arith.mulf %get3A_1192, %mul3A_1194 : vector<1x16xf32>
        %swap3A_1196 = arith.constant 0 : i32
        %swap3A_1197 = arith.constant 0 : i32
        %swap3A_1198 = arith.constant 0 : i32
        %swap3A_1199 = tpu.memref_slice %arg7[%scan3A_1002, %swap3A_1196, %swap3A_1197, %swap3A_1198] : memref<2x1x200x64xf32, #tpu.memory_space<vmem>> -> memref<1x1x200x64xf32, #tpu.memory_space<vmem>>
        %swap3A_1200 = tpu.memref_squeeze %swap3A_1199 : memref<1x1x200x64xf32, #tpu.memory_space<vmem>> -> memref<1x200x64xf32, #tpu.memory_space<vmem>>
        %swap3A_1201 = arith.constant 0 : i32
        %swap3A_1202 = arith.constant 0 : i32
        %swap3A_1203 = tpu.memref_slice %swap3A_1200[%scan3A_1003, %swap3A_1201, %swap3A_1202] : memref<1x200x64xf32, #tpu.memory_space<vmem>> -> memref<1x200x64xf32, #tpu.memory_space<vmem>>
        %swap3A_1204 = tpu.memref_squeeze %swap3A_1203 : memref<1x200x64xf32, #tpu.memory_space<vmem>> -> memref<200x64xf32, #tpu.memory_space<vmem>>
        %swap3A_1205 = arith.index_cast %add3A_1179 : i32 to index
        %swap3A_1206 = arith.constant 0 : index
        %swap3A_1207 = tpu.vector_load %swap3A_1204[%swap3A_1205, %swap3A_1206] {strides = array<i32>} : memref<200x64xf32, #tpu.memory_space<vmem>>, vector<1x16xf32>,
        %swap3A_1208 = vector.shape_cast %swap3A_1207 : vector<1x16xf32> to vector<1x16xf32>
        %swap3A_1209 = vector.shape_cast %mul3A_1195 : vector<1x16xf32> to vector<1x16xf32>
        tpu.vector_store %swap3A_1204[%swap3A_1205, %swap3A_1206], %swap3A_1209 {strides = array<i32>} : memref<200x64xf32, #tpu.memory_space<vmem>>, vector<1x16xf32>,
        %add3A_1210 = arith.constant 1 : i32
        %add3A_1211 = arith.addi %add3A_1051, %add3A_1210 : i32
        %get3A_1212 = arith.constant 0 : i32
        %get3A_1213 = arith.constant 0 : i32
        %get3A_1214 = arith.constant 0 : i32
        %get3A_1215 = tpu.memref_slice %arg6[%scan3A_1000, %get3A_1212, %get3A_1213, %get3A_1214] : memref<4x1x200x64xf32, #tpu.memory_space<vmem>> -> memref<1x1x200x64xf32, #tpu.memory_space<vmem>>
        %get3A_1216 = tpu.memref_squeeze %get3A_1215 : memref<1x1x200x64xf32, #tpu.memory_space<vmem>> -> memref<1x200x64xf32, #tpu.memory_space<vmem>>
        %get3A_1217 = arith.constant 0 : i32
        %get3A_1218 = arith.constant 0 : i32
        %get3A_1219 = tpu.memref_slice %get3A_1216[%scan3A_1001, %get3A_1217, %get3A_1218] : memref<1x200x64xf32, #tpu.memory_space<vmem>> -> memref<1x200x64xf32, #tpu.memory_space<vmem>>
        %get3A_1220 = tpu.memref_squeeze %get3A_1219 : memref<1x200x64xf32, #tpu.memory_space<vmem>> -> memref<200x64xf32, #tpu.memory_space<vmem>>
        %get3A_1221 = arith.index_cast %add3A_1211 : i32 to index
        %get3A_1222 = arith.constant 16 : index
        %get3A_1223 = tpu.vector_load %get3A_1220[%get3A_1221, %get3A_1222] {strides = array<i32>} : memref<200x64xf32, #tpu.memory_space<vmem>>, vector<1x16xf32>,
        %get3A_1224 = vector.shape_cast %get3A_1223 : vector<1x16xf32> to vector<1x16xf32>
        %mul3A_1225 = arith.constant 8.000000e+00 : f32
        %mul3A_1226 = vector.broadcast %mul3A_1225 : f32 to vector<1x16xf32>
        %mul3A_1227 = arith.mulf %get3A_1224, %mul3A_1226 : vector<1x16xf32>
        %swap3A_1228 = arith.constant 0 : i32
        %swap3A_1229 = arith.constant 0 : i32
        %swap3A_1230 = arith.constant 0 : i32
        %swap3A_1231 = tpu.memref_slice %arg7[%scan3A_1002, %swap3A_1228, %swap3A_1229, %swap3A_1230] : memref<2x1x200x64xf32, #tpu.memory_space<vmem>> -> memref<1x1x200x64xf32, #tpu.memory_space<vmem>>
        %swap3A_1232 = tpu.memref_squeeze %swap3A_1231 : memref<1x1x200x64xf32, #tpu.memory_space<vmem>> -> memref<1x200x64xf32, #tpu.memory_space<vmem>>
        %swap3A_1233 = arith.constant 0 : i32
        %swap3A_1234 = arith.constant 0 : i32
        %swap3A_1235 = tpu.memref_slice %swap3A_1232[%scan3A_1003, %swap3A_1233, %swap3A_1234] : memref<1x200x64xf32, #tpu.memory_space<vmem>> -> memref<1x200x64xf32, #tpu.memory_space<vmem>>
        %swap3A_1236 = tpu.memref_squeeze %swap3A_1235 : memref<1x200x64xf32, #tpu.memory_space<vmem>> -> memref<200x64xf32, #tpu.memory_space<vmem>>
        %swap3A_1237 = arith.index_cast %add3A_1211 : i32 to index
        %swap3A_1238 = arith.constant 16 : index
        %swap3A_1239 = tpu.vector_load %swap3A_1236[%swap3A_1237, %swap3A_1238] {strides = array<i32>} : memref<200x64xf32, #tpu.memory_space<vmem>>, vector<1x16xf32>,
        %swap3A_1240 = vector.shape_cast %swap3A_1239 : vector<1x16xf32> to vector<1x16xf32>
        %swap3A_1241 = vector.shape_cast %mul3A_1227 : vector<1x16xf32> to vector<1x16xf32>
        tpu.vector_store %swap3A_1236[%swap3A_1237, %swap3A_1238], %swap3A_1241 {strides = array<i32>} : memref<200x64xf32, #tpu.memory_space<vmem>>, vector<1x16xf32>,
        %add3A_1242 = arith.constant 1 : i32
        %add3A_1243 = arith.addi %add3A_1051, %add3A_1242 : i32
        %get3A_1244 = arith.constant 0 : i32
        %get3A_1245 = arith.constant 0 : i32
        %get3A_1246 = arith.constant 0 : i32
        %get3A_1247 = tpu.memref_slice %arg6[%scan3A_1000, %get3A_1244, %get3A_1245, %get3A_1246] : memref<4x1x200x64xf32, #tpu.memory_space<vmem>> -> memref<1x1x200x64xf32, #tpu.memory_space<vmem>>
        %get3A_1248 = tpu.memref_squeeze %get3A_1247 : memref<1x1x200x64xf32, #tpu.memory_space<vmem>> -> memref<1x200x64xf32, #tpu.memory_space<vmem>>
        %get3A_1249 = arith.constant 0 : i32
        %get3A_1250 = arith.constant 0 : i32
        %get3A_1251 = tpu.memref_slice %get3A_1248[%scan3A_1001, %get3A_1249, %get3A_1250] : memref<1x200x64xf32, #tpu.memory_space<vmem>> -> memref<1x200x64xf32, #tpu.memory_space<vmem>>
        %get3A_1252 = tpu.memref_squeeze %get3A_1251 : memref<1x200x64xf32, #tpu.memory_space<vmem>> -> memref<200x64xf32, #tpu.memory_space<vmem>>
        %get3A_1253 = arith.index_cast %add3A_1243 : i32 to index
        %get3A_1254 = arith.constant 32 : index
        %get3A_1255 = tpu.vector_load %get3A_1252[%get3A_1253, %get3A_1254] {strides = array<i32>} : memref<200x64xf32, #tpu.memory_space<vmem>>, vector<1x16xf32>,
        %get3A_1256 = vector.shape_cast %get3A_1255 : vector<1x16xf32> to vector<1x16xf32>
        %mul3A_1257 = arith.constant 8.000000e+00 : f32
        %mul3A_1258 = vector.broadcast %mul3A_1257 : f32 to vector<1x16xf32>
        %mul3A_1259 = arith.mulf %get3A_1256, %mul3A_1258 : vector<1x16xf32>
        %swap3A_1260 = arith.constant 0 : i32
        %swap3A_1261 = arith.constant 0 : i32
        %swap3A_1262 = arith.constant 0 : i32
        %swap3A_1263 = tpu.memref_slice %arg7[%scan3A_1002, %swap3A_1260, %swap3A_1261, %swap3A_1262] : memref<2x1x200x64xf32, #tpu.memory_space<vmem>> -> memref<1x1x200x64xf32, #tpu.memory_space<vmem>>
        %swap3A_1264 = tpu.memref_squeeze %swap3A_1263 : memref<1x1x200x64xf32, #tpu.memory_space<vmem>> -> memref<1x200x64xf32, #tpu.memory_space<vmem>>
        %swap3A_1265 = arith.constant 0 : i32
        %swap3A_1266 = arith.constant 0 : i32
        %swap3A_1267 = tpu.memref_slice %swap3A_1264[%scan3A_1003, %swap3A_1265, %swap3A_1266] : memref<1x200x64xf32, #tpu.memory_space<vmem>> -> memref<1x200x64xf32, #tpu.memory_space<vmem>>
        %swap3A_1268 = tpu.memref_squeeze %swap3A_1267 : memref<1x200x64xf32, #tpu.memory_space<vmem>> -> memref<200x64xf32, #tpu.memory_space<vmem>>
        %swap3A_1269 = arith.index_cast %add3A_1243 : i32 to index
        %swap3A_1270 = arith.constant 32 : index
        %swap3A_1271 = tpu.vector_load %swap3A_1268[%swap3A_1269, %swap3A_1270] {strides = array<i32>} : memref<200x64xf32, #tpu.memory_space<vmem>>, vector<1x16xf32>,
        %swap3A_1272 = vector.shape_cast %swap3A_1271 : vector<1x16xf32> to vector<1x16xf32>
        %swap3A_1273 = vector.shape_cast %mul3A_1259 : vector<1x16xf32> to vector<1x16xf32>
        tpu.vector_store %swap3A_1268[%swap3A_1269, %swap3A_1270], %swap3A_1273 {strides = array<i32>} : memref<200x64xf32, #tpu.memory_space<vmem>>, vector<1x16xf32>,
        %add3A_1274 = arith.constant 1 : i32
        %add3A_1275 = arith.addi %add3A_1051, %add3A_1274 : i32
        %get3A_1276 = arith.constant 0 : i32
        %get3A_1277 = arith.constant 0 : i32
        %get3A_1278 = arith.constant 0 : i32
        %get3A_1279 = tpu.memref_slice %arg6[%scan3A_1000, %get3A_1276, %get3A_1277, %get3A_1278] : memref<4x1x200x64xf32, #tpu.memory_space<vmem>> -> memref<1x1x200x64xf32, #tpu.memory_space<vmem>>
        %get3A_1280 = tpu.memref_squeeze %get3A_1279 : memref<1x1x200x64xf32, #tpu.memory_space<vmem>> -> memref<1x200x64xf32, #tpu.memory_space<vmem>>
        %get3A_1281 = arith.constant 0 : i32
        %get3A_1282 = arith.constant 0 : i32
        %get3A_1283 = tpu.memref_slice %get3A_1280[%scan3A_1001, %get3A_1281, %get3A_1282] : memref<1x200x64xf32, #tpu.memory_space<vmem>> -> memref<1x200x64xf32, #tpu.memory_space<vmem>>
        %get3A_1284 = tpu.memref_squeeze %get3A_1283 : memref<1x200x64xf32, #tpu.memory_space<vmem>> -> memref<200x64xf32, #tpu.memory_space<vmem>>
        %get3A_1285 = arith.index_cast %add3A_1275 : i32 to index
        %get3A_1286 = arith.constant 48 : index
        %get3A_1287 = tpu.vector_load %get3A_1284[%get3A_1285, %get3A_1286] {strides = array<i32>} : memref<200x64xf32, #tpu.memory_space<vmem>>, vector<1x16xf32>,
        %get3A_1288 = vector.shape_cast %get3A_1287 : vector<1x16xf32> to vector<1x16xf32>
        %mul3A_1289 = arith.constant 8.000000e+00 : f32
        %mul3A_1290 = vector.broadcast %mul3A_1289 : f32 to vector<1x16xf32>
        %mul3A_1291 = arith.mulf %get3A_1288, %mul3A_1290 : vector<1x16xf32>
        %swap3A_1292 = arith.constant 0 : i32
        %swap3A_1293 = arith.constant 0 : i32
        %swap3A_1294 = arith.constant 0 : i32
        %swap3A_1295 = tpu.memref_slice %arg7[%scan3A_1002, %swap3A_1292, %swap3A_1293, %swap3A_1294] : memref<2x1x200x64xf32, #tpu.memory_space<vmem>> -> memref<1x1x200x64xf32, #tpu.memory_space<vmem>>
        %swap3A_1296 = tpu.memref_squeeze %swap3A_1295 : memref<1x1x200x64xf32, #tpu.memory_space<vmem>> -> memref<1x200x64xf32, #tpu.memory_space<vmem>>
        %swap3A_1297 = arith.constant 0 : i32
        %swap3A_1298 = arith.constant 0 : i32
        %swap3A_1299 = tpu.memref_slice %swap3A_1296[%scan3A_1003, %swap3A_1297, %swap3A_1298] : memref<1x200x64xf32, #tpu.memory_space<vmem>> -> memref<1x200x64xf32, #tpu.memory_space<vmem>>
        %swap3A_1300 = tpu.memref_squeeze %swap3A_1299 : memref<1x200x64xf32, #tpu.memory_space<vmem>> -> memref<200x64xf32, #tpu.memory_space<vmem>>
        %swap3A_1301 = arith.index_cast %add3A_1275 : i32 to index
        %swap3A_1302 = arith.constant 48 : index
        %swap3A_1303 = tpu.vector_load %swap3A_1300[%swap3A_1301, %swap3A_1302] {strides = array<i32>} : memref<200x64xf32, #tpu.memory_space<vmem>>, vector<1x16xf32>,
        %swap3A_1304 = vector.shape_cast %swap3A_1303 : vector<1x16xf32> to vector<1x16xf32>
        %swap3A_1305 = vector.shape_cast %mul3A_1291 : vector<1x16xf32> to vector<1x16xf32>
        tpu.vector_store %swap3A_1300[%swap3A_1301, %swap3A_1302], %swap3A_1305 {strides = array<i32>} : memref<200x64xf32, #tpu.memory_space<vmem>>, vector<1x16xf32>,
      }
      %scan3A_1008 = arith.constant 100 : i32
      %add3A_1009 = arith.constant 4 : i32
      %add3A_1010 = arith.addi %add3A_961, %add3A_1009 : i32
      %dma_start3A_1011 = arith.constant 3 : i32
      %dma_start3A_1012 = arith.constant 0 : i32
      %dma_start3A_1013 = arith.constant 3 : i32
      %dma_start3A_1014 = arith.constant 0 : i32
      %dma_start3A_1015 = arith.constant 0 : i32
      %dma_start3A_1016 = tpu.memref_slice %arg6[%dma_start3A_1011, %dma_start3A_1012, %dma_start3A_1014, %dma_start3A_1015] : memref<4x1x200x64xf32, #tpu.memory_space<vmem>> -> memref<1x1x200x64xf32, #tpu.memory_space<vmem>>
      %dma_start3A_1017 = tpu.memref_squeeze %dma_start3A_1016 : memref<1x1x200x64xf32, #tpu.memory_space<vmem>> -> memref<200x64xf32, #tpu.memory_space<vmem>>
      %dma_start3A_1018 = arith.constant 0 : i32
      %dma_start3A_1019 = tpu.memref_slice %arg5[%add3A_1010, %dma_start3A_1018] : memref<128x200xi32, #tpu.memory_space<vmem>> -> memref<1x200xi32, #tpu.memory_space<vmem>>
      %dma_start3A_1020 = tpu.memref_squeeze %dma_start3A_1019 : memref<1x200xi32, #tpu.memory_space<vmem>> -> memref<200xi32, #tpu.memory_space<vmem>>
      %dma_start3A_1021 = arith.constant 0 : i32
      %dma_start3A_1022 = arith.constant 0 : i32
      %dma_start3A_1023 = tpu.memref_slice %arg2[%dma_start3A_1021, %dma_start3A_1022] : memref<1000000x64xf32, #tpu.memory_space<hbm>> -> memref<1000000x64xf32, #tpu.memory_space<hbm>>
      %dma_start3A_1024 = tpu.memref_slice %arg8[%dma_start3A_1013] : memref<4x!tpu.dma_semaphore, #tpu.memory_space<semaphore_mem>> -> memref<1x!tpu.dma_semaphore, #tpu.memory_space<semaphore_mem>>
      %dma_start3A_1025 = tpu.memref_squeeze %dma_start3A_1024 : memref<1x!tpu.dma_semaphore, #tpu.memory_space<semaphore_mem>> -> memref<!tpu.dma_semaphore, #tpu.memory_space<semaphore_mem>>
      tpu.enqueue_indirect_dma source(%dma_start3A_1023 : memref<1000000x64xf32, #tpu.memory_space<hbm>>) target(%dma_start3A_1017 : memref<200x64xf32, #tpu.memory_space<vmem>>) offsets(%dma_start3A_1020 : memref<200xi32, #tpu.memory_space<vmem>>) semaphore(%dma_start3A_1025 : memref<!tpu.dma_semaphore, #tpu.memory_space<semaphore_mem>>)
      %add3A_1026 = arith.addi %mul3A_2, %add3A_961 : i32
      %dma_start3A_1027 = arith.constant 1 : i32
      %dma_start3A_1028 = arith.constant 1 : i32
      %dma_start3A_1029 = arith.constant 0 : i32
      %dma_start3A_1030 = arith.constant 0 : i32
      %dma_start3A_1031 = arith.constant 0 : i32
      %dma_start3A_1032 = tpu.memref_slice %arg7[%dma_start3A_1027, %dma_start3A_1029, %dma_start3A_1030, %dma_start3A_1031] : memref<2x1x200x64xf32, #tpu.memory_space<vmem>> -> memref<1x1x200x64xf32, #tpu.memory_space<vmem>>
      %dma_start3A_1033 = tpu.memref_squeeze %dma_start3A_1032 : memref<1x1x200x64xf32, #tpu.memory_space<vmem>> -> memref<1x200x64xf32, #tpu.memory_space<vmem>>
      %dma_start3A_1034 = arith.constant 0 : i32
      %dma_start3A_1035 = arith.constant 0 : i32
      %dma_start3A_1036 = tpu.memref_slice %arg4[%add3A_1026, %dma_start3A_1034, %dma_start3A_1035] : memref<4096x200x64xf32, #tpu.memory_space<hbm>> -> memref<1x200x64xf32, #tpu.memory_space<hbm>>
      %dma_start3A_1037 = tpu.memref_slice %arg9[%dma_start3A_1028] : memref<2x!tpu.dma_semaphore, #tpu.memory_space<semaphore_mem>> -> memref<1x!tpu.dma_semaphore, #tpu.memory_space<semaphore_mem>>
      %dma_start3A_1038 = tpu.memref_squeeze %dma_start3A_1037 : memref<1x!tpu.dma_semaphore, #tpu.memory_space<semaphore_mem>> -> memref<!tpu.dma_semaphore, #tpu.memory_space<semaphore_mem>>
      %dma_start3A_1039 = arith.constant 0 : i32
      %dma_start3A_1040 = arith.constant 0 : i32
      %dma_start3A_1041 = tpu.memref_slice %arg4[%add3A_1026, %dma_start3A_1039, %dma_start3A_1040] : memref<4096x200x64xf32, #tpu.memory_space<hbm>> -> memref<1x200x64xf32, #tpu.memory_space<hbm>>
      %dma_start3A_1042 = arith.constant 0 : i32
      %dma_start3A_1043 = arith.constant 0 : i32
      %dma_start3A_1044 = arith.constant 0 : i32
      %dma_start3A_1045 = tpu.memref_slice %arg7[%dma_start3A_1027, %dma_start3A_1042, %dma_start3A_1043, %dma_start3A_1044] : memref<2x1x200x64xf32, #tpu.memory_space<vmem>> -> memref<1x1x200x64xf32, #tpu.memory_space<vmem>>
      %dma_start3A_1046 = tpu.memref_squeeze %dma_start3A_1045 : memref<1x1x200x64xf32, #tpu.memory_space<vmem>> -> memref<1x200x64xf32, #tpu.memory_space<vmem>>
      tpu.enqueue_dma source(%dma_start3A_1046 : memref<1x200x64xf32, #tpu.memory_space<vmem>>) target(%dma_start3A_1041 : memref<1x200x64xf32, #tpu.memory_space<hbm>>) target_semaphore(%dma_start3A_1038 : memref<!tpu.dma_semaphore, #tpu.memory_space<semaphore_mem>>)
    }
    %scan3A_372 = arith.constant 30 : i32
    %dma_wait3A_373 = arith.constant 124 : i32
    %dma_wait3A_374 = arith.constant 0 : i32
    %dma_wait3A_375 = arith.constant 0 : i32
    %dma_wait3A_376 = arith.constant 0 : i32
    %dma_wait3A_377 = arith.constant 0 : i32
    %dma_wait3A_378 = arith.constant 0 : i32
    %dma_wait3A_379 = tpu.memref_slice %arg6[%dma_wait3A_374, %dma_wait3A_375, %dma_wait3A_377, %dma_wait3A_378] : memref<4x1x200x64xf32, #tpu.memory_space<vmem>> -> memref<1x1x200x64xf32, #tpu.memory_space<vmem>>
    %dma_wait3A_380 = tpu.memref_squeeze %dma_wait3A_379 : memref<1x1x200x64xf32, #tpu.memory_space<vmem>> -> memref<200x64xf32, #tpu.memory_space<vmem>>
    %dma_wait3A_381 = arith.constant 0 : i32
    %dma_wait3A_382 = tpu.memref_slice %arg5[%dma_wait3A_373, %dma_wait3A_381] : memref<128x200xi32, #tpu.memory_space<vmem>> -> memref<1x200xi32, #tpu.memory_space<vmem>>
    %dma_wait3A_383 = tpu.memref_squeeze %dma_wait3A_382 : memref<1x200xi32, #tpu.memory_space<vmem>> -> memref<200xi32, #tpu.memory_space<vmem>>
    %dma_wait3A_384 = arith.constant 0 : i32
    %dma_wait3A_385 = arith.constant 0 : i32
    %dma_wait3A_386 = tpu.memref_slice %arg2[%dma_wait3A_384, %dma_wait3A_385] : memref<1000000x64xf32, #tpu.memory_space<hbm>> -> memref<1000000x64xf32, #tpu.memory_space<hbm>>
    %dma_wait3A_387 = tpu.memref_slice %arg8[%dma_wait3A_376] : memref<4x!tpu.dma_semaphore, #tpu.memory_space<semaphore_mem>> -> memref<1x!tpu.dma_semaphore, #tpu.memory_space<semaphore_mem>>
    %dma_wait3A_388 = tpu.memref_squeeze %dma_wait3A_387 : memref<1x!tpu.dma_semaphore, #tpu.memory_space<semaphore_mem>> -> memref<!tpu.dma_semaphore, #tpu.memory_space<semaphore_mem>>
    tpu.wait_indirect_dma semaphore(%dma_wait3A_388 : memref<!tpu.dma_semaphore, #tpu.memory_space<semaphore_mem>>) src(%dma_wait3A_386 : memref<1000000x64xf32, #tpu.memory_space<hbm>>) dst(%dma_wait3A_380 : memref<200x64xf32, #tpu.memory_space<vmem>>)
    %add3A_389 = arith.constant 122 : i32
    %add3A_390 = arith.addi %mul3A_2, %add3A_389 : i32
    %dma_wait3A_391 = arith.constant 0 : i32
    %dma_wait3A_392 = arith.constant 0 : i32
    %dma_wait3A_393 = arith.constant 0 : i32
    %dma_wait3A_394 = arith.constant 0 : i32
    %dma_wait3A_395 = arith.constant 0 : i32
    %dma_wait3A_396 = tpu.memref_slice %arg7[%dma_wait3A_391, %dma_wait3A_393, %dma_wait3A_394, %dma_wait3A_395] : memref<2x1x200x64xf32, #tpu.memory_space<vmem>> -> memref<1x1x200x64xf32, #tpu.memory_space<vmem>>
    %dma_wait3A_397 = tpu.memref_squeeze %dma_wait3A_396 : memref<1x1x200x64xf32, #tpu.memory_space<vmem>> -> memref<1x200x64xf32, #tpu.memory_space<vmem>>
    %dma_wait3A_398 = arith.constant 0 : i32
    %dma_wait3A_399 = arith.constant 0 : i32
    %dma_wait3A_400 = tpu.memref_slice %arg4[%add3A_390, %dma_wait3A_398, %dma_wait3A_399] : memref<4096x200x64xf32, #tpu.memory_space<hbm>> -> memref<1x200x64xf32, #tpu.memory_space<hbm>>
    %dma_wait3A_401 = tpu.memref_slice %arg9[%dma_wait3A_392] : memref<2x!tpu.dma_semaphore, #tpu.memory_space<semaphore_mem>> -> memref<1x!tpu.dma_semaphore, #tpu.memory_space<semaphore_mem>>
    %dma_wait3A_402 = tpu.memref_squeeze %dma_wait3A_401 : memref<1x!tpu.dma_semaphore, #tpu.memory_space<semaphore_mem>> -> memref<!tpu.dma_semaphore, #tpu.memory_space<semaphore_mem>>
    %dma_wait3A_403 = arith.constant 0 : i32
    %dma_wait3A_404 = arith.constant 0 : i32
    %dma_wait3A_405 = tpu.memref_slice %arg4[%add3A_390, %dma_wait3A_403, %dma_wait3A_404] : memref<4096x200x64xf32, #tpu.memory_space<hbm>> -> memref<1x200x64xf32, #tpu.memory_space<hbm>>
    %dma_wait3A_406 = arith.constant 0 : i32
    %dma_wait3A_407 = arith.constant 0 : i32
    %dma_wait3A_408 = arith.constant 0 : i32
    %dma_wait3A_409 = tpu.memref_slice %arg7[%dma_wait3A_391, %dma_wait3A_406, %dma_wait3A_407, %dma_wait3A_408] : memref<2x1x200x64xf32, #tpu.memory_space<vmem>> -> memref<1x1x200x64xf32, #tpu.memory_space<vmem>>
    %dma_wait3A_410 = tpu.memref_squeeze %dma_wait3A_409 : memref<1x1x200x64xf32, #tpu.memory_space<vmem>> -> memref<1x200x64xf32, #tpu.memory_space<vmem>>
    tpu.wait_dma2 semaphore(%dma_wait3A_402 : memref<!tpu.dma_semaphore, #tpu.memory_space<semaphore_mem>>) src(%dma_wait3A_410 : memref<1x200x64xf32, #tpu.memory_space<vmem>>) dst(%dma_wait3A_405 : memref<1x200x64xf32, #tpu.memory_space<hbm>>)
    %scan3A_411 = arith.constant 0 : i32
    %scan3A_412 = arith.constant 0 : i32
    %scan3A_413 = arith.constant 0 : i32
    %scan3A_414 = arith.constant 0 : i32
    %scan3A_415 = arith.constant 0 : i32
    %scan3A_416 = arith.constant 100 : i32
    %scan3A_417 = arith.addi %scan3A_415, %scan3A_416 : i32
    %scan3A_418 = arith.constant 1 : i32
    scf.for %scan3A_693 = %scan3A_415 to %scan3A_417 step %scan3A_418  : i32 {
      %mul3A_694 = arith.constant 2 : i32
      %mul3A_695 = arith.muli %scan3A_693, %mul3A_694 : i32
      %add3A_696 = arith.constant 0 : i32
      %add3A_697 = arith.addi %add3A_696, %mul3A_695 : i32
      %add3A_698 = arith.constant 0 : i32
      %add3A_699 = arith.addi %add3A_697, %add3A_698 : i32
      %get3A = arith.constant 0 : i32
      %get3A_700 = arith.constant 0 : i32
      %get3A_701 = arith.constant 0 : i32
      %get3A_702 = tpu.memref_slice %arg6[%scan3A_411, %get3A, %get3A_700, %get3A_701] : memref<4x1x200x64xf32, #tpu.memory_space<vmem>> -> memref<1x1x200x64xf32, #tpu.memory_space<vmem>>
      %get3A_703 = tpu.memref_squeeze %get3A_702 : memref<1x1x200x64xf32, #tpu.memory_space<vmem>> -> memref<1x200x64xf32, #tpu.memory_space<vmem>>
      %get3A_704 = arith.constant 0 : i32
      %get3A_705 = arith.constant 0 : i32
      %get3A_706 = tpu.memref_slice %get3A_703[%scan3A_412, %get3A_704, %get3A_705] : memref<1x200x64xf32, #tpu.memory_space<vmem>> -> memref<1x200x64xf32, #tpu.memory_space<vmem>>
      %get3A_707 = tpu.memref_squeeze %get3A_706 : memref<1x200x64xf32, #tpu.memory_space<vmem>> -> memref<200x64xf32, #tpu.memory_space<vmem>>
      %get3A_708 = arith.index_cast %add3A_699 : i32 to index
      %get3A_709 = arith.constant 0 : index
      %get3A_710 = tpu.vector_load %get3A_707[%get3A_708, %get3A_709] {strides = array<i32>} : memref<200x64xf32, #tpu.memory_space<vmem>>, vector<1x16xf32>,
      %get3A_711 = vector.shape_cast %get3A_710 : vector<1x16xf32> to vector<1x16xf32>
      %mul3A_712 = arith.constant 8.000000e+00 : f32
      %mul3A_713 = vector.broadcast %mul3A_712 : f32 to vector<1x16xf32>
      %mul3A_714 = arith.mulf %get3A_711, %mul3A_713 : vector<1x16xf32>
      %swap3A = arith.constant 0 : i32
      %swap3A_715 = arith.constant 0 : i32
      %swap3A_716 = arith.constant 0 : i32
      %swap3A_717 = tpu.memref_slice %arg7[%scan3A_413, %swap3A, %swap3A_715, %swap3A_716] : memref<2x1x200x64xf32, #tpu.memory_space<vmem>> -> memref<1x1x200x64xf32, #tpu.memory_space<vmem>>
      %swap3A_718 = tpu.memref_squeeze %swap3A_717 : memref<1x1x200x64xf32, #tpu.memory_space<vmem>> -> memref<1x200x64xf32, #tpu.memory_space<vmem>>
      %swap3A_719 = arith.constant 0 : i32
      %swap3A_720 = arith.constant 0 : i32
      %swap3A_721 = tpu.memref_slice %swap3A_718[%scan3A_414, %swap3A_719, %swap3A_720] : memref<1x200x64xf32, #tpu.memory_space<vmem>> -> memref<1x200x64xf32, #tpu.memory_space<vmem>>
      %swap3A_722 = tpu.memref_squeeze %swap3A_721 : memref<1x200x64xf32, #tpu.memory_space<vmem>> -> memref<200x64xf32, #tpu.memory_space<vmem>>
      %swap3A_723 = arith.index_cast %add3A_699 : i32 to index
      %swap3A_724 = arith.constant 0 : index
      %swap3A_725 = tpu.vector_load %swap3A_722[%swap3A_723, %swap3A_724] {strides = array<i32>} : memref<200x64xf32, #tpu.memory_space<vmem>>, vector<1x16xf32>,
      %swap3A_726 = vector.shape_cast %swap3A_725 : vector<1x16xf32> to vector<1x16xf32>
      %swap3A_727 = vector.shape_cast %mul3A_714 : vector<1x16xf32> to vector<1x16xf32>
      tpu.vector_store %swap3A_722[%swap3A_723, %swap3A_724], %swap3A_727 {strides = array<i32>} : memref<200x64xf32, #tpu.memory_space<vmem>>, vector<1x16xf32>,
      %add3A_728 = arith.constant 0 : i32
      %add3A_729 = arith.addi %add3A_697, %add3A_728 : i32
      %get3A_730 = arith.constant 0 : i32
      %get3A_731 = arith.constant 0 : i32
      %get3A_732 = arith.constant 0 : i32
      %get3A_733 = tpu.memref_slice %arg6[%scan3A_411, %get3A_730, %get3A_731, %get3A_732] : memref<4x1x200x64xf32, #tpu.memory_space<vmem>> -> memref<1x1x200x64xf32, #tpu.memory_space<vmem>>
      %get3A_734 = tpu.memref_squeeze %get3A_733 : memref<1x1x200x64xf32, #tpu.memory_space<vmem>> -> memref<1x200x64xf32, #tpu.memory_space<vmem>>
      %get3A_735 = arith.constant 0 : i32
      %get3A_736 = arith.constant 0 : i32
      %get3A_737 = tpu.memref_slice %get3A_734[%scan3A_412, %get3A_735, %get3A_736] : memref<1x200x64xf32, #tpu.memory_space<vmem>> -> memref<1x200x64xf32, #tpu.memory_space<vmem>>
      %get3A_738 = tpu.memref_squeeze %get3A_737 : memref<1x200x64xf32, #tpu.memory_space<vmem>> -> memref<200x64xf32, #tpu.memory_space<vmem>>
      %get3A_739 = arith.index_cast %add3A_729 : i32 to index
      %get3A_740 = arith.constant 16 : index
      %get3A_741 = tpu.vector_load %get3A_738[%get3A_739, %get3A_740] {strides = array<i32>} : memref<200x64xf32, #tpu.memory_space<vmem>>, vector<1x16xf32>,
      %get3A_742 = vector.shape_cast %get3A_741 : vector<1x16xf32> to vector<1x16xf32>
      %mul3A_743 = arith.constant 8.000000e+00 : f32
      %mul3A_744 = vector.broadcast %mul3A_743 : f32 to vector<1x16xf32>
      %mul3A_745 = arith.mulf %get3A_742, %mul3A_744 : vector<1x16xf32>
      %swap3A_746 = arith.constant 0 : i32
      %swap3A_747 = arith.constant 0 : i32
      %swap3A_748 = arith.constant 0 : i32
      %swap3A_749 = tpu.memref_slice %arg7[%scan3A_413, %swap3A_746, %swap3A_747, %swap3A_748] : memref<2x1x200x64xf32, #tpu.memory_space<vmem>> -> memref<1x1x200x64xf32, #tpu.memory_space<vmem>>
      %swap3A_750 = tpu.memref_squeeze %swap3A_749 : memref<1x1x200x64xf32, #tpu.memory_space<vmem>> -> memref<1x200x64xf32, #tpu.memory_space<vmem>>
      %swap3A_751 = arith.constant 0 : i32
      %swap3A_752 = arith.constant 0 : i32
      %swap3A_753 = tpu.memref_slice %swap3A_750[%scan3A_414, %swap3A_751, %swap3A_752] : memref<1x200x64xf32, #tpu.memory_space<vmem>> -> memref<1x200x64xf32, #tpu.memory_space<vmem>>
      %swap3A_754 = tpu.memref_squeeze %swap3A_753 : memref<1x200x64xf32, #tpu.memory_space<vmem>> -> memref<200x64xf32, #tpu.memory_space<vmem>>
      %swap3A_755 = arith.index_cast %add3A_729 : i32 to index
      %swap3A_756 = arith.constant 16 : index
      %swap3A_757 = tpu.vector_load %swap3A_754[%swap3A_755, %swap3A_756] {strides = array<i32>} : memref<200x64xf32, #tpu.memory_space<vmem>>, vector<1x16xf32>,
      %swap3A_758 = vector.shape_cast %swap3A_757 : vector<1x16xf32> to vector<1x16xf32>
      %swap3A_759 = vector.shape_cast %mul3A_745 : vector<1x16xf32> to vector<1x16xf32>
      tpu.vector_store %swap3A_754[%swap3A_755, %swap3A_756], %swap3A_759 {strides = array<i32>} : memref<200x64xf32, #tpu.memory_space<vmem>>, vector<1x16xf32>,
      %add3A_760 = arith.constant 0 : i32
      %add3A_761 = arith.addi %add3A_697, %add3A_760 : i32
      %get3A_762 = arith.constant 0 : i32
      %get3A_763 = arith.constant 0 : i32
      %get3A_764 = arith.constant 0 : i32
      %get3A_765 = tpu.memref_slice %arg6[%scan3A_411, %get3A_762, %get3A_763, %get3A_764] : memref<4x1x200x64xf32, #tpu.memory_space<vmem>> -> memref<1x1x200x64xf32, #tpu.memory_space<vmem>>
      %get3A_766 = tpu.memref_squeeze %get3A_765 : memref<1x1x200x64xf32, #tpu.memory_space<vmem>> -> memref<1x200x64xf32, #tpu.memory_space<vmem>>
      %get3A_767 = arith.constant 0 : i32
      %get3A_768 = arith.constant 0 : i32
      %get3A_769 = tpu.memref_slice %get3A_766[%scan3A_412, %get3A_767, %get3A_768] : memref<1x200x64xf32, #tpu.memory_space<vmem>> -> memref<1x200x64xf32, #tpu.memory_space<vmem>>
      %get3A_770 = tpu.memref_squeeze %get3A_769 : memref<1x200x64xf32, #tpu.memory_space<vmem>> -> memref<200x64xf32, #tpu.memory_space<vmem>>
      %get3A_771 = arith.index_cast %add3A_761 : i32 to index
      %get3A_772 = arith.constant 32 : index
      %get3A_773 = tpu.vector_load %get3A_770[%get3A_771, %get3A_772] {strides = array<i32>} : memref<200x64xf32, #tpu.memory_space<vmem>>, vector<1x16xf32>,
      %get3A_774 = vector.shape_cast %get3A_773 : vector<1x16xf32> to vector<1x16xf32>
      %mul3A_775 = arith.constant 8.000000e+00 : f32
      %mul3A_776 = vector.broadcast %mul3A_775 : f32 to vector<1x16xf32>
      %mul3A_777 = arith.mulf %get3A_774, %mul3A_776 : vector<1x16xf32>
      %swap3A_778 = arith.constant 0 : i32
      %swap3A_779 = arith.constant 0 : i32
      %swap3A_780 = arith.constant 0 : i32
      %swap3A_781 = tpu.memref_slice %arg7[%scan3A_413, %swap3A_778, %swap3A_779, %swap3A_780] : memref<2x1x200x64xf32, #tpu.memory_space<vmem>> -> memref<1x1x200x64xf32, #tpu.memory_space<vmem>>
      %swap3A_782 = tpu.memref_squeeze %swap3A_781 : memref<1x1x200x64xf32, #tpu.memory_space<vmem>> -> memref<1x200x64xf32, #tpu.memory_space<vmem>>
      %swap3A_783 = arith.constant 0 : i32
      %swap3A_784 = arith.constant 0 : i32
      %swap3A_785 = tpu.memref_slice %swap3A_782[%scan3A_414, %swap3A_783, %swap3A_784] : memref<1x200x64xf32, #tpu.memory_space<vmem>> -> memref<1x200x64xf32, #tpu.memory_space<vmem>>
      %swap3A_786 = tpu.memref_squeeze %swap3A_785 : memref<1x200x64xf32, #tpu.memory_space<vmem>> -> memref<200x64xf32, #tpu.memory_space<vmem>>
      %swap3A_787 = arith.index_cast %add3A_761 : i32 to index
      %swap3A_788 = arith.constant 32 : index
      %swap3A_789 = tpu.vector_load %swap3A_786[%swap3A_787, %swap3A_788] {strides = array<i32>} : memref<200x64xf32, #tpu.memory_space<vmem>>, vector<1x16xf32>,
      %swap3A_790 = vector.shape_cast %swap3A_789 : vector<1x16xf32> to vector<1x16xf32>
      %swap3A_791 = vector.shape_cast %mul3A_777 : vector<1x16xf32> to vector<1x16xf32>
      tpu.vector_store %swap3A_786[%swap3A_787, %swap3A_788], %swap3A_791 {strides = array<i32>} : memref<200x64xf32, #tpu.memory_space<vmem>>, vector<1x16xf32>,
      %add3A_792 = arith.constant 0 : i32
      %add3A_793 = arith.addi %add3A_697, %add3A_792 : i32
      %get3A_794 = arith.constant 0 : i32
      %get3A_795 = arith.constant 0 : i32
      %get3A_796 = arith.constant 0 : i32
      %get3A_797 = tpu.memref_slice %arg6[%scan3A_411, %get3A_794, %get3A_795, %get3A_796] : memref<4x1x200x64xf32, #tpu.memory_space<vmem>> -> memref<1x1x200x64xf32, #tpu.memory_space<vmem>>
      %get3A_798 = tpu.memref_squeeze %get3A_797 : memref<1x1x200x64xf32, #tpu.memory_space<vmem>> -> memref<1x200x64xf32, #tpu.memory_space<vmem>>
      %get3A_799 = arith.constant 0 : i32
      %get3A_800 = arith.constant 0 : i32
      %get3A_801 = tpu.memref_slice %get3A_798[%scan3A_412, %get3A_799, %get3A_800] : memref<1x200x64xf32, #tpu.memory_space<vmem>> -> memref<1x200x64xf32, #tpu.memory_space<vmem>>
      %get3A_802 = tpu.memref_squeeze %get3A_801 : memref<1x200x64xf32, #tpu.memory_space<vmem>> -> memref<200x64xf32, #tpu.memory_space<vmem>>
      %get3A_803 = arith.index_cast %add3A_793 : i32 to index
      %get3A_804 = arith.constant 48 : index
      %get3A_805 = tpu.vector_load %get3A_802[%get3A_803, %get3A_804] {strides = array<i32>} : memref<200x64xf32, #tpu.memory_space<vmem>>, vector<1x16xf32>,
      %get3A_806 = vector.shape_cast %get3A_805 : vector<1x16xf32> to vector<1x16xf32>
      %mul3A_807 = arith.constant 8.000000e+00 : f32
      %mul3A_808 = vector.broadcast %mul3A_807 : f32 to vector<1x16xf32>
      %mul3A_809 = arith.mulf %get3A_806, %mul3A_808 : vector<1x16xf32>
      %swap3A_810 = arith.constant 0 : i32
      %swap3A_811 = arith.constant 0 : i32
      %swap3A_812 = arith.constant 0 : i32
      %swap3A_813 = tpu.memref_slice %arg7[%scan3A_413, %swap3A_810, %swap3A_811, %swap3A_812] : memref<2x1x200x64xf32, #tpu.memory_space<vmem>> -> memref<1x1x200x64xf32, #tpu.memory_space<vmem>>
      %swap3A_814 = tpu.memref_squeeze %swap3A_813 : memref<1x1x200x64xf32, #tpu.memory_space<vmem>> -> memref<1x200x64xf32, #tpu.memory_space<vmem>>
      %swap3A_815 = arith.constant 0 : i32
      %swap3A_816 = arith.constant 0 : i32
      %swap3A_817 = tpu.memref_slice %swap3A_814[%scan3A_414, %swap3A_815, %swap3A_816] : memref<1x200x64xf32, #tpu.memory_space<vmem>> -> memref<1x200x64xf32, #tpu.memory_space<vmem>>
      %swap3A_818 = tpu.memref_squeeze %swap3A_817 : memref<1x200x64xf32, #tpu.memory_space<vmem>> -> memref<200x64xf32, #tpu.memory_space<vmem>>
      %swap3A_819 = arith.index_cast %add3A_793 : i32 to index
      %swap3A_820 = arith.constant 48 : index
      %swap3A_821 = tpu.vector_load %swap3A_818[%swap3A_819, %swap3A_820] {strides = array<i32>} : memref<200x64xf32, #tpu.memory_space<vmem>>, vector<1x16xf32>,
      %swap3A_822 = vector.shape_cast %swap3A_821 : vector<1x16xf32> to vector<1x16xf32>
      %swap3A_823 = vector.shape_cast %mul3A_809 : vector<1x16xf32> to vector<1x16xf32>
      tpu.vector_store %swap3A_818[%swap3A_819, %swap3A_820], %swap3A_823 {strides = array<i32>} : memref<200x64xf32, #tpu.memory_space<vmem>>, vector<1x16xf32>,
      %add3A_824 = arith.constant 1 : i32
      %add3A_825 = arith.addi %add3A_697, %add3A_824 : i32
      %get3A_826 = arith.constant 0 : i32
      %get3A_827 = arith.constant 0 : i32
      %get3A_828 = arith.constant 0 : i32
      %get3A_829 = tpu.memref_slice %arg6[%scan3A_411, %get3A_826, %get3A_827, %get3A_828] : memref<4x1x200x64xf32, #tpu.memory_space<vmem>> -> memref<1x1x200x64xf32, #tpu.memory_space<vmem>>
      %get3A_830 = tpu.memref_squeeze %get3A_829 : memref<1x1x200x64xf32, #tpu.memory_space<vmem>> -> memref<1x200x64xf32, #tpu.memory_space<vmem>>
      %get3A_831 = arith.constant 0 : i32
      %get3A_832 = arith.constant 0 : i32
      %get3A_833 = tpu.memref_slice %get3A_830[%scan3A_412, %get3A_831, %get3A_832] : memref<1x200x64xf32, #tpu.memory_space<vmem>> -> memref<1x200x64xf32, #tpu.memory_space<vmem>>
      %get3A_834 = tpu.memref_squeeze %get3A_833 : memref<1x200x64xf32, #tpu.memory_space<vmem>> -> memref<200x64xf32, #tpu.memory_space<vmem>>
      %get3A_835 = arith.index_cast %add3A_825 : i32 to index
      %get3A_836 = arith.constant 0 : index
      %get3A_837 = tpu.vector_load %get3A_834[%get3A_835, %get3A_836] {strides = array<i32>} : memref<200x64xf32, #tpu.memory_space<vmem>>, vector<1x16xf32>,
      %get3A_838 = vector.shape_cast %get3A_837 : vector<1x16xf32> to vector<1x16xf32>
      %mul3A_839 = arith.constant 8.000000e+00 : f32
      %mul3A_840 = vector.broadcast %mul3A_839 : f32 to vector<1x16xf32>
      %mul3A_841 = arith.mulf %get3A_838, %mul3A_840 : vector<1x16xf32>
      %swap3A_842 = arith.constant 0 : i32
      %swap3A_843 = arith.constant 0 : i32
      %swap3A_844 = arith.constant 0 : i32
      %swap3A_845 = tpu.memref_slice %arg7[%scan3A_413, %swap3A_842, %swap3A_843, %swap3A_844] : memref<2x1x200x64xf32, #tpu.memory_space<vmem>> -> memref<1x1x200x64xf32, #tpu.memory_space<vmem>>
      %swap3A_846 = tpu.memref_squeeze %swap3A_845 : memref<1x1x200x64xf32, #tpu.memory_space<vmem>> -> memref<1x200x64xf32, #tpu.memory_space<vmem>>
      %swap3A_847 = arith.constant 0 : i32
      %swap3A_848 = arith.constant 0 : i32
      %swap3A_849 = tpu.memref_slice %swap3A_846[%scan3A_414, %swap3A_847, %swap3A_848] : memref<1x200x64xf32, #tpu.memory_space<vmem>> -> memref<1x200x64xf32, #tpu.memory_space<vmem>>
      %swap3A_850 = tpu.memref_squeeze %swap3A_849 : memref<1x200x64xf32, #tpu.memory_space<vmem>> -> memref<200x64xf32, #tpu.memory_space<vmem>>
      %swap3A_851 = arith.index_cast %add3A_825 : i32 to index
      %swap3A_852 = arith.constant 0 : index
      %swap3A_853 = tpu.vector_load %swap3A_850[%swap3A_851, %swap3A_852] {strides = array<i32>} : memref<200x64xf32, #tpu.memory_space<vmem>>, vector<1x16xf32>,
      %swap3A_854 = vector.shape_cast %swap3A_853 : vector<1x16xf32> to vector<1x16xf32>
      %swap3A_855 = vector.shape_cast %mul3A_841 : vector<1x16xf32> to vector<1x16xf32>
      tpu.vector_store %swap3A_850[%swap3A_851, %swap3A_852], %swap3A_855 {strides = array<i32>} : memref<200x64xf32, #tpu.memory_space<vmem>>, vector<1x16xf32>,
      %add3A_856 = arith.constant 1 : i32
      %add3A_857 = arith.addi %add3A_697, %add3A_856 : i32
      %get3A_858 = arith.constant 0 : i32
      %get3A_859 = arith.constant 0 : i32
      %get3A_860 = arith.constant 0 : i32
      %get3A_861 = tpu.memref_slice %arg6[%scan3A_411, %get3A_858, %get3A_859, %get3A_860] : memref<4x1x200x64xf32, #tpu.memory_space<vmem>> -> memref<1x1x200x64xf32, #tpu.memory_space<vmem>>
      %get3A_862 = tpu.memref_squeeze %get3A_861 : memref<1x1x200x64xf32, #tpu.memory_space<vmem>> -> memref<1x200x64xf32, #tpu.memory_space<vmem>>
      %get3A_863 = arith.constant 0 : i32
      %get3A_864 = arith.constant 0 : i32
      %get3A_865 = tpu.memref_slice %get3A_862[%scan3A_412, %get3A_863, %get3A_864] : memref<1x200x64xf32, #tpu.memory_space<vmem>> -> memref<1x200x64xf32, #tpu.memory_space<vmem>>
      %get3A_866 = tpu.memref_squeeze %get3A_865 : memref<1x200x64xf32, #tpu.memory_space<vmem>> -> memref<200x64xf32, #tpu.memory_space<vmem>>
      %get3A_867 = arith.index_cast %add3A_857 : i32 to index
      %get3A_868 = arith.constant 16 : index
      %get3A_869 = tpu.vector_load %get3A_866[%get3A_867, %get3A_868] {strides = array<i32>} : memref<200x64xf32, #tpu.memory_space<vmem>>, vector<1x16xf32>,
      %get3A_870 = vector.shape_cast %get3A_869 : vector<1x16xf32> to vector<1x16xf32>
      %mul3A_871 = arith.constant 8.000000e+00 : f32
      %mul3A_872 = vector.broadcast %mul3A_871 : f32 to vector<1x16xf32>
      %mul3A_873 = arith.mulf %get3A_870, %mul3A_872 : vector<1x16xf32>
      %swap3A_874 = arith.constant 0 : i32
      %swap3A_875 = arith.constant 0 : i32
      %swap3A_876 = arith.constant 0 : i32
      %swap3A_877 = tpu.memref_slice %arg7[%scan3A_413, %swap3A_874, %swap3A_875, %swap3A_876] : memref<2x1x200x64xf32, #tpu.memory_space<vmem>> -> memref<1x1x200x64xf32, #tpu.memory_space<vmem>>
      %swap3A_878 = tpu.memref_squeeze %swap3A_877 : memref<1x1x200x64xf32, #tpu.memory_space<vmem>> -> memref<1x200x64xf32, #tpu.memory_space<vmem>>
      %swap3A_879 = arith.constant 0 : i32
      %swap3A_880 = arith.constant 0 : i32
      %swap3A_881 = tpu.memref_slice %swap3A_878[%scan3A_414, %swap3A_879, %swap3A_880] : memref<1x200x64xf32, #tpu.memory_space<vmem>> -> memref<1x200x64xf32, #tpu.memory_space<vmem>>
      %swap3A_882 = tpu.memref_squeeze %swap3A_881 : memref<1x200x64xf32, #tpu.memory_space<vmem>> -> memref<200x64xf32, #tpu.memory_space<vmem>>
      %swap3A_883 = arith.index_cast %add3A_857 : i32 to index
      %swap3A_884 = arith.constant 16 : index
      %swap3A_885 = tpu.vector_load %swap3A_882[%swap3A_883, %swap3A_884] {strides = array<i32>} : memref<200x64xf32, #tpu.memory_space<vmem>>, vector<1x16xf32>,
      %swap3A_886 = vector.shape_cast %swap3A_885 : vector<1x16xf32> to vector<1x16xf32>
      %swap3A_887 = vector.shape_cast %mul3A_873 : vector<1x16xf32> to vector<1x16xf32>
      tpu.vector_store %swap3A_882[%swap3A_883, %swap3A_884], %swap3A_887 {strides = array<i32>} : memref<200x64xf32, #tpu.memory_space<vmem>>, vector<1x16xf32>,
      %add3A_888 = arith.constant 1 : i32
      %add3A_889 = arith.addi %add3A_697, %add3A_888 : i32
      %get3A_890 = arith.constant 0 : i32
      %get3A_891 = arith.constant 0 : i32
      %get3A_892 = arith.constant 0 : i32
      %get3A_893 = tpu.memref_slice %arg6[%scan3A_411, %get3A_890, %get3A_891, %get3A_892] : memref<4x1x200x64xf32, #tpu.memory_space<vmem>> -> memref<1x1x200x64xf32, #tpu.memory_space<vmem>>
      %get3A_894 = tpu.memref_squeeze %get3A_893 : memref<1x1x200x64xf32, #tpu.memory_space<vmem>> -> memref<1x200x64xf32, #tpu.memory_space<vmem>>
      %get3A_895 = arith.constant 0 : i32
      %get3A_896 = arith.constant 0 : i32
      %get3A_897 = tpu.memref_slice %get3A_894[%scan3A_412, %get3A_895, %get3A_896] : memref<1x200x64xf32, #tpu.memory_space<vmem>> -> memref<1x200x64xf32, #tpu.memory_space<vmem>>
      %get3A_898 = tpu.memref_squeeze %get3A_897 : memref<1x200x64xf32, #tpu.memory_space<vmem>> -> memref<200x64xf32, #tpu.memory_space<vmem>>
      %get3A_899 = arith.index_cast %add3A_889 : i32 to index
      %get3A_900 = arith.constant 32 : index
      %get3A_901 = tpu.vector_load %get3A_898[%get3A_899, %get3A_900] {strides = array<i32>} : memref<200x64xf32, #tpu.memory_space<vmem>>, vector<1x16xf32>,
      %get3A_902 = vector.shape_cast %get3A_901 : vector<1x16xf32> to vector<1x16xf32>
      %mul3A_903 = arith.constant 8.000000e+00 : f32
      %mul3A_904 = vector.broadcast %mul3A_903 : f32 to vector<1x16xf32>
      %mul3A_905 = arith.mulf %get3A_902, %mul3A_904 : vector<1x16xf32>
      %swap3A_906 = arith.constant 0 : i32
      %swap3A_907 = arith.constant 0 : i32
      %swap3A_908 = arith.constant 0 : i32
      %swap3A_909 = tpu.memref_slice %arg7[%scan3A_413, %swap3A_906, %swap3A_907, %swap3A_908] : memref<2x1x200x64xf32, #tpu.memory_space<vmem>> -> memref<1x1x200x64xf32, #tpu.memory_space<vmem>>
      %swap3A_910 = tpu.memref_squeeze %swap3A_909 : memref<1x1x200x64xf32, #tpu.memory_space<vmem>> -> memref<1x200x64xf32, #tpu.memory_space<vmem>>
      %swap3A_911 = arith.constant 0 : i32
      %swap3A_912 = arith.constant 0 : i32
      %swap3A_913 = tpu.memref_slice %swap3A_910[%scan3A_414, %swap3A_911, %swap3A_912] : memref<1x200x64xf32, #tpu.memory_space<vmem>> -> memref<1x200x64xf32, #tpu.memory_space<vmem>>
      %swap3A_914 = tpu.memref_squeeze %swap3A_913 : memref<1x200x64xf32, #tpu.memory_space<vmem>> -> memref<200x64xf32, #tpu.memory_space<vmem>>
      %swap3A_915 = arith.index_cast %add3A_889 : i32 to index
      %swap3A_916 = arith.constant 32 : index
      %swap3A_917 = tpu.vector_load %swap3A_914[%swap3A_915, %swap3A_916] {strides = array<i32>} : memref<200x64xf32, #tpu.memory_space<vmem>>, vector<1x16xf32>,
      %swap3A_918 = vector.shape_cast %swap3A_917 : vector<1x16xf32> to vector<1x16xf32>
      %swap3A_919 = vector.shape_cast %mul3A_905 : vector<1x16xf32> to vector<1x16xf32>
      tpu.vector_store %swap3A_914[%swap3A_915, %swap3A_916], %swap3A_919 {strides = array<i32>} : memref<200x64xf32, #tpu.memory_space<vmem>>, vector<1x16xf32>,
      %add3A_920 = arith.constant 1 : i32
      %add3A_921 = arith.addi %add3A_697, %add3A_920 : i32
      %get3A_922 = arith.constant 0 : i32
      %get3A_923 = arith.constant 0 : i32
      %get3A_924 = arith.constant 0 : i32
      %get3A_925 = tpu.memref_slice %arg6[%scan3A_411, %get3A_922, %get3A_923, %get3A_924] : memref<4x1x200x64xf32, #tpu.memory_space<vmem>> -> memref<1x1x200x64xf32, #tpu.memory_space<vmem>>
      %get3A_926 = tpu.memref_squeeze %get3A_925 : memref<1x1x200x64xf32, #tpu.memory_space<vmem>> -> memref<1x200x64xf32, #tpu.memory_space<vmem>>
      %get3A_927 = arith.constant 0 : i32
      %get3A_928 = arith.constant 0 : i32
      %get3A_929 = tpu.memref_slice %get3A_926[%scan3A_412, %get3A_927, %get3A_928] : memref<1x200x64xf32, #tpu.memory_space<vmem>> -> memref<1x200x64xf32, #tpu.memory_space<vmem>>
      %get3A_930 = tpu.memref_squeeze %get3A_929 : memref<1x200x64xf32, #tpu.memory_space<vmem>> -> memref<200x64xf32, #tpu.memory_space<vmem>>
      %get3A_931 = arith.index_cast %add3A_921 : i32 to index
      %get3A_932 = arith.constant 48 : index
      %get3A_933 = tpu.vector_load %get3A_930[%get3A_931, %get3A_932] {strides = array<i32>} : memref<200x64xf32, #tpu.memory_space<vmem>>, vector<1x16xf32>,
      %get3A_934 = vector.shape_cast %get3A_933 : vector<1x16xf32> to vector<1x16xf32>
      %mul3A_935 = arith.constant 8.000000e+00 : f32
      %mul3A_936 = vector.broadcast %mul3A_935 : f32 to vector<1x16xf32>
      %mul3A_937 = arith.mulf %get3A_934, %mul3A_936 : vector<1x16xf32>
      %swap3A_938 = arith.constant 0 : i32
      %swap3A_939 = arith.constant 0 : i32
      %swap3A_940 = arith.constant 0 : i32
      %swap3A_941 = tpu.memref_slice %arg7[%scan3A_413, %swap3A_938, %swap3A_939, %swap3A_940] : memref<2x1x200x64xf32, #tpu.memory_space<vmem>> -> memref<1x1x200x64xf32, #tpu.memory_space<vmem>>
      %swap3A_942 = tpu.memref_squeeze %swap3A_941 : memref<1x1x200x64xf32, #tpu.memory_space<vmem>> -> memref<1x200x64xf32, #tpu.memory_space<vmem>>
      %swap3A_943 = arith.constant 0 : i32
      %swap3A_944 = arith.constant 0 : i32
      %swap3A_945 = tpu.memref_slice %swap3A_942[%scan3A_414, %swap3A_943, %swap3A_944] : memref<1x200x64xf32, #tpu.memory_space<vmem>> -> memref<1x200x64xf32, #tpu.memory_space<vmem>>
      %swap3A_946 = tpu.memref_squeeze %swap3A_945 : memref<1x200x64xf32, #tpu.memory_space<vmem>> -> memref<200x64xf32, #tpu.memory_space<vmem>>
      %swap3A_947 = arith.index_cast %add3A_921 : i32 to index
      %swap3A_948 = arith.constant 48 : index
      %swap3A_949 = tpu.vector_load %swap3A_946[%swap3A_947, %swap3A_948] {strides = array<i32>} : memref<200x64xf32, #tpu.memory_space<vmem>>, vector<1x16xf32>,
      %swap3A_950 = vector.shape_cast %swap3A_949 : vector<1x16xf32> to vector<1x16xf32>
      %swap3A_951 = vector.shape_cast %mul3A_937 : vector<1x16xf32> to vector<1x16xf32>
      tpu.vector_store %swap3A_946[%swap3A_947, %swap3A_948], %swap3A_951 {strides = array<i32>} : memref<200x64xf32, #tpu.memory_space<vmem>>, vector<1x16xf32>,
    }
    %scan3A_419 = arith.constant 100 : i32
    %add3A_420 = arith.constant 124 : i32
    %add3A_421 = arith.addi %mul3A_2, %add3A_420 : i32
    %dma_start3A_422 = arith.constant 0 : i32
    %dma_start3A_423 = arith.constant 0 : i32
    %dma_start3A_424 = arith.constant 0 : i32
    %dma_start3A_425 = arith.constant 0 : i32
    %dma_start3A_426 = arith.constant 0 : i32
    %dma_start3A_427 = tpu.memref_slice %arg7[%dma_start3A_422, %dma_start3A_424, %dma_start3A_425, %dma_start3A_426] : memref<2x1x200x64xf32, #tpu.memory_space<vmem>> -> memref<1x1x200x64xf32, #tpu.memory_space<vmem>>
    %dma_start3A_428 = tpu.memref_squeeze %dma_start3A_427 : memref<1x1x200x64xf32, #tpu.memory_space<vmem>> -> memref<1x200x64xf32, #tpu.memory_space<vmem>>
    %dma_start3A_429 = arith.constant 0 : i32
    %dma_start3A_430 = arith.constant 0 : i32
    %dma_start3A_431 = tpu.memref_slice %arg4[%add3A_421, %dma_start3A_429, %dma_start3A_430] : memref<4096x200x64xf32, #tpu.memory_space<hbm>> -> memref<1x200x64xf32, #tpu.memory_space<hbm>>
    %dma_start3A_432 = tpu.memref_slice %arg9[%dma_start3A_423] : memref<2x!tpu.dma_semaphore, #tpu.memory_space<semaphore_mem>> -> memref<1x!tpu.dma_semaphore, #tpu.memory_space<semaphore_mem>>
    %dma_start3A_433 = tpu.memref_squeeze %dma_start3A_432 : memref<1x!tpu.dma_semaphore, #tpu.memory_space<semaphore_mem>> -> memref<!tpu.dma_semaphore, #tpu.memory_space<semaphore_mem>>
    %dma_start3A_434 = arith.constant 0 : i32
    %dma_start3A_435 = arith.constant 0 : i32
    %dma_start3A_436 = tpu.memref_slice %arg4[%add3A_421, %dma_start3A_434, %dma_start3A_435] : memref<4096x200x64xf32, #tpu.memory_space<hbm>> -> memref<1x200x64xf32, #tpu.memory_space<hbm>>
    %dma_start3A_437 = arith.constant 0 : i32
    %dma_start3A_438 = arith.constant 0 : i32
    %dma_start3A_439 = arith.constant 0 : i32
    %dma_start3A_440 = tpu.memref_slice %arg7[%dma_start3A_422, %dma_start3A_437, %dma_start3A_438, %dma_start3A_439] : memref<2x1x200x64xf32, #tpu.memory_space<vmem>> -> memref<1x1x200x64xf32, #tpu.memory_space<vmem>>
    %dma_start3A_441 = tpu.memref_squeeze %dma_start3A_440 : memref<1x1x200x64xf32, #tpu.memory_space<vmem>> -> memref<1x200x64xf32, #tpu.memory_space<vmem>>
    tpu.enqueue_dma source(%dma_start3A_441 : memref<1x200x64xf32, #tpu.memory_space<vmem>>) target(%dma_start3A_436 : memref<1x200x64xf32, #tpu.memory_space<hbm>>) target_semaphore(%dma_start3A_433 : memref<!tpu.dma_semaphore, #tpu.memory_space<semaphore_mem>>)
    %dma_wait3A_442 = arith.constant 125 : i32
    %dma_wait3A_443 = arith.constant 1 : i32
    %dma_wait3A_444 = arith.constant 0 : i32
    %dma_wait3A_445 = arith.constant 1 : i32
    %dma_wait3A_446 = arith.constant 0 : i32
    %dma_wait3A_447 = arith.constant 0 : i32
    %dma_wait3A_448 = tpu.memref_slice %arg6[%dma_wait3A_443, %dma_wait3A_444, %dma_wait3A_446, %dma_wait3A_447] : memref<4x1x200x64xf32, #tpu.memory_space<vmem>> -> memref<1x1x200x64xf32, #tpu.memory_space<vmem>>
    %dma_wait3A_449 = tpu.memref_squeeze %dma_wait3A_448 : memref<1x1x200x64xf32, #tpu.memory_space<vmem>> -> memref<200x64xf32, #tpu.memory_space<vmem>>
    %dma_wait3A_450 = arith.constant 0 : i32
    %dma_wait3A_451 = tpu.memref_slice %arg5[%dma_wait3A_442, %dma_wait3A_450] : memref<128x200xi32, #tpu.memory_space<vmem>> -> memref<1x200xi32, #tpu.memory_space<vmem>>
    %dma_wait3A_452 = tpu.memref_squeeze %dma_wait3A_451 : memref<1x200xi32, #tpu.memory_space<vmem>> -> memref<200xi32, #tpu.memory_space<vmem>>
    %dma_wait3A_453 = arith.constant 0 : i32
    %dma_wait3A_454 = arith.constant 0 : i32
    %dma_wait3A_455 = tpu.memref_slice %arg2[%dma_wait3A_453, %dma_wait3A_454] : memref<1000000x64xf32, #tpu.memory_space<hbm>> -> memref<1000000x64xf32, #tpu.memory_space<hbm>>
    %dma_wait3A_456 = tpu.memref_slice %arg8[%dma_wait3A_445] : memref<4x!tpu.dma_semaphore, #tpu.memory_space<semaphore_mem>> -> memref<1x!tpu.dma_semaphore, #tpu.memory_space<semaphore_mem>>
    %dma_wait3A_457 = tpu.memref_squeeze %dma_wait3A_456 : memref<1x!tpu.dma_semaphore, #tpu.memory_space<semaphore_mem>> -> memref<!tpu.dma_semaphore, #tpu.memory_space<semaphore_mem>>
    tpu.wait_indirect_dma semaphore(%dma_wait3A_457 : memref<!tpu.dma_semaphore, #tpu.memory_space<semaphore_mem>>) src(%dma_wait3A_455 : memref<1000000x64xf32, #tpu.memory_space<hbm>>) dst(%dma_wait3A_449 : memref<200x64xf32, #tpu.memory_space<vmem>>)
    %add3A_458 = arith.constant 123 : i32
    %add3A_459 = arith.addi %mul3A_2, %add3A_458 : i32
    %dma_wait3A_460 = arith.constant 1 : i32
    %dma_wait3A_461 = arith.constant 1 : i32
    %dma_wait3A_462 = arith.constant 0 : i32
    %dma_wait3A_463 = arith.constant 0 : i32
    %dma_wait3A_464 = arith.constant 0 : i32
    %dma_wait3A_465 = tpu.memref_slice %arg7[%dma_wait3A_460, %dma_wait3A_462, %dma_wait3A_463, %dma_wait3A_464] : memref<2x1x200x64xf32, #tpu.memory_space<vmem>> -> memref<1x1x200x64xf32, #tpu.memory_space<vmem>>
    %dma_wait3A_466 = tpu.memref_squeeze %dma_wait3A_465 : memref<1x1x200x64xf32, #tpu.memory_space<vmem>> -> memref<1x200x64xf32, #tpu.memory_space<vmem>>
    %dma_wait3A_467 = arith.constant 0 : i32
    %dma_wait3A_468 = arith.constant 0 : i32
    %dma_wait3A_469 = tpu.memref_slice %arg4[%add3A_459, %dma_wait3A_467, %dma_wait3A_468] : memref<4096x200x64xf32, #tpu.memory_space<hbm>> -> memref<1x200x64xf32, #tpu.memory_space<hbm>>
    %dma_wait3A_470 = tpu.memref_slice %arg9[%dma_wait3A_461] : memref<2x!tpu.dma_semaphore, #tpu.memory_space<semaphore_mem>> -> memref<1x!tpu.dma_semaphore, #tpu.memory_space<semaphore_mem>>
    %dma_wait3A_471 = tpu.memref_squeeze %dma_wait3A_470 : memref<1x!tpu.dma_semaphore, #tpu.memory_space<semaphore_mem>> -> memref<!tpu.dma_semaphore, #tpu.memory_space<semaphore_mem>>
    %dma_wait3A_472 = arith.constant 0 : i32
    %dma_wait3A_473 = arith.constant 0 : i32
    %dma_wait3A_474 = tpu.memref_slice %arg4[%add3A_459, %dma_wait3A_472, %dma_wait3A_473] : memref<4096x200x64xf32, #tpu.memory_space<hbm>> -> memref<1x200x64xf32, #tpu.memory_space<hbm>>
    %dma_wait3A_475 = arith.constant 0 : i32
    %dma_wait3A_476 = arith.constant 0 : i32
    %dma_wait3A_477 = arith.constant 0 : i32
    %dma_wait3A_478 = tpu.memref_slice %arg7[%dma_wait3A_460, %dma_wait3A_475, %dma_wait3A_476, %dma_wait3A_477] : memref<2x1x200x64xf32, #tpu.memory_space<vmem>> -> memref<1x1x200x64xf32, #tpu.memory_space<vmem>>
    %dma_wait3A_479 = tpu.memref_squeeze %dma_wait3A_478 : memref<1x1x200x64xf32, #tpu.memory_space<vmem>> -> memref<1x200x64xf32, #tpu.memory_space<vmem>>
    tpu.wait_dma2 semaphore(%dma_wait3A_471 : memref<!tpu.dma_semaphore, #tpu.memory_space<semaphore_mem>>) src(%dma_wait3A_479 : memref<1x200x64xf32, #tpu.memory_space<vmem>>) dst(%dma_wait3A_474 : memref<1x200x64xf32, #tpu.memory_space<hbm>>)
    %scan3A_480 = arith.constant 1 : i32
    %scan3A_481 = arith.constant 0 : i32
    %scan3A_482 = arith.constant 1 : i32
    %scan3A_483 = arith.constant 0 : i32
    %scan3A_484 = arith.constant 0 : i32
    %scan3A_485 = arith.constant 100 : i32
    %scan3A_486 = arith.addi %scan3A_484, %scan3A_485 : i32
    %scan3A_487 = arith.constant 1 : i32
    scf.for %scan3A_693 = %scan3A_484 to %scan3A_486 step %scan3A_487  : i32 {
      %mul3A_694 = arith.constant 2 : i32
      %mul3A_695 = arith.muli %scan3A_693, %mul3A_694 : i32
      %add3A_696 = arith.constant 0 : i32
      %add3A_697 = arith.addi %add3A_696, %mul3A_695 : i32
      %add3A_698 = arith.constant 0 : i32
      %add3A_699 = arith.addi %add3A_697, %add3A_698 : i32
      %get3A = arith.constant 0 : i32
      %get3A_700 = arith.constant 0 : i32
      %get3A_701 = arith.constant 0 : i32
      %get3A_702 = tpu.memref_slice %arg6[%scan3A_480, %get3A, %get3A_700, %get3A_701] : memref<4x1x200x64xf32, #tpu.memory_space<vmem>> -> memref<1x1x200x64xf32, #tpu.memory_space<vmem>>
      %get3A_703 = tpu.memref_squeeze %get3A_702 : memref<1x1x200x64xf32, #tpu.memory_space<vmem>> -> memref<1x200x64xf32, #tpu.memory_space<vmem>>
      %get3A_704 = arith.constant 0 : i32
      %get3A_705 = arith.constant 0 : i32
      %get3A_706 = tpu.memref_slice %get3A_703[%scan3A_481, %get3A_704, %get3A_705] : memref<1x200x64xf32, #tpu.memory_space<vmem>> -> memref<1x200x64xf32, #tpu.memory_space<vmem>>
      %get3A_707 = tpu.memref_squeeze %get3A_706 : memref<1x200x64xf32, #tpu.memory_space<vmem>> -> memref<200x64xf32, #tpu.memory_space<vmem>>
      %get3A_708 = arith.index_cast %add3A_699 : i32 to index
      %get3A_709 = arith.constant 0 : index
      %get3A_710 = tpu.vector_load %get3A_707[%get3A_708, %get3A_709] {strides = array<i32>} : memref<200x64xf32, #tpu.memory_space<vmem>>, vector<1x16xf32>,
      %get3A_711 = vector.shape_cast %get3A_710 : vector<1x16xf32> to vector<1x16xf32>
      %mul3A_712 = arith.constant 8.000000e+00 : f32
      %mul3A_713 = vector.broadcast %mul3A_712 : f32 to vector<1x16xf32>
      %mul3A_714 = arith.mulf %get3A_711, %mul3A_713 : vector<1x16xf32>
      %swap3A = arith.constant 0 : i32
      %swap3A_715 = arith.constant 0 : i32
      %swap3A_716 = arith.constant 0 : i32
      %swap3A_717 = tpu.memref_slice %arg7[%scan3A_482, %swap3A, %swap3A_715, %swap3A_716] : memref<2x1x200x64xf32, #tpu.memory_space<vmem>> -> memref<1x1x200x64xf32, #tpu.memory_space<vmem>>
      %swap3A_718 = tpu.memref_squeeze %swap3A_717 : memref<1x1x200x64xf32, #tpu.memory_space<vmem>> -> memref<1x200x64xf32, #tpu.memory_space<vmem>>
      %swap3A_719 = arith.constant 0 : i32
      %swap3A_720 = arith.constant 0 : i32
      %swap3A_721 = tpu.memref_slice %swap3A_718[%scan3A_483, %swap3A_719, %swap3A_720] : memref<1x200x64xf32, #tpu.memory_space<vmem>> -> memref<1x200x64xf32, #tpu.memory_space<vmem>>
      %swap3A_722 = tpu.memref_squeeze %swap3A_721 : memref<1x200x64xf32, #tpu.memory_space<vmem>> -> memref<200x64xf32, #tpu.memory_space<vmem>>
      %swap3A_723 = arith.index_cast %add3A_699 : i32 to index
      %swap3A_724 = arith.constant 0 : index
      %swap3A_725 = tpu.vector_load %swap3A_722[%swap3A_723, %swap3A_724] {strides = array<i32>} : memref<200x64xf32, #tpu.memory_space<vmem>>, vector<1x16xf32>,
      %swap3A_726 = vector.shape_cast %swap3A_725 : vector<1x16xf32> to vector<1x16xf32>
      %swap3A_727 = vector.shape_cast %mul3A_714 : vector<1x16xf32> to vector<1x16xf32>
      tpu.vector_store %swap3A_722[%swap3A_723, %swap3A_724], %swap3A_727 {strides = array<i32>} : memref<200x64xf32, #tpu.memory_space<vmem>>, vector<1x16xf32>,
      %add3A_728 = arith.constant 0 : i32
      %add3A_729 = arith.addi %add3A_697, %add3A_728 : i32
      %get3A_730 = arith.constant 0 : i32
      %get3A_731 = arith.constant 0 : i32
      %get3A_732 = arith.constant 0 : i32
      %get3A_733 = tpu.memref_slice %arg6[%scan3A_480, %get3A_730, %get3A_731, %get3A_732] : memref<4x1x200x64xf32, #tpu.memory_space<vmem>> -> memref<1x1x200x64xf32, #tpu.memory_space<vmem>>
      %get3A_734 = tpu.memref_squeeze %get3A_733 : memref<1x1x200x64xf32, #tpu.memory_space<vmem>> -> memref<1x200x64xf32, #tpu.memory_space<vmem>>
      %get3A_735 = arith.constant 0 : i32
      %get3A_736 = arith.constant 0 : i32
      %get3A_737 = tpu.memref_slice %get3A_734[%scan3A_481, %get3A_735, %get3A_736] : memref<1x200x64xf32, #tpu.memory_space<vmem>> -> memref<1x200x64xf32, #tpu.memory_space<vmem>>
      %get3A_738 = tpu.memref_squeeze %get3A_737 : memref<1x200x64xf32, #tpu.memory_space<vmem>> -> memref<200x64xf32, #tpu.memory_space<vmem>>
      %get3A_739 = arith.index_cast %add3A_729 : i32 to index
      %get3A_740 = arith.constant 16 : index
      %get3A_741 = tpu.vector_load %get3A_738[%get3A_739, %get3A_740] {strides = array<i32>} : memref<200x64xf32, #tpu.memory_space<vmem>>, vector<1x16xf32>,
      %get3A_742 = vector.shape_cast %get3A_741 : vector<1x16xf32> to vector<1x16xf32>
      %mul3A_743 = arith.constant 8.000000e+00 : f32
      %mul3A_744 = vector.broadcast %mul3A_743 : f32 to vector<1x16xf32>
      %mul3A_745 = arith.mulf %get3A_742, %mul3A_744 : vector<1x16xf32>
      %swap3A_746 = arith.constant 0 : i32
      %swap3A_747 = arith.constant 0 : i32
      %swap3A_748 = arith.constant 0 : i32
      %swap3A_749 = tpu.memref_slice %arg7[%scan3A_482, %swap3A_746, %swap3A_747, %swap3A_748] : memref<2x1x200x64xf32, #tpu.memory_space<vmem>> -> memref<1x1x200x64xf32, #tpu.memory_space<vmem>>
      %swap3A_750 = tpu.memref_squeeze %swap3A_749 : memref<1x1x200x64xf32, #tpu.memory_space<vmem>> -> memref<1x200x64xf32, #tpu.memory_space<vmem>>
      %swap3A_751 = arith.constant 0 : i32
      %swap3A_752 = arith.constant 0 : i32
      %swap3A_753 = tpu.memref_slice %swap3A_750[%scan3A_483, %swap3A_751, %swap3A_752] : memref<1x200x64xf32, #tpu.memory_space<vmem>> -> memref<1x200x64xf32, #tpu.memory_space<vmem>>
      %swap3A_754 = tpu.memref_squeeze %swap3A_753 : memref<1x200x64xf32, #tpu.memory_space<vmem>> -> memref<200x64xf32, #tpu.memory_space<vmem>>
      %swap3A_755 = arith.index_cast %add3A_729 : i32 to index
      %swap3A_756 = arith.constant 16 : index
      %swap3A_757 = tpu.vector_load %swap3A_754[%swap3A_755, %swap3A_756] {strides = array<i32>} : memref<200x64xf32, #tpu.memory_space<vmem>>, vector<1x16xf32>,
      %swap3A_758 = vector.shape_cast %swap3A_757 : vector<1x16xf32> to vector<1x16xf32>
      %swap3A_759 = vector.shape_cast %mul3A_745 : vector<1x16xf32> to vector<1x16xf32>
      tpu.vector_store %swap3A_754[%swap3A_755, %swap3A_756], %swap3A_759 {strides = array<i32>} : memref<200x64xf32, #tpu.memory_space<vmem>>, vector<1x16xf32>,
      %add3A_760 = arith.constant 0 : i32
      %add3A_761 = arith.addi %add3A_697, %add3A_760 : i32
      %get3A_762 = arith.constant 0 : i32
      %get3A_763 = arith.constant 0 : i32
      %get3A_764 = arith.constant 0 : i32
      %get3A_765 = tpu.memref_slice %arg6[%scan3A_480, %get3A_762, %get3A_763, %get3A_764] : memref<4x1x200x64xf32, #tpu.memory_space<vmem>> -> memref<1x1x200x64xf32, #tpu.memory_space<vmem>>
      %get3A_766 = tpu.memref_squeeze %get3A_765 : memref<1x1x200x64xf32, #tpu.memory_space<vmem>> -> memref<1x200x64xf32, #tpu.memory_space<vmem>>
      %get3A_767 = arith.constant 0 : i32
      %get3A_768 = arith.constant 0 : i32
      %get3A_769 = tpu.memref_slice %get3A_766[%scan3A_481, %get3A_767, %get3A_768] : memref<1x200x64xf32, #tpu.memory_space<vmem>> -> memref<1x200x64xf32, #tpu.memory_space<vmem>>
      %get3A_770 = tpu.memref_squeeze %get3A_769 : memref<1x200x64xf32, #tpu.memory_space<vmem>> -> memref<200x64xf32, #tpu.memory_space<vmem>>
      %get3A_771 = arith.index_cast %add3A_761 : i32 to index
      %get3A_772 = arith.constant 32 : index
      %get3A_773 = tpu.vector_load %get3A_770[%get3A_771, %get3A_772] {strides = array<i32>} : memref<200x64xf32, #tpu.memory_space<vmem>>, vector<1x16xf32>,
      %get3A_774 = vector.shape_cast %get3A_773 : vector<1x16xf32> to vector<1x16xf32>
      %mul3A_775 = arith.constant 8.000000e+00 : f32
      %mul3A_776 = vector.broadcast %mul3A_775 : f32 to vector<1x16xf32>
      %mul3A_777 = arith.mulf %get3A_774, %mul3A_776 : vector<1x16xf32>
      %swap3A_778 = arith.constant 0 : i32
      %swap3A_779 = arith.constant 0 : i32
      %swap3A_780 = arith.constant 0 : i32
      %swap3A_781 = tpu.memref_slice %arg7[%scan3A_482, %swap3A_778, %swap3A_779, %swap3A_780] : memref<2x1x200x64xf32, #tpu.memory_space<vmem>> -> memref<1x1x200x64xf32, #tpu.memory_space<vmem>>
      %swap3A_782 = tpu.memref_squeeze %swap3A_781 : memref<1x1x200x64xf32, #tpu.memory_space<vmem>> -> memref<1x200x64xf32, #tpu.memory_space<vmem>>
      %swap3A_783 = arith.constant 0 : i32
      %swap3A_784 = arith.constant 0 : i32
      %swap3A_785 = tpu.memref_slice %swap3A_782[%scan3A_483, %swap3A_783, %swap3A_784] : memref<1x200x64xf32, #tpu.memory_space<vmem>> -> memref<1x200x64xf32, #tpu.memory_space<vmem>>
      %swap3A_786 = tpu.memref_squeeze %swap3A_785 : memref<1x200x64xf32, #tpu.memory_space<vmem>> -> memref<200x64xf32, #tpu.memory_space<vmem>>
      %swap3A_787 = arith.index_cast %add3A_761 : i32 to index
      %swap3A_788 = arith.constant 32 : index
      %swap3A_789 = tpu.vector_load %swap3A_786[%swap3A_787, %swap3A_788] {strides = array<i32>} : memref<200x64xf32, #tpu.memory_space<vmem>>, vector<1x16xf32>,
      %swap3A_790 = vector.shape_cast %swap3A_789 : vector<1x16xf32> to vector<1x16xf32>
      %swap3A_791 = vector.shape_cast %mul3A_777 : vector<1x16xf32> to vector<1x16xf32>
      tpu.vector_store %swap3A_786[%swap3A_787, %swap3A_788], %swap3A_791 {strides = array<i32>} : memref<200x64xf32, #tpu.memory_space<vmem>>, vector<1x16xf32>,
      %add3A_792 = arith.constant 0 : i32
      %add3A_793 = arith.addi %add3A_697, %add3A_792 : i32
      %get3A_794 = arith.constant 0 : i32
      %get3A_795 = arith.constant 0 : i32
      %get3A_796 = arith.constant 0 : i32
      %get3A_797 = tpu.memref_slice %arg6[%scan3A_480, %get3A_794, %get3A_795, %get3A_796] : memref<4x1x200x64xf32, #tpu.memory_space<vmem>> -> memref<1x1x200x64xf32, #tpu.memory_space<vmem>>
      %get3A_798 = tpu.memref_squeeze %get3A_797 : memref<1x1x200x64xf32, #tpu.memory_space<vmem>> -> memref<1x200x64xf32, #tpu.memory_space<vmem>>
      %get3A_799 = arith.constant 0 : i32
      %get3A_800 = arith.constant 0 : i32
      %get3A_801 = tpu.memref_slice %get3A_798[%scan3A_481, %get3A_799, %get3A_800] : memref<1x200x64xf32, #tpu.memory_space<vmem>> -> memref<1x200x64xf32, #tpu.memory_space<vmem>>
      %get3A_802 = tpu.memref_squeeze %get3A_801 : memref<1x200x64xf32, #tpu.memory_space<vmem>> -> memref<200x64xf32, #tpu.memory_space<vmem>>
      %get3A_803 = arith.index_cast %add3A_793 : i32 to index
      %get3A_804 = arith.constant 48 : index
      %get3A_805 = tpu.vector_load %get3A_802[%get3A_803, %get3A_804] {strides = array<i32>} : memref<200x64xf32, #tpu.memory_space<vmem>>, vector<1x16xf32>,
      %get3A_806 = vector.shape_cast %get3A_805 : vector<1x16xf32> to vector<1x16xf32>
      %mul3A_807 = arith.constant 8.000000e+00 : f32
      %mul3A_808 = vector.broadcast %mul3A_807 : f32 to vector<1x16xf32>
      %mul3A_809 = arith.mulf %get3A_806, %mul3A_808 : vector<1x16xf32>
      %swap3A_810 = arith.constant 0 : i32
      %swap3A_811 = arith.constant 0 : i32
      %swap3A_812 = arith.constant 0 : i32
      %swap3A_813 = tpu.memref_slice %arg7[%scan3A_482, %swap3A_810, %swap3A_811, %swap3A_812] : memref<2x1x200x64xf32, #tpu.memory_space<vmem>> -> memref<1x1x200x64xf32, #tpu.memory_space<vmem>>
      %swap3A_814 = tpu.memref_squeeze %swap3A_813 : memref<1x1x200x64xf32, #tpu.memory_space<vmem>> -> memref<1x200x64xf32, #tpu.memory_space<vmem>>
      %swap3A_815 = arith.constant 0 : i32
      %swap3A_816 = arith.constant 0 : i32
      %swap3A_817 = tpu.memref_slice %swap3A_814[%scan3A_483, %swap3A_815, %swap3A_816] : memref<1x200x64xf32, #tpu.memory_space<vmem>> -> memref<1x200x64xf32, #tpu.memory_space<vmem>>
      %swap3A_818 = tpu.memref_squeeze %swap3A_817 : memref<1x200x64xf32, #tpu.memory_space<vmem>> -> memref<200x64xf32, #tpu.memory_space<vmem>>
      %swap3A_819 = arith.index_cast %add3A_793 : i32 to index
      %swap3A_820 = arith.constant 48 : index
      %swap3A_821 = tpu.vector_load %swap3A_818[%swap3A_819, %swap3A_820] {strides = array<i32>} : memref<200x64xf32, #tpu.memory_space<vmem>>, vector<1x16xf32>,
      %swap3A_822 = vector.shape_cast %swap3A_821 : vector<1x16xf32> to vector<1x16xf32>
      %swap3A_823 = vector.shape_cast %mul3A_809 : vector<1x16xf32> to vector<1x16xf32>
      tpu.vector_store %swap3A_818[%swap3A_819, %swap3A_820], %swap3A_823 {strides = array<i32>} : memref<200x64xf32, #tpu.memory_space<vmem>>, vector<1x16xf32>,
      %add3A_824 = arith.constant 1 : i32
      %add3A_825 = arith.addi %add3A_697, %add3A_824 : i32
      %get3A_826 = arith.constant 0 : i32
      %get3A_827 = arith.constant 0 : i32
      %get3A_828 = arith.constant 0 : i32
      %get3A_829 = tpu.memref_slice %arg6[%scan3A_480, %get3A_826, %get3A_827, %get3A_828] : memref<4x1x200x64xf32, #tpu.memory_space<vmem>> -> memref<1x1x200x64xf32, #tpu.memory_space<vmem>>
      %get3A_830 = tpu.memref_squeeze %get3A_829 : memref<1x1x200x64xf32, #tpu.memory_space<vmem>> -> memref<1x200x64xf32, #tpu.memory_space<vmem>>
      %get3A_831 = arith.constant 0 : i32
      %get3A_832 = arith.constant 0 : i32
      %get3A_833 = tpu.memref_slice %get3A_830[%scan3A_481, %get3A_831, %get3A_832] : memref<1x200x64xf32, #tpu.memory_space<vmem>> -> memref<1x200x64xf32, #tpu.memory_space<vmem>>
      %get3A_834 = tpu.memref_squeeze %get3A_833 : memref<1x200x64xf32, #tpu.memory_space<vmem>> -> memref<200x64xf32, #tpu.memory_space<vmem>>
      %get3A_835 = arith.index_cast %add3A_825 : i32 to index
      %get3A_836 = arith.constant 0 : index
      %get3A_837 = tpu.vector_load %get3A_834[%get3A_835, %get3A_836] {strides = array<i32>} : memref<200x64xf32, #tpu.memory_space<vmem>>, vector<1x16xf32>,
      %get3A_838 = vector.shape_cast %get3A_837 : vector<1x16xf32> to vector<1x16xf32>
      %mul3A_839 = arith.constant 8.000000e+00 : f32
      %mul3A_840 = vector.broadcast %mul3A_839 : f32 to vector<1x16xf32>
      %mul3A_841 = arith.mulf %get3A_838, %mul3A_840 : vector<1x16xf32>
      %swap3A_842 = arith.constant 0 : i32
      %swap3A_843 = arith.constant 0 : i32
      %swap3A_844 = arith.constant 0 : i32
      %swap3A_845 = tpu.memref_slice %arg7[%scan3A_482, %swap3A_842, %swap3A_843, %swap3A_844] : memref<2x1x200x64xf32, #tpu.memory_space<vmem>> -> memref<1x1x200x64xf32, #tpu.memory_space<vmem>>
      %swap3A_846 = tpu.memref_squeeze %swap3A_845 : memref<1x1x200x64xf32, #tpu.memory_space<vmem>> -> memref<1x200x64xf32, #tpu.memory_space<vmem>>
      %swap3A_847 = arith.constant 0 : i32
      %swap3A_848 = arith.constant 0 : i32
      %swap3A_849 = tpu.memref_slice %swap3A_846[%scan3A_483, %swap3A_847, %swap3A_848] : memref<1x200x64xf32, #tpu.memory_space<vmem>> -> memref<1x200x64xf32, #tpu.memory_space<vmem>>
      %swap3A_850 = tpu.memref_squeeze %swap3A_849 : memref<1x200x64xf32, #tpu.memory_space<vmem>> -> memref<200x64xf32, #tpu.memory_space<vmem>>
      %swap3A_851 = arith.index_cast %add3A_825 : i32 to index
      %swap3A_852 = arith.constant 0 : index
      %swap3A_853 = tpu.vector_load %swap3A_850[%swap3A_851, %swap3A_852] {strides = array<i32>} : memref<200x64xf32, #tpu.memory_space<vmem>>, vector<1x16xf32>,
      %swap3A_854 = vector.shape_cast %swap3A_853 : vector<1x16xf32> to vector<1x16xf32>
      %swap3A_855 = vector.shape_cast %mul3A_841 : vector<1x16xf32> to vector<1x16xf32>
      tpu.vector_store %swap3A_850[%swap3A_851, %swap3A_852], %swap3A_855 {strides = array<i32>} : memref<200x64xf32, #tpu.memory_space<vmem>>, vector<1x16xf32>,
      %add3A_856 = arith.constant 1 : i32
      %add3A_857 = arith.addi %add3A_697, %add3A_856 : i32
      %get3A_858 = arith.constant 0 : i32
      %get3A_859 = arith.constant 0 : i32
      %get3A_860 = arith.constant 0 : i32
      %get3A_861 = tpu.memref_slice %arg6[%scan3A_480, %get3A_858, %get3A_859, %get3A_860] : memref<4x1x200x64xf32, #tpu.memory_space<vmem>> -> memref<1x1x200x64xf32, #tpu.memory_space<vmem>>
      %get3A_862 = tpu.memref_squeeze %get3A_861 : memref<1x1x200x64xf32, #tpu.memory_space<vmem>> -> memref<1x200x64xf32, #tpu.memory_space<vmem>>
      %get3A_863 = arith.constant 0 : i32
      %get3A_864 = arith.constant 0 : i32
      %get3A_865 = tpu.memref_slice %get3A_862[%scan3A_481, %get3A_863, %get3A_864] : memref<1x200x64xf32, #tpu.memory_space<vmem>> -> memref<1x200x64xf32, #tpu.memory_space<vmem>>
      %get3A_866 = tpu.memref_squeeze %get3A_865 : memref<1x200x64xf32, #tpu.memory_space<vmem>> -> memref<200x64xf32, #tpu.memory_space<vmem>>
      %get3A_867 = arith.index_cast %add3A_857 : i32 to index
      %get3A_868 = arith.constant 16 : index
      %get3A_869 = tpu.vector_load %get3A_866[%get3A_867, %get3A_868] {strides = array<i32>} : memref<200x64xf32, #tpu.memory_space<vmem>>, vector<1x16xf32>,
      %get3A_870 = vector.shape_cast %get3A_869 : vector<1x16xf32> to vector<1x16xf32>
      %mul3A_871 = arith.constant 8.000000e+00 : f32
      %mul3A_872 = vector.broadcast %mul3A_871 : f32 to vector<1x16xf32>
      %mul3A_873 = arith.mulf %get3A_870, %mul3A_872 : vector<1x16xf32>
      %swap3A_874 = arith.constant 0 : i32
      %swap3A_875 = arith.constant 0 : i32
      %swap3A_876 = arith.constant 0 : i32
      %swap3A_877 = tpu.memref_slice %arg7[%scan3A_482, %swap3A_874, %swap3A_875, %swap3A_876] : memref<2x1x200x64xf32, #tpu.memory_space<vmem>> -> memref<1x1x200x64xf32, #tpu.memory_space<vmem>>
      %swap3A_878 = tpu.memref_squeeze %swap3A_877 : memref<1x1x200x64xf32, #tpu.memory_space<vmem>> -> memref<1x200x64xf32, #tpu.memory_space<vmem>>
      %swap3A_879 = arith.constant 0 : i32
      %swap3A_880 = arith.constant 0 : i32
      %swap3A_881 = tpu.memref_slice %swap3A_878[%scan3A_483, %swap3A_879, %swap3A_880] : memref<1x200x64xf32, #tpu.memory_space<vmem>> -> memref<1x200x64xf32, #tpu.memory_space<vmem>>
      %swap3A_882 = tpu.memref_squeeze %swap3A_881 : memref<1x200x64xf32, #tpu.memory_space<vmem>> -> memref<200x64xf32, #tpu.memory_space<vmem>>
      %swap3A_883 = arith.index_cast %add3A_857 : i32 to index
      %swap3A_884 = arith.constant 16 : index
      %swap3A_885 = tpu.vector_load %swap3A_882[%swap3A_883, %swap3A_884] {strides = array<i32>} : memref<200x64xf32, #tpu.memory_space<vmem>>, vector<1x16xf32>,
      %swap3A_886 = vector.shape_cast %swap3A_885 : vector<1x16xf32> to vector<1x16xf32>
      %swap3A_887 = vector.shape_cast %mul3A_873 : vector<1x16xf32> to vector<1x16xf32>
      tpu.vector_store %swap3A_882[%swap3A_883, %swap3A_884], %swap3A_887 {strides = array<i32>} : memref<200x64xf32, #tpu.memory_space<vmem>>, vector<1x16xf32>,
      %add3A_888 = arith.constant 1 : i32
      %add3A_889 = arith.addi %add3A_697, %add3A_888 : i32
      %get3A_890 = arith.constant 0 : i32
      %get3A_891 = arith.constant 0 : i32
      %get3A_892 = arith.constant 0 : i32
      %get3A_893 = tpu.memref_slice %arg6[%scan3A_480, %get3A_890, %get3A_891, %get3A_892] : memref<4x1x200x64xf32, #tpu.memory_space<vmem>> -> memref<1x1x200x64xf32, #tpu.memory_space<vmem>>
      %get3A_894 = tpu.memref_squeeze %get3A_893 : memref<1x1x200x64xf32, #tpu.memory_space<vmem>> -> memref<1x200x64xf32, #tpu.memory_space<vmem>>
      %get3A_895 = arith.constant 0 : i32
      %get3A_896 = arith.constant 0 : i32
      %get3A_897 = tpu.memref_slice %get3A_894[%scan3A_481, %get3A_895, %get3A_896] : memref<1x200x64xf32, #tpu.memory_space<vmem>> -> memref<1x200x64xf32, #tpu.memory_space<vmem>>
      %get3A_898 = tpu.memref_squeeze %get3A_897 : memref<1x200x64xf32, #tpu.memory_space<vmem>> -> memref<200x64xf32, #tpu.memory_space<vmem>>
      %get3A_899 = arith.index_cast %add3A_889 : i32 to index
      %get3A_900 = arith.constant 32 : index
      %get3A_901 = tpu.vector_load %get3A_898[%get3A_899, %get3A_900] {strides = array<i32>} : memref<200x64xf32, #tpu.memory_space<vmem>>, vector<1x16xf32>,
      %get3A_902 = vector.shape_cast %get3A_901 : vector<1x16xf32> to vector<1x16xf32>
      %mul3A_903 = arith.constant 8.000000e+00 : f32
      %mul3A_904 = vector.broadcast %mul3A_903 : f32 to vector<1x16xf32>
      %mul3A_905 = arith.mulf %get3A_902, %mul3A_904 : vector<1x16xf32>
      %swap3A_906 = arith.constant 0 : i32
      %swap3A_907 = arith.constant 0 : i32
      %swap3A_908 = arith.constant 0 : i32
      %swap3A_909 = tpu.memref_slice %arg7[%scan3A_482, %swap3A_906, %swap3A_907, %swap3A_908] : memref<2x1x200x64xf32, #tpu.memory_space<vmem>> -> memref<1x1x200x64xf32, #tpu.memory_space<vmem>>
      %swap3A_910 = tpu.memref_squeeze %swap3A_909 : memref<1x1x200x64xf32, #tpu.memory_space<vmem>> -> memref<1x200x64xf32, #tpu.memory_space<vmem>>
      %swap3A_911 = arith.constant 0 : i32
      %swap3A_912 = arith.constant 0 : i32
      %swap3A_913 = tpu.memref_slice %swap3A_910[%scan3A_483, %swap3A_911, %swap3A_912] : memref<1x200x64xf32, #tpu.memory_space<vmem>> -> memref<1x200x64xf32, #tpu.memory_space<vmem>>
      %swap3A_914 = tpu.memref_squeeze %swap3A_913 : memref<1x200x64xf32, #tpu.memory_space<vmem>> -> memref<200x64xf32, #tpu.memory_space<vmem>>
      %swap3A_915 = arith.index_cast %add3A_889 : i32 to index
      %swap3A_916 = arith.constant 32 : index
      %swap3A_917 = tpu.vector_load %swap3A_914[%swap3A_915, %swap3A_916] {strides = array<i32>} : memref<200x64xf32, #tpu.memory_space<vmem>>, vector<1x16xf32>,
      %swap3A_918 = vector.shape_cast %swap3A_917 : vector<1x16xf32> to vector<1x16xf32>
      %swap3A_919 = vector.shape_cast %mul3A_905 : vector<1x16xf32> to vector<1x16xf32>
      tpu.vector_store %swap3A_914[%swap3A_915, %swap3A_916], %swap3A_919 {strides = array<i32>} : memref<200x64xf32, #tpu.memory_space<vmem>>, vector<1x16xf32>,
      %add3A_920 = arith.constant 1 : i32
      %add3A_921 = arith.addi %add3A_697, %add3A_920 : i32
      %get3A_922 = arith.constant 0 : i32
      %get3A_923 = arith.constant 0 : i32
      %get3A_924 = arith.constant 0 : i32
      %get3A_925 = tpu.memref_slice %arg6[%scan3A_480, %get3A_922, %get3A_923, %get3A_924] : memref<4x1x200x64xf32, #tpu.memory_space<vmem>> -> memref<1x1x200x64xf32, #tpu.memory_space<vmem>>
      %get3A_926 = tpu.memref_squeeze %get3A_925 : memref<1x1x200x64xf32, #tpu.memory_space<vmem>> -> memref<1x200x64xf32, #tpu.memory_space<vmem>>
      %get3A_927 = arith.constant 0 : i32
      %get3A_928 = arith.constant 0 : i32
      %get3A_929 = tpu.memref_slice %get3A_926[%scan3A_481, %get3A_927, %get3A_928] : memref<1x200x64xf32, #tpu.memory_space<vmem>> -> memref<1x200x64xf32, #tpu.memory_space<vmem>>
      %get3A_930 = tpu.memref_squeeze %get3A_929 : memref<1x200x64xf32, #tpu.memory_space<vmem>> -> memref<200x64xf32, #tpu.memory_space<vmem>>
      %get3A_931 = arith.index_cast %add3A_921 : i32 to index
      %get3A_932 = arith.constant 48 : index
      %get3A_933 = tpu.vector_load %get3A_930[%get3A_931, %get3A_932] {strides = array<i32>} : memref<200x64xf32, #tpu.memory_space<vmem>>, vector<1x16xf32>,
      %get3A_934 = vector.shape_cast %get3A_933 : vector<1x16xf32> to vector<1x16xf32>
      %mul3A_935 = arith.constant 8.000000e+00 : f32
      %mul3A_936 = vector.broadcast %mul3A_935 : f32 to vector<1x16xf32>
      %mul3A_937 = arith.mulf %get3A_934, %mul3A_936 : vector<1x16xf32>
      %swap3A_938 = arith.constant 0 : i32
      %swap3A_939 = arith.constant 0 : i32
      %swap3A_940 = arith.constant 0 : i32
      %swap3A_941 = tpu.memref_slice %arg7[%scan3A_482, %swap3A_938, %swap3A_939, %swap3A_940] : memref<2x1x200x64xf32, #tpu.memory_space<vmem>> -> memref<1x1x200x64xf32, #tpu.memory_space<vmem>>
      %swap3A_942 = tpu.memref_squeeze %swap3A_941 : memref<1x1x200x64xf32, #tpu.memory_space<vmem>> -> memref<1x200x64xf32, #tpu.memory_space<vmem>>
      %swap3A_943 = arith.constant 0 : i32
      %swap3A_944 = arith.constant 0 : i32
      %swap3A_945 = tpu.memref_slice %swap3A_942[%scan3A_483, %swap3A_943, %swap3A_944] : memref<1x200x64xf32, #tpu.memory_space<vmem>> -> memref<1x200x64xf32, #tpu.memory_space<vmem>>
      %swap3A_946 = tpu.memref_squeeze %swap3A_945 : memref<1x200x64xf32, #tpu.memory_space<vmem>> -> memref<200x64xf32, #tpu.memory_space<vmem>>
      %swap3A_947 = arith.index_cast %add3A_921 : i32 to index
      %swap3A_948 = arith.constant 48 : index
      %swap3A_949 = tpu.vector_load %swap3A_946[%swap3A_947, %swap3A_948] {strides = array<i32>} : memref<200x64xf32, #tpu.memory_space<vmem>>, vector<1x16xf32>,
      %swap3A_950 = vector.shape_cast %swap3A_949 : vector<1x16xf32> to vector<1x16xf32>
      %swap3A_951 = vector.shape_cast %mul3A_937 : vector<1x16xf32> to vector<1x16xf32>
      tpu.vector_store %swap3A_946[%swap3A_947, %swap3A_948], %swap3A_951 {strides = array<i32>} : memref<200x64xf32, #tpu.memory_space<vmem>>, vector<1x16xf32>,
    }
    %scan3A_488 = arith.constant 100 : i32
    %add3A_489 = arith.constant 125 : i32
    %add3A_490 = arith.addi %mul3A_2, %add3A_489 : i32
    %dma_start3A_491 = arith.constant 1 : i32
    %dma_start3A_492 = arith.constant 1 : i32
    %dma_start3A_493 = arith.constant 0 : i32
    %dma_start3A_494 = arith.constant 0 : i32
    %dma_start3A_495 = arith.constant 0 : i32
    %dma_start3A_496 = tpu.memref_slice %arg7[%dma_start3A_491, %dma_start3A_493, %dma_start3A_494, %dma_start3A_495] : memref<2x1x200x64xf32, #tpu.memory_space<vmem>> -> memref<1x1x200x64xf32, #tpu.memory_space<vmem>>
    %dma_start3A_497 = tpu.memref_squeeze %dma_start3A_496 : memref<1x1x200x64xf32, #tpu.memory_space<vmem>> -> memref<1x200x64xf32, #tpu.memory_space<vmem>>
    %dma_start3A_498 = arith.constant 0 : i32
    %dma_start3A_499 = arith.constant 0 : i32
    %dma_start3A_500 = tpu.memref_slice %arg4[%add3A_490, %dma_start3A_498, %dma_start3A_499] : memref<4096x200x64xf32, #tpu.memory_space<hbm>> -> memref<1x200x64xf32, #tpu.memory_space<hbm>>
    %dma_start3A_501 = tpu.memref_slice %arg9[%dma_start3A_492] : memref<2x!tpu.dma_semaphore, #tpu.memory_space<semaphore_mem>> -> memref<1x!tpu.dma_semaphore, #tpu.memory_space<semaphore_mem>>
    %dma_start3A_502 = tpu.memref_squeeze %dma_start3A_501 : memref<1x!tpu.dma_semaphore, #tpu.memory_space<semaphore_mem>> -> memref<!tpu.dma_semaphore, #tpu.memory_space<semaphore_mem>>
    %dma_start3A_503 = arith.constant 0 : i32
    %dma_start3A_504 = arith.constant 0 : i32
    %dma_start3A_505 = tpu.memref_slice %arg4[%add3A_490, %dma_start3A_503, %dma_start3A_504] : memref<4096x200x64xf32, #tpu.memory_space<hbm>> -> memref<1x200x64xf32, #tpu.memory_space<hbm>>
    %dma_start3A_506 = arith.constant 0 : i32
    %dma_start3A_507 = arith.constant 0 : i32
    %dma_start3A_508 = arith.constant 0 : i32
    %dma_start3A_509 = tpu.memref_slice %arg7[%dma_start3A_491, %dma_start3A_506, %dma_start3A_507, %dma_start3A_508] : memref<2x1x200x64xf32, #tpu.memory_space<vmem>> -> memref<1x1x200x64xf32, #tpu.memory_space<vmem>>
    %dma_start3A_510 = tpu.memref_squeeze %dma_start3A_509 : memref<1x1x200x64xf32, #tpu.memory_space<vmem>> -> memref<1x200x64xf32, #tpu.memory_space<vmem>>
    tpu.enqueue_dma source(%dma_start3A_510 : memref<1x200x64xf32, #tpu.memory_space<vmem>>) target(%dma_start3A_505 : memref<1x200x64xf32, #tpu.memory_space<hbm>>) target_semaphore(%dma_start3A_502 : memref<!tpu.dma_semaphore, #tpu.memory_space<semaphore_mem>>)
    %dma_wait3A_511 = arith.constant 126 : i32
    %dma_wait3A_512 = arith.constant 2 : i32
    %dma_wait3A_513 = arith.constant 0 : i32
    %dma_wait3A_514 = arith.constant 2 : i32
    %dma_wait3A_515 = arith.constant 0 : i32
    %dma_wait3A_516 = arith.constant 0 : i32
    %dma_wait3A_517 = tpu.memref_slice %arg6[%dma_wait3A_512, %dma_wait3A_513, %dma_wait3A_515, %dma_wait3A_516] : memref<4x1x200x64xf32, #tpu.memory_space<vmem>> -> memref<1x1x200x64xf32, #tpu.memory_space<vmem>>
    %dma_wait3A_518 = tpu.memref_squeeze %dma_wait3A_517 : memref<1x1x200x64xf32, #tpu.memory_space<vmem>> -> memref<200x64xf32, #tpu.memory_space<vmem>>
    %dma_wait3A_519 = arith.constant 0 : i32
    %dma_wait3A_520 = tpu.memref_slice %arg5[%dma_wait3A_511, %dma_wait3A_519] : memref<128x200xi32, #tpu.memory_space<vmem>> -> memref<1x200xi32, #tpu.memory_space<vmem>>
    %dma_wait3A_521 = tpu.memref_squeeze %dma_wait3A_520 : memref<1x200xi32, #tpu.memory_space<vmem>> -> memref<200xi32, #tpu.memory_space<vmem>>
    %dma_wait3A_522 = arith.constant 0 : i32
    %dma_wait3A_523 = arith.constant 0 : i32
    %dma_wait3A_524 = tpu.memref_slice %arg2[%dma_wait3A_522, %dma_wait3A_523] : memref<1000000x64xf32, #tpu.memory_space<hbm>> -> memref<1000000x64xf32, #tpu.memory_space<hbm>>
    %dma_wait3A_525 = tpu.memref_slice %arg8[%dma_wait3A_514] : memref<4x!tpu.dma_semaphore, #tpu.memory_space<semaphore_mem>> -> memref<1x!tpu.dma_semaphore, #tpu.memory_space<semaphore_mem>>
    %dma_wait3A_526 = tpu.memref_squeeze %dma_wait3A_525 : memref<1x!tpu.dma_semaphore, #tpu.memory_space<semaphore_mem>> -> memref<!tpu.dma_semaphore, #tpu.memory_space<semaphore_mem>>
    tpu.wait_indirect_dma semaphore(%dma_wait3A_526 : memref<!tpu.dma_semaphore, #tpu.memory_space<semaphore_mem>>) src(%dma_wait3A_524 : memref<1000000x64xf32, #tpu.memory_space<hbm>>) dst(%dma_wait3A_518 : memref<200x64xf32, #tpu.memory_space<vmem>>)
    %add3A_527 = arith.constant 124 : i32
    %add3A_528 = arith.addi %mul3A_2, %add3A_527 : i32
    %dma_wait3A_529 = arith.constant 0 : i32
    %dma_wait3A_530 = arith.constant 0 : i32
    %dma_wait3A_531 = arith.constant 0 : i32
    %dma_wait3A_532 = arith.constant 0 : i32
    %dma_wait3A_533 = arith.constant 0 : i32
    %dma_wait3A_534 = tpu.memref_slice %arg7[%dma_wait3A_529, %dma_wait3A_531, %dma_wait3A_532, %dma_wait3A_533] : memref<2x1x200x64xf32, #tpu.memory_space<vmem>> -> memref<1x1x200x64xf32, #tpu.memory_space<vmem>>
    %dma_wait3A_535 = tpu.memref_squeeze %dma_wait3A_534 : memref<1x1x200x64xf32, #tpu.memory_space<vmem>> -> memref<1x200x64xf32, #tpu.memory_space<vmem>>
    %dma_wait3A_536 = arith.constant 0 : i32
    %dma_wait3A_537 = arith.constant 0 : i32
    %dma_wait3A_538 = tpu.memref_slice %arg4[%add3A_528, %dma_wait3A_536, %dma_wait3A_537] : memref<4096x200x64xf32, #tpu.memory_space<hbm>> -> memref<1x200x64xf32, #tpu.memory_space<hbm>>
    %dma_wait3A_539 = tpu.memref_slice %arg9[%dma_wait3A_530] : memref<2x!tpu.dma_semaphore, #tpu.memory_space<semaphore_mem>> -> memref<1x!tpu.dma_semaphore, #tpu.memory_space<semaphore_mem>>
    %dma_wait3A_540 = tpu.memref_squeeze %dma_wait3A_539 : memref<1x!tpu.dma_semaphore, #tpu.memory_space<semaphore_mem>> -> memref<!tpu.dma_semaphore, #tpu.memory_space<semaphore_mem>>
    %dma_wait3A_541 = arith.constant 0 : i32
    %dma_wait3A_542 = arith.constant 0 : i32
    %dma_wait3A_543 = tpu.memref_slice %arg4[%add3A_528, %dma_wait3A_541, %dma_wait3A_542] : memref<4096x200x64xf32, #tpu.memory_space<hbm>> -> memref<1x200x64xf32, #tpu.memory_space<hbm>>
    %dma_wait3A_544 = arith.constant 0 : i32
    %dma_wait3A_545 = arith.constant 0 : i32
    %dma_wait3A_546 = arith.constant 0 : i32
    %dma_wait3A_547 = tpu.memref_slice %arg7[%dma_wait3A_529, %dma_wait3A_544, %dma_wait3A_545, %dma_wait3A_546] : memref<2x1x200x64xf32, #tpu.memory_space<vmem>> -> memref<1x1x200x64xf32, #tpu.memory_space<vmem>>
    %dma_wait3A_548 = tpu.memref_squeeze %dma_wait3A_547 : memref<1x1x200x64xf32, #tpu.memory_space<vmem>> -> memref<1x200x64xf32, #tpu.memory_space<vmem>>
    tpu.wait_dma2 semaphore(%dma_wait3A_540 : memref<!tpu.dma_semaphore, #tpu.memory_space<semaphore_mem>>) src(%dma_wait3A_548 : memref<1x200x64xf32, #tpu.memory_space<vmem>>) dst(%dma_wait3A_543 : memref<1x200x64xf32, #tpu.memory_space<hbm>>)
    %scan3A_549 = arith.constant 2 : i32
    %scan3A_550 = arith.constant 0 : i32
    %scan3A_551 = arith.constant 0 : i32
    %scan3A_552 = arith.constant 0 : i32
    %scan3A_553 = arith.constant 0 : i32
    %scan3A_554 = arith.constant 100 : i32
    %scan3A_555 = arith.addi %scan3A_553, %scan3A_554 : i32
    %scan3A_556 = arith.constant 1 : i32
    scf.for %scan3A_693 = %scan3A_553 to %scan3A_555 step %scan3A_556  : i32 {
      %mul3A_694 = arith.constant 2 : i32
      %mul3A_695 = arith.muli %scan3A_693, %mul3A_694 : i32
      %add3A_696 = arith.constant 0 : i32
      %add3A_697 = arith.addi %add3A_696, %mul3A_695 : i32
      %add3A_698 = arith.constant 0 : i32
      %add3A_699 = arith.addi %add3A_697, %add3A_698 : i32
      %get3A = arith.constant 0 : i32
      %get3A_700 = arith.constant 0 : i32
      %get3A_701 = arith.constant 0 : i32
      %get3A_702 = tpu.memref_slice %arg6[%scan3A_549, %get3A, %get3A_700, %get3A_701] : memref<4x1x200x64xf32, #tpu.memory_space<vmem>> -> memref<1x1x200x64xf32, #tpu.memory_space<vmem>>
      %get3A_703 = tpu.memref_squeeze %get3A_702 : memref<1x1x200x64xf32, #tpu.memory_space<vmem>> -> memref<1x200x64xf32, #tpu.memory_space<vmem>>
      %get3A_704 = arith.constant 0 : i32
      %get3A_705 = arith.constant 0 : i32
      %get3A_706 = tpu.memref_slice %get3A_703[%scan3A_550, %get3A_704, %get3A_705] : memref<1x200x64xf32, #tpu.memory_space<vmem>> -> memref<1x200x64xf32, #tpu.memory_space<vmem>>
      %get3A_707 = tpu.memref_squeeze %get3A_706 : memref<1x200x64xf32, #tpu.memory_space<vmem>> -> memref<200x64xf32, #tpu.memory_space<vmem>>
      %get3A_708 = arith.index_cast %add3A_699 : i32 to index
      %get3A_709 = arith.constant 0 : index
      %get3A_710 = tpu.vector_load %get3A_707[%get3A_708, %get3A_709] {strides = array<i32>} : memref<200x64xf32, #tpu.memory_space<vmem>>, vector<1x16xf32>,
      %get3A_711 = vector.shape_cast %get3A_710 : vector<1x16xf32> to vector<1x16xf32>
      %mul3A_712 = arith.constant 8.000000e+00 : f32
      %mul3A_713 = vector.broadcast %mul3A_712 : f32 to vector<1x16xf32>
      %mul3A_714 = arith.mulf %get3A_711, %mul3A_713 : vector<1x16xf32>
      %swap3A = arith.constant 0 : i32
      %swap3A_715 = arith.constant 0 : i32
      %swap3A_716 = arith.constant 0 : i32
      %swap3A_717 = tpu.memref_slice %arg7[%scan3A_551, %swap3A, %swap3A_715, %swap3A_716] : memref<2x1x200x64xf32, #tpu.memory_space<vmem>> -> memref<1x1x200x64xf32, #tpu.memory_space<vmem>>
      %swap3A_718 = tpu.memref_squeeze %swap3A_717 : memref<1x1x200x64xf32, #tpu.memory_space<vmem>> -> memref<1x200x64xf32, #tpu.memory_space<vmem>>
      %swap3A_719 = arith.constant 0 : i32
      %swap3A_720 = arith.constant 0 : i32
      %swap3A_721 = tpu.memref_slice %swap3A_718[%scan3A_552, %swap3A_719, %swap3A_720] : memref<1x200x64xf32, #tpu.memory_space<vmem>> -> memref<1x200x64xf32, #tpu.memory_space<vmem>>
      %swap3A_722 = tpu.memref_squeeze %swap3A_721 : memref<1x200x64xf32, #tpu.memory_space<vmem>> -> memref<200x64xf32, #tpu.memory_space<vmem>>
      %swap3A_723 = arith.index_cast %add3A_699 : i32 to index
      %swap3A_724 = arith.constant 0 : index
      %swap3A_725 = tpu.vector_load %swap3A_722[%swap3A_723, %swap3A_724] {strides = array<i32>} : memref<200x64xf32, #tpu.memory_space<vmem>>, vector<1x16xf32>,
      %swap3A_726 = vector.shape_cast %swap3A_725 : vector<1x16xf32> to vector<1x16xf32>
      %swap3A_727 = vector.shape_cast %mul3A_714 : vector<1x16xf32> to vector<1x16xf32>
      tpu.vector_store %swap3A_722[%swap3A_723, %swap3A_724], %swap3A_727 {strides = array<i32>} : memref<200x64xf32, #tpu.memory_space<vmem>>, vector<1x16xf32>,
      %add3A_728 = arith.constant 0 : i32
      %add3A_729 = arith.addi %add3A_697, %add3A_728 : i32
      %get3A_730 = arith.constant 0 : i32
      %get3A_731 = arith.constant 0 : i32
      %get3A_732 = arith.constant 0 : i32
      %get3A_733 = tpu.memref_slice %arg6[%scan3A_549, %get3A_730, %get3A_731, %get3A_732] : memref<4x1x200x64xf32, #tpu.memory_space<vmem>> -> memref<1x1x200x64xf32, #tpu.memory_space<vmem>>
      %get3A_734 = tpu.memref_squeeze %get3A_733 : memref<1x1x200x64xf32, #tpu.memory_space<vmem>> -> memref<1x200x64xf32, #tpu.memory_space<vmem>>
      %get3A_735 = arith.constant 0 : i32
      %get3A_736 = arith.constant 0 : i32
      %get3A_737 = tpu.memref_slice %get3A_734[%scan3A_550, %get3A_735, %get3A_736] : memref<1x200x64xf32, #tpu.memory_space<vmem>> -> memref<1x200x64xf32, #tpu.memory_space<vmem>>
      %get3A_738 = tpu.memref_squeeze %get3A_737 : memref<1x200x64xf32, #tpu.memory_space<vmem>> -> memref<200x64xf32, #tpu.memory_space<vmem>>
      %get3A_739 = arith.index_cast %add3A_729 : i32 to index
      %get3A_740 = arith.constant 16 : index
      %get3A_741 = tpu.vector_load %get3A_738[%get3A_739, %get3A_740] {strides = array<i32>} : memref<200x64xf32, #tpu.memory_space<vmem>>, vector<1x16xf32>,
      %get3A_742 = vector.shape_cast %get3A_741 : vector<1x16xf32> to vector<1x16xf32>
      %mul3A_743 = arith.constant 8.000000e+00 : f32
      %mul3A_744 = vector.broadcast %mul3A_743 : f32 to vector<1x16xf32>
      %mul3A_745 = arith.mulf %get3A_742, %mul3A_744 : vector<1x16xf32>
      %swap3A_746 = arith.constant 0 : i32
      %swap3A_747 = arith.constant 0 : i32
      %swap3A_748 = arith.constant 0 : i32
      %swap3A_749 = tpu.memref_slice %arg7[%scan3A_551, %swap3A_746, %swap3A_747, %swap3A_748] : memref<2x1x200x64xf32, #tpu.memory_space<vmem>> -> memref<1x1x200x64xf32, #tpu.memory_space<vmem>>
      %swap3A_750 = tpu.memref_squeeze %swap3A_749 : memref<1x1x200x64xf32, #tpu.memory_space<vmem>> -> memref<1x200x64xf32, #tpu.memory_space<vmem>>
      %swap3A_751 = arith.constant 0 : i32
      %swap3A_752 = arith.constant 0 : i32
      %swap3A_753 = tpu.memref_slice %swap3A_750[%scan3A_552, %swap3A_751, %swap3A_752] : memref<1x200x64xf32, #tpu.memory_space<vmem>> -> memref<1x200x64xf32, #tpu.memory_space<vmem>>
      %swap3A_754 = tpu.memref_squeeze %swap3A_753 : memref<1x200x64xf32, #tpu.memory_space<vmem>> -> memref<200x64xf32, #tpu.memory_space<vmem>>
      %swap3A_755 = arith.index_cast %add3A_729 : i32 to index
      %swap3A_756 = arith.constant 16 : index
      %swap3A_757 = tpu.vector_load %swap3A_754[%swap3A_755, %swap3A_756] {strides = array<i32>} : memref<200x64xf32, #tpu.memory_space<vmem>>, vector<1x16xf32>,
      %swap3A_758 = vector.shape_cast %swap3A_757 : vector<1x16xf32> to vector<1x16xf32>
      %swap3A_759 = vector.shape_cast %mul3A_745 : vector<1x16xf32> to vector<1x16xf32>
      tpu.vector_store %swap3A_754[%swap3A_755, %swap3A_756], %swap3A_759 {strides = array<i32>} : memref<200x64xf32, #tpu.memory_space<vmem>>, vector<1x16xf32>,
      %add3A_760 = arith.constant 0 : i32
      %add3A_761 = arith.addi %add3A_697, %add3A_760 : i32
      %get3A_762 = arith.constant 0 : i32
      %get3A_763 = arith.constant 0 : i32
      %get3A_764 = arith.constant 0 : i32
      %get3A_765 = tpu.memref_slice %arg6[%scan3A_549, %get3A_762, %get3A_763, %get3A_764] : memref<4x1x200x64xf32, #tpu.memory_space<vmem>> -> memref<1x1x200x64xf32, #tpu.memory_space<vmem>>
      %get3A_766 = tpu.memref_squeeze %get3A_765 : memref<1x1x200x64xf32, #tpu.memory_space<vmem>> -> memref<1x200x64xf32, #tpu.memory_space<vmem>>
      %get3A_767 = arith.constant 0 : i32
      %get3A_768 = arith.constant 0 : i32
      %get3A_769 = tpu.memref_slice %get3A_766[%scan3A_550, %get3A_767, %get3A_768] : memref<1x200x64xf32, #tpu.memory_space<vmem>> -> memref<1x200x64xf32, #tpu.memory_space<vmem>>
      %get3A_770 = tpu.memref_squeeze %get3A_769 : memref<1x200x64xf32, #tpu.memory_space<vmem>> -> memref<200x64xf32, #tpu.memory_space<vmem>>
      %get3A_771 = arith.index_cast %add3A_761 : i32 to index
      %get3A_772 = arith.constant 32 : index
      %get3A_773 = tpu.vector_load %get3A_770[%get3A_771, %get3A_772] {strides = array<i32>} : memref<200x64xf32, #tpu.memory_space<vmem>>, vector<1x16xf32>,
      %get3A_774 = vector.shape_cast %get3A_773 : vector<1x16xf32> to vector<1x16xf32>
      %mul3A_775 = arith.constant 8.000000e+00 : f32
      %mul3A_776 = vector.broadcast %mul3A_775 : f32 to vector<1x16xf32>
      %mul3A_777 = arith.mulf %get3A_774, %mul3A_776 : vector<1x16xf32>
      %swap3A_778 = arith.constant 0 : i32
      %swap3A_779 = arith.constant 0 : i32
      %swap3A_780 = arith.constant 0 : i32
      %swap3A_781 = tpu.memref_slice %arg7[%scan3A_551, %swap3A_778, %swap3A_779, %swap3A_780] : memref<2x1x200x64xf32, #tpu.memory_space<vmem>> -> memref<1x1x200x64xf32, #tpu.memory_space<vmem>>
      %swap3A_782 = tpu.memref_squeeze %swap3A_781 : memref<1x1x200x64xf32, #tpu.memory_space<vmem>> -> memref<1x200x64xf32, #tpu.memory_space<vmem>>
      %swap3A_783 = arith.constant 0 : i32
      %swap3A_784 = arith.constant 0 : i32
      %swap3A_785 = tpu.memref_slice %swap3A_782[%scan3A_552, %swap3A_783, %swap3A_784] : memref<1x200x64xf32, #tpu.memory_space<vmem>> -> memref<1x200x64xf32, #tpu.memory_space<vmem>>
      %swap3A_786 = tpu.memref_squeeze %swap3A_785 : memref<1x200x64xf32, #tpu.memory_space<vmem>> -> memref<200x64xf32, #tpu.memory_space<vmem>>
      %swap3A_787 = arith.index_cast %add3A_761 : i32 to index
      %swap3A_788 = arith.constant 32 : index
      %swap3A_789 = tpu.vector_load %swap3A_786[%swap3A_787, %swap3A_788] {strides = array<i32>} : memref<200x64xf32, #tpu.memory_space<vmem>>, vector<1x16xf32>,
      %swap3A_790 = vector.shape_cast %swap3A_789 : vector<1x16xf32> to vector<1x16xf32>
      %swap3A_791 = vector.shape_cast %mul3A_777 : vector<1x16xf32> to vector<1x16xf32>
      tpu.vector_store %swap3A_786[%swap3A_787, %swap3A_788], %swap3A_791 {strides = array<i32>} : memref<200x64xf32, #tpu.memory_space<vmem>>, vector<1x16xf32>,
      %add3A_792 = arith.constant 0 : i32
      %add3A_793 = arith.addi %add3A_697, %add3A_792 : i32
      %get3A_794 = arith.constant 0 : i32
      %get3A_795 = arith.constant 0 : i32
      %get3A_796 = arith.constant 0 : i32
      %get3A_797 = tpu.memref_slice %arg6[%scan3A_549, %get3A_794, %get3A_795, %get3A_796] : memref<4x1x200x64xf32, #tpu.memory_space<vmem>> -> memref<1x1x200x64xf32, #tpu.memory_space<vmem>>
      %get3A_798 = tpu.memref_squeeze %get3A_797 : memref<1x1x200x64xf32, #tpu.memory_space<vmem>> -> memref<1x200x64xf32, #tpu.memory_space<vmem>>
      %get3A_799 = arith.constant 0 : i32
      %get3A_800 = arith.constant 0 : i32
      %get3A_801 = tpu.memref_slice %get3A_798[%scan3A_550, %get3A_799, %get3A_800] : memref<1x200x64xf32, #tpu.memory_space<vmem>> -> memref<1x200x64xf32, #tpu.memory_space<vmem>>
      %get3A_802 = tpu.memref_squeeze %get3A_801 : memref<1x200x64xf32, #tpu.memory_space<vmem>> -> memref<200x64xf32, #tpu.memory_space<vmem>>
      %get3A_803 = arith.index_cast %add3A_793 : i32 to index
      %get3A_804 = arith.constant 48 : index
      %get3A_805 = tpu.vector_load %get3A_802[%get3A_803, %get3A_804] {strides = array<i32>} : memref<200x64xf32, #tpu.memory_space<vmem>>, vector<1x16xf32>,
      %get3A_806 = vector.shape_cast %get3A_805 : vector<1x16xf32> to vector<1x16xf32>
      %mul3A_807 = arith.constant 8.000000e+00 : f32
      %mul3A_808 = vector.broadcast %mul3A_807 : f32 to vector<1x16xf32>
      %mul3A_809 = arith.mulf %get3A_806, %mul3A_808 : vector<1x16xf32>
      %swap3A_810 = arith.constant 0 : i32
      %swap3A_811 = arith.constant 0 : i32
      %swap3A_812 = arith.constant 0 : i32
      %swap3A_813 = tpu.memref_slice %arg7[%scan3A_551, %swap3A_810, %swap3A_811, %swap3A_812] : memref<2x1x200x64xf32, #tpu.memory_space<vmem>> -> memref<1x1x200x64xf32, #tpu.memory_space<vmem>>
      %swap3A_814 = tpu.memref_squeeze %swap3A_813 : memref<1x1x200x64xf32, #tpu.memory_space<vmem>> -> memref<1x200x64xf32, #tpu.memory_space<vmem>>
      %swap3A_815 = arith.constant 0 : i32
      %swap3A_816 = arith.constant 0 : i32
      %swap3A_817 = tpu.memref_slice %swap3A_814[%scan3A_552, %swap3A_815, %swap3A_816] : memref<1x200x64xf32, #tpu.memory_space<vmem>> -> memref<1x200x64xf32, #tpu.memory_space<vmem>>
      %swap3A_818 = tpu.memref_squeeze %swap3A_817 : memref<1x200x64xf32, #tpu.memory_space<vmem>> -> memref<200x64xf32, #tpu.memory_space<vmem>>
      %swap3A_819 = arith.index_cast %add3A_793 : i32 to index
      %swap3A_820 = arith.constant 48 : index
      %swap3A_821 = tpu.vector_load %swap3A_818[%swap3A_819, %swap3A_820] {strides = array<i32>} : memref<200x64xf32, #tpu.memory_space<vmem>>, vector<1x16xf32>,
      %swap3A_822 = vector.shape_cast %swap3A_821 : vector<1x16xf32> to vector<1x16xf32>
      %swap3A_823 = vector.shape_cast %mul3A_809 : vector<1x16xf32> to vector<1x16xf32>
      tpu.vector_store %swap3A_818[%swap3A_819, %swap3A_820], %swap3A_823 {strides = array<i32>} : memref<200x64xf32, #tpu.memory_space<vmem>>, vector<1x16xf32>,
      %add3A_824 = arith.constant 1 : i32
      %add3A_825 = arith.addi %add3A_697, %add3A_824 : i32
      %get3A_826 = arith.constant 0 : i32
      %get3A_827 = arith.constant 0 : i32
      %get3A_828 = arith.constant 0 : i32
      %get3A_829 = tpu.memref_slice %arg6[%scan3A_549, %get3A_826, %get3A_827, %get3A_828] : memref<4x1x200x64xf32, #tpu.memory_space<vmem>> -> memref<1x1x200x64xf32, #tpu.memory_space<vmem>>
      %get3A_830 = tpu.memref_squeeze %get3A_829 : memref<1x1x200x64xf32, #tpu.memory_space<vmem>> -> memref<1x200x64xf32, #tpu.memory_space<vmem>>
      %get3A_831 = arith.constant 0 : i32
      %get3A_832 = arith.constant 0 : i32
      %get3A_833 = tpu.memref_slice %get3A_830[%scan3A_550, %get3A_831, %get3A_832] : memref<1x200x64xf32, #tpu.memory_space<vmem>> -> memref<1x200x64xf32, #tpu.memory_space<vmem>>
      %get3A_834 = tpu.memref_squeeze %get3A_833 : memref<1x200x64xf32, #tpu.memory_space<vmem>> -> memref<200x64xf32, #tpu.memory_space<vmem>>
      %get3A_835 = arith.index_cast %add3A_825 : i32 to index
      %get3A_836 = arith.constant 0 : index
      %get3A_837 = tpu.vector_load %get3A_834[%get3A_835, %get3A_836] {strides = array<i32>} : memref<200x64xf32, #tpu.memory_space<vmem>>, vector<1x16xf32>,
      %get3A_838 = vector.shape_cast %get3A_837 : vector<1x16xf32> to vector<1x16xf32>
      %mul3A_839 = arith.constant 8.000000e+00 : f32
      %mul3A_840 = vector.broadcast %mul3A_839 : f32 to vector<1x16xf32>
      %mul3A_841 = arith.mulf %get3A_838, %mul3A_840 : vector<1x16xf32>
      %swap3A_842 = arith.constant 0 : i32
      %swap3A_843 = arith.constant 0 : i32
      %swap3A_844 = arith.constant 0 : i32
      %swap3A_845 = tpu.memref_slice %arg7[%scan3A_551, %swap3A_842, %swap3A_843, %swap3A_844] : memref<2x1x200x64xf32, #tpu.memory_space<vmem>> -> memref<1x1x200x64xf32, #tpu.memory_space<vmem>>
      %swap3A_846 = tpu.memref_squeeze %swap3A_845 : memref<1x1x200x64xf32, #tpu.memory_space<vmem>> -> memref<1x200x64xf32, #tpu.memory_space<vmem>>
      %swap3A_847 = arith.constant 0 : i32
      %swap3A_848 = arith.constant 0 : i32
      %swap3A_849 = tpu.memref_slice %swap3A_846[%scan3A_552, %swap3A_847, %swap3A_848] : memref<1x200x64xf32, #tpu.memory_space<vmem>> -> memref<1x200x64xf32, #tpu.memory_space<vmem>>
      %swap3A_850 = tpu.memref_squeeze %swap3A_849 : memref<1x200x64xf32, #tpu.memory_space<vmem>> -> memref<200x64xf32, #tpu.memory_space<vmem>>
      %swap3A_851 = arith.index_cast %add3A_825 : i32 to index
      %swap3A_852 = arith.constant 0 : index
      %swap3A_853 = tpu.vector_load %swap3A_850[%swap3A_851, %swap3A_852] {strides = array<i32>} : memref<200x64xf32, #tpu.memory_space<vmem>>, vector<1x16xf32>,
      %swap3A_854 = vector.shape_cast %swap3A_853 : vector<1x16xf32> to vector<1x16xf32>
      %swap3A_855 = vector.shape_cast %mul3A_841 : vector<1x16xf32> to vector<1x16xf32>
      tpu.vector_store %swap3A_850[%swap3A_851, %swap3A_852], %swap3A_855 {strides = array<i32>} : memref<200x64xf32, #tpu.memory_space<vmem>>, vector<1x16xf32>,
      %add3A_856 = arith.constant 1 : i32
      %add3A_857 = arith.addi %add3A_697, %add3A_856 : i32
      %get3A_858 = arith.constant 0 : i32
      %get3A_859 = arith.constant 0 : i32
      %get3A_860 = arith.constant 0 : i32
      %get3A_861 = tpu.memref_slice %arg6[%scan3A_549, %get3A_858, %get3A_859, %get3A_860] : memref<4x1x200x64xf32, #tpu.memory_space<vmem>> -> memref<1x1x200x64xf32, #tpu.memory_space<vmem>>
      %get3A_862 = tpu.memref_squeeze %get3A_861 : memref<1x1x200x64xf32, #tpu.memory_space<vmem>> -> memref<1x200x64xf32, #tpu.memory_space<vmem>>
      %get3A_863 = arith.constant 0 : i32
      %get3A_864 = arith.constant 0 : i32
      %get3A_865 = tpu.memref_slice %get3A_862[%scan3A_550, %get3A_863, %get3A_864] : memref<1x200x64xf32, #tpu.memory_space<vmem>> -> memref<1x200x64xf32, #tpu.memory_space<vmem>>
      %get3A_866 = tpu.memref_squeeze %get3A_865 : memref<1x200x64xf32, #tpu.memory_space<vmem>> -> memref<200x64xf32, #tpu.memory_space<vmem>>
      %get3A_867 = arith.index_cast %add3A_857 : i32 to index
      %get3A_868 = arith.constant 16 : index
      %get3A_869 = tpu.vector_load %get3A_866[%get3A_867, %get3A_868] {strides = array<i32>} : memref<200x64xf32, #tpu.memory_space<vmem>>, vector<1x16xf32>,
      %get3A_870 = vector.shape_cast %get3A_869 : vector<1x16xf32> to vector<1x16xf32>
      %mul3A_871 = arith.constant 8.000000e+00 : f32
      %mul3A_872 = vector.broadcast %mul3A_871 : f32 to vector<1x16xf32>
      %mul3A_873 = arith.mulf %get3A_870, %mul3A_872 : vector<1x16xf32>
      %swap3A_874 = arith.constant 0 : i32
      %swap3A_875 = arith.constant 0 : i32
      %swap3A_876 = arith.constant 0 : i32
      %swap3A_877 = tpu.memref_slice %arg7[%scan3A_551, %swap3A_874, %swap3A_875, %swap3A_876] : memref<2x1x200x64xf32, #tpu.memory_space<vmem>> -> memref<1x1x200x64xf32, #tpu.memory_space<vmem>>
      %swap3A_878 = tpu.memref_squeeze %swap3A_877 : memref<1x1x200x64xf32, #tpu.memory_space<vmem>> -> memref<1x200x64xf32, #tpu.memory_space<vmem>>
      %swap3A_879 = arith.constant 0 : i32
      %swap3A_880 = arith.constant 0 : i32
      %swap3A_881 = tpu.memref_slice %swap3A_878[%scan3A_552, %swap3A_879, %swap3A_880] : memref<1x200x64xf32, #tpu.memory_space<vmem>> -> memref<1x200x64xf32, #tpu.memory_space<vmem>>
      %swap3A_882 = tpu.memref_squeeze %swap3A_881 : memref<1x200x64xf32, #tpu.memory_space<vmem>> -> memref<200x64xf32, #tpu.memory_space<vmem>>
      %swap3A_883 = arith.index_cast %add3A_857 : i32 to index
      %swap3A_884 = arith.constant 16 : index
      %swap3A_885 = tpu.vector_load %swap3A_882[%swap3A_883, %swap3A_884] {strides = array<i32>} : memref<200x64xf32, #tpu.memory_space<vmem>>, vector<1x16xf32>,
      %swap3A_886 = vector.shape_cast %swap3A_885 : vector<1x16xf32> to vector<1x16xf32>
      %swap3A_887 = vector.shape_cast %mul3A_873 : vector<1x16xf32> to vector<1x16xf32>
      tpu.vector_store %swap3A_882[%swap3A_883, %swap3A_884], %swap3A_887 {strides = array<i32>} : memref<200x64xf32, #tpu.memory_space<vmem>>, vector<1x16xf32>,
      %add3A_888 = arith.constant 1 : i32
      %add3A_889 = arith.addi %add3A_697, %add3A_888 : i32
      %get3A_890 = arith.constant 0 : i32
      %get3A_891 = arith.constant 0 : i32
      %get3A_892 = arith.constant 0 : i32
      %get3A_893 = tpu.memref_slice %arg6[%scan3A_549, %get3A_890, %get3A_891, %get3A_892] : memref<4x1x200x64xf32, #tpu.memory_space<vmem>> -> memref<1x1x200x64xf32, #tpu.memory_space<vmem>>
      %get3A_894 = tpu.memref_squeeze %get3A_893 : memref<1x1x200x64xf32, #tpu.memory_space<vmem>> -> memref<1x200x64xf32, #tpu.memory_space<vmem>>
      %get3A_895 = arith.constant 0 : i32
      %get3A_896 = arith.constant 0 : i32
      %get3A_897 = tpu.memref_slice %get3A_894[%scan3A_550, %get3A_895, %get3A_896] : memref<1x200x64xf32, #tpu.memory_space<vmem>> -> memref<1x200x64xf32, #tpu.memory_space<vmem>>
      %get3A_898 = tpu.memref_squeeze %get3A_897 : memref<1x200x64xf32, #tpu.memory_space<vmem>> -> memref<200x64xf32, #tpu.memory_space<vmem>>
      %get3A_899 = arith.index_cast %add3A_889 : i32 to index
      %get3A_900 = arith.constant 32 : index
      %get3A_901 = tpu.vector_load %get3A_898[%get3A_899, %get3A_900] {strides = array<i32>} : memref<200x64xf32, #tpu.memory_space<vmem>>, vector<1x16xf32>,
      %get3A_902 = vector.shape_cast %get3A_901 : vector<1x16xf32> to vector<1x16xf32>
      %mul3A_903 = arith.constant 8.000000e+00 : f32
      %mul3A_904 = vector.broadcast %mul3A_903 : f32 to vector<1x16xf32>
      %mul3A_905 = arith.mulf %get3A_902, %mul3A_904 : vector<1x16xf32>
      %swap3A_906 = arith.constant 0 : i32
      %swap3A_907 = arith.constant 0 : i32
      %swap3A_908 = arith.constant 0 : i32
      %swap3A_909 = tpu.memref_slice %arg7[%scan3A_551, %swap3A_906, %swap3A_907, %swap3A_908] : memref<2x1x200x64xf32, #tpu.memory_space<vmem>> -> memref<1x1x200x64xf32, #tpu.memory_space<vmem>>
      %swap3A_910 = tpu.memref_squeeze %swap3A_909 : memref<1x1x200x64xf32, #tpu.memory_space<vmem>> -> memref<1x200x64xf32, #tpu.memory_space<vmem>>
      %swap3A_911 = arith.constant 0 : i32
      %swap3A_912 = arith.constant 0 : i32
      %swap3A_913 = tpu.memref_slice %swap3A_910[%scan3A_552, %swap3A_911, %swap3A_912] : memref<1x200x64xf32, #tpu.memory_space<vmem>> -> memref<1x200x64xf32, #tpu.memory_space<vmem>>
      %swap3A_914 = tpu.memref_squeeze %swap3A_913 : memref<1x200x64xf32, #tpu.memory_space<vmem>> -> memref<200x64xf32, #tpu.memory_space<vmem>>
      %swap3A_915 = arith.index_cast %add3A_889 : i32 to index
      %swap3A_916 = arith.constant 32 : index
      %swap3A_917 = tpu.vector_load %swap3A_914[%swap3A_915, %swap3A_916] {strides = array<i32>} : memref<200x64xf32, #tpu.memory_space<vmem>>, vector<1x16xf32>,
      %swap3A_918 = vector.shape_cast %swap3A_917 : vector<1x16xf32> to vector<1x16xf32>
      %swap3A_919 = vector.shape_cast %mul3A_905 : vector<1x16xf32> to vector<1x16xf32>
      tpu.vector_store %swap3A_914[%swap3A_915, %swap3A_916], %swap3A_919 {strides = array<i32>} : memref<200x64xf32, #tpu.memory_space<vmem>>, vector<1x16xf32>,
      %add3A_920 = arith.constant 1 : i32
      %add3A_921 = arith.addi %add3A_697, %add3A_920 : i32
      %get3A_922 = arith.constant 0 : i32
      %get3A_923 = arith.constant 0 : i32
      %get3A_924 = arith.constant 0 : i32
      %get3A_925 = tpu.memref_slice %arg6[%scan3A_549, %get3A_922, %get3A_923, %get3A_924] : memref<4x1x200x64xf32, #tpu.memory_space<vmem>> -> memref<1x1x200x64xf32, #tpu.memory_space<vmem>>
      %get3A_926 = tpu.memref_squeeze %get3A_925 : memref<1x1x200x64xf32, #tpu.memory_space<vmem>> -> memref<1x200x64xf32, #tpu.memory_space<vmem>>
      %get3A_927 = arith.constant 0 : i32
      %get3A_928 = arith.constant 0 : i32
      %get3A_929 = tpu.memref_slice %get3A_926[%scan3A_550, %get3A_927, %get3A_928] : memref<1x200x64xf32, #tpu.memory_space<vmem>> -> memref<1x200x64xf32, #tpu.memory_space<vmem>>
      %get3A_930 = tpu.memref_squeeze %get3A_929 : memref<1x200x64xf32, #tpu.memory_space<vmem>> -> memref<200x64xf32, #tpu.memory_space<vmem>>
      %get3A_931 = arith.index_cast %add3A_921 : i32 to index
      %get3A_932 = arith.constant 48 : index
      %get3A_933 = tpu.vector_load %get3A_930[%get3A_931, %get3A_932] {strides = array<i32>} : memref<200x64xf32, #tpu.memory_space<vmem>>, vector<1x16xf32>,
      %get3A_934 = vector.shape_cast %get3A_933 : vector<1x16xf32> to vector<1x16xf32>
      %mul3A_935 = arith.constant 8.000000e+00 : f32
      %mul3A_936 = vector.broadcast %mul3A_935 : f32 to vector<1x16xf32>
      %mul3A_937 = arith.mulf %get3A_934, %mul3A_936 : vector<1x16xf32>
      %swap3A_938 = arith.constant 0 : i32
      %swap3A_939 = arith.constant 0 : i32
      %swap3A_940 = arith.constant 0 : i32
      %swap3A_941 = tpu.memref_slice %arg7[%scan3A_551, %swap3A_938, %swap3A_939, %swap3A_940] : memref<2x1x200x64xf32, #tpu.memory_space<vmem>> -> memref<1x1x200x64xf32, #tpu.memory_space<vmem>>
      %swap3A_942 = tpu.memref_squeeze %swap3A_941 : memref<1x1x200x64xf32, #tpu.memory_space<vmem>> -> memref<1x200x64xf32, #tpu.memory_space<vmem>>
      %swap3A_943 = arith.constant 0 : i32
      %swap3A_944 = arith.constant 0 : i32
      %swap3A_945 = tpu.memref_slice %swap3A_942[%scan3A_552, %swap3A_943, %swap3A_944] : memref<1x200x64xf32, #tpu.memory_space<vmem>> -> memref<1x200x64xf32, #tpu.memory_space<vmem>>
      %swap3A_946 = tpu.memref_squeeze %swap3A_945 : memref<1x200x64xf32, #tpu.memory_space<vmem>> -> memref<200x64xf32, #tpu.memory_space<vmem>>
      %swap3A_947 = arith.index_cast %add3A_921 : i32 to index
      %swap3A_948 = arith.constant 48 : index
      %swap3A_949 = tpu.vector_load %swap3A_946[%swap3A_947, %swap3A_948] {strides = array<i32>} : memref<200x64xf32, #tpu.memory_space<vmem>>, vector<1x16xf32>,
      %swap3A_950 = vector.shape_cast %swap3A_949 : vector<1x16xf32> to vector<1x16xf32>
      %swap3A_951 = vector.shape_cast %mul3A_937 : vector<1x16xf32> to vector<1x16xf32>
      tpu.vector_store %swap3A_946[%swap3A_947, %swap3A_948], %swap3A_951 {strides = array<i32>} : memref<200x64xf32, #tpu.memory_space<vmem>>, vector<1x16xf32>,
    }
    %scan3A_557 = arith.constant 100 : i32
    %add3A_558 = arith.constant 126 : i32
    %add3A_559 = arith.addi %mul3A_2, %add3A_558 : i32
    %dma_start3A_560 = arith.constant 0 : i32
    %dma_start3A_561 = arith.constant 0 : i32
    %dma_start3A_562 = arith.constant 0 : i32
    %dma_start3A_563 = arith.constant 0 : i32
    %dma_start3A_564 = arith.constant 0 : i32
    %dma_start3A_565 = tpu.memref_slice %arg7[%dma_start3A_560, %dma_start3A_562, %dma_start3A_563, %dma_start3A_564] : memref<2x1x200x64xf32, #tpu.memory_space<vmem>> -> memref<1x1x200x64xf32, #tpu.memory_space<vmem>>
    %dma_start3A_566 = tpu.memref_squeeze %dma_start3A_565 : memref<1x1x200x64xf32, #tpu.memory_space<vmem>> -> memref<1x200x64xf32, #tpu.memory_space<vmem>>
    %dma_start3A_567 = arith.constant 0 : i32
    %dma_start3A_568 = arith.constant 0 : i32
    %dma_start3A_569 = tpu.memref_slice %arg4[%add3A_559, %dma_start3A_567, %dma_start3A_568] : memref<4096x200x64xf32, #tpu.memory_space<hbm>> -> memref<1x200x64xf32, #tpu.memory_space<hbm>>
    %dma_start3A_570 = tpu.memref_slice %arg9[%dma_start3A_561] : memref<2x!tpu.dma_semaphore, #tpu.memory_space<semaphore_mem>> -> memref<1x!tpu.dma_semaphore, #tpu.memory_space<semaphore_mem>>
    %dma_start3A_571 = tpu.memref_squeeze %dma_start3A_570 : memref<1x!tpu.dma_semaphore, #tpu.memory_space<semaphore_mem>> -> memref<!tpu.dma_semaphore, #tpu.memory_space<semaphore_mem>>
    %dma_start3A_572 = arith.constant 0 : i32
    %dma_start3A_573 = arith.constant 0 : i32
    %dma_start3A_574 = tpu.memref_slice %arg4[%add3A_559, %dma_start3A_572, %dma_start3A_573] : memref<4096x200x64xf32, #tpu.memory_space<hbm>> -> memref<1x200x64xf32, #tpu.memory_space<hbm>>
    %dma_start3A_575 = arith.constant 0 : i32
    %dma_start3A_576 = arith.constant 0 : i32
    %dma_start3A_577 = arith.constant 0 : i32
    %dma_start3A_578 = tpu.memref_slice %arg7[%dma_start3A_560, %dma_start3A_575, %dma_start3A_576, %dma_start3A_577] : memref<2x1x200x64xf32, #tpu.memory_space<vmem>> -> memref<1x1x200x64xf32, #tpu.memory_space<vmem>>
    %dma_start3A_579 = tpu.memref_squeeze %dma_start3A_578 : memref<1x1x200x64xf32, #tpu.memory_space<vmem>> -> memref<1x200x64xf32, #tpu.memory_space<vmem>>
    tpu.enqueue_dma source(%dma_start3A_579 : memref<1x200x64xf32, #tpu.memory_space<vmem>>) target(%dma_start3A_574 : memref<1x200x64xf32, #tpu.memory_space<hbm>>) target_semaphore(%dma_start3A_571 : memref<!tpu.dma_semaphore, #tpu.memory_space<semaphore_mem>>)
    %dma_wait3A_580 = arith.constant 127 : i32
    %dma_wait3A_581 = arith.constant 3 : i32
    %dma_wait3A_582 = arith.constant 0 : i32
    %dma_wait3A_583 = arith.constant 3 : i32
    %dma_wait3A_584 = arith.constant 0 : i32
    %dma_wait3A_585 = arith.constant 0 : i32
    %dma_wait3A_586 = tpu.memref_slice %arg6[%dma_wait3A_581, %dma_wait3A_582, %dma_wait3A_584, %dma_wait3A_585] : memref<4x1x200x64xf32, #tpu.memory_space<vmem>> -> memref<1x1x200x64xf32, #tpu.memory_space<vmem>>
    %dma_wait3A_587 = tpu.memref_squeeze %dma_wait3A_586 : memref<1x1x200x64xf32, #tpu.memory_space<vmem>> -> memref<200x64xf32, #tpu.memory_space<vmem>>
    %dma_wait3A_588 = arith.constant 0 : i32
    %dma_wait3A_589 = tpu.memref_slice %arg5[%dma_wait3A_580, %dma_wait3A_588] : memref<128x200xi32, #tpu.memory_space<vmem>> -> memref<1x200xi32, #tpu.memory_space<vmem>>
    %dma_wait3A_590 = tpu.memref_squeeze %dma_wait3A_589 : memref<1x200xi32, #tpu.memory_space<vmem>> -> memref<200xi32, #tpu.memory_space<vmem>>
    %dma_wait3A_591 = arith.constant 0 : i32
    %dma_wait3A_592 = arith.constant 0 : i32
    %dma_wait3A_593 = tpu.memref_slice %arg2[%dma_wait3A_591, %dma_wait3A_592] : memref<1000000x64xf32, #tpu.memory_space<hbm>> -> memref<1000000x64xf32, #tpu.memory_space<hbm>>
    %dma_wait3A_594 = tpu.memref_slice %arg8[%dma_wait3A_583] : memref<4x!tpu.dma_semaphore, #tpu.memory_space<semaphore_mem>> -> memref<1x!tpu.dma_semaphore, #tpu.memory_space<semaphore_mem>>
    %dma_wait3A_595 = tpu.memref_squeeze %dma_wait3A_594 : memref<1x!tpu.dma_semaphore, #tpu.memory_space<semaphore_mem>> -> memref<!tpu.dma_semaphore, #tpu.memory_space<semaphore_mem>>
    tpu.wait_indirect_dma semaphore(%dma_wait3A_595 : memref<!tpu.dma_semaphore, #tpu.memory_space<semaphore_mem>>) src(%dma_wait3A_593 : memref<1000000x64xf32, #tpu.memory_space<hbm>>) dst(%dma_wait3A_587 : memref<200x64xf32, #tpu.memory_space<vmem>>)
    %add3A_596 = arith.constant 125 : i32
    %add3A_597 = arith.addi %mul3A_2, %add3A_596 : i32
    %dma_wait3A_598 = arith.constant 1 : i32
    %dma_wait3A_599 = arith.constant 1 : i32
    %dma_wait3A_600 = arith.constant 0 : i32
    %dma_wait3A_601 = arith.constant 0 : i32
    %dma_wait3A_602 = arith.constant 0 : i32
    %dma_wait3A_603 = tpu.memref_slice %arg7[%dma_wait3A_598, %dma_wait3A_600, %dma_wait3A_601, %dma_wait3A_602] : memref<2x1x200x64xf32, #tpu.memory_space<vmem>> -> memref<1x1x200x64xf32, #tpu.memory_space<vmem>>
    %dma_wait3A_604 = tpu.memref_squeeze %dma_wait3A_603 : memref<1x1x200x64xf32, #tpu.memory_space<vmem>> -> memref<1x200x64xf32, #tpu.memory_space<vmem>>
    %dma_wait3A_605 = arith.constant 0 : i32
    %dma_wait3A_606 = arith.constant 0 : i32
    %dma_wait3A_607 = tpu.memref_slice %arg4[%add3A_597, %dma_wait3A_605, %dma_wait3A_606] : memref<4096x200x64xf32, #tpu.memory_space<hbm>> -> memref<1x200x64xf32, #tpu.memory_space<hbm>>
    %dma_wait3A_608 = tpu.memref_slice %arg9[%dma_wait3A_599] : memref<2x!tpu.dma_semaphore, #tpu.memory_space<semaphore_mem>> -> memref<1x!tpu.dma_semaphore, #tpu.memory_space<semaphore_mem>>
    %dma_wait3A_609 = tpu.memref_squeeze %dma_wait3A_608 : memref<1x!tpu.dma_semaphore, #tpu.memory_space<semaphore_mem>> -> memref<!tpu.dma_semaphore, #tpu.memory_space<semaphore_mem>>
    %dma_wait3A_610 = arith.constant 0 : i32
    %dma_wait3A_611 = arith.constant 0 : i32
    %dma_wait3A_612 = tpu.memref_slice %arg4[%add3A_597, %dma_wait3A_610, %dma_wait3A_611] : memref<4096x200x64xf32, #tpu.memory_space<hbm>> -> memref<1x200x64xf32, #tpu.memory_space<hbm>>
    %dma_wait3A_613 = arith.constant 0 : i32
    %dma_wait3A_614 = arith.constant 0 : i32
    %dma_wait3A_615 = arith.constant 0 : i32
    %dma_wait3A_616 = tpu.memref_slice %arg7[%dma_wait3A_598, %dma_wait3A_613, %dma_wait3A_614, %dma_wait3A_615] : memref<2x1x200x64xf32, #tpu.memory_space<vmem>> -> memref<1x1x200x64xf32, #tpu.memory_space<vmem>>
    %dma_wait3A_617 = tpu.memref_squeeze %dma_wait3A_616 : memref<1x1x200x64xf32, #tpu.memory_space<vmem>> -> memref<1x200x64xf32, #tpu.memory_space<vmem>>
    tpu.wait_dma2 semaphore(%dma_wait3A_609 : memref<!tpu.dma_semaphore, #tpu.memory_space<semaphore_mem>>) src(%dma_wait3A_617 : memref<1x200x64xf32, #tpu.memory_space<vmem>>) dst(%dma_wait3A_612 : memref<1x200x64xf32, #tpu.memory_space<hbm>>)
    %scan3A_618 = arith.constant 3 : i32
    %scan3A_619 = arith.constant 0 : i32
    %scan3A_620 = arith.constant 1 : i32
    %scan3A_621 = arith.constant 0 : i32
    %scan3A_622 = arith.constant 0 : i32
    %scan3A_623 = arith.constant 100 : i32
    %scan3A_624 = arith.addi %scan3A_622, %scan3A_623 : i32
    %scan3A_625 = arith.constant 1 : i32
    scf.for %scan3A_693 = %scan3A_622 to %scan3A_624 step %scan3A_625  : i32 {
      %mul3A_694 = arith.constant 2 : i32
      %mul3A_695 = arith.muli %scan3A_693, %mul3A_694 : i32
      %add3A_696 = arith.constant 0 : i32
      %add3A_697 = arith.addi %add3A_696, %mul3A_695 : i32
      %add3A_698 = arith.constant 0 : i32
      %add3A_699 = arith.addi %add3A_697, %add3A_698 : i32
      %get3A = arith.constant 0 : i32
      %get3A_700 = arith.constant 0 : i32
      %get3A_701 = arith.constant 0 : i32
      %get3A_702 = tpu.memref_slice %arg6[%scan3A_618, %get3A, %get3A_700, %get3A_701] : memref<4x1x200x64xf32, #tpu.memory_space<vmem>> -> memref<1x1x200x64xf32, #tpu.memory_space<vmem>>
      %get3A_703 = tpu.memref_squeeze %get3A_702 : memref<1x1x200x64xf32, #tpu.memory_space<vmem>> -> memref<1x200x64xf32, #tpu.memory_space<vmem>>
      %get3A_704 = arith.constant 0 : i32
      %get3A_705 = arith.constant 0 : i32
      %get3A_706 = tpu.memref_slice %get3A_703[%scan3A_619, %get3A_704, %get3A_705] : memref<1x200x64xf32, #tpu.memory_space<vmem>> -> memref<1x200x64xf32, #tpu.memory_space<vmem>>
      %get3A_707 = tpu.memref_squeeze %get3A_706 : memref<1x200x64xf32, #tpu.memory_space<vmem>> -> memref<200x64xf32, #tpu.memory_space<vmem>>
      %get3A_708 = arith.index_cast %add3A_699 : i32 to index
      %get3A_709 = arith.constant 0 : index
      %get3A_710 = tpu.vector_load %get3A_707[%get3A_708, %get3A_709] {strides = array<i32>} : memref<200x64xf32, #tpu.memory_space<vmem>>, vector<1x16xf32>,
      %get3A_711 = vector.shape_cast %get3A_710 : vector<1x16xf32> to vector<1x16xf32>
      %mul3A_712 = arith.constant 8.000000e+00 : f32
      %mul3A_713 = vector.broadcast %mul3A_712 : f32 to vector<1x16xf32>
      %mul3A_714 = arith.mulf %get3A_711, %mul3A_713 : vector<1x16xf32>
      %swap3A = arith.constant 0 : i32
      %swap3A_715 = arith.constant 0 : i32
      %swap3A_716 = arith.constant 0 : i32
      %swap3A_717 = tpu.memref_slice %arg7[%scan3A_620, %swap3A, %swap3A_715, %swap3A_716] : memref<2x1x200x64xf32, #tpu.memory_space<vmem>> -> memref<1x1x200x64xf32, #tpu.memory_space<vmem>>
      %swap3A_718 = tpu.memref_squeeze %swap3A_717 : memref<1x1x200x64xf32, #tpu.memory_space<vmem>> -> memref<1x200x64xf32, #tpu.memory_space<vmem>>
      %swap3A_719 = arith.constant 0 : i32
      %swap3A_720 = arith.constant 0 : i32
      %swap3A_721 = tpu.memref_slice %swap3A_718[%scan3A_621, %swap3A_719, %swap3A_720] : memref<1x200x64xf32, #tpu.memory_space<vmem>> -> memref<1x200x64xf32, #tpu.memory_space<vmem>>
      %swap3A_722 = tpu.memref_squeeze %swap3A_721 : memref<1x200x64xf32, #tpu.memory_space<vmem>> -> memref<200x64xf32, #tpu.memory_space<vmem>>
      %swap3A_723 = arith.index_cast %add3A_699 : i32 to index
      %swap3A_724 = arith.constant 0 : index
      %swap3A_725 = tpu.vector_load %swap3A_722[%swap3A_723, %swap3A_724] {strides = array<i32>} : memref<200x64xf32, #tpu.memory_space<vmem>>, vector<1x16xf32>,
      %swap3A_726 = vector.shape_cast %swap3A_725 : vector<1x16xf32> to vector<1x16xf32>
      %swap3A_727 = vector.shape_cast %mul3A_714 : vector<1x16xf32> to vector<1x16xf32>
      tpu.vector_store %swap3A_722[%swap3A_723, %swap3A_724], %swap3A_727 {strides = array<i32>} : memref<200x64xf32, #tpu.memory_space<vmem>>, vector<1x16xf32>,
      %add3A_728 = arith.constant 0 : i32
      %add3A_729 = arith.addi %add3A_697, %add3A_728 : i32
      %get3A_730 = arith.constant 0 : i32
      %get3A_731 = arith.constant 0 : i32
      %get3A_732 = arith.constant 0 : i32
      %get3A_733 = tpu.memref_slice %arg6[%scan3A_618, %get3A_730, %get3A_731, %get3A_732] : memref<4x1x200x64xf32, #tpu.memory_space<vmem>> -> memref<1x1x200x64xf32, #tpu.memory_space<vmem>>
      %get3A_734 = tpu.memref_squeeze %get3A_733 : memref<1x1x200x64xf32, #tpu.memory_space<vmem>> -> memref<1x200x64xf32, #tpu.memory_space<vmem>>
      %get3A_735 = arith.constant 0 : i32
      %get3A_736 = arith.constant 0 : i32
      %get3A_737 = tpu.memref_slice %get3A_734[%scan3A_619, %get3A_735, %get3A_736] : memref<1x200x64xf32, #tpu.memory_space<vmem>> -> memref<1x200x64xf32, #tpu.memory_space<vmem>>
      %get3A_738 = tpu.memref_squeeze %get3A_737 : memref<1x200x64xf32, #tpu.memory_space<vmem>> -> memref<200x64xf32, #tpu.memory_space<vmem>>
      %get3A_739 = arith.index_cast %add3A_729 : i32 to index
      %get3A_740 = arith.constant 16 : index
      %get3A_741 = tpu.vector_load %get3A_738[%get3A_739, %get3A_740] {strides = array<i32>} : memref<200x64xf32, #tpu.memory_space<vmem>>, vector<1x16xf32>,
      %get3A_742 = vector.shape_cast %get3A_741 : vector<1x16xf32> to vector<1x16xf32>
      %mul3A_743 = arith.constant 8.000000e+00 : f32
      %mul3A_744 = vector.broadcast %mul3A_743 : f32 to vector<1x16xf32>
      %mul3A_745 = arith.mulf %get3A_742, %mul3A_744 : vector<1x16xf32>
      %swap3A_746 = arith.constant 0 : i32
      %swap3A_747 = arith.constant 0 : i32
      %swap3A_748 = arith.constant 0 : i32
      %swap3A_749 = tpu.memref_slice %arg7[%scan3A_620, %swap3A_746, %swap3A_747, %swap3A_748] : memref<2x1x200x64xf32, #tpu.memory_space<vmem>> -> memref<1x1x200x64xf32, #tpu.memory_space<vmem>>
      %swap3A_750 = tpu.memref_squeeze %swap3A_749 : memref<1x1x200x64xf32, #tpu.memory_space<vmem>> -> memref<1x200x64xf32, #tpu.memory_space<vmem>>
      %swap3A_751 = arith.constant 0 : i32
      %swap3A_752 = arith.constant 0 : i32
      %swap3A_753 = tpu.memref_slice %swap3A_750[%scan3A_621, %swap3A_751, %swap3A_752] : memref<1x200x64xf32, #tpu.memory_space<vmem>> -> memref<1x200x64xf32, #tpu.memory_space<vmem>>
      %swap3A_754 = tpu.memref_squeeze %swap3A_753 : memref<1x200x64xf32, #tpu.memory_space<vmem>> -> memref<200x64xf32, #tpu.memory_space<vmem>>
      %swap3A_755 = arith.index_cast %add3A_729 : i32 to index
      %swap3A_756 = arith.constant 16 : index
      %swap3A_757 = tpu.vector_load %swap3A_754[%swap3A_755, %swap3A_756] {strides = array<i32>} : memref<200x64xf32, #tpu.memory_space<vmem>>, vector<1x16xf32>,
      %swap3A_758 = vector.shape_cast %swap3A_757 : vector<1x16xf32> to vector<1x16xf32>
      %swap3A_759 = vector.shape_cast %mul3A_745 : vector<1x16xf32> to vector<1x16xf32>
      tpu.vector_store %swap3A_754[%swap3A_755, %swap3A_756], %swap3A_759 {strides = array<i32>} : memref<200x64xf32, #tpu.memory_space<vmem>>, vector<1x16xf32>,
      %add3A_760 = arith.constant 0 : i32
      %add3A_761 = arith.addi %add3A_697, %add3A_760 : i32
      %get3A_762 = arith.constant 0 : i32
      %get3A_763 = arith.constant 0 : i32
      %get3A_764 = arith.constant 0 : i32
      %get3A_765 = tpu.memref_slice %arg6[%scan3A_618, %get3A_762, %get3A_763, %get3A_764] : memref<4x1x200x64xf32, #tpu.memory_space<vmem>> -> memref<1x1x200x64xf32, #tpu.memory_space<vmem>>
      %get3A_766 = tpu.memref_squeeze %get3A_765 : memref<1x1x200x64xf32, #tpu.memory_space<vmem>> -> memref<1x200x64xf32, #tpu.memory_space<vmem>>
      %get3A_767 = arith.constant 0 : i32
      %get3A_768 = arith.constant 0 : i32
      %get3A_769 = tpu.memref_slice %get3A_766[%scan3A_619, %get3A_767, %get3A_768] : memref<1x200x64xf32, #tpu.memory_space<vmem>> -> memref<1x200x64xf32, #tpu.memory_space<vmem>>
      %get3A_770 = tpu.memref_squeeze %get3A_769 : memref<1x200x64xf32, #tpu.memory_space<vmem>> -> memref<200x64xf32, #tpu.memory_space<vmem>>
      %get3A_771 = arith.index_cast %add3A_761 : i32 to index
      %get3A_772 = arith.constant 32 : index
      %get3A_773 = tpu.vector_load %get3A_770[%get3A_771, %get3A_772] {strides = array<i32>} : memref<200x64xf32, #tpu.memory_space<vmem>>, vector<1x16xf32>,
      %get3A_774 = vector.shape_cast %get3A_773 : vector<1x16xf32> to vector<1x16xf32>
      %mul3A_775 = arith.constant 8.000000e+00 : f32
      %mul3A_776 = vector.broadcast %mul3A_775 : f32 to vector<1x16xf32>
      %mul3A_777 = arith.mulf %get3A_774, %mul3A_776 : vector<1x16xf32>
      %swap3A_778 = arith.constant 0 : i32
      %swap3A_779 = arith.constant 0 : i32
      %swap3A_780 = arith.constant 0 : i32
      %swap3A_781 = tpu.memref_slice %arg7[%scan3A_620, %swap3A_778, %swap3A_779, %swap3A_780] : memref<2x1x200x64xf32, #tpu.memory_space<vmem>> -> memref<1x1x200x64xf32, #tpu.memory_space<vmem>>
      %swap3A_782 = tpu.memref_squeeze %swap3A_781 : memref<1x1x200x64xf32, #tpu.memory_space<vmem>> -> memref<1x200x64xf32, #tpu.memory_space<vmem>>
      %swap3A_783 = arith.constant 0 : i32
      %swap3A_784 = arith.constant 0 : i32
      %swap3A_785 = tpu.memref_slice %swap3A_782[%scan3A_621, %swap3A_783, %swap3A_784] : memref<1x200x64xf32, #tpu.memory_space<vmem>> -> memref<1x200x64xf32, #tpu.memory_space<vmem>>
      %swap3A_786 = tpu.memref_squeeze %swap3A_785 : memref<1x200x64xf32, #tpu.memory_space<vmem>> -> memref<200x64xf32, #tpu.memory_space<vmem>>
      %swap3A_787 = arith.index_cast %add3A_761 : i32 to index
      %swap3A_788 = arith.constant 32 : index
      %swap3A_789 = tpu.vector_load %swap3A_786[%swap3A_787, %swap3A_788] {strides = array<i32>} : memref<200x64xf32, #tpu.memory_space<vmem>>, vector<1x16xf32>,
      %swap3A_790 = vector.shape_cast %swap3A_789 : vector<1x16xf32> to vector<1x16xf32>
      %swap3A_791 = vector.shape_cast %mul3A_777 : vector<1x16xf32> to vector<1x16xf32>
      tpu.vector_store %swap3A_786[%swap3A_787, %swap3A_788], %swap3A_791 {strides = array<i32>} : memref<200x64xf32, #tpu.memory_space<vmem>>, vector<1x16xf32>,
      %add3A_792 = arith.constant 0 : i32
      %add3A_793 = arith.addi %add3A_697, %add3A_792 : i32
      %get3A_794 = arith.constant 0 : i32
      %get3A_795 = arith.constant 0 : i32
      %get3A_796 = arith.constant 0 : i32
      %get3A_797 = tpu.memref_slice %arg6[%scan3A_618, %get3A_794, %get3A_795, %get3A_796] : memref<4x1x200x64xf32, #tpu.memory_space<vmem>> -> memref<1x1x200x64xf32, #tpu.memory_space<vmem>>
      %get3A_798 = tpu.memref_squeeze %get3A_797 : memref<1x1x200x64xf32, #tpu.memory_space<vmem>> -> memref<1x200x64xf32, #tpu.memory_space<vmem>>
      %get3A_799 = arith.constant 0 : i32
      %get3A_800 = arith.constant 0 : i32
      %get3A_801 = tpu.memref_slice %get3A_798[%scan3A_619, %get3A_799, %get3A_800] : memref<1x200x64xf32, #tpu.memory_space<vmem>> -> memref<1x200x64xf32, #tpu.memory_space<vmem>>
      %get3A_802 = tpu.memref_squeeze %get3A_801 : memref<1x200x64xf32, #tpu.memory_space<vmem>> -> memref<200x64xf32, #tpu.memory_space<vmem>>
      %get3A_803 = arith.index_cast %add3A_793 : i32 to index
      %get3A_804 = arith.constant 48 : index
      %get3A_805 = tpu.vector_load %get3A_802[%get3A_803, %get3A_804] {strides = array<i32>} : memref<200x64xf32, #tpu.memory_space<vmem>>, vector<1x16xf32>,
      %get3A_806 = vector.shape_cast %get3A_805 : vector<1x16xf32> to vector<1x16xf32>
      %mul3A_807 = arith.constant 8.000000e+00 : f32
      %mul3A_808 = vector.broadcast %mul3A_807 : f32 to vector<1x16xf32>
      %mul3A_809 = arith.mulf %get3A_806, %mul3A_808 : vector<1x16xf32>
      %swap3A_810 = arith.constant 0 : i32
      %swap3A_811 = arith.constant 0 : i32
      %swap3A_812 = arith.constant 0 : i32
      %swap3A_813 = tpu.memref_slice %arg7[%scan3A_620, %swap3A_810, %swap3A_811, %swap3A_812] : memref<2x1x200x64xf32, #tpu.memory_space<vmem>> -> memref<1x1x200x64xf32, #tpu.memory_space<vmem>>
      %swap3A_814 = tpu.memref_squeeze %swap3A_813 : memref<1x1x200x64xf32, #tpu.memory_space<vmem>> -> memref<1x200x64xf32, #tpu.memory_space<vmem>>
      %swap3A_815 = arith.constant 0 : i32
      %swap3A_816 = arith.constant 0 : i32
      %swap3A_817 = tpu.memref_slice %swap3A_814[%scan3A_621, %swap3A_815, %swap3A_816] : memref<1x200x64xf32, #tpu.memory_space<vmem>> -> memref<1x200x64xf32, #tpu.memory_space<vmem>>
      %swap3A_818 = tpu.memref_squeeze %swap3A_817 : memref<1x200x64xf32, #tpu.memory_space<vmem>> -> memref<200x64xf32, #tpu.memory_space<vmem>>
      %swap3A_819 = arith.index_cast %add3A_793 : i32 to index
      %swap3A_820 = arith.constant 48 : index
      %swap3A_821 = tpu.vector_load %swap3A_818[%swap3A_819, %swap3A_820] {strides = array<i32>} : memref<200x64xf32, #tpu.memory_space<vmem>>, vector<1x16xf32>,
      %swap3A_822 = vector.shape_cast %swap3A_821 : vector<1x16xf32> to vector<1x16xf32>
      %swap3A_823 = vector.shape_cast %mul3A_809 : vector<1x16xf32> to vector<1x16xf32>
      tpu.vector_store %swap3A_818[%swap3A_819, %swap3A_820], %swap3A_823 {strides = array<i32>} : memref<200x64xf32, #tpu.memory_space<vmem>>, vector<1x16xf32>,
      %add3A_824 = arith.constant 1 : i32
      %add3A_825 = arith.addi %add3A_697, %add3A_824 : i32
      %get3A_826 = arith.constant 0 : i32
      %get3A_827 = arith.constant 0 : i32
      %get3A_828 = arith.constant 0 : i32
      %get3A_829 = tpu.memref_slice %arg6[%scan3A_618, %get3A_826, %get3A_827, %get3A_828] : memref<4x1x200x64xf32, #tpu.memory_space<vmem>> -> memref<1x1x200x64xf32, #tpu.memory_space<vmem>>
      %get3A_830 = tpu.memref_squeeze %get3A_829 : memref<1x1x200x64xf32, #tpu.memory_space<vmem>> -> memref<1x200x64xf32, #tpu.memory_space<vmem>>
      %get3A_831 = arith.constant 0 : i32
      %get3A_832 = arith.constant 0 : i32
      %get3A_833 = tpu.memref_slice %get3A_830[%scan3A_619, %get3A_831, %get3A_832] : memref<1x200x64xf32, #tpu.memory_space<vmem>> -> memref<1x200x64xf32, #tpu.memory_space<vmem>>
      %get3A_834 = tpu.memref_squeeze %get3A_833 : memref<1x200x64xf32, #tpu.memory_space<vmem>> -> memref<200x64xf32, #tpu.memory_space<vmem>>
      %get3A_835 = arith.index_cast %add3A_825 : i32 to index
      %get3A_836 = arith.constant 0 : index
      %get3A_837 = tpu.vector_load %get3A_834[%get3A_835, %get3A_836] {strides = array<i32>} : memref<200x64xf32, #tpu.memory_space<vmem>>, vector<1x16xf32>,
      %get3A_838 = vector.shape_cast %get3A_837 : vector<1x16xf32> to vector<1x16xf32>
      %mul3A_839 = arith.constant 8.000000e+00 : f32
      %mul3A_840 = vector.broadcast %mul3A_839 : f32 to vector<1x16xf32>
      %mul3A_841 = arith.mulf %get3A_838, %mul3A_840 : vector<1x16xf32>
      %swap3A_842 = arith.constant 0 : i32
      %swap3A_843 = arith.constant 0 : i32
      %swap3A_844 = arith.constant 0 : i32
      %swap3A_845 = tpu.memref_slice %arg7[%scan3A_620, %swap3A_842, %swap3A_843, %swap3A_844] : memref<2x1x200x64xf32, #tpu.memory_space<vmem>> -> memref<1x1x200x64xf32, #tpu.memory_space<vmem>>
      %swap3A_846 = tpu.memref_squeeze %swap3A_845 : memref<1x1x200x64xf32, #tpu.memory_space<vmem>> -> memref<1x200x64xf32, #tpu.memory_space<vmem>>
      %swap3A_847 = arith.constant 0 : i32
      %swap3A_848 = arith.constant 0 : i32
      %swap3A_849 = tpu.memref_slice %swap3A_846[%scan3A_621, %swap3A_847, %swap3A_848] : memref<1x200x64xf32, #tpu.memory_space<vmem>> -> memref<1x200x64xf32, #tpu.memory_space<vmem>>
      %swap3A_850 = tpu.memref_squeeze %swap3A_849 : memref<1x200x64xf32, #tpu.memory_space<vmem>> -> memref<200x64xf32, #tpu.memory_space<vmem>>
      %swap3A_851 = arith.index_cast %add3A_825 : i32 to index
      %swap3A_852 = arith.constant 0 : index
      %swap3A_853 = tpu.vector_load %swap3A_850[%swap3A_851, %swap3A_852] {strides = array<i32>} : memref<200x64xf32, #tpu.memory_space<vmem>>, vector<1x16xf32>,
      %swap3A_854 = vector.shape_cast %swap3A_853 : vector<1x16xf32> to vector<1x16xf32>
      %swap3A_855 = vector.shape_cast %mul3A_841 : vector<1x16xf32> to vector<1x16xf32>
      tpu.vector_store %swap3A_850[%swap3A_851, %swap3A_852], %swap3A_855 {strides = array<i32>} : memref<200x64xf32, #tpu.memory_space<vmem>>, vector<1x16xf32>,
      %add3A_856 = arith.constant 1 : i32
      %add3A_857 = arith.addi %add3A_697, %add3A_856 : i32
      %get3A_858 = arith.constant 0 : i32
      %get3A_859 = arith.constant 0 : i32
      %get3A_860 = arith.constant 0 : i32
      %get3A_861 = tpu.memref_slice %arg6[%scan3A_618, %get3A_858, %get3A_859, %get3A_860] : memref<4x1x200x64xf32, #tpu.memory_space<vmem>> -> memref<1x1x200x64xf32, #tpu.memory_space<vmem>>
      %get3A_862 = tpu.memref_squeeze %get3A_861 : memref<1x1x200x64xf32, #tpu.memory_space<vmem>> -> memref<1x200x64xf32, #tpu.memory_space<vmem>>
      %get3A_863 = arith.constant 0 : i32
      %get3A_864 = arith.constant 0 : i32
      %get3A_865 = tpu.memref_slice %get3A_862[%scan3A_619, %get3A_863, %get3A_864] : memref<1x200x64xf32, #tpu.memory_space<vmem>> -> memref<1x200x64xf32, #tpu.memory_space<vmem>>
      %get3A_866 = tpu.memref_squeeze %get3A_865 : memref<1x200x64xf32, #tpu.memory_space<vmem>> -> memref<200x64xf32, #tpu.memory_space<vmem>>
      %get3A_867 = arith.index_cast %add3A_857 : i32 to index
      %get3A_868 = arith.constant 16 : index
      %get3A_869 = tpu.vector_load %get3A_866[%get3A_867, %get3A_868] {strides = array<i32>} : memref<200x64xf32, #tpu.memory_space<vmem>>, vector<1x16xf32>,
      %get3A_870 = vector.shape_cast %get3A_869 : vector<1x16xf32> to vector<1x16xf32>
      %mul3A_871 = arith.constant 8.000000e+00 : f32
      %mul3A_872 = vector.broadcast %mul3A_871 : f32 to vector<1x16xf32>
      %mul3A_873 = arith.mulf %get3A_870, %mul3A_872 : vector<1x16xf32>
      %swap3A_874 = arith.constant 0 : i32
      %swap3A_875 = arith.constant 0 : i32
      %swap3A_876 = arith.constant 0 : i32
      %swap3A_877 = tpu.memref_slice %arg7[%scan3A_620, %swap3A_874, %swap3A_875, %swap3A_876] : memref<2x1x200x64xf32, #tpu.memory_space<vmem>> -> memref<1x1x200x64xf32, #tpu.memory_space<vmem>>
      %swap3A_878 = tpu.memref_squeeze %swap3A_877 : memref<1x1x200x64xf32, #tpu.memory_space<vmem>> -> memref<1x200x64xf32, #tpu.memory_space<vmem>>
      %swap3A_879 = arith.constant 0 : i32
      %swap3A_880 = arith.constant 0 : i32
      %swap3A_881 = tpu.memref_slice %swap3A_878[%scan3A_621, %swap3A_879, %swap3A_880] : memref<1x200x64xf32, #tpu.memory_space<vmem>> -> memref<1x200x64xf32, #tpu.memory_space<vmem>>
      %swap3A_882 = tpu.memref_squeeze %swap3A_881 : memref<1x200x64xf32, #tpu.memory_space<vmem>> -> memref<200x64xf32, #tpu.memory_space<vmem>>
      %swap3A_883 = arith.index_cast %add3A_857 : i32 to index
      %swap3A_884 = arith.constant 16 : index
      %swap3A_885 = tpu.vector_load %swap3A_882[%swap3A_883, %swap3A_884] {strides = array<i32>} : memref<200x64xf32, #tpu.memory_space<vmem>>, vector<1x16xf32>,
      %swap3A_886 = vector.shape_cast %swap3A_885 : vector<1x16xf32> to vector<1x16xf32>
      %swap3A_887 = vector.shape_cast %mul3A_873 : vector<1x16xf32> to vector<1x16xf32>
      tpu.vector_store %swap3A_882[%swap3A_883, %swap3A_884], %swap3A_887 {strides = array<i32>} : memref<200x64xf32, #tpu.memory_space<vmem>>, vector<1x16xf32>,
      %add3A_888 = arith.constant 1 : i32
      %add3A_889 = arith.addi %add3A_697, %add3A_888 : i32
      %get3A_890 = arith.constant 0 : i32
      %get3A_891 = arith.constant 0 : i32
      %get3A_892 = arith.constant 0 : i32
      %get3A_893 = tpu.memref_slice %arg6[%scan3A_618, %get3A_890, %get3A_891, %get3A_892] : memref<4x1x200x64xf32, #tpu.memory_space<vmem>> -> memref<1x1x200x64xf32, #tpu.memory_space<vmem>>
      %get3A_894 = tpu.memref_squeeze %get3A_893 : memref<1x1x200x64xf32, #tpu.memory_space<vmem>> -> memref<1x200x64xf32, #tpu.memory_space<vmem>>
      %get3A_895 = arith.constant 0 : i32
      %get3A_896 = arith.constant 0 : i32
      %get3A_897 = tpu.memref_slice %get3A_894[%scan3A_619, %get3A_895, %get3A_896] : memref<1x200x64xf32, #tpu.memory_space<vmem>> -> memref<1x200x64xf32, #tpu.memory_space<vmem>>
      %get3A_898 = tpu.memref_squeeze %get3A_897 : memref<1x200x64xf32, #tpu.memory_space<vmem>> -> memref<200x64xf32, #tpu.memory_space<vmem>>
      %get3A_899 = arith.index_cast %add3A_889 : i32 to index
      %get3A_900 = arith.constant 32 : index
      %get3A_901 = tpu.vector_load %get3A_898[%get3A_899, %get3A_900] {strides = array<i32>} : memref<200x64xf32, #tpu.memory_space<vmem>>, vector<1x16xf32>,
      %get3A_902 = vector.shape_cast %get3A_901 : vector<1x16xf32> to vector<1x16xf32>
      %mul3A_903 = arith.constant 8.000000e+00 : f32
      %mul3A_904 = vector.broadcast %mul3A_903 : f32 to vector<1x16xf32>
      %mul3A_905 = arith.mulf %get3A_902, %mul3A_904 : vector<1x16xf32>
      %swap3A_906 = arith.constant 0 : i32
      %swap3A_907 = arith.constant 0 : i32
      %swap3A_908 = arith.constant 0 : i32
      %swap3A_909 = tpu.memref_slice %arg7[%scan3A_620, %swap3A_906, %swap3A_907, %swap3A_908] : memref<2x1x200x64xf32, #tpu.memory_space<vmem>> -> memref<1x1x200x64xf32, #tpu.memory_space<vmem>>
      %swap3A_910 = tpu.memref_squeeze %swap3A_909 : memref<1x1x200x64xf32, #tpu.memory_space<vmem>> -> memref<1x200x64xf32, #tpu.memory_space<vmem>>
      %swap3A_911 = arith.constant 0 : i32
      %swap3A_912 = arith.constant 0 : i32
      %swap3A_913 = tpu.memref_slice %swap3A_910[%scan3A_621, %swap3A_911, %swap3A_912] : memref<1x200x64xf32, #tpu.memory_space<vmem>> -> memref<1x200x64xf32, #tpu.memory_space<vmem>>
      %swap3A_914 = tpu.memref_squeeze %swap3A_913 : memref<1x200x64xf32, #tpu.memory_space<vmem>> -> memref<200x64xf32, #tpu.memory_space<vmem>>
      %swap3A_915 = arith.index_cast %add3A_889 : i32 to index
      %swap3A_916 = arith.constant 32 : index
      %swap3A_917 = tpu.vector_load %swap3A_914[%swap3A_915, %swap3A_916] {strides = array<i32>} : memref<200x64xf32, #tpu.memory_space<vmem>>, vector<1x16xf32>,
      %swap3A_918 = vector.shape_cast %swap3A_917 : vector<1x16xf32> to vector<1x16xf32>
      %swap3A_919 = vector.shape_cast %mul3A_905 : vector<1x16xf32> to vector<1x16xf32>
      tpu.vector_store %swap3A_914[%swap3A_915, %swap3A_916], %swap3A_919 {strides = array<i32>} : memref<200x64xf32, #tpu.memory_space<vmem>>, vector<1x16xf32>,
      %add3A_920 = arith.constant 1 : i32
      %add3A_921 = arith.addi %add3A_697, %add3A_920 : i32
      %get3A_922 = arith.constant 0 : i32
      %get3A_923 = arith.constant 0 : i32
      %get3A_924 = arith.constant 0 : i32
      %get3A_925 = tpu.memref_slice %arg6[%scan3A_618, %get3A_922, %get3A_923, %get3A_924] : memref<4x1x200x64xf32, #tpu.memory_space<vmem>> -> memref<1x1x200x64xf32, #tpu.memory_space<vmem>>
      %get3A_926 = tpu.memref_squeeze %get3A_925 : memref<1x1x200x64xf32, #tpu.memory_space<vmem>> -> memref<1x200x64xf32, #tpu.memory_space<vmem>>
      %get3A_927 = arith.constant 0 : i32
      %get3A_928 = arith.constant 0 : i32
      %get3A_929 = tpu.memref_slice %get3A_926[%scan3A_619, %get3A_927, %get3A_928] : memref<1x200x64xf32, #tpu.memory_space<vmem>> -> memref<1x200x64xf32, #tpu.memory_space<vmem>>
      %get3A_930 = tpu.memref_squeeze %get3A_929 : memref<1x200x64xf32, #tpu.memory_space<vmem>> -> memref<200x64xf32, #tpu.memory_space<vmem>>
      %get3A_931 = arith.index_cast %add3A_921 : i32 to index
      %get3A_932 = arith.constant 48 : index
      %get3A_933 = tpu.vector_load %get3A_930[%get3A_931, %get3A_932] {strides = array<i32>} : memref<200x64xf32, #tpu.memory_space<vmem>>, vector<1x16xf32>,
      %get3A_934 = vector.shape_cast %get3A_933 : vector<1x16xf32> to vector<1x16xf32>
      %mul3A_935 = arith.constant 8.000000e+00 : f32
      %mul3A_936 = vector.broadcast %mul3A_935 : f32 to vector<1x16xf32>
      %mul3A_937 = arith.mulf %get3A_934, %mul3A_936 : vector<1x16xf32>
      %swap3A_938 = arith.constant 0 : i32
      %swap3A_939 = arith.constant 0 : i32
      %swap3A_940 = arith.constant 0 : i32
      %swap3A_941 = tpu.memref_slice %arg7[%scan3A_620, %swap3A_938, %swap3A_939, %swap3A_940] : memref<2x1x200x64xf32, #tpu.memory_space<vmem>> -> memref<1x1x200x64xf32, #tpu.memory_space<vmem>>
      %swap3A_942 = tpu.memref_squeeze %swap3A_941 : memref<1x1x200x64xf32, #tpu.memory_space<vmem>> -> memref<1x200x64xf32, #tpu.memory_space<vmem>>
      %swap3A_943 = arith.constant 0 : i32
      %swap3A_944 = arith.constant 0 : i32
      %swap3A_945 = tpu.memref_slice %swap3A_942[%scan3A_621, %swap3A_943, %swap3A_944] : memref<1x200x64xf32, #tpu.memory_space<vmem>> -> memref<1x200x64xf32, #tpu.memory_space<vmem>>
      %swap3A_946 = tpu.memref_squeeze %swap3A_945 : memref<1x200x64xf32, #tpu.memory_space<vmem>> -> memref<200x64xf32, #tpu.memory_space<vmem>>
      %swap3A_947 = arith.index_cast %add3A_921 : i32 to index
      %swap3A_948 = arith.constant 48 : index
      %swap3A_949 = tpu.vector_load %swap3A_946[%swap3A_947, %swap3A_948] {strides = array<i32>} : memref<200x64xf32, #tpu.memory_space<vmem>>, vector<1x16xf32>,
      %swap3A_950 = vector.shape_cast %swap3A_949 : vector<1x16xf32> to vector<1x16xf32>
      %swap3A_951 = vector.shape_cast %mul3A_937 : vector<1x16xf32> to vector<1x16xf32>
      tpu.vector_store %swap3A_946[%swap3A_947, %swap3A_948], %swap3A_951 {strides = array<i32>} : memref<200x64xf32, #tpu.memory_space<vmem>>, vector<1x16xf32>,
    }
    %scan3A_626 = arith.constant 100 : i32
    %add3A_627 = arith.constant 127 : i32
    %add3A_628 = arith.addi %mul3A_2, %add3A_627 : i32
    %dma_start3A_629 = arith.constant 1 : i32
    %dma_start3A_630 = arith.constant 1 : i32
    %dma_start3A_631 = arith.constant 0 : i32
    %dma_start3A_632 = arith.constant 0 : i32
    %dma_start3A_633 = arith.constant 0 : i32
    %dma_start3A_634 = tpu.memref_slice %arg7[%dma_start3A_629, %dma_start3A_631, %dma_start3A_632, %dma_start3A_633] : memref<2x1x200x64xf32, #tpu.memory_space<vmem>> -> memref<1x1x200x64xf32, #tpu.memory_space<vmem>>
    %dma_start3A_635 = tpu.memref_squeeze %dma_start3A_634 : memref<1x1x200x64xf32, #tpu.memory_space<vmem>> -> memref<1x200x64xf32, #tpu.memory_space<vmem>>
    %dma_start3A_636 = arith.constant 0 : i32
    %dma_start3A_637 = arith.constant 0 : i32
    %dma_start3A_638 = tpu.memref_slice %arg4[%add3A_628, %dma_start3A_636, %dma_start3A_637] : memref<4096x200x64xf32, #tpu.memory_space<hbm>> -> memref<1x200x64xf32, #tpu.memory_space<hbm>>
    %dma_start3A_639 = tpu.memref_slice %arg9[%dma_start3A_630] : memref<2x!tpu.dma_semaphore, #tpu.memory_space<semaphore_mem>> -> memref<1x!tpu.dma_semaphore, #tpu.memory_space<semaphore_mem>>
    %dma_start3A_640 = tpu.memref_squeeze %dma_start3A_639 : memref<1x!tpu.dma_semaphore, #tpu.memory_space<semaphore_mem>> -> memref<!tpu.dma_semaphore, #tpu.memory_space<semaphore_mem>>
    %dma_start3A_641 = arith.constant 0 : i32
    %dma_start3A_642 = arith.constant 0 : i32
    %dma_start3A_643 = tpu.memref_slice %arg4[%add3A_628, %dma_start3A_641, %dma_start3A_642] : memref<4096x200x64xf32, #tpu.memory_space<hbm>> -> memref<1x200x64xf32, #tpu.memory_space<hbm>>
    %dma_start3A_644 = arith.constant 0 : i32
    %dma_start3A_645 = arith.constant 0 : i32
    %dma_start3A_646 = arith.constant 0 : i32
    %dma_start3A_647 = tpu.memref_slice %arg7[%dma_start3A_629, %dma_start3A_644, %dma_start3A_645, %dma_start3A_646] : memref<2x1x200x64xf32, #tpu.memory_space<vmem>> -> memref<1x1x200x64xf32, #tpu.memory_space<vmem>>
    %dma_start3A_648 = tpu.memref_squeeze %dma_start3A_647 : memref<1x1x200x64xf32, #tpu.memory_space<vmem>> -> memref<1x200x64xf32, #tpu.memory_space<vmem>>
    tpu.enqueue_dma source(%dma_start3A_648 : memref<1x200x64xf32, #tpu.memory_space<vmem>>) target(%dma_start3A_643 : memref<1x200x64xf32, #tpu.memory_space<hbm>>) target_semaphore(%dma_start3A_640 : memref<!tpu.dma_semaphore, #tpu.memory_space<semaphore_mem>>)
    %add3A_649 = arith.constant 126 : i32
    %add3A_650 = arith.addi %mul3A_2, %add3A_649 : i32
    %dma_wait3A_651 = arith.constant 0 : i32
    %dma_wait3A_652 = arith.constant 0 : i32
    %dma_wait3A_653 = arith.constant 0 : i32
    %dma_wait3A_654 = arith.constant 0 : i32
    %dma_wait3A_655 = arith.constant 0 : i32
    %dma_wait3A_656 = tpu.memref_slice %arg7[%dma_wait3A_651, %dma_wait3A_653, %dma_wait3A_654, %dma_wait3A_655] : memref<2x1x200x64xf32, #tpu.memory_space<vmem>> -> memref<1x1x200x64xf32, #tpu.memory_space<vmem>>
    %dma_wait3A_657 = tpu.memref_squeeze %dma_wait3A_656 : memref<1x1x200x64xf32, #tpu.memory_space<vmem>> -> memref<1x200x64xf32, #tpu.memory_space<vmem>>
    %dma_wait3A_658 = arith.constant 0 : i32
    %dma_wait3A_659 = arith.constant 0 : i32
    %dma_wait3A_660 = tpu.memref_slice %arg4[%add3A_650, %dma_wait3A_658, %dma_wait3A_659] : memref<4096x200x64xf32, #tpu.memory_space<hbm>> -> memref<1x200x64xf32, #tpu.memory_space<hbm>>
    %dma_wait3A_661 = tpu.memref_slice %arg9[%dma_wait3A_652] : memref<2x!tpu.dma_semaphore, #tpu.memory_space<semaphore_mem>> -> memref<1x!tpu.dma_semaphore, #tpu.memory_space<semaphore_mem>>
    %dma_wait3A_662 = tpu.memref_squeeze %dma_wait3A_661 : memref<1x!tpu.dma_semaphore, #tpu.memory_space<semaphore_mem>> -> memref<!tpu.dma_semaphore, #tpu.memory_space<semaphore_mem>>
    %dma_wait3A_663 = arith.constant 0 : i32
    %dma_wait3A_664 = arith.constant 0 : i32
    %dma_wait3A_665 = tpu.memref_slice %arg4[%add3A_650, %dma_wait3A_663, %dma_wait3A_664] : memref<4096x200x64xf32, #tpu.memory_space<hbm>> -> memref<1x200x64xf32, #tpu.memory_space<hbm>>
    %dma_wait3A_666 = arith.constant 0 : i32
    %dma_wait3A_667 = arith.constant 0 : i32
    %dma_wait3A_668 = arith.constant 0 : i32
    %dma_wait3A_669 = tpu.memref_slice %arg7[%dma_wait3A_651, %dma_wait3A_666, %dma_wait3A_667, %dma_wait3A_668] : memref<2x1x200x64xf32, #tpu.memory_space<vmem>> -> memref<1x1x200x64xf32, #tpu.memory_space<vmem>>
    %dma_wait3A_670 = tpu.memref_squeeze %dma_wait3A_669 : memref<1x1x200x64xf32, #tpu.memory_space<vmem>> -> memref<1x200x64xf32, #tpu.memory_space<vmem>>
    tpu.wait_dma2 semaphore(%dma_wait3A_662 : memref<!tpu.dma_semaphore, #tpu.memory_space<semaphore_mem>>) src(%dma_wait3A_670 : memref<1x200x64xf32, #tpu.memory_space<vmem>>) dst(%dma_wait3A_665 : memref<1x200x64xf32, #tpu.memory_space<hbm>>)
    %add3A_671 = arith.constant 127 : i32
    %add3A_672 = arith.addi %mul3A_2, %add3A_671 : i32
    %dma_wait3A_673 = arith.constant 1 : i32
    %dma_wait3A_674 = arith.constant 1 : i32
    %dma_wait3A_675 = arith.constant 0 : i32
    %dma_wait3A_676 = arith.constant 0 : i32
    %dma_wait3A_677 = arith.constant 0 : i32
    %dma_wait3A_678 = tpu.memref_slice %arg7[%dma_wait3A_673, %dma_wait3A_675, %dma_wait3A_676, %dma_wait3A_677] : memref<2x1x200x64xf32, #tpu.memory_space<vmem>> -> memref<1x1x200x64xf32, #tpu.memory_space<vmem>>
    %dma_wait3A_679 = tpu.memref_squeeze %dma_wait3A_678 : memref<1x1x200x64xf32, #tpu.memory_space<vmem>> -> memref<1x200x64xf32, #tpu.memory_space<vmem>>
    %dma_wait3A_680 = arith.constant 0 : i32
    %dma_wait3A_681 = arith.constant 0 : i32
    %dma_wait3A_682 = tpu.memref_slice %arg4[%add3A_672, %dma_wait3A_680, %dma_wait3A_681] : memref<4096x200x64xf32, #tpu.memory_space<hbm>> -> memref<1x200x64xf32, #tpu.memory_space<hbm>>
    %dma_wait3A_683 = tpu.memref_slice %arg9[%dma_wait3A_674] : memref<2x!tpu.dma_semaphore, #tpu.memory_space<semaphore_mem>> -> memref<1x!tpu.dma_semaphore, #tpu.memory_space<semaphore_mem>>
    %dma_wait3A_684 = tpu.memref_squeeze %dma_wait3A_683 : memref<1x!tpu.dma_semaphore, #tpu.memory_space<semaphore_mem>> -> memref<!tpu.dma_semaphore, #tpu.memory_space<semaphore_mem>>
    %dma_wait3A_685 = arith.constant 0 : i32
    %dma_wait3A_686 = arith.constant 0 : i32
    %dma_wait3A_687 = tpu.memref_slice %arg4[%add3A_672, %dma_wait3A_685, %dma_wait3A_686] : memref<4096x200x64xf32, #tpu.memory_space<hbm>> -> memref<1x200x64xf32, #tpu.memory_space<hbm>>
    %dma_wait3A_688 = arith.constant 0 : i32
    %dma_wait3A_689 = arith.constant 0 : i32
    %dma_wait3A_690 = arith.constant 0 : i32
    %dma_wait3A_691 = tpu.memref_slice %arg7[%dma_wait3A_673, %dma_wait3A_688, %dma_wait3A_689, %dma_wait3A_690] : memref<2x1x200x64xf32, #tpu.memory_space<vmem>> -> memref<1x1x200x64xf32, #tpu.memory_space<vmem>>
    %dma_wait3A_692 = tpu.memref_squeeze %dma_wait3A_691 : memref<1x1x200x64xf32, #tpu.memory_space<vmem>> -> memref<1x200x64xf32, #tpu.memory_space<vmem>>
    tpu.wait_dma2 semaphore(%dma_wait3A_684 : memref<!tpu.dma_semaphore, #tpu.memory_space<semaphore_mem>>) src(%dma_wait3A_692 : memref<1x200x64xf32, #tpu.memory_space<vmem>>) dst(%dma_wait3A_687 : memref<1x200x64xf32, #tpu.memory_space<hbm>>)
    return
  }
}

</mosaic_0001>

<sc_bundles>
// kernel: kernel.3.cloned.1.call-start
scs
__scs_entry_jumppad:
0x0: {  	(pc) =	sbr.rel $0x88, $3  }
0x1: {  	(tag) =	ssettag $0x0;
	lr =	simm.s32 $0x1  }
0x2: {  	[smem:$0x3F9F] =	sst lr;
	_ =	strace $0xD0000000  }
0x3: {  	_ = 	snop  }
0x4: {  	_ = 	snop  }
0x5: {  	_ = 	snop  }
0x6: {  	_ = 	snop  }
0x7: {  	_ = 	snop  }
__scs_overlays_trampoline_lowered:
0x8: {  	[smem:$0x3FAE] =	sst s0  }
0x9: {  	[smem:$0x3FAF] =	sst s1  }
0xa: {  	[smem:$0x3FB0] =	sst s2  }
0xb: {  	[smem:$0x3FB1] =	sst s3  }
0xc: {  	[smem:$0x3FB2] =	sst s4  }
0xd: {  	[smem:$0x3FB3] =	sst s5  }
0xe: {  	[smem:$0x3FB4] =	sst s6  }
0xf: {  	[smem:$0x3FB5] =	sst s7  }
0x10: {  	[smem:$0x3FB6] =	sst s8  }
0x11: {  	[smem:$0x3FB7] =	sst s9;
	s0 =	simm.s32 @!p0 $0x0  }
0x12: {  	s1 =	sld [smem:$0x3F9D];
	s0 =	simm.s32 @p0 $0x1  }
0x13: {  	[smem:$0x3FB8] =	sst s0;
	s0 =	simm.s32 @!p1 $0x0  }
0x14: {  	s2 =	sld [smem:$0x3F9C];
	s0 =	simm.s32 @p1 $0x1  }
0x15: {  	[smem:$0x3FB9] =	sst s0;
	s0 =	simm.s32 @!p2 $0x0  }
0x16: {  	s3 =	sld [smem:$0x3FDB];
	s0 =	simm.s32 @p2 $0x1  }
0x17: {  	s4 =	simm.s32 $0x1BF5;
	[smem:$0x3FBB] =	sst s0  }
0x18: {  	s0 =	sld [smem:$0x3F9E];
	_ =	swait.ge [sflag:s4], $0x0  }
0x19: {  	s7 =	sld [smem:$0x3F9F]  }
0x1a: {  	s8 =	sadd.s32 $0xFFFFE003, lr  }
0x1b: {  	s9 =	sadd.s32 $0xFFFFFEF7, lr;
	s5 =	simm.s32 $0xFFFFFFFF;
	p2 =	slt.u32 s8, $0xFFFFF086  }
0x1c: {  	p1 =	slt.u32 s9, $0xF7A;
	s5 =	simm.s32 @!p2 $0x0  }
0x1d: {  	s5 =	simm.s32 @p1 $0x1;
	p0 =	seq.s32 s7, s2  }
0x1e: {  	s7 =	smul.u32 @!p0 $0xF7A, s2;
	p2 =	seq.s32 @!p0 s5, $0x0  }
0x1f: {  	s9 =	smul.u32 $0xF7A, s1;
	s8 =	simm.s32 @!p0 $0x1BF5;
	p2 =	por !p2, p0  }
0x20: {  	[sflag:s8] =	ssyncset.s32 @!p0 $0xFFFFF086;
	s6 =	sadd.s32 @!p0 s3, s7;
	s7 =	simm.s32 @!p0 $0x108  }
0x21: {  	s3 =	sadd.s32 s3, s9;
	s6 =	sadd.s32 @!p0 $0x88, s6;
	s7 =	simm.s32 @p2 $0x1082  }
0x22: {  	[simem:s7], [sflag:s8] =	dma.local @!p0 [hbm:s6], $0xF7A  }
0x23: {  	s9 =	sor.u32 $0xD0000000, s2;
	s6 =	simm.s32 $0x108;
	_ =	swait.ge @!p0 [sflag:s8], $0x0  }
0x24: {  	s3 =	sadd.s32 $0x88, s3;
	s6 =	simm.s32 @!p1 $0x1082;
	[sflag:s4] =	ssyncset.s32 $0xFFFFF086  }
0x25: {  	[simem:s6], [sflag:s4] =	dma.local [hbm:s3], $0xF7A  }
0x26: {  	[smem:$0x3F9F] =	sst s1;
	(tag) =	ssettag s2;
	_ =	strace s9  }
0x27: {  	s1 =	sld [smem:$0x3FAF]  }
0x28: {  	s2 =	sld [smem:$0x3FB0]  }
0x29: {  	s4 =	sld [smem:$0x3FB2]  }
0x2a: {  	p0 =	seq.s32 s5, $0x0;
	s5 =	sld [smem:$0x3FB3]  }
0x2b: {  	s6 =	sld [smem:$0x3FB4]  }
0x2c: {  	s7 =	sld [smem:$0x3FB5]  }
0x2d: {  	s3 =	simm.s32 $0x108;
	s8 =	sld [smem:$0x3FB6]  }
0x2e: {  	s3 =	simm.s32 @!p0 $0x1082;
	s9 =	sld [smem:$0x3FB7]  }
0x2f: {  	lr =	sadd.s32 s0, s3;
	s0 =	sld [smem:$0x3FAE]  }
0x30: {  	s3 =	sld [smem:$0x3FB1]  }
0x31: {  	[smem:$0x3FBA] =	sst s10  }
0x32: {  	s10 =	sld [smem:$0x3FB8];
	_ =	sdelay $0x3  }
0x33: {  	p0 =	seq.s32 s10, $0x1;
	s10 =	sld [smem:$0x3FBA];
	_ =	sdelay $0x3  }
0x34: {  	[smem:$0x3FBA] =	sst s10  }
0x35: {  	s10 =	sld [smem:$0x3FB9];
	_ =	sdelay $0x3  }
0x36: {  	p1 =	seq.s32 s10, $0x1;
	s10 =	sld [smem:$0x3FBA];
	_ =	sdelay $0x3  }
0x37: {  	[smem:$0x3FBA] =	sst s10  }
0x38: {  	s10 =	sld [smem:$0x3FBB]  }
0x39: {  	_ = 	snop;
	(pc) =	sbr.ind lr, $3  }
0x3a: {  	_ = 	snop  }
0x3b: {  	_ = 	snop  }
0x3c: {  	p2 =	seq.s32 s10, $0x1;
	s10 =	sld [smem:$0x3FBA]  }
0x3d: {  	_ =	shalt  }
0x3e: {  	_ =	shalt  }
0x3f: {  	_ =	shalt  }
0x40: {  	_ =	shalt  }
0x41: {  	_ =	shalt  }
0x42: {  	_ =	shalt  }
0x43: {  	_ =	shalt  }
0x44: {  	_ =	shalt  }
0x45: {  	_ =	shalt  }
0x46: {  	_ =	shalt  }
0x47: {  	_ =	shalt  }
0x48: {  	_ =	shalt  }
0x49: {  	_ =	shalt  }
0x4a: {  	_ =	shalt  }
0x4b: {  	_ =	shalt  }
0x4c: {  	_ =	shalt  }
0x4d: {  	_ =	shalt  }
0x4e: {  	_ =	shalt  }
0x4f: {  	_ =	shalt  }
0x50: {  	_ =	shalt  }
0x51: {  	_ =	shalt  }
0x52: {  	_ =	shalt  }
0x53: {  	_ =	shalt  }
0x54: {  	_ =	shalt  }
0x55: {  	_ =	shalt  }
0x56: {  	_ =	shalt  }
0x57: {  	_ =	shalt  }
0x58: {  	_ =	shalt  }
0x59: {  	_ =	shalt  }
0x5a: {  	_ =	shalt  }
0x5b: {  	_ =	shalt  }
0x5c: {  	_ =	shalt  }
0x5d: {  	_ =	shalt  }
0x5e: {  	_ =	shalt  }
0x5f: {  	_ =	shalt  }
0x60: {  	_ =	shalt  }
0x61: {  	_ =	shalt  }
0x62: {  	_ =	shalt  }
0x63: {  	_ =	shalt  }
0x64: {  	_ =	shalt  }
0x65: {  	_ =	shalt  }
0x66: {  	_ =	shalt  }
0x67: {  	_ =	shalt  }
0x68: {  	_ =	shalt  }
0x69: {  	_ =	shalt  }
0x6a: {  	_ =	shalt  }
0x6b: {  	_ =	shalt  }
0x6c: {  	_ =	shalt  }
0x6d: {  	_ =	shalt  }
0x6e: {  	_ =	shalt  }
0x6f: {  	_ =	shalt  }
0x70: {  	_ =	shalt  }
0x71: {  	_ =	shalt  }
0x72: {  	_ =	shalt  }
0x73: {  	_ =	shalt  }
0x74: {  	_ =	shalt  }
0x75: {  	_ =	shalt  }
0x76: {  	_ =	shalt  }
0x77: {  	_ =	shalt  }
0x78: {  	_ =	shalt  }
0x79: {  	_ =	shalt  }
0x7a: {  	_ =	shalt  }
0x7b: {  	_ =	shalt  }
0x7c: {  	_ =	shalt  }
0x7d: {  	_ =	shalt  }
0x7e: {  	_ =	shalt  }
0x7f: {  	_ =	shalt  }
0x80: {  	_ =	shalt  }
0x81: {  	_ =	shalt  }
0x82: {  	_ =	shalt  }
0x83: {  	_ =	shalt  }
0x84: {  	_ =	shalt  }
0x85: {  	_ =	shalt  }
0x86: {  	_ =	shalt  }
0x87: {  	_ =	shalt  }
.Lfunc_end0:
.L_simem_size_0:
called_computation.1_lowered:
.L_overlay_start_0:
0x88: {  	s2 =	sld [smem:$0x3FD9]  }
0x89: {  	s3 =	sld [smem:$0x3FFE];
	_ =	sdelay $0x1  }
0x8a: {  	s1 =	srdreg.scid  }
0x8b: {  	s0 =	sand.u32 $0x1, s1  }
0x8c: {  	s17 =	sshll.u32 s0, $0xA;
	s2 =	sadd.s32 s3, s2  }
0x8d: {  	s2 =	sadd.s32 s2, s17  }
0x8e: {  	[smem:$0x3FC6] =	sst s2  }
0x8f: {  	_ = 	snop  }
0x90: {  	s2 =	sld [smem:$0x3FD0];
	(tm) =	ssettm $0x1  }
0x91: {  	s18 =	sld [smem:$0x3FFB];
	_ =	sdelay $0x3  }
0x92: {  	_ =	strace s18  }
0x93: {  	s3 =	sld [smem:$0x3FFC];
	_ =	sdelay $0x3  }
0x94: {  	_ =	strace s3  }
0x95: {  	s3 =	sld [smem:$0x3FFD];
	_ =	sdelay $0x3  }
0x96: {  	_ =	strace s3  }
0x97: {  	_ =	strace $0x8FFFFFFF  }
0x98: {  	s19 =	sld [smem:$0x3FDB];
	_ =	sdelay $0x1  }
0x99: {  	s4 =	simm.s32 $_scs_section_size  }
0x9a: {  	s5 =	simm.s32 $_size__tile_overlayer_lowered;
	s6 =	simm.s32 $_tile_overlayer_lowered  }
0x9b: {  	s22 =	simm.s32 $0x1BFF;
	s21 =	sshll.u32 s6, $0x1;
	s3 =	sadd.s32 s4, s19  }
0x9c: {  	s7 =	simm.s32 $0x0;
	s20 =	sshll.u32 s5, $0x1;
	s5 =	sadd.s32 s21, s3  }
0x9d: {  	[timem:s7], [sflag:s22] =	dma.local [hbm:s5], s20  }
0x9e: {  	_ =	swait.ge [sflag:s22], s20  }
0x9f: {  	s4 =	ssub.s32 $0x0, s20;
	[sflag:s22] =	ssyncset.done $0x0  }
0xa0: {  	[sflag:s22] =	ssyncadd.s32 s4;
	_ =	sdelay $0x1  }
0xa1: {  	s23 =	simm.s32 $0x1B8B  }
0xa2: {  	_ =	swait.ge [sflag:s23], $0x1  }
0xa3: {  	[sflag:s23] =	ssyncset.done $0x0  }
0xa4: {  	s25 =	simm.s32 $0x1B8E;
	s24 =	sld [smem:$0x3FFE];
	[sflag:s23] =	ssyncadd.s32 $0xFFFFFFFF  }
0xa5: {  	s26 =	simm.s32 $execute0_lowered;
	[smem:$0x3FD2] =	sst s25  }
0xa6: {  	s5 =	sshll.u32 s26, $0x1;
	_ =	strace $0x80000046;
	[dreg:$0x1] =	wrdreg $0xFFFFFFFF  }
0xa7: {  	s28 =	simm.s32 $_size_execute0_lowered;
	s3 =	sadd.s32 s3, s5;
	[dreg:$0x0] =	wrdreg $0x0  }
0xa8: {  	s5 =	sshll.u32 s28, $0x1;
	[dreg:$0x2] =	wrdreg s3  }
0xa9: {  	[dreg:$0x3] =	wrdreg s5  }
0xaa: {  	[dreg:$0x4] =	wrdreg $0xC0  }
0xab: {  	_ =	task [dreg:s7], $0x5FFFF  }
0xac: {  	[dreg:$0x1] =	wrdreg $0xFFFFFFFF  }
0xad: {  	[dreg:$0x0] =	wrdreg $0x60  }
0xae: {  	[dreg:$0x2] =	wrdreg s24  }
0xaf: {  	[dreg:$0x3] =	wrdreg s2  }
0xb0: {  	[dreg:$0x4] =	wrdreg $0x9  }
0xb1: {  	_ =	task.clear_ibuf [dreg:s7], $0x5FFFF;
	_ =	strace $0x90000046  }
0xb2: {  	s29 =	simm.s32 $0x9;
	_ =	strace $0x80000048  }
0xb3: {  	_ =	swait.ge [sflag:s29], $0x1  }
0xb4: {  	[sflag:s29] =	ssyncadd.s32 $0xFFFFFFFF  }
0xb5: {  	_ =	strace $0x90000048  }
0xb6: {  	_ =	sfence  }
0xb7: {  	s30 =	sld [smem:$0x0];
	_ =	sdelay $0x2  }
0xb8: {  	s31 =	sshll.u32 s1, $0xD;
	s1 =	sshrl.u32 s1, $0x2  }
0xb9: {  	s3 =	sand.u32 $0x4000, s31;
	s1 =	sadd.s32 s1, s30  }
0xba: {  	s0 =	sor.u32 s3, s0;
	s1 =	sshll.u32 s1, $0x11  }
0xbb: {  	s0 =	sor.u32 s1, s0  }
0xbc: {  	s0 =	sadd.s32 $0x8F2B, s0  }
0xbd: {  	[sflag:s0] =	ssyncadd.remote.s32 $0x1  }
0xbe: {  	_ =	sfence.sel $0xFFFF  }
0xbf: {  	[dreg:$0x0] =	wrdreg $0xFFFFFFFF;
	(pc) =	sbr.abs _section_cstart, $3  }
0xc0: {  	[dreg:$0x1] =	wrdreg $0xFFFFFFFF  }
0xc1: {  	_ =	task.clear_ibuf [dreg:s7], $0x2FFFF;
	_ =	strace $0x9FFFFFFF  }
0xc2: {  	(tm) =	ssettm $0x7FFFFFFF  }
0xc3: {  	_ =	shalt  }
tec
execute0_lowered:
.L_overlay_start_1:
0x0: {  	(tag) =	ssettag $0x1  }
0x1: {  	s0 =	srdreg.scid;
	s1 =	rddreg [dreg:$0x0]  }
0x2: {  	s3 =	stileid.u32;
	s2 =	rddreg [dreg:$0x1];
	s28 =	simm.s32 $0x1  }
0x3: {  	s30 =	simm.s32 $0x12C00;
	s31 =	simm.s32 $0x2;
	s0 =	sand.u32 $0x1, s0  }
0x4: {  	s4 =	sshll.u32 s3, $0x8;
	s3 =	simm.s32 $0x0;
	s5 =	sshll.u32 s0, $0x7  }
0x5: {  	s29 =	simm.s32 $0x6;
	[smem:$0x7FF] =	sst s3;
	s4 =	sor.u32 s5, s4  }
0x6: {  	s0 =	ssub.s32 $0x2, s0;
	_ =	strace $0x80000047;
	s6 =	smul.u32 $0x19, s4  }
0x7: {  	s5 =	sadd.s32 $0xF42E00, s1;
	s8 =	sshrl.u32 s0, $0x1;
	s7 =	smul.u32 $0x640, s4  }
0x8: {  	s19 =	smul.u32 $0x3200, s4;
	s0 =	ssub.s32 s0, s8;
	s11 =	sor.u32 $0x1, s4  }
0x9: {  	s12 =	sor.u32 $0x2, s4;
	s13 =	sor.u32 $0x3, s4;
	s1 =	sadd.s32 s6, s1  }
0xa: {  	s18 =	smax.u32 s0, $0x1;
	s6 =	sadd.s32 s2, s7;
	s1 =	sadd.s32 $0xA00, s1  }
0xb: {  	s0 =	simm.s32 $0x15E00;
	s20 =	sadd.s32 $0x640, s6;
	[dreg:$0x3] =	wrdreg s1  }
0xc: {  	s23 =	sshrl.u32 s19, $0x3;
	s21 =	sadd.s32 $0xC80, s6;
	[dreg:$0x4] =	wrdreg s20  }
0xd: {  	s19 =	simm.s32 $0x7;
	s22 =	sadd.s32 $0x12C0, s6;
	[dreg:$0x5] =	wrdreg s21  }
0xe: {  	s7 =	simm.s32 $0x0;
	[dreg:$0x6] =	wrdreg s22;
	s1 =	sadd.s32 s2, s23  }
0xf: {  	s20 =	simm.s32 $0xC8;
	s21 =	simm.s32 $0x6400;
	s24 =	sadd.s32 $0x30700, s1  }
0x10: {  	s22 =	simm.s32 $0x9600;
	s25 =	sadd.s32 $0x30D40, s1;
	[dreg:$0x7] =	wrdreg s24  }
0x11: {  	s23 =	simm.s32 $0x3;
	s26 =	sadd.s32 $0x31380, s1;
	[dreg:$0x8] =	wrdreg s25  }
0x12: {  	s17 =	sadd.s32 $0x319C0, s1;
	s1 =	simm.s32 $0x4;
	[dreg:$0x9] =	wrdreg s26  }
0x13: {  	s24 =	simm.s32 $0xC800;
	s26 =	simm.s32 $0xFA00;
	s25 =	simm.s32 $0x5  }
.LBB2_1:
0x14: {  	s8 =	rddreg [dreg:$0x3]  }
0x15: {  	[tilespmem:s3], [sflag:$0x7] =	stream.linear.gather [hbm4b:s8+s3], $0x6400, $0x38;
	[tilespmem:$0x19000] =	vst v63  }
0x16: {  	_ =	swait.ge [sflag:s19], $0x6400  }
0x17: {  	[sflag:s19] =	ssyncset.done $0x0  }
0x18: {  	[sflag:s19] =	ssyncadd.s32 $0xFFFF9C00  }
0x19: {  	[tilespmem:s21], [sflag:$0x1] =	stream.indirect.gather [hbm4b:s5+s20], $0x40, s3, s20, $0xb8;
	[tilespmem:$0x19000] =	vst v63  }
0x1a: {  	_ = 	snop  }
0x1b: {  	[tilespmem:s22], [sflag:$0x2] =	stream.indirect.gather [hbm4b:s5+s20], $0x40, s20, s20, $0xb8;
	[tilespmem:$0x19000] =	vst v63  }
0x1c: {  	s15 =	simm.s32 $0x190  }
0x1d: {  	[tilespmem:s24], [sflag:$0x3] =	stream.indirect.gather [hbm4b:s5+s20], $0x40, s15, s20, $0xb8;
	[tilespmem:$0x19000] =	vst v63  }
0x1e: {  	s16 =	simm.s32 $0x258  }
0x1f: {  	[tilespmem:s26], [sflag:$0x4] =	stream.indirect.gather [hbm4b:s5+s20], $0x40, s16, s20, $0xb8;
	[tilespmem:$0x19000] =	vst v63  }
0x20: {  	_ =	swait.ge [sflag:s28], $0x3200  }
0x21: {  	[sflag:s28] =	ssyncset.done $0x0  }
0x22: {  	s9 =	simm.s32 $0x70;
	[sflag:s28] =	ssyncadd.s32 $0xFFFFCE00  }
0x23: {  	v1 =	vld [tilespmem:s9+$0x6400]  }
0x24: {  	v5 =	vld [tilespmem:s9+$0x6390]  }
0x25: {  	v6 =	vld [tilespmem:s9+$0x63A0]  }
0x26: {  	v4 =	vld [tilespmem:s9+$0x63B0]  }
0x27: {  	v3 =	vld [tilespmem:s9+$0x63C0]  }
0x28: {  	v0 =	vld [tilespmem:s9+$0x63D0];
	v7 =	vmul.f32 $8.000000000e+00, v1  }
0x29: {  	v1 =	vld [tilespmem:s9+$0x63E0];
	v5 =	vmul.f32 $8.000000000e+00, v5  }
0x2a: {  	s10 =	simm.s32 $0x5C0;
	s8 =	simm.s32 $0xF0;
	v2 =	vld [tilespmem:s9+$0x63F0];
	v6 =	vmul.f32 $8.000000000e+00, v6;
	[tilespmem:s9+$0x12C00] =	vst v7  }
.LBB2_2:
0x2b: {  	p0 =	sne.s32 s10, $0xC7C0;
	v7 =	vld [tilespmem:s8+$0x6400];
	[tilespmem:s9+$0x12B90] =	vst v5;
	v4 =	vmul.f32 $8.000000000e+00, v4  }
0x2c: {  	v5 =	vld [tilespmem:s8+$0x6390];
	[tilespmem:s9+$0x12BA0] =	vst v6;
	v3 =	vmul.f32 $8.000000000e+00, v3  }
0x2d: {  	v6 =	vld [tilespmem:s8+$0x63A0];
	[tilespmem:s9+$0x12BB0] =	vst v4;
	v0 =	vmul.f32 $8.000000000e+00, v0  }
.Ltmp0:
0x2e: {  	v4 =	vld [tilespmem:s8+$0x63B0];
	[tilespmem:s9+$0x12BC0] =	vst v3;
	v1 =	vmul.f32 $8.000000000e+00, v1;
	(pc) =	sbr.rel @p0 .LBB2_2-.Ltmp0, $4  }
0x2f: {  	v3 =	vld [tilespmem:s8+$0x63C0];
	[tilespmem:s9+$0x12BD0] =	vst v0;
	v2 =	vmul.f32 $8.000000000e+00, v2  }
0x30: {  	v0 =	vld [tilespmem:s8+$0x63D0];
	v7 =	vmul.f32 $8.000000000e+00, v7;
	[tilespmem:s9+$0x12BE0] =	vst v1  }
0x31: {  	v5 =	vmul.f32 $8.000000000e+00, v5;
	v1 =	vld [tilespmem:s8+$0x63E0];
	[tilespmem:s9+$0x12BF0] =	vst v2;
	s9 =	smov.u32 s8  }
0x32: {  	s8 =	sshra.s32 s10, $0x2;
	s10 =	sadd.s32 $0x200, s10;
	v6 =	vmul.f32 $8.000000000e+00, v6;
	v2 =	vld [tilespmem:s9+$0x63F0];
	[tilespmem:s9+$0x12C00] =	vst v7  }
0x33: {  	v7 =	vld [tilespmem:s8+$0x6400];
	[tilespmem:s9+$0x12B90] =	vst v5;
	v4 =	vmul.f32 $8.000000000e+00, v4  }
0x34: {  	v5 =	vld [tilespmem:s8+$0x6390];
	[tilespmem:s9+$0x12BA0] =	vst v6;
	v3 =	vmul.f32 $8.000000000e+00, v3  }
0x35: {  	v6 =	vld [tilespmem:s8+$0x63A0];
	[tilespmem:s9+$0x12BB0] =	vst v4;
	v0 =	vmul.f32 $8.000000000e+00, v0  }
0x36: {  	v4 =	vld [tilespmem:s8+$0x63B0];
	[tilespmem:s9+$0x12BC0] =	vst v3;
	v1 =	vmul.f32 $8.000000000e+00, v1  }
0x37: {  	v3 =	vld [tilespmem:s8+$0x63C0];
	[tilespmem:s9+$0x12BD0] =	vst v0;
	v2 =	vmul.f32 $8.000000000e+00, v2  }
0x38: {  	v0 =	vld [tilespmem:s8+$0x63D0];
	[tilespmem:s9+$0x12BE0] =	vst v1;
	v7 =	vmul.f32 $8.000000000e+00, v7  }
0x39: {  	v1 =	vld [tilespmem:s8+$0x63E0];
	[tilespmem:s9+$0x12BF0] =	vst v2;
	v2 =	vmul.f32 $8.000000000e+00, v5  }
0x3a: {  	v5 =	vld [tilespmem:s8+$0x63F0];
	v6 =	vmul.f32 $8.000000000e+00, v6;
	[tilespmem:s8+$0x12C00] =	vst v7  }
0x3b: {  	[tilespmem:s8+$0x12B90] =	vst v2;
	v2 =	vmul.f32 $8.000000000e+00, v4  }
0x3c: {  	[tilespmem:s8+$0x12BA0] =	vst v6;
	v3 =	vmul.f32 $8.000000000e+00, v3  }
0x3d: {  	[tilespmem:s8+$0x12BB0] =	vst v2;
	v0 =	vmul.f32 $8.000000000e+00, v0  }
0x3e: {  	[tilespmem:s8+$0x12BC0] =	vst v3;
	v1 =	vmul.f32 $8.000000000e+00, v1  }
0x3f: {  	[tilespmem:s8+$0x12BD0] =	vst v0;
	v0 =	vmul.f32 $8.000000000e+00, v5  }
0x40: {  	[tilespmem:s8+$0x12BE0] =	vst v1  }
0x41: {  	s15 =	simm.s32 $0x320;
	[tilespmem:s8+$0x12BF0] =	vst v0  }
0x42: {  	[tilespmem:s21], [sflag:$0x1] =	stream.indirect.gather [hbm4b:s5+s20], $0x40, s15, s20, $0xb8;
	[tilespmem:$0x19000] =	vst v63  }
0x43: {  	s16 =	simm.s32 $0x0  }
0x44: {  	[hbm4b:s6+s16] =	stream.linear.scatter [tilespmem:s30], [sflag:$0x5], $0x3200, $0x38;
	[tilespmem:$0x19000] =	vst v63  }
0x45: {  	_ =	swait.ge [sflag:s31], $0x3200  }
0x46: {  	[sflag:s31] =	ssyncset.done $0x0  }
0x47: {  	s9 =	simm.s32 $0x0;
	[sflag:s31] =	ssyncadd.s32 $0xFFFFCE00  }
0x48: {  	v1 =	vld [tilespmem:s9+$0x9670]  }
0x49: {  	v5 =	vld [tilespmem:s9+$0x9600]  }
0x4a: {  	v6 =	vld [tilespmem:s9+$0x9610]  }
0x4b: {  	v4 =	vld [tilespmem:s9+$0x9620]  }
0x4c: {  	v3 =	vld [tilespmem:s9+$0x9630]  }
0x4d: {  	v0 =	vld [tilespmem:s9+$0x9640];
	v7 =	vmul.f32 $8.000000000e+00, v1  }
0x4e: {  	v1 =	vld [tilespmem:s9+$0x9650];
	v5 =	vmul.f32 $8.000000000e+00, v5  }
0x4f: {  	s10 =	simm.s32 $0x400;
	s8 =	simm.s32 $0x80;
	v2 =	vld [tilespmem:s9+$0x9660];
	v6 =	vmul.f32 $8.000000000e+00, v6;
	[tilespmem:s9+$0x15E70] =	vst v7  }
.LBB2_4:
0x50: {  	p0 =	sne.s32 s10, $0xC600;
	v7 =	vld [tilespmem:s8+$0x9670];
	[tilespmem:s9+$0x15E00] =	vst v5;
	v4 =	vmul.f32 $8.000000000e+00, v4  }
0x51: {  	v5 =	vld [tilespmem:s8+$0x9600];
	[tilespmem:s9+$0x15E10] =	vst v6;
	v3 =	vmul.f32 $8.000000000e+00, v3  }
0x52: {  	v6 =	vld [tilespmem:s8+$0x9610];
	[tilespmem:s9+$0x15E20] =	vst v4;
	v0 =	vmul.f32 $8.000000000e+00, v0  }
.Ltmp1:
0x53: {  	v4 =	vld [tilespmem:s8+$0x9620];
	[tilespmem:s9+$0x15E30] =	vst v3;
	v1 =	vmul.f32 $8.000000000e+00, v1;
	(pc) =	sbr.rel @p0 .LBB2_4-.Ltmp1, $4  }
0x54: {  	v3 =	vld [tilespmem:s8+$0x9630];
	[tilespmem:s9+$0x15E40] =	vst v0;
	v2 =	vmul.f32 $8.000000000e+00, v2  }
0x55: {  	v0 =	vld [tilespmem:s8+$0x9640];
	v7 =	vmul.f32 $8.000000000e+00, v7;
	[tilespmem:s9+$0x15E50] =	vst v1  }
0x56: {  	v5 =	vmul.f32 $8.000000000e+00, v5;
	v1 =	vld [tilespmem:s8+$0x9650];
	[tilespmem:s9+$0x15E60] =	vst v2;
	s9 =	smov.u32 s8  }
0x57: {  	s8 =	sshra.s32 s10, $0x2;
	s10 =	sadd.s32 $0x200, s10;
	v6 =	vmul.f32 $8.000000000e+00, v6;
	v2 =	vld [tilespmem:s9+$0x9660];
	[tilespmem:s9+$0x15E70] =	vst v7  }
0x58: {  	v7 =	vld [tilespmem:s8+$0x9670];
	[tilespmem:s9+$0x15E00] =	vst v5;
	v4 =	vmul.f32 $8.000000000e+00, v4  }
0x59: {  	v5 =	vld [tilespmem:s8+$0x9600];
	[tilespmem:s9+$0x15E10] =	vst v6;
	v3 =	vmul.f32 $8.000000000e+00, v3  }
0x5a: {  	v6 =	vld [tilespmem:s8+$0x9610];
	[tilespmem:s9+$0x15E20] =	vst v4;
	v0 =	vmul.f32 $8.000000000e+00, v0  }
0x5b: {  	v4 =	vld [tilespmem:s8+$0x9620];
	[tilespmem:s9+$0x15E30] =	vst v3;
	v1 =	vmul.f32 $8.000000000e+00, v1  }
0x5c: {  	v3 =	vld [tilespmem:s8+$0x9630];
	[tilespmem:s9+$0x15E40] =	vst v0;
	v2 =	vmul.f32 $8.000000000e+00, v2  }
0x5d: {  	v0 =	vld [tilespmem:s8+$0x9640];
	[tilespmem:s9+$0x15E50] =	vst v1;
	v7 =	vmul.f32 $8.000000000e+00, v7  }
0x5e: {  	v1 =	vld [tilespmem:s8+$0x9650];
	[tilespmem:s9+$0x15E60] =	vst v2;
	v2 =	vmul.f32 $8.000000000e+00, v5  }
0x5f: {  	v5 =	vld [tilespmem:s8+$0x9660];
	v6 =	vmul.f32 $8.000000000e+00, v6;
	[tilespmem:s8+$0x15E70] =	vst v7  }
0x60: {  	[tilespmem:s8+$0x15E00] =	vst v2;
	v2 =	vmul.f32 $8.000000000e+00, v4  }
0x61: {  	[tilespmem:s8+$0x15E10] =	vst v6;
	v3 =	vmul.f32 $8.000000000e+00, v3  }
0x62: {  	[tilespmem:s8+$0x15E20] =	vst v2;
	v0 =	vmul.f32 $8.000000000e+00, v0  }
0x63: {  	[tilespmem:s8+$0x15E30] =	vst v3;
	v1 =	vmul.f32 $8.000000000e+00, v1  }
0x64: {  	[tilespmem:s8+$0x15E40] =	vst v0;
	v0 =	vmul.f32 $8.000000000e+00, v5  }
0x65: {  	[tilespmem:s8+$0x15E50] =	vst v1  }
0x66: {  	s14 =	simm.s32 $0x3E8;
	[tilespmem:s8+$0x15E60] =	vst v0  }
0x67: {  	[tilespmem:s22], [sflag:$0x2] =	stream.indirect.gather [hbm4b:s5+s20], $0x40, s14, s20, $0xb8;
	[tilespmem:$0x19000] =	vst v63  }
0x68: {  	s15 =	simm.s32 $0x0;
	s16 =	rddreg [dreg:$0x4]  }
0x69: {  	[hbm4b:s16+s15] =	stream.linear.scatter [tilespmem:s0], [sflag:$0x6], $0x3200, $0x38;
	[tilespmem:$0x19000] =	vst v63  }
0x6a: {  	_ =	swait.ge [sflag:s23], $0x3200  }
0x6b: {  	[sflag:s23] =	ssyncset.done $0x0  }
0x6c: {  	[sflag:s23] =	ssyncadd.s32 $0xFFFFCE00  }
0x6d: {  	_ =	swait.ge [sflag:s25], $0x3200  }
0x6e: {  	[sflag:s25] =	ssyncset.done $0x0  }
0x6f: {  	s9 =	simm.s32 $0x0;
	[sflag:s25] =	ssyncadd.s32 $0xFFFFCE00  }
0x70: {  	v1 =	vld [tilespmem:s9+$0xC870]  }
0x71: {  	v5 =	vld [tilespmem:s9+$0xC800]  }
0x72: {  	v6 =	vld [tilespmem:s9+$0xC810]  }
0x73: {  	v4 =	vld [tilespmem:s9+$0xC820]  }
0x74: {  	v3 =	vld [tilespmem:s9+$0xC830]  }
0x75: {  	v0 =	vld [tilespmem:s9+$0xC840];
	v7 =	vmul.f32 $8.000000000e+00, v1  }
0x76: {  	v1 =	vld [tilespmem:s9+$0xC850];
	v5 =	vmul.f32 $8.000000000e+00, v5  }
0x77: {  	s10 =	simm.s32 $0x400;
	s8 =	simm.s32 $0x80;
	v2 =	vld [tilespmem:s9+$0xC860];
	v6 =	vmul.f32 $8.000000000e+00, v6;
	[tilespmem:s9+$0x12C70] =	vst v7  }
.LBB2_6:
0x78: {  	p0 =	sne.s32 s10, $0xC600;
	v7 =	vld [tilespmem:s8+$0xC870];
	[tilespmem:s9+$0x12C00] =	vst v5;
	v4 =	vmul.f32 $8.000000000e+00, v4  }
0x79: {  	v5 =	vld [tilespmem:s8+$0xC800];
	[tilespmem:s9+$0x12C10] =	vst v6;
	v3 =	vmul.f32 $8.000000000e+00, v3  }
0x7a: {  	v6 =	vld [tilespmem:s8+$0xC810];
	[tilespmem:s9+$0x12C20] =	vst v4;
	v0 =	vmul.f32 $8.000000000e+00, v0  }
.Ltmp2:
0x7b: {  	v4 =	vld [tilespmem:s8+$0xC820];
	[tilespmem:s9+$0x12C30] =	vst v3;
	v1 =	vmul.f32 $8.000000000e+00, v1;
	(pc) =	sbr.rel @p0 .LBB2_6-.Ltmp2, $4  }
0x7c: {  	v3 =	vld [tilespmem:s8+$0xC830];
	[tilespmem:s9+$0x12C40] =	vst v0;
	v2 =	vmul.f32 $8.000000000e+00, v2  }
0x7d: {  	v0 =	vld [tilespmem:s8+$0xC840];
	v7 =	vmul.f32 $8.000000000e+00, v7;
	[tilespmem:s9+$0x12C50] =	vst v1  }
0x7e: {  	v5 =	vmul.f32 $8.000000000e+00, v5;
	v1 =	vld [tilespmem:s8+$0xC850];
	[tilespmem:s9+$0x12C60] =	vst v2;
	s9 =	smov.u32 s8  }
0x7f: {  	s8 =	sshra.s32 s10, $0x2;
	s10 =	sadd.s32 $0x200, s10;
	v6 =	vmul.f32 $8.000000000e+00, v6;
	v2 =	vld [tilespmem:s9+$0xC860];
	[tilespmem:s9+$0x12C70] =	vst v7  }
0x80: {  	v7 =	vld [tilespmem:s8+$0xC870];
	[tilespmem:s9+$0x12C00] =	vst v5;
	v4 =	vmul.f32 $8.000000000e+00, v4  }
0x81: {  	v5 =	vld [tilespmem:s8+$0xC800];
	[tilespmem:s9+$0x12C10] =	vst v6;
	v3 =	vmul.f32 $8.000000000e+00, v3  }
0x82: {  	v6 =	vld [tilespmem:s8+$0xC810];
	[tilespmem:s9+$0x12C20] =	vst v4;
	v0 =	vmul.f32 $8.000000000e+00, v0  }
0x83: {  	v4 =	vld [tilespmem:s8+$0xC820];
	[tilespmem:s9+$0x12C30] =	vst v3;
	v1 =	vmul.f32 $8.000000000e+00, v1  }
0x84: {  	v3 =	vld [tilespmem:s8+$0xC830];
	[tilespmem:s9+$0x12C40] =	vst v0;
	v2 =	vmul.f32 $8.000000000e+00, v2  }
0x85: {  	v0 =	vld [tilespmem:s8+$0xC840];
	[tilespmem:s9+$0x12C50] =	vst v1;
	v7 =	vmul.f32 $8.000000000e+00, v7  }
0x86: {  	v1 =	vld [tilespmem:s8+$0xC850];
	[tilespmem:s9+$0x12C60] =	vst v2;
	v2 =	vmul.f32 $8.000000000e+00, v5  }
0x87: {  	v5 =	vld [tilespmem:s8+$0xC860];
	v6 =	vmul.f32 $8.000000000e+00, v6;
	[tilespmem:s8+$0x12C70] =	vst v7  }
0x88: {  	[tilespmem:s8+$0x12C00] =	vst v2;
	v2 =	vmul.f32 $8.000000000e+00, v4  }
0x89: {  	[tilespmem:s8+$0x12C10] =	vst v6;
	v3 =	vmul.f32 $8.000000000e+00, v3  }
0x8a: {  	[tilespmem:s8+$0x12C20] =	vst v2;
	v0 =	vmul.f32 $8.000000000e+00, v0  }
0x8b: {  	[tilespmem:s8+$0x12C30] =	vst v3;
	v1 =	vmul.f32 $8.000000000e+00, v1  }
0x8c: {  	[tilespmem:s8+$0x12C40] =	vst v0;
	v0 =	vmul.f32 $8.000000000e+00, v5  }
0x8d: {  	[tilespmem:s8+$0x12C50] =	vst v1  }
0x8e: {  	s14 =	simm.s32 $0x4B0;
	[tilespmem:s8+$0x12C60] =	vst v0  }
0x8f: {  	[tilespmem:s24], [sflag:$0x3] =	stream.indirect.gather [hbm4b:s5+s20], $0x40, s14, s20, $0xb8;
	[tilespmem:$0x19000] =	vst v63  }
0x90: {  	s15 =	simm.s32 $0x0;
	s16 =	rddreg [dreg:$0x5]  }
0x91: {  	[hbm4b:s16+s15] =	stream.linear.scatter [tilespmem:s30], [sflag:$0x5], $0x3200, $0x38;
	[tilespmem:$0x19000] =	vst v63  }
0x92: {  	_ =	swait.ge [sflag:s1], $0x3200  }
0x93: {  	[sflag:s1] =	ssyncset.done $0x0  }
0x94: {  	[sflag:s1] =	ssyncadd.s32 $0xFFFFCE00  }
0x95: {  	_ =	swait.ge [sflag:s29], $0x3200  }
0x96: {  	[sflag:s29] =	ssyncset.done $0x0  }
0x97: {  	s9 =	simm.s32 $0x0;
	[sflag:s29] =	ssyncadd.s32 $0xFFFFCE00  }
0x98: {  	v1 =	vld [tilespmem:s9+$0xFA70]  }
0x99: {  	v5 =	vld [tilespmem:s9+$0xFA00]  }
0x9a: {  	v6 =	vld [tilespmem:s9+$0xFA10]  }
0x9b: {  	v4 =	vld [tilespmem:s9+$0xFA20]  }
0x9c: {  	v3 =	vld [tilespmem:s9+$0xFA30]  }
0x9d: {  	v0 =	vld [tilespmem:s9+$0xFA40];
	v7 =	vmul.f32 $8.000000000e+00, v1  }
0x9e: {  	v1 =	vld [tilespmem:s9+$0xFA50];
	v5 =	vmul.f32 $8.000000000e+00, v5  }
0x9f: {  	s10 =	simm.s32 $0x400;
	s8 =	simm.s32 $0x80;
	v2 =	vld [tilespmem:s9+$0xFA60];
	v6 =	vmul.f32 $8.000000000e+00, v6;
	[tilespmem:s9+$0x15E70] =	vst v7  }
.LBB2_8:
0xa0: {  	p0 =	sne.s32 s10, $0xC600;
	v7 =	vld [tilespmem:s8+$0xFA70];
	[tilespmem:s9+$0x15E00] =	vst v5;
	v4 =	vmul.f32 $8.000000000e+00, v4  }
0xa1: {  	v5 =	vld [tilespmem:s8+$0xFA00];
	[tilespmem:s9+$0x15E10] =	vst v6;
	v3 =	vmul.f32 $8.000000000e+00, v3  }
0xa2: {  	v6 =	vld [tilespmem:s8+$0xFA10];
	[tilespmem:s9+$0x15E20] =	vst v4;
	v0 =	vmul.f32 $8.000000000e+00, v0  }
.Ltmp3:
0xa3: {  	v4 =	vld [tilespmem:s8+$0xFA20];
	[tilespmem:s9+$0x15E30] =	vst v3;
	v1 =	vmul.f32 $8.000000000e+00, v1;
	(pc) =	sbr.rel @p0 .LBB2_8-.Ltmp3, $4  }
0xa4: {  	v3 =	vld [tilespmem:s8+$0xFA30];
	[tilespmem:s9+$0x15E40] =	vst v0;
	v2 =	vmul.f32 $8.000000000e+00, v2  }
0xa5: {  	v0 =	vld [tilespmem:s8+$0xFA40];
	v7 =	vmul.f32 $8.000000000e+00, v7;
	[tilespmem:s9+$0x15E50] =	vst v1  }
0xa6: {  	v5 =	vmul.f32 $8.000000000e+00, v5;
	v1 =	vld [tilespmem:s8+$0xFA50];
	[tilespmem:s9+$0x15E60] =	vst v2;
	s9 =	smov.u32 s8  }
0xa7: {  	s8 =	sshra.s32 s10, $0x2;
	s10 =	sadd.s32 $0x200, s10;
	v6 =	vmul.f32 $8.000000000e+00, v6;
	v2 =	vld [tilespmem:s9+$0xFA60];
	[tilespmem:s9+$0x15E70] =	vst v7  }
0xa8: {  	v7 =	vld [tilespmem:s8+$0xFA70];
	[tilespmem:s9+$0x15E00] =	vst v5;
	v4 =	vmul.f32 $8.000000000e+00, v4  }
0xa9: {  	v5 =	vld [tilespmem:s8+$0xFA00];
	[tilespmem:s9+$0x15E10] =	vst v6;
	v3 =	vmul.f32 $8.000000000e+00, v3  }
0xaa: {  	v6 =	vld [tilespmem:s8+$0xFA10];
	[tilespmem:s9+$0x15E20] =	vst v4;
	v0 =	vmul.f32 $8.000000000e+00, v0  }
0xab: {  	v4 =	vld [tilespmem:s8+$0xFA20];
	[tilespmem:s9+$0x15E30] =	vst v3;
	v1 =	vmul.f32 $8.000000000e+00, v1  }
0xac: {  	v3 =	vld [tilespmem:s8+$0xFA30];
	[tilespmem:s9+$0x15E40] =	vst v0;
	v2 =	vmul.f32 $8.000000000e+00, v2  }
0xad: {  	v0 =	vld [tilespmem:s8+$0xFA40];
	[tilespmem:s9+$0x15E50] =	vst v1;
	v7 =	vmul.f32 $8.000000000e+00, v7  }
0xae: {  	v1 =	vld [tilespmem:s8+$0xFA50];
	[tilespmem:s9+$0x15E60] =	vst v2;
	v60 =	vmul.f32 $8.000000000e+00, v5  }
0xaf: {  	v61 =	vld [tilespmem:s8+$0xFA60];
	v6 =	vmul.f32 $8.000000000e+00, v6;
	[tilespmem:s8+$0x15E70] =	vst v7  }
0xb0: {  	[tilespmem:s8+$0x15E00] =	vst v60;
	v62 =	vmul.f32 $8.000000000e+00, v4  }
0xb1: {  	[tilespmem:s8+$0x15E10] =	vst v6;
	v3 =	vmul.f32 $8.000000000e+00, v3  }
0xb2: {  	[tilespmem:s8+$0x15E20] =	vst v62;
	v0 =	vmul.f32 $8.000000000e+00, v0  }
0xb3: {  	[tilespmem:s8+$0x15E30] =	vst v3;
	v1 =	vmul.f32 $8.000000000e+00, v1  }
0xb4: {  	[tilespmem:s8+$0x15E40] =	vst v0;
	v63 =	vmul.f32 $8.000000000e+00, v61  }
0xb5: {  	[tilespmem:s8+$0x15E50] =	vst v1  }
0xb6: {  	s15 =	simm.s32 $0x578;
	[tilespmem:s8+$0x15E60] =	vst v63  }
0xb7: {  	[tilespmem:s26], [sflag:$0x4] =	stream.indirect.gather [hbm4b:s5+s20], $0x40, s15, s20, $0xb8;
	[tilespmem:$0x19000] =	vst v63  }
0xb8: {  	s16 =	rddreg [dreg:$0x6];
	s8 =	simm.s32 $0x0  }
0xb9: {  	[hbm4b:s16+s8] =	stream.linear.scatter [tilespmem:s0], [sflag:$0x6], $0x3200, $0x38;
	[tilespmem:$0x19000] =	vst v63  }
.LBB2_10:
0xba: {  	_ =	swait.ge [sflag:s28], $0x3200  }
0xbb: {  	[sflag:s28] =	ssyncset.done $0x0  }
0xbc: {  	[sflag:s28] =	ssyncadd.s32 $0xFFFFCE00  }
0xbd: {  	_ =	swait.ge [sflag:s25], $0x3200  }
0xbe: {  	[sflag:s25] =	ssyncset.done $0x0  }
0xbf: {  	s9 =	simm.s32 $0x70;
	[sflag:s25] =	ssyncadd.s32 $0xFFFFCE00  }
0xc0: {  	v1 =	vld [tilespmem:s9+$0x6400]  }
0xc1: {  	v5 =	vld [tilespmem:s9+$0x6390]  }
0xc2: {  	v6 =	vld [tilespmem:s9+$0x63A0]  }
0xc3: {  	v4 =	vld [tilespmem:s9+$0x63B0]  }
0xc4: {  	v3 =	vld [tilespmem:s9+$0x63C0]  }
0xc5: {  	v0 =	vld [tilespmem:s9+$0x63D0];
	v7 =	vmul.f32 $8.000000000e+00, v1  }
0xc6: {  	v1 =	vld [tilespmem:s9+$0x63E0];
	v5 =	vmul.f32 $8.000000000e+00, v5  }
0xc7: {  	s14 =	simm.s32 $0xF0;
	s10 =	simm.s32 $0x5C0;
	v2 =	vld [tilespmem:s9+$0x63F0];
	v6 =	vmul.f32 $8.000000000e+00, v6;
	[tilespmem:s9+$0x12C00] =	vst v7  }
.LBB2_11:
0xc8: {  	p0 =	sne.s32 s10, $0xC7C0;
	v7 =	vld [tilespmem:s14+$0x6400];
	[tilespmem:s9+$0x12B90] =	vst v5;
	v4 =	vmul.f32 $8.000000000e+00, v4  }
0xc9: {  	v5 =	vld [tilespmem:s14+$0x6390];
	[tilespmem:s9+$0x12BA0] =	vst v6;
	v3 =	vmul.f32 $8.000000000e+00, v3  }
0xca: {  	v6 =	vld [tilespmem:s14+$0x63A0];
	[tilespmem:s9+$0x12BB0] =	vst v4;
	v0 =	vmul.f32 $8.000000000e+00, v0  }
.Ltmp4:
0xcb: {  	v4 =	vld [tilespmem:s14+$0x63B0];
	[tilespmem:s9+$0x12BC0] =	vst v3;
	v1 =	vmul.f32 $8.000000000e+00, v1;
	(pc) =	sbr.rel @p0 .LBB2_11-.Ltmp4, $4  }
0xcc: {  	v3 =	vld [tilespmem:s14+$0x63C0];
	[tilespmem:s9+$0x12BD0] =	vst v0;
	v2 =	vmul.f32 $8.000000000e+00, v2  }
0xcd: {  	v0 =	vld [tilespmem:s14+$0x63D0];
	v7 =	vmul.f32 $8.000000000e+00, v7;
	[tilespmem:s9+$0x12BE0] =	vst v1  }
0xce: {  	v5 =	vmul.f32 $8.000000000e+00, v5;
	v1 =	vld [tilespmem:s14+$0x63E0];
	[tilespmem:s9+$0x12BF0] =	vst v2;
	s9 =	smov.u32 s14  }
0xcf: {  	s14 =	sshra.s32 s10, $0x2;
	s10 =	sadd.s32 $0x200, s10;
	v6 =	vmul.f32 $8.000000000e+00, v6;
	v2 =	vld [tilespmem:s9+$0x63F0];
	[tilespmem:s9+$0x12C00] =	vst v7  }
0xd0: {  	v7 =	vld [tilespmem:s14+$0x6400];
	[tilespmem:s9+$0x12B90] =	vst v5;
	v4 =	vmul.f32 $8.000000000e+00, v4  }
0xd1: {  	v5 =	vld [tilespmem:s14+$0x6390];
	[tilespmem:s9+$0x12BA0] =	vst v6;
	v3 =	vmul.f32 $8.000000000e+00, v3  }
0xd2: {  	v6 =	vld [tilespmem:s14+$0x63A0];
	[tilespmem:s9+$0x12BB0] =	vst v4;
	v0 =	vmul.f32 $8.000000000e+00, v0  }
0xd3: {  	v4 =	vld [tilespmem:s14+$0x63B0];
	[tilespmem:s9+$0x12BC0] =	vst v3;
	v1 =	vmul.f32 $8.000000000e+00, v1  }
0xd4: {  	v3 =	vld [tilespmem:s14+$0x63C0];
	[tilespmem:s9+$0x12BD0] =	vst v0;
	v2 =	vmul.f32 $8.000000000e+00, v2  }
0xd5: {  	v0 =	vld [tilespmem:s14+$0x63D0];
	[tilespmem:s9+$0x12BE0] =	vst v1;
	v7 =	vmul.f32 $8.000000000e+00, v7  }
0xd6: {  	v1 =	vld [tilespmem:s14+$0x63E0];
	[tilespmem:s9+$0x12BF0] =	vst v2;
	v2 =	vmul.f32 $8.000000000e+00, v5  }
0xd7: {  	v5 =	vld [tilespmem:s14+$0x63F0];
	v6 =	vmul.f32 $8.000000000e+00, v6;
	[tilespmem:s14+$0x12C00] =	vst v7  }
0xd8: {  	[tilespmem:s14+$0x12B90] =	vst v2;
	v2 =	vmul.f32 $8.000000000e+00, v4  }
0xd9: {  	[tilespmem:s14+$0x12BA0] =	vst v6;
	v3 =	vmul.f32 $8.000000000e+00, v3  }
0xda: {  	s8 =	sadd.s32 $0x1, s8;
	[tilespmem:s14+$0x12BB0] =	vst v2;
	v0 =	vmul.f32 $8.000000000e+00, v0  }
0xdb: {  	s10 =	smul.u32 $0xC80, s8;
	[tilespmem:s14+$0x12BC0] =	vst v3;
	v1 =	vmul.f32 $8.000000000e+00, v1  }
0xdc: {  	s9 =	sshll.u32 s8, $0x2;
	[tilespmem:s14+$0x12BD0] =	vst v0;
	v0 =	vmul.f32 $8.000000000e+00, v5  }
0xdd: {  	s10 =	sshra.s32 s10, $0x2;
	s15 =	sadd.s32 s4, s9;
	[tilespmem:s14+$0x12BE0] =	vst v1  }
0xde: {  	s16 =	sadd.s32 $0x320, s10;
	s15 =	smul.u32 $0x640, s15;
	[tilespmem:s14+$0x12BF0] =	vst v0  }
0xdf: {  	[tilespmem:s21], [sflag:$0x1] =	stream.indirect.gather [hbm4b:s5+s20], $0x40, s16, s20, $0xb8;
	[tilespmem:$0x19000] =	vst v63  }
0xe0: {  	s15 =	sadd.s32 s2, s15;
	s16 =	simm.s32 $0x0  }
0xe1: {  	[hbm4b:s15+s16] =	stream.linear.scatter [tilespmem:s30], [sflag:$0x5], $0x3200, $0x38;
	[tilespmem:$0x19000] =	vst v63  }
0xe2: {  	_ =	swait.ge [sflag:s31], $0x3200  }
0xe3: {  	[sflag:s31] =	ssyncset.done $0x0  }
0xe4: {  	[sflag:s31] =	ssyncadd.s32 $0xFFFFCE00  }
0xe5: {  	_ =	swait.ge [sflag:s29], $0x3200  }
0xe6: {  	[sflag:s29] =	ssyncset.done $0x0  }
0xe7: {  	s15 =	simm.s32 $0x0;
	[sflag:s29] =	ssyncadd.s32 $0xFFFFCE00  }
0xe8: {  	v1 =	vld [tilespmem:s15+$0x9670]  }
0xe9: {  	v5 =	vld [tilespmem:s15+$0x9600]  }
0xea: {  	v6 =	vld [tilespmem:s15+$0x9610]  }
0xeb: {  	v4 =	vld [tilespmem:s15+$0x9620]  }
0xec: {  	v3 =	vld [tilespmem:s15+$0x9630]  }
0xed: {  	v0 =	vld [tilespmem:s15+$0x9640];
	v7 =	vmul.f32 $8.000000000e+00, v1  }
0xee: {  	v1 =	vld [tilespmem:s15+$0x9650];
	v5 =	vmul.f32 $8.000000000e+00, v5  }
0xef: {  	s14 =	simm.s32 $0x80;
	s16 =	simm.s32 $0x400;
	v2 =	vld [tilespmem:s15+$0x9660];
	v6 =	vmul.f32 $8.000000000e+00, v6;
	[tilespmem:s15+$0x15E70] =	vst v7  }
.LBB2_13:
0xf0: {  	p0 =	sne.s32 s16, $0xC600;
	v7 =	vld [tilespmem:s14+$0x9670];
	[tilespmem:s15+$0x15E00] =	vst v5;
	v4 =	vmul.f32 $8.000000000e+00, v4  }
0xf1: {  	v5 =	vld [tilespmem:s14+$0x9600];
	[tilespmem:s15+$0x15E10] =	vst v6;
	v3 =	vmul.f32 $8.000000000e+00, v3  }
0xf2: {  	v6 =	vld [tilespmem:s14+$0x9610];
	[tilespmem:s15+$0x15E20] =	vst v4;
	v0 =	vmul.f32 $8.000000000e+00, v0  }
.Ltmp5:
0xf3: {  	v4 =	vld [tilespmem:s14+$0x9620];
	[tilespmem:s15+$0x15E30] =	vst v3;
	v1 =	vmul.f32 $8.000000000e+00, v1;
	(pc) =	sbr.rel @p0 .LBB2_13-.Ltmp5, $4  }
0xf4: {  	v3 =	vld [tilespmem:s14+$0x9630];
	[tilespmem:s15+$0x15E40] =	vst v0;
	v2 =	vmul.f32 $8.000000000e+00, v2  }
0xf5: {  	v0 =	vld [tilespmem:s14+$0x9640];
	v7 =	vmul.f32 $8.000000000e+00, v7;
	[tilespmem:s15+$0x15E50] =	vst v1  }
0xf6: {  	v5 =	vmul.f32 $8.000000000e+00, v5;
	v1 =	vld [tilespmem:s14+$0x9650];
	[tilespmem:s15+$0x15E60] =	vst v2;
	s15 =	smov.u32 s14  }
0xf7: {  	s14 =	sshra.s32 s16, $0x2;
	s16 =	sadd.s32 $0x200, s16;
	v6 =	vmul.f32 $8.000000000e+00, v6;
	v2 =	vld [tilespmem:s15+$0x9660];
	[tilespmem:s15+$0x15E70] =	vst v7  }
0xf8: {  	v7 =	vld [tilespmem:s14+$0x9670];
	[tilespmem:s15+$0x15E00] =	vst v5;
	v4 =	vmul.f32 $8.000000000e+00, v4  }
0xf9: {  	v5 =	vld [tilespmem:s14+$0x9600];
	[tilespmem:s15+$0x15E10] =	vst v6;
	v3 =	vmul.f32 $8.000000000e+00, v3  }
0xfa: {  	v6 =	vld [tilespmem:s14+$0x9610];
	[tilespmem:s15+$0x15E20] =	vst v4;
	v0 =	vmul.f32 $8.000000000e+00, v0  }
0xfb: {  	v4 =	vld [tilespmem:s14+$0x9620];
	[tilespmem:s15+$0x15E30] =	vst v3;
	v1 =	vmul.f32 $8.000000000e+00, v1  }
0xfc: {  	v3 =	vld [tilespmem:s14+$0x9630];
	[tilespmem:s15+$0x15E40] =	vst v0;
	v2 =	vmul.f32 $8.000000000e+00, v2  }
0xfd: {  	v0 =	vld [tilespmem:s14+$0x9640];
	[tilespmem:s15+$0x15E50] =	vst v1;
	v7 =	vmul.f32 $8.000000000e+00, v7  }
0xfe: {  	v1 =	vld [tilespmem:s14+$0x9650];
	[tilespmem:s15+$0x15E60] =	vst v2;
	v2 =	vmul.f32 $8.000000000e+00, v5  }
0xff: {  	v5 =	vld [tilespmem:s14+$0x9660];
	v6 =	vmul.f32 $8.000000000e+00, v6;
	[tilespmem:s14+$0x15E70] =	vst v7  }
0x100: {  	[tilespmem:s14+$0x15E00] =	vst v2;
	v2 =	vmul.f32 $8.000000000e+00, v4  }
0x101: {  	[tilespmem:s14+$0x15E10] =	vst v6;
	v3 =	vmul.f32 $8.000000000e+00, v3  }
0x102: {  	[tilespmem:s14+$0x15E20] =	vst v2;
	v0 =	vmul.f32 $8.000000000e+00, v0  }
0x103: {  	[tilespmem:s14+$0x15E30] =	vst v3;
	v1 =	vmul.f32 $8.000000000e+00, v1  }
0x104: {  	[tilespmem:s14+$0x15E40] =	vst v0;
	v0 =	vmul.f32 $8.000000000e+00, v5  }
0x105: {  	s15 =	sadd.s32 s9, s11;
	[tilespmem:s14+$0x15E50] =	vst v1  }
0x106: {  	s16 =	sadd.s32 $0x3E8, s10;
	s15 =	smul.u32 $0x640, s15;
	[tilespmem:s14+$0x15E60] =	vst v0  }
0x107: {  	[tilespmem:s22], [sflag:$0x2] =	stream.indirect.gather [hbm4b:s5+s20], $0x40, s16, s20, $0xb8;
	[tilespmem:$0x19000] =	vst v63  }
0x108: {  	s15 =	sadd.s32 s2, s15;
	s16 =	simm.s32 $0x0  }
0x109: {  	[hbm4b:s15+s16] =	stream.linear.scatter [tilespmem:s0], [sflag:$0x6], $0x3200, $0x38;
	[tilespmem:$0x19000] =	vst v63  }
0x10a: {  	_ =	swait.ge [sflag:s23], $0x3200  }
0x10b: {  	[sflag:s23] =	ssyncset.done $0x0  }
0x10c: {  	[sflag:s23] =	ssyncadd.s32 $0xFFFFCE00  }
0x10d: {  	_ =	swait.ge [sflag:s25], $0x3200  }
0x10e: {  	[sflag:s25] =	ssyncset.done $0x0  }
0x10f: {  	s15 =	simm.s32 $0x0;
	[sflag:s25] =	ssyncadd.s32 $0xFFFFCE00  }
0x110: {  	v1 =	vld [tilespmem:s15+$0xC870]  }
0x111: {  	v5 =	vld [tilespmem:s15+$0xC800]  }
0x112: {  	v6 =	vld [tilespmem:s15+$0xC810]  }
0x113: {  	v4 =	vld [tilespmem:s15+$0xC820]  }
0x114: {  	v3 =	vld [tilespmem:s15+$0xC830]  }
0x115: {  	v0 =	vld [tilespmem:s15+$0xC840];
	v7 =	vmul.f32 $8.000000000e+00, v1  }
0x116: {  	v1 =	vld [tilespmem:s15+$0xC850];
	v5 =	vmul.f32 $8.000000000e+00, v5  }
0x117: {  	s14 =	simm.s32 $0x80;
	s16 =	simm.s32 $0x400;
	v2 =	vld [tilespmem:s15+$0xC860];
	v6 =	vmul.f32 $8.000000000e+00, v6;
	[tilespmem:s15+$0x12C70] =	vst v7  }
.LBB2_15:
0x118: {  	p0 =	sne.s32 s16, $0xC600;
	v7 =	vld [tilespmem:s14+$0xC870];
	[tilespmem:s15+$0x12C00] =	vst v5;
	v4 =	vmul.f32 $8.000000000e+00, v4  }
0x119: {  	v5 =	vld [tilespmem:s14+$0xC800];
	[tilespmem:s15+$0x12C10] =	vst v6;
	v3 =	vmul.f32 $8.000000000e+00, v3  }
0x11a: {  	v6 =	vld [tilespmem:s14+$0xC810];
	[tilespmem:s15+$0x12C20] =	vst v4;
	v0 =	vmul.f32 $8.000000000e+00, v0  }
.Ltmp6:
0x11b: {  	v4 =	vld [tilespmem:s14+$0xC820];
	[tilespmem:s15+$0x12C30] =	vst v3;
	v1 =	vmul.f32 $8.000000000e+00, v1;
	(pc) =	sbr.rel @p0 .LBB2_15-.Ltmp6, $4  }
0x11c: {  	v3 =	vld [tilespmem:s14+$0xC830];
	[tilespmem:s15+$0x12C40] =	vst v0;
	v2 =	vmul.f32 $8.000000000e+00, v2  }
0x11d: {  	v0 =	vld [tilespmem:s14+$0xC840];
	v7 =	vmul.f32 $8.000000000e+00, v7;
	[tilespmem:s15+$0x12C50] =	vst v1  }
0x11e: {  	v5 =	vmul.f32 $8.000000000e+00, v5;
	v1 =	vld [tilespmem:s14+$0xC850];
	[tilespmem:s15+$0x12C60] =	vst v2;
	s15 =	smov.u32 s14  }
0x11f: {  	s14 =	sshra.s32 s16, $0x2;
	s16 =	sadd.s32 $0x200, s16;
	v6 =	vmul.f32 $8.000000000e+00, v6;
	v2 =	vld [tilespmem:s15+$0xC860];
	[tilespmem:s15+$0x12C70] =	vst v7  }
0x120: {  	v7 =	vld [tilespmem:s14+$0xC870];
	[tilespmem:s15+$0x12C00] =	vst v5;
	v4 =	vmul.f32 $8.000000000e+00, v4  }
0x121: {  	v5 =	vld [tilespmem:s14+$0xC800];
	[tilespmem:s15+$0x12C10] =	vst v6;
	v3 =	vmul.f32 $8.000000000e+00, v3  }
0x122: {  	v6 =	vld [tilespmem:s14+$0xC810];
	[tilespmem:s15+$0x12C20] =	vst v4;
	v0 =	vmul.f32 $8.000000000e+00, v0  }
0x123: {  	v4 =	vld [tilespmem:s14+$0xC820];
	[tilespmem:s15+$0x12C30] =	vst v3;
	v1 =	vmul.f32 $8.000000000e+00, v1  }
0x124: {  	v3 =	vld [tilespmem:s14+$0xC830];
	[tilespmem:s15+$0x12C40] =	vst v0;
	v2 =	vmul.f32 $8.000000000e+00, v2  }
0x125: {  	v0 =	vld [tilespmem:s14+$0xC840];
	[tilespmem:s15+$0x12C50] =	vst v1;
	v7 =	vmul.f32 $8.000000000e+00, v7  }
0x126: {  	v1 =	vld [tilespmem:s14+$0xC850];
	[tilespmem:s15+$0x12C60] =	vst v2;
	v2 =	vmul.f32 $8.000000000e+00, v5  }
0x127: {  	v5 =	vld [tilespmem:s14+$0xC860];
	v6 =	vmul.f32 $8.000000000e+00, v6;
	[tilespmem:s14+$0x12C70] =	vst v7  }
0x128: {  	[tilespmem:s14+$0x12C00] =	vst v2;
	v2 =	vmul.f32 $8.000000000e+00, v4  }
0x129: {  	[tilespmem:s14+$0x12C10] =	vst v6;
	v3 =	vmul.f32 $8.000000000e+00, v3  }
0x12a: {  	[tilespmem:s14+$0x12C20] =	vst v2;
	v0 =	vmul.f32 $8.000000000e+00, v0  }
0x12b: {  	[tilespmem:s14+$0x12C30] =	vst v3;
	v1 =	vmul.f32 $8.000000000e+00, v1  }
0x12c: {  	[tilespmem:s14+$0x12C40] =	vst v0;
	v0 =	vmul.f32 $8.000000000e+00, v5  }
0x12d: {  	s15 =	sadd.s32 s9, s12;
	[tilespmem:s14+$0x12C50] =	vst v1  }
0x12e: {  	s16 =	sadd.s32 $0x4B0, s10;
	s15 =	smul.u32 $0x640, s15;
	[tilespmem:s14+$0x12C60] =	vst v0  }
0x12f: {  	[tilespmem:s24], [sflag:$0x3] =	stream.indirect.gather [hbm4b:s5+s20], $0x40, s16, s20, $0xb8;
	[tilespmem:$0x19000] =	vst v63  }
0x130: {  	s15 =	sadd.s32 s2, s15;
	s16 =	simm.s32 $0x0  }
0x131: {  	[hbm4b:s15+s16] =	stream.linear.scatter [tilespmem:s30], [sflag:$0x5], $0x3200, $0x38;
	[tilespmem:$0x19000] =	vst v63  }
0x132: {  	_ =	swait.ge [sflag:s1], $0x3200  }
0x133: {  	[sflag:s1] =	ssyncset.done $0x0  }
0x134: {  	[sflag:s1] =	ssyncadd.s32 $0xFFFFCE00  }
0x135: {  	_ =	swait.ge [sflag:s29], $0x3200  }
0x136: {  	[sflag:s29] =	ssyncset.done $0x0  }
0x137: {  	s15 =	simm.s32 $0x0;
	[sflag:s29] =	ssyncadd.s32 $0xFFFFCE00  }
0x138: {  	v1 =	vld [tilespmem:s15+$0xFA70]  }
0x139: {  	v5 =	vld [tilespmem:s15+$0xFA00]  }
0x13a: {  	v6 =	vld [tilespmem:s15+$0xFA10]  }
0x13b: {  	v4 =	vld [tilespmem:s15+$0xFA20]  }
0x13c: {  	v3 =	vld [tilespmem:s15+$0xFA30]  }
0x13d: {  	v0 =	vld [tilespmem:s15+$0xFA40];
	v7 =	vmul.f32 $8.000000000e+00, v1  }
0x13e: {  	v1 =	vld [tilespmem:s15+$0xFA50];
	v5 =	vmul.f32 $8.000000000e+00, v5  }
0x13f: {  	s14 =	simm.s32 $0x80;
	s16 =	simm.s32 $0x400;
	v2 =	vld [tilespmem:s15+$0xFA60];
	v6 =	vmul.f32 $8.000000000e+00, v6;
	[tilespmem:s15+$0x15E70] =	vst v7  }
.LBB2_17:
0x140: {  	p0 =	sne.s32 s16, $0xC600;
	v7 =	vld [tilespmem:s14+$0xFA70];
	[tilespmem:s15+$0x15E00] =	vst v5;
	v4 =	vmul.f32 $8.000000000e+00, v4  }
0x141: {  	v5 =	vld [tilespmem:s14+$0xFA00];
	[tilespmem:s15+$0x15E10] =	vst v6;
	v3 =	vmul.f32 $8.000000000e+00, v3  }
0x142: {  	v6 =	vld [tilespmem:s14+$0xFA10];
	[tilespmem:s15+$0x15E20] =	vst v4;
	v0 =	vmul.f32 $8.000000000e+00, v0  }
.Ltmp7:
0x143: {  	v4 =	vld [tilespmem:s14+$0xFA20];
	[tilespmem:s15+$0x15E30] =	vst v3;
	v1 =	vmul.f32 $8.000000000e+00, v1;
	(pc) =	sbr.rel @p0 .LBB2_17-.Ltmp7, $4  }
0x144: {  	v3 =	vld [tilespmem:s14+$0xFA30];
	[tilespmem:s15+$0x15E40] =	vst v0;
	v2 =	vmul.f32 $8.000000000e+00, v2  }
0x145: {  	v0 =	vld [tilespmem:s14+$0xFA40];
	v7 =	vmul.f32 $8.000000000e+00, v7;
	[tilespmem:s15+$0x15E50] =	vst v1  }
0x146: {  	v5 =	vmul.f32 $8.000000000e+00, v5;
	v1 =	vld [tilespmem:s14+$0xFA50];
	[tilespmem:s15+$0x15E60] =	vst v2;
	s15 =	smov.u32 s14  }
0x147: {  	s14 =	sshra.s32 s16, $0x2;
	s16 =	sadd.s32 $0x200, s16;
	v6 =	vmul.f32 $8.000000000e+00, v6;
	v2 =	vld [tilespmem:s15+$0xFA60];
	[tilespmem:s15+$0x15E70] =	vst v7  }
0x148: {  	v7 =	vld [tilespmem:s14+$0xFA70];
	[tilespmem:s15+$0x15E00] =	vst v5;
	v4 =	vmul.f32 $8.000000000e+00, v4  }
0x149: {  	v5 =	vld [tilespmem:s14+$0xFA00];
	[tilespmem:s15+$0x15E10] =	vst v6;
	v3 =	vmul.f32 $8.000000000e+00, v3  }
0x14a: {  	v6 =	vld [tilespmem:s14+$0xFA10];
	[tilespmem:s15+$0x15E20] =	vst v4;
	v0 =	vmul.f32 $8.000000000e+00, v0  }
0x14b: {  	v4 =	vld [tilespmem:s14+$0xFA20];
	[tilespmem:s15+$0x15E30] =	vst v3;
	v1 =	vmul.f32 $8.000000000e+00, v1  }
0x14c: {  	v3 =	vld [tilespmem:s14+$0xFA30];
	[tilespmem:s15+$0x15E40] =	vst v0;
	v2 =	vmul.f32 $8.000000000e+00, v2  }
0x14d: {  	v0 =	vld [tilespmem:s14+$0xFA40];
	[tilespmem:s15+$0x15E50] =	vst v1;
	v7 =	vmul.f32 $8.000000000e+00, v7  }
0x14e: {  	v1 =	vld [tilespmem:s14+$0xFA50];
	[tilespmem:s15+$0x15E60] =	vst v2;
	v60 =	vmul.f32 $8.000000000e+00, v5  }
0x14f: {  	v61 =	vld [tilespmem:s14+$0xFA60];
	v6 =	vmul.f32 $8.000000000e+00, v6;
	[tilespmem:s14+$0x15E70] =	vst v7  }
0x150: {  	[tilespmem:s14+$0x15E00] =	vst v60;
	v62 =	vmul.f32 $8.000000000e+00, v4  }
0x151: {  	[tilespmem:s14+$0x15E10] =	vst v6;
	v3 =	vmul.f32 $8.000000000e+00, v3  }
0x152: {  	[tilespmem:s14+$0x15E20] =	vst v62;
	v0 =	vmul.f32 $8.000000000e+00, v0  }
0x153: {  	[tilespmem:s14+$0x15E30] =	vst v3;
	v1 =	vmul.f32 $8.000000000e+00, v1  }
0x154: {  	p0 =	sne.s32 s8, $0x1E;
	[tilespmem:s14+$0x15E40] =	vst v0;
	v63 =	vmul.f32 $8.000000000e+00, v61  }
.Ltmp8:
0x155: {  	s9 =	sadd.s32 s9, s13;
	[tilespmem:s14+$0x15E50] =	vst v1;
	(pc) =	sbr.rel @p0 .LBB2_10-.Ltmp8, $4  }
0x156: {  	s10 =	sadd.s32 $0x578, s10;
	s9 =	smul.u32 $0x640, s9;
	[tilespmem:s14+$0x15E60] =	vst v63  }
0x157: {  	[tilespmem:s26], [sflag:$0x4] =	stream.indirect.gather [hbm4b:s5+s20], $0x40, s10, s20, $0xb8;
	[tilespmem:$0x19000] =	vst v63  }
0x158: {  	s9 =	sadd.s32 s2, s9  }
0x159: {  	[hbm4b:s9+s3] =	stream.linear.scatter [tilespmem:s0], [sflag:$0x6], $0x3200, $0x38;
	[tilespmem:$0x19000] =	vst v63  }
0x15a: {  	_ =	swait.ge [sflag:s28], $0x3200  }
0x15b: {  	[sflag:s28] =	ssyncset.done $0x0  }
0x15c: {  	[sflag:s28] =	ssyncadd.s32 $0xFFFFCE00  }
0x15d: {  	_ =	swait.ge [sflag:s25], $0x3200  }
0x15e: {  	[sflag:s25] =	ssyncset.done $0x0  }
0x15f: {  	s9 =	simm.s32 $0x70;
	[sflag:s25] =	ssyncadd.s32 $0xFFFFCE00  }
0x160: {  	v1 =	vld [tilespmem:s9+$0x6400]  }
0x161: {  	v5 =	vld [tilespmem:s9+$0x6390]  }
0x162: {  	v6 =	vld [tilespmem:s9+$0x63A0]  }
0x163: {  	v4 =	vld [tilespmem:s9+$0x63B0]  }
0x164: {  	v3 =	vld [tilespmem:s9+$0x63C0]  }
0x165: {  	v0 =	vld [tilespmem:s9+$0x63D0];
	v7 =	vmul.f32 $8.000000000e+00, v1  }
0x166: {  	v1 =	vld [tilespmem:s9+$0x63E0];
	v5 =	vmul.f32 $8.000000000e+00, v5  }
0x167: {  	s8 =	simm.s32 $0xF0;
	s10 =	simm.s32 $0x5C0;
	v2 =	vld [tilespmem:s9+$0x63F0];
	v6 =	vmul.f32 $8.000000000e+00, v6;
	[tilespmem:s9+$0x12C00] =	vst v7  }
.LBB2_20:
0x168: {  	p0 =	sne.s32 s10, $0xC7C0;
	v7 =	vld [tilespmem:s8+$0x6400];
	[tilespmem:s9+$0x12B90] =	vst v5;
	v4 =	vmul.f32 $8.000000000e+00, v4  }
0x169: {  	v5 =	vld [tilespmem:s8+$0x6390];
	[tilespmem:s9+$0x12BA0] =	vst v6;
	v3 =	vmul.f32 $8.000000000e+00, v3  }
0x16a: {  	v6 =	vld [tilespmem:s8+$0x63A0];
	[tilespmem:s9+$0x12BB0] =	vst v4;
	v0 =	vmul.f32 $8.000000000e+00, v0  }
.Ltmp9:
0x16b: {  	v4 =	vld [tilespmem:s8+$0x63B0];
	[tilespmem:s9+$0x12BC0] =	vst v3;
	v1 =	vmul.f32 $8.000000000e+00, v1;
	(pc) =	sbr.rel @p0 .LBB2_20-.Ltmp9, $4  }
0x16c: {  	v3 =	vld [tilespmem:s8+$0x63C0];
	[tilespmem:s9+$0x12BD0] =	vst v0;
	v2 =	vmul.f32 $8.000000000e+00, v2  }
0x16d: {  	v0 =	vld [tilespmem:s8+$0x63D0];
	v7 =	vmul.f32 $8.000000000e+00, v7;
	[tilespmem:s9+$0x12BE0] =	vst v1  }
0x16e: {  	v5 =	vmul.f32 $8.000000000e+00, v5;
	v1 =	vld [tilespmem:s8+$0x63E0];
	[tilespmem:s9+$0x12BF0] =	vst v2;
	s9 =	smov.u32 s8  }
0x16f: {  	s8 =	sshra.s32 s10, $0x2;
	s10 =	sadd.s32 $0x200, s10;
	v6 =	vmul.f32 $8.000000000e+00, v6;
	v2 =	vld [tilespmem:s9+$0x63F0];
	[tilespmem:s9+$0x12C00] =	vst v7  }
0x170: {  	v7 =	vld [tilespmem:s8+$0x6400];
	[tilespmem:s9+$0x12B90] =	vst v5;
	v4 =	vmul.f32 $8.000000000e+00, v4  }
0x171: {  	v5 =	vld [tilespmem:s8+$0x6390];
	[tilespmem:s9+$0x12BA0] =	vst v6;
	v3 =	vmul.f32 $8.000000000e+00, v3  }
0x172: {  	v6 =	vld [tilespmem:s8+$0x63A0];
	[tilespmem:s9+$0x12BB0] =	vst v4;
	v0 =	vmul.f32 $8.000000000e+00, v0  }
0x173: {  	v4 =	vld [tilespmem:s8+$0x63B0];
	[tilespmem:s9+$0x12BC0] =	vst v3;
	v1 =	vmul.f32 $8.000000000e+00, v1  }
0x174: {  	v3 =	vld [tilespmem:s8+$0x63C0];
	[tilespmem:s9+$0x12BD0] =	vst v0;
	v2 =	vmul.f32 $8.000000000e+00, v2  }
0x175: {  	v0 =	vld [tilespmem:s8+$0x63D0];
	[tilespmem:s9+$0x12BE0] =	vst v1;
	v7 =	vmul.f32 $8.000000000e+00, v7  }
0x176: {  	v1 =	vld [tilespmem:s8+$0x63E0];
	[tilespmem:s9+$0x12BF0] =	vst v2;
	v2 =	vmul.f32 $8.000000000e+00, v5  }
0x177: {  	v5 =	vld [tilespmem:s8+$0x63F0];
	v6 =	vmul.f32 $8.000000000e+00, v6;
	[tilespmem:s8+$0x12C00] =	vst v7  }
0x178: {  	[tilespmem:s8+$0x12B90] =	vst v2;
	v2 =	vmul.f32 $8.000000000e+00, v4  }
0x179: {  	[tilespmem:s8+$0x12BA0] =	vst v6;
	v3 =	vmul.f32 $8.000000000e+00, v3  }
0x17a: {  	[tilespmem:s8+$0x12BB0] =	vst v2;
	v0 =	vmul.f32 $8.000000000e+00, v0  }
0x17b: {  	[tilespmem:s8+$0x12BC0] =	vst v3;
	v1 =	vmul.f32 $8.000000000e+00, v1  }
0x17c: {  	[tilespmem:s8+$0x12BD0] =	vst v0;
	v0 =	vmul.f32 $8.000000000e+00, v5  }
0x17d: {  	[tilespmem:s8+$0x12BE0] =	vst v1  }
0x17e: {  	s15 =	simm.s32 $0x0;
	s16 =	rddreg [dreg:$0x7];
	[tilespmem:s8+$0x12BF0] =	vst v0  }
0x17f: {  	[hbm4b:s16+s15] =	stream.linear.scatter [tilespmem:s30], [sflag:$0x5], $0x3200, $0x38;
	[tilespmem:$0x19000] =	vst v63  }
0x180: {  	_ =	swait.ge [sflag:s31], $0x3200  }
0x181: {  	[sflag:s31] =	ssyncset.done $0x0  }
0x182: {  	[sflag:s31] =	ssyncadd.s32 $0xFFFFCE00  }
0x183: {  	_ =	swait.ge [sflag:s29], $0x3200  }
0x184: {  	[sflag:s29] =	ssyncset.done $0x0  }
0x185: {  	s9 =	simm.s32 $0x0;
	[sflag:s29] =	ssyncadd.s32 $0xFFFFCE00  }
0x186: {  	v1 =	vld [tilespmem:s9+$0x9670]  }
0x187: {  	v5 =	vld [tilespmem:s9+$0x9600]  }
0x188: {  	v6 =	vld [tilespmem:s9+$0x9610]  }
0x189: {  	v4 =	vld [tilespmem:s9+$0x9620]  }
0x18a: {  	v3 =	vld [tilespmem:s9+$0x9630]  }
0x18b: {  	v0 =	vld [tilespmem:s9+$0x9640];
	v7 =	vmul.f32 $8.000000000e+00, v1  }
0x18c: {  	v1 =	vld [tilespmem:s9+$0x9650];
	v5 =	vmul.f32 $8.000000000e+00, v5  }
0x18d: {  	s10 =	simm.s32 $0x400;
	s8 =	simm.s32 $0x80;
	v2 =	vld [tilespmem:s9+$0x9660];
	v6 =	vmul.f32 $8.000000000e+00, v6;
	[tilespmem:s9+$0x15E70] =	vst v7  }
.LBB2_22:
0x18e: {  	p0 =	sne.s32 s10, $0xC600;
	v7 =	vld [tilespmem:s8+$0x9670];
	[tilespmem:s9+$0x15E00] =	vst v5;
	v4 =	vmul.f32 $8.000000000e+00, v4  }
0x18f: {  	v5 =	vld [tilespmem:s8+$0x9600];
	[tilespmem:s9+$0x15E10] =	vst v6;
	v3 =	vmul.f32 $8.000000000e+00, v3  }
0x190: {  	v6 =	vld [tilespmem:s8+$0x9610];
	[tilespmem:s9+$0x15E20] =	vst v4;
	v0 =	vmul.f32 $8.000000000e+00, v0  }
.Ltmp10:
0x191: {  	v4 =	vld [tilespmem:s8+$0x9620];
	[tilespmem:s9+$0x15E30] =	vst v3;
	v1 =	vmul.f32 $8.000000000e+00, v1;
	(pc) =	sbr.rel @p0 .LBB2_22-.Ltmp10, $4  }
0x192: {  	v3 =	vld [tilespmem:s8+$0x9630];
	[tilespmem:s9+$0x15E40] =	vst v0;
	v2 =	vmul.f32 $8.000000000e+00, v2  }
0x193: {  	v0 =	vld [tilespmem:s8+$0x9640];
	v7 =	vmul.f32 $8.000000000e+00, v7;
	[tilespmem:s9+$0x15E50] =	vst v1  }
0x194: {  	v5 =	vmul.f32 $8.000000000e+00, v5;
	v1 =	vld [tilespmem:s8+$0x9650];
	[tilespmem:s9+$0x15E60] =	vst v2;
	s9 =	smov.u32 s8  }
0x195: {  	s8 =	sshra.s32 s10, $0x2;
	s10 =	sadd.s32 $0x200, s10;
	v6 =	vmul.f32 $8.000000000e+00, v6;
	v2 =	vld [tilespmem:s9+$0x9660];
	[tilespmem:s9+$0x15E70] =	vst v7  }
0x196: {  	v7 =	vld [tilespmem:s8+$0x9670];
	[tilespmem:s9+$0x15E00] =	vst v5;
	v4 =	vmul.f32 $8.000000000e+00, v4  }
0x197: {  	v5 =	vld [tilespmem:s8+$0x9600];
	[tilespmem:s9+$0x15E10] =	vst v6;
	v3 =	vmul.f32 $8.000000000e+00, v3  }
0x198: {  	v6 =	vld [tilespmem:s8+$0x9610];
	[tilespmem:s9+$0x15E20] =	vst v4;
	v0 =	vmul.f32 $8.000000000e+00, v0  }
0x199: {  	v4 =	vld [tilespmem:s8+$0x9620];
	[tilespmem:s9+$0x15E30] =	vst v3;
	v1 =	vmul.f32 $8.000000000e+00, v1  }
0x19a: {  	v3 =	vld [tilespmem:s8+$0x9630];
	[tilespmem:s9+$0x15E40] =	vst v0;
	v2 =	vmul.f32 $8.000000000e+00, v2  }
0x19b: {  	v0 =	vld [tilespmem:s8+$0x9640];
	[tilespmem:s9+$0x15E50] =	vst v1;
	v7 =	vmul.f32 $8.000000000e+00, v7  }
0x19c: {  	v1 =	vld [tilespmem:s8+$0x9650];
	[tilespmem:s9+$0x15E60] =	vst v2;
	v2 =	vmul.f32 $8.000000000e+00, v5  }
0x19d: {  	v5 =	vld [tilespmem:s8+$0x9660];
	v6 =	vmul.f32 $8.000000000e+00, v6;
	[tilespmem:s8+$0x15E70] =	vst v7  }
0x19e: {  	[tilespmem:s8+$0x15E00] =	vst v2;
	v2 =	vmul.f32 $8.000000000e+00, v4  }
0x19f: {  	[tilespmem:s8+$0x15E10] =	vst v6;
	v3 =	vmul.f32 $8.000000000e+00, v3  }
0x1a0: {  	[tilespmem:s8+$0x15E20] =	vst v2;
	v0 =	vmul.f32 $8.000000000e+00, v0  }
0x1a1: {  	[tilespmem:s8+$0x15E30] =	vst v3;
	v1 =	vmul.f32 $8.000000000e+00, v1  }
0x1a2: {  	[tilespmem:s8+$0x15E40] =	vst v0;
	v0 =	vmul.f32 $8.000000000e+00, v5  }
0x1a3: {  	[tilespmem:s8+$0x15E50] =	vst v1  }
0x1a4: {  	s15 =	simm.s32 $0x0;
	s16 =	rddreg [dreg:$0x8];
	[tilespmem:s8+$0x15E60] =	vst v0  }
0x1a5: {  	[hbm4b:s16+s15] =	stream.linear.scatter [tilespmem:s0], [sflag:$0x6], $0x3200, $0x38;
	[tilespmem:$0x19000] =	vst v63  }
0x1a6: {  	_ =	swait.ge [sflag:s23], $0x3200  }
0x1a7: {  	[sflag:s23] =	ssyncset.done $0x0  }
0x1a8: {  	[sflag:s23] =	ssyncadd.s32 $0xFFFFCE00  }
0x1a9: {  	_ =	swait.ge [sflag:s25], $0x3200  }
0x1aa: {  	[sflag:s25] =	ssyncset.done $0x0  }
0x1ab: {  	s9 =	simm.s32 $0x0;
	[sflag:s25] =	ssyncadd.s32 $0xFFFFCE00  }
0x1ac: {  	v1 =	vld [tilespmem:s9+$0xC870]  }
0x1ad: {  	v5 =	vld [tilespmem:s9+$0xC800]  }
0x1ae: {  	v6 =	vld [tilespmem:s9+$0xC810]  }
0x1af: {  	v4 =	vld [tilespmem:s9+$0xC820]  }
0x1b0: {  	v3 =	vld [tilespmem:s9+$0xC830]  }
0x1b1: {  	v0 =	vld [tilespmem:s9+$0xC840];
	v7 =	vmul.f32 $8.000000000e+00, v1  }
0x1b2: {  	v1 =	vld [tilespmem:s9+$0xC850];
	v5 =	vmul.f32 $8.000000000e+00, v5  }
0x1b3: {  	s10 =	simm.s32 $0x400;
	s8 =	simm.s32 $0x80;
	v2 =	vld [tilespmem:s9+$0xC860];
	v6 =	vmul.f32 $8.000000000e+00, v6;
	[tilespmem:s9+$0x12C70] =	vst v7  }
.LBB2_24:
0x1b4: {  	p0 =	sne.s32 s10, $0xC600;
	v7 =	vld [tilespmem:s8+$0xC870];
	[tilespmem:s9+$0x12C00] =	vst v5;
	v4 =	vmul.f32 $8.000000000e+00, v4  }
0x1b5: {  	v5 =	vld [tilespmem:s8+$0xC800];
	[tilespmem:s9+$0x12C10] =	vst v6;
	v3 =	vmul.f32 $8.000000000e+00, v3  }
0x1b6: {  	v6 =	vld [tilespmem:s8+$0xC810];
	[tilespmem:s9+$0x12C20] =	vst v4;
	v0 =	vmul.f32 $8.000000000e+00, v0  }
.Ltmp11:
0x1b7: {  	v4 =	vld [tilespmem:s8+$0xC820];
	[tilespmem:s9+$0x12C30] =	vst v3;
	v1 =	vmul.f32 $8.000000000e+00, v1;
	(pc) =	sbr.rel @p0 .LBB2_24-.Ltmp11, $4  }
0x1b8: {  	v3 =	vld [tilespmem:s8+$0xC830];
	[tilespmem:s9+$0x12C40] =	vst v0;
	v2 =	vmul.f32 $8.000000000e+00, v2  }
0x1b9: {  	v0 =	vld [tilespmem:s8+$0xC840];
	v7 =	vmul.f32 $8.000000000e+00, v7;
	[tilespmem:s9+$0x12C50] =	vst v1  }
0x1ba: {  	v5 =	vmul.f32 $8.000000000e+00, v5;
	v1 =	vld [tilespmem:s8+$0xC850];
	[tilespmem:s9+$0x12C60] =	vst v2;
	s9 =	smov.u32 s8  }
0x1bb: {  	s8 =	sshra.s32 s10, $0x2;
	s10 =	sadd.s32 $0x200, s10;
	v6 =	vmul.f32 $8.000000000e+00, v6;
	v2 =	vld [tilespmem:s9+$0xC860];
	[tilespmem:s9+$0x12C70] =	vst v7  }
0x1bc: {  	v7 =	vld [tilespmem:s8+$0xC870];
	[tilespmem:s9+$0x12C00] =	vst v5;
	v4 =	vmul.f32 $8.000000000e+00, v4  }
0x1bd: {  	v5 =	vld [tilespmem:s8+$0xC800];
	[tilespmem:s9+$0x12C10] =	vst v6;
	v3 =	vmul.f32 $8.000000000e+00, v3  }
0x1be: {  	v6 =	vld [tilespmem:s8+$0xC810];
	[tilespmem:s9+$0x12C20] =	vst v4;
	v0 =	vmul.f32 $8.000000000e+00, v0  }
0x1bf: {  	v4 =	vld [tilespmem:s8+$0xC820];
	[tilespmem:s9+$0x12C30] =	vst v3;
	v1 =	vmul.f32 $8.000000000e+00, v1  }
0x1c0: {  	v3 =	vld [tilespmem:s8+$0xC830];
	[tilespmem:s9+$0x12C40] =	vst v0;
	v2 =	vmul.f32 $8.000000000e+00, v2  }
0x1c1: {  	v0 =	vld [tilespmem:s8+$0xC840];
	[tilespmem:s9+$0x12C50] =	vst v1;
	v7 =	vmul.f32 $8.000000000e+00, v7  }
0x1c2: {  	v1 =	vld [tilespmem:s8+$0xC850];
	[tilespmem:s9+$0x12C60] =	vst v2;
	v2 =	vmul.f32 $8.000000000e+00, v5  }
0x1c3: {  	v5 =	vld [tilespmem:s8+$0xC860];
	v6 =	vmul.f32 $8.000000000e+00, v6;
	[tilespmem:s8+$0x12C70] =	vst v7  }
0x1c4: {  	[tilespmem:s8+$0x12C00] =	vst v2;
	v2 =	vmul.f32 $8.000000000e+00, v4  }
0x1c5: {  	[tilespmem:s8+$0x12C10] =	vst v6;
	v3 =	vmul.f32 $8.000000000e+00, v3  }
0x1c6: {  	[tilespmem:s8+$0x12C20] =	vst v2;
	v0 =	vmul.f32 $8.000000000e+00, v0  }
0x1c7: {  	[tilespmem:s8+$0x12C30] =	vst v3;
	v1 =	vmul.f32 $8.000000000e+00, v1  }
0x1c8: {  	[tilespmem:s8+$0x12C40] =	vst v0;
	v0 =	vmul.f32 $8.000000000e+00, v5  }
0x1c9: {  	[tilespmem:s8+$0x12C50] =	vst v1  }
0x1ca: {  	s15 =	simm.s32 $0x0;
	s16 =	rddreg [dreg:$0x9];
	[tilespmem:s8+$0x12C60] =	vst v0  }
0x1cb: {  	[hbm4b:s16+s15] =	stream.linear.scatter [tilespmem:s30], [sflag:$0x5], $0x3200, $0x38;
	[tilespmem:$0x19000] =	vst v63  }
0x1cc: {  	_ =	swait.ge [sflag:s1], $0x3200  }
0x1cd: {  	[sflag:s1] =	ssyncset.done $0x0  }
0x1ce: {  	[sflag:s1] =	ssyncadd.s32 $0xFFFFCE00  }
0x1cf: {  	_ =	swait.ge [sflag:s29], $0x3200  }
0x1d0: {  	[sflag:s29] =	ssyncset.done $0x0  }
0x1d1: {  	s9 =	simm.s32 $0x0;
	[sflag:s29] =	ssyncadd.s32 $0xFFFFCE00  }
0x1d2: {  	v1 =	vld [tilespmem:s9+$0xFA70]  }
0x1d3: {  	v5 =	vld [tilespmem:s9+$0xFA00]  }
0x1d4: {  	v6 =	vld [tilespmem:s9+$0xFA10]  }
0x1d5: {  	v4 =	vld [tilespmem:s9+$0xFA20]  }
0x1d6: {  	v3 =	vld [tilespmem:s9+$0xFA30]  }
0x1d7: {  	v0 =	vld [tilespmem:s9+$0xFA40];
	v7 =	vmul.f32 $8.000000000e+00, v1  }
0x1d8: {  	v1 =	vld [tilespmem:s9+$0xFA50];
	v5 =	vmul.f32 $8.000000000e+00, v5  }
0x1d9: {  	s10 =	simm.s32 $0x400;
	s8 =	simm.s32 $0x80;
	v2 =	vld [tilespmem:s9+$0xFA60];
	v6 =	vmul.f32 $8.000000000e+00, v6;
	[tilespmem:s9+$0x15E70] =	vst v7  }
.LBB2_26:
0x1da: {  	p0 =	sne.s32 s10, $0xC600;
	v7 =	vld [tilespmem:s8+$0xFA70];
	[tilespmem:s9+$0x15E00] =	vst v5;
	v4 =	vmul.f32 $8.000000000e+00, v4  }
0x1db: {  	v5 =	vld [tilespmem:s8+$0xFA00];
	[tilespmem:s9+$0x15E10] =	vst v6;
	v3 =	vmul.f32 $8.000000000e+00, v3  }
0x1dc: {  	v6 =	vld [tilespmem:s8+$0xFA10];
	[tilespmem:s9+$0x15E20] =	vst v4;
	v0 =	vmul.f32 $8.000000000e+00, v0  }
.Ltmp12:
0x1dd: {  	v4 =	vld [tilespmem:s8+$0xFA20];
	[tilespmem:s9+$0x15E30] =	vst v3;
	v1 =	vmul.f32 $8.000000000e+00, v1;
	(pc) =	sbr.rel @p0 .LBB2_26-.Ltmp12, $4  }
0x1de: {  	v3 =	vld [tilespmem:s8+$0xFA30];
	[tilespmem:s9+$0x15E40] =	vst v0;
	v2 =	vmul.f32 $8.000000000e+00, v2  }
0x1df: {  	v0 =	vld [tilespmem:s8+$0xFA40];
	v7 =	vmul.f32 $8.000000000e+00, v7;
	[tilespmem:s9+$0x15E50] =	vst v1  }
0x1e0: {  	v5 =	vmul.f32 $8.000000000e+00, v5;
	v1 =	vld [tilespmem:s8+$0xFA50];
	[tilespmem:s9+$0x15E60] =	vst v2;
	s9 =	smov.u32 s8  }
0x1e1: {  	s8 =	sshra.s32 s10, $0x2;
	s10 =	sadd.s32 $0x200, s10;
	v6 =	vmul.f32 $8.000000000e+00, v6;
	v2 =	vld [tilespmem:s9+$0xFA60];
	[tilespmem:s9+$0x15E70] =	vst v7  }
0x1e2: {  	v7 =	vld [tilespmem:s8+$0xFA70];
	[tilespmem:s9+$0x15E00] =	vst v5;
	v4 =	vmul.f32 $8.000000000e+00, v4  }
0x1e3: {  	v5 =	vld [tilespmem:s8+$0xFA00];
	[tilespmem:s9+$0x15E10] =	vst v6;
	v3 =	vmul.f32 $8.000000000e+00, v3  }
0x1e4: {  	v6 =	vld [tilespmem:s8+$0xFA10];
	[tilespmem:s9+$0x15E20] =	vst v4;
	v0 =	vmul.f32 $8.000000000e+00, v0  }
0x1e5: {  	v4 =	vld [tilespmem:s8+$0xFA20];
	[tilespmem:s9+$0x15E30] =	vst v3;
	v1 =	vmul.f32 $8.000000000e+00, v1  }
0x1e6: {  	v3 =	vld [tilespmem:s8+$0xFA30];
	[tilespmem:s9+$0x15E40] =	vst v0;
	v2 =	vmul.f32 $8.000000000e+00, v2  }
0x1e7: {  	v0 =	vld [tilespmem:s8+$0xFA40];
	[tilespmem:s9+$0x15E50] =	vst v1;
	v7 =	vmul.f32 $8.000000000e+00, v7  }
0x1e8: {  	v1 =	vld [tilespmem:s8+$0xFA50];
	[tilespmem:s9+$0x15E60] =	vst v2;
	v60 =	vmul.f32 $8.000000000e+00, v5  }
0x1e9: {  	v61 =	vld [tilespmem:s8+$0xFA60];
	v6 =	vmul.f32 $8.000000000e+00, v6;
	[tilespmem:s8+$0x15E70] =	vst v7  }
0x1ea: {  	[tilespmem:s8+$0x15E00] =	vst v60;
	v62 =	vmul.f32 $8.000000000e+00, v4  }
0x1eb: {  	[tilespmem:s8+$0x15E10] =	vst v6;
	v3 =	vmul.f32 $8.000000000e+00, v3  }
0x1ec: {  	[tilespmem:s8+$0x15E20] =	vst v62;
	v0 =	vmul.f32 $8.000000000e+00, v0  }
0x1ed: {  	[tilespmem:s8+$0x15E30] =	vst v3;
	v1 =	vmul.f32 $8.000000000e+00, v1  }
0x1ee: {  	[tilespmem:s8+$0x15E40] =	vst v0;
	v63 =	vmul.f32 $8.000000000e+00, v61  }
0x1ef: {  	[tilespmem:s8+$0x15E50] =	vst v1  }
0x1f0: {  	s7 =	sadd.s32 $0x1, s7;
	[tilespmem:s8+$0x15E60] =	vst v63  }
0x1f1: {  	[hbm4b:s17+s3] =	stream.linear.scatter [tilespmem:s0], [sflag:$0x6], $0x3200, $0x38;
	[tilespmem:$0x19000] =	vst v63  }
0x1f2: {  	p0 =	sne.s32 s7, s18;
	_ =	swait.ge [sflag:s25], $0x3200  }
.Ltmp13:
0x1f3: {  	[sflag:s25] =	ssyncset.done $0x0;
	(pc) =	sbr.rel @p0 .LBB2_1-.Ltmp13, $4  }
0x1f4: {  	[sflag:s25] =	ssyncadd.s32 $0xFFFFCE00  }
0x1f5: {  	_ =	swait.ge [sflag:s29], $0x3200  }
0x1f6: {  	[sflag:s29] =	ssyncset.done $0x0  }
0x1f7: {  	[sflag:s29] =	ssyncadd.s32 $0xFFFFCE00  }
0x1f8: {  	_ =	sfence.sel $0x180000  }
0x1f9: {  	[bflag:$0x0] =	sbarrier.arrive $0xFFFF  }
0x1fa: {  	_ =	strace $0x90000047  }
0x1fb: {  	s0 =	stileid.u32;
	[bflag:$0x2] =	sbarrier.arrive $0xFFFF  }
0x1fc: {  	p0 =	sne.s32 s0, $0x0;
	s0 =	rddreg [dreg:$0x2]  }
0x1fd: {  	s0 =	sadd.s32 @!p0 $0x100000, s0  }
0x1fe: {  	[sflag:s0] =	ssyncadd.tile.s32 @!p0 $0x1;
	_ =	shalt  }
.Lfunc_end2:
_tile_overlayer_lowered:
.L_overlay_start_2:
0x1ff: {  	(tag) =	ssettag $0x2  }
0x200: {  	s0 =	rddreg [dreg:$0x0];
	s2 =	stileid.u32  }
0x201: {  	s1 =	rddreg [dreg:$0x1];
	p0 =	sne.s32 s2, $0x0  }
0x202: {  	s3 =	rddreg [dreg:$0x2];
	[bflag:$0x3] =	sbarrier.arrive $0xFFFF;
	s2 =	simm.s32 @!p0 $0x1C08  }
0x203: {  	[timem:s3], [sflag:s2] =	dma.local @!p0 [hbm:s0], s1  }
0x204: {  	s0 =	simm.s32 @!p0 $0x8  }
0x205: {  	_ =	swait.ge @!p0 [sflag:s0], s1  }
0x206: {  	s1 =	ssub.s32 @!p0 $0x0, s1;
	[sflag:s0] =	ssyncset.done @!p0 $0x0  }
0x207: {  	[sflag:s0] =	ssyncadd.s32 @!p0 s1  }
0x208: {  	[bflag:$0x3] =	sbarrier.arrive $0xFFFF  }
0x209: {  	_ =	shalt  }

// kernel: sparse-core-data-format-call.cloned.1.call-start
scs
called_computation_lowered:
.L_overlay_start_0:
0x0: {  	s2 =	sld [smem:$0x3FD9]  }
0x1: {  	s3 =	sld [smem:$0x3FFE];
	_ =	sdelay $0x1  }
0x2: {  	s1 =	srdreg.scid  }
0x3: {  	s0 =	sand.u32 $0x1, s1  }
0x4: {  	s18 =	sshll.u32 s0, $0xA;
	s2 =	sadd.s32 s3, s2  }
0x5: {  	s2 =	sadd.s32 s2, s18  }
0x6: {  	[smem:$0x3FC6] =	sst s2  }
0x7: {  	_ = 	snop  }
0x8: {  	s2 =	sld [smem:$0x3FD0];
	(tm) =	ssettm $0x1  }
0x9: {  	s19 =	sld [smem:$0x3FFB];
	_ =	sdelay $0x3  }
0xa: {  	_ =	strace s19  }
0xb: {  	s3 =	sld [smem:$0x3FFC];
	_ =	sdelay $0x3  }
0xc: {  	_ =	strace s3  }
0xd: {  	s3 =	sld [smem:$0x3FFD];
	_ =	sdelay $0x3  }
0xe: {  	_ =	strace s3  }
0xf: {  	_ =	strace $0x8FFFFFFF  }
0x10: {  	s20 =	sld [smem:$0x3FDB];
	_ =	sdelay $0x1  }
0x11: {  	s4 =	simm.s32 $_scs_section_size  }
0x12: {  	s5 =	simm.s32 $_size__tile_overlayer_lowered;
	s6 =	simm.s32 $_tile_overlayer_lowered  }
0x13: {  	s23 =	simm.s32 $0x1BFF;
	s22 =	sshll.u32 s6, $0x1;
	s3 =	sadd.s32 s4, s20  }
0x14: {  	s7 =	simm.s32 $0x0;
	s21 =	sshll.u32 s5, $0x1;
	s5 =	sadd.s32 s22, s3  }
0x15: {  	[timem:s7], [sflag:s23] =	dma.local [hbm:s5], s21  }
0x16: {  	_ =	swait.ge [sflag:s23], s21  }
0x17: {  	s4 =	ssub.s32 $0x0, s21;
	[sflag:s23] =	ssyncset.done $0x0  }
0x18: {  	[sflag:s23] =	ssyncadd.s32 s4;
	_ =	sdelay $0x1  }
0x19: {  	s24 =	simm.s32 $0x1B8B  }
0x1a: {  	_ =	swait.ge [sflag:s24], $0x1  }
0x1b: {  	[sflag:s24] =	ssyncset.done $0x0  }
0x1c: {  	s26 =	simm.s32 $0x1B8E;
	s25 =	sld [smem:$0x3FFE];
	[sflag:s24] =	ssyncadd.s32 $0xFFFFFFFF  }
0x1d: {  	s27 =	simm.s32 $execute0_lowered;
	[smem:$0x3FD2] =	sst s26  }
0x1e: {  	s5 =	sshll.u32 s27, $0x1;
	_ =	strace $0x80000049;
	[dreg:$0x1] =	wrdreg $0xFFFFFFFF  }
0x1f: {  	s28 =	simm.s32 $_size_execute0_lowered;
	s3 =	sadd.s32 s3, s5;
	[dreg:$0x0] =	wrdreg $0x0  }
0x20: {  	s5 =	sshll.u32 s28, $0x1;
	[dreg:$0x2] =	wrdreg s3  }
0x21: {  	[dreg:$0x3] =	wrdreg s5  }
0x22: {  	[dreg:$0x4] =	wrdreg $0xC0  }
0x23: {  	_ =	task [dreg:s7], $0x5FFFF  }
0x24: {  	[dreg:$0x1] =	wrdreg $0xFFFFFFFF  }
0x25: {  	[dreg:$0x0] =	wrdreg $0x60  }
0x26: {  	[dreg:$0x2] =	wrdreg s25  }
0x27: {  	[dreg:$0x3] =	wrdreg s2  }
0x28: {  	[dreg:$0x4] =	wrdreg $0x9  }
0x29: {  	_ =	task.clear_ibuf [dreg:s7], $0x5FFFF;
	_ =	strace $0x90000049  }
0x2a: {  	s29 =	simm.s32 $0x9;
	_ =	strace $0x8000004B  }
0x2b: {  	_ =	swait.ge [sflag:s29], $0x1  }
0x2c: {  	[sflag:s29] =	ssyncadd.s32 $0xFFFFFFFF  }
0x2d: {  	_ =	strace $0x9000004B  }
0x2e: {  	_ =	sfence  }
0x2f: {  	s30 =	sld [smem:$0x0];
	_ =	sdelay $0x2  }
0x30: {  	s31 =	sshll.u32 s1, $0xD;
	s1 =	sshrl.u32 s1, $0x2  }
0x31: {  	s3 =	sand.u32 $0x4000, s31;
	s1 =	sadd.s32 s1, s30  }
0x32: {  	s0 =	sor.u32 s3, s0;
	s1 =	sshll.u32 s1, $0x11  }
0x33: {  	s0 =	sor.u32 s1, s0  }
0x34: {  	s0 =	sadd.s32 $0x8F2B, s0  }
0x35: {  	[sflag:s0] =	ssyncadd.remote.s32 $0x1  }
0x36: {  	_ =	sfence.sel $0xFFFF  }
0x37: {  	[dreg:$0x0] =	wrdreg $0xFFFFFFFF;
	(pc) =	sbr.abs _section_cstart, $3  }
0x38: {  	[dreg:$0x1] =	wrdreg $0xFFFFFFFF  }
0x39: {  	_ =	task.clear_ibuf [dreg:s7], $0x2FFFF;
	_ =	strace $0x9FFFFFFF  }
0x3a: {  	(tm) =	ssettm $0x7FFFFFFF  }
0x3b: {  	_ =	shalt  }
tec
execute0_lowered:
.L_overlay_start_1:
0x0: {  	(tag) =	ssettag $0x1  }
0x1: {  	s0 =	srdreg.scid  }
0x2: {  	s1 =	sshll.u32 s0, $0x4  }
0x3: {  	s0 =	stileid.u32;
	s1 =	sand.u32 $0x10, s1  }
0x4: {  	s1 =	sor.u32 s0, s1  }
0x5: {  	s6 =	rddreg [dreg:$0x0];
	s4 =	simm.s32 $0x1;
	s2 =	sshll.u32 s1, $0x7  }
0x6: {  	s7 =	simm.s32 $0x2;
	s12 =	simm.s32 $0x0;
	s1 =	ssub.s32 $0x1000, s2  }
0x7: {  	s8 =	simm.s32 $0x8000;
	s13 =	simm.s32 $0x0;
	s3 =	sand.u32 $0xF80, s1  }
0x8: {  	s9 =	simm.s32 $0x0;
	s5 =	sshrl.u32 s1, $0xC;
	p0 =	sne.s32 s3, $0x0  }
.Ltmp0:
0x9: {  	s1 =	rddreg [dreg:$0x2];
	s4 =	simm.s32 @!p0 $0x0;
	(pc) =	sbr.rel .LBB1_1-.Ltmp0, $4  }
0xa: {  	s11 =	simm.s32 $0x0;
	s3 =	rddreg [dreg:$0x1];
	s5 =	sadd.s32 s4, s5  }
0xb: {  	_ =	strace $0x8000004A;
	s4 =	simm.s32 $0x1;
	s5 =	smul.u32 $0xC8, s5  }
0xc: {  	s6 =	sadd.s32 $0xA00, s6;
	s10 =	smov.u32 s2;
	[sflag:s4] =	ssyncpa.u1 $0x0  }
0xd: {  	p0 =	por $0x0, $0x0;
	[sflag:s7] =	ssyncpa.u1 $0x0;
	s7 =	sor.u32 $0x1, s5  }
.LBB1_4:
0xe: {  	s16 =	sshll.u32 s13, $0x3;
	s17 =	sand.u32 $0x78, s13  }
0xf: {  	s30 =	sand.u32 $0x7E00, s13;
	s12 =	sshll.u32 s12, $0xF;
	s16 =	sand.u32 $0xC00, s16  }
0x10: {  	[tilespmem:s15+$0x810 ss:$0x81] =	vst.msk $0xffff, v2;
	s31 =	sand.u32 $0x7, s13;
	s16 =	sor.u32 s17, s16;
	s17 =	sadd.s32 s3, s30  }
0x11: {  	[tilespmem:s15+$0x1020 ss:$0x81] =	vst.msk $0xffff, v0;
	s13 =	sshll.u32 s31, $0x12;
	s12 =	sadd.s32 s12, s17;
	s16 =	sshrl.u32 s16, $0x3  }
0x12: {  	[tilespmem:s15+$0x0 ss:$0x81] =	vst.msk $0xffff, v1;
	s13 =	sor.u32 $0x400, s13;
	s12 =	sadd.s32 s16, s12  }
0x13: {  	[hbm4b:s12+s13] =	stream.strided.scatter [tilespmem:s14], [sflag:$0x2], $0x2000, s8, s13, $0x20;
	[tilespmem:$0x8080] =	vst v63  }
.LBB1_5:
0x14: {  	s14 =	sadd.s32 $0x1, s9  }
0x15: {  	s12 =	sadd.s32 $0x1000, s10;
	s16 =	smov.u32 s10;
	p2 =	sgt.s32 s14, $0xC7  }
0x16: {  	s16 =	smov.u32 @p2 s12  }
0x17: {  	s14 =	simm.s32 @p2 $0x0;
	p2 =	sgt.s32 s16, $0xFFF  }
0x18: {  	s16 =	smov.u32 @p2 s2;
	p2 =	sne.s32 s11, s7  }
.Ltmp1:
0x19: {  	p1 =	slt.u32 s11, $0x2;
	(pc) =	sbr.rel @!p2 .LBB1_6-.Ltmp1, $4  }
0x1a: {  	s15 =	simm.s32 @!p1 $0x2  }
0x1b: {  	s13 =	smov.u32 s10;
	p0 =	por !p0, !p0;
	_ =	swait.ge @!p1 [sflag:s15], $0x2000  }
0x1c: {  	s12 =	smov.u32 s9;
	[sflag:s15] =	ssyncset.done @!p1 $0x0;
	s9 =	smov.u32 s14  }
0x1d: {  	s11 =	sadd.s32 $0x1, s11;
	[sflag:s15] =	ssyncadd.s32 @!p1 $0xFFFFE000;
	s10 =	smov.u32 s16  }
.LBB1_1:
0x1e: {  	p1 =	sge.u32 s11, s5  }
0x1f: {  	s14 =	sand.u32 @!p1 $0x1FFFFFF, s9  }
0x20: {  	s15 =	smulhi.u32 @!p1 $0x147AE15, s14;
	_ =	sdelay $0x1  }
0x21: {  	s15 =	smul.u32 @!p1 $0xC8, s15  }
0x22: {  	s16 =	sxor.u32 @!p1 $0xFFFFFFFF, s11;
	s17 =	smul.u32 @!p1 $0xC80, s10  }
0x23: {  	s31 =	sadd.s32 $0xFFFFFFFF, s11;
	s16 =	sshll.u32 @!p1 s16, $0xD;
	s14 =	ssub.s32 @!p1 s14, s15  }
0x24: {  	s15 =	sand.u32 @!p1 $0x2000, s16;
	s16 =	sadd.s32 @!p1 s6, s17;
	s14 =	sshll.u32 @!p1 s14, $0x4  }
0x25: {  	s17 =	simm.s32 @!p1 $0x6400;
	s14 =	sadd.s32 @!p1 s14, s16;
	s16 =	simm.s32 @!p1 $0x40  }
0x26: {  	[tilespmem:s15], [sflag:$0x1] =	stream.strided.gather @!p1 [hbm4b:s14+s16], $0x2000, s17, s16, $0x38;
	[tilespmem:$0x8080] =	vst v63  }
0x27: {  	p1 =	sge.u32 s31, s5  }
.Ltmp2:
0x28: {  	_ = 	snop;
	(pc) =	sbr.rel @p1 .LBB1_5-.Ltmp2, $1  }
0x29: {  	_ =	sdelay $0x3  }
0x2a: {  	s14 =	simm.s32 $0x1  }
0x2b: {  	_ =	swait.ge [sflag:s4], $0x2000;
	s14 =	simm.s32 @!p0 $0x0  }
0x2c: {  	[sflag:s4] =	ssyncset.done $0x0;
	s15 =	sshll.u32 s14, $0xD  }
0x2d: {  	[sflag:s4] =	ssyncadd.s32 $0xFFFFE000;
	s18 =	sor.u32 $0x20, s15  }
0x2e: {  	s14 =	smul.u32 $0x8100, s14;
	v3 =	vld [tilespmem:s18+$0x10]  }
0x2f: {  	s30 =	sand.u32 $0x1, s11;
	v2 =	vld [tilespmem:s18+$0xFFFFFFF0]  }
0x30: {  	s15 =	smul.u32 $0x8100, s30;
	s14 =	sshrl.u32 s14, $0x2;
	v0 =	vld [tilespmem:s18+$0x0]  }
0x31: {  	v1 =	vld [tilespmem:s18+$0xFFFFFFE0];
	s16 =	sor.u32 $0x4000, s14  }
0x32: {  	s31 =	sshrl.u32 s15, $0x2;
	s15 =	sadd.s32 $0x0, s16  }
0x33: {  	s17 =	simm.s32 $0x4;
	s18 =	sadd.s32 $0x40, s18;
	s14 =	sor.u32 $0x4000, s31;
	[tilespmem:s15+$0x1830 ss:$0x81] =	vst.msk $0xffff, v3  }
.LBB1_3:
0x34: {  	v3 =	vld [tilespmem:s18+$0x10];
	p1 =	sne.s32 s17, $0x1FC;
	[tilespmem:s15+$0x810 ss:$0x81] =	vst.msk $0xffff, v2;
	s19 =	smov.u32 s17;
	s17 =	sadd.s32 $0x4, s17  }
.Ltmp3:
0x35: {  	v2 =	vld [tilespmem:s18+$0xFFFFFFF0];
	[tilespmem:s15+$0x1020 ss:$0x81] =	vst.msk $0xffff, v0;
	(pc) =	sbr.rel @p1 .LBB1_3-.Ltmp3, $4  }
0x36: {  	v0 =	vld [tilespmem:s18+$0x0];
	[tilespmem:s15+$0x0 ss:$0x81] =	vst.msk $0xffff, v1  }
0x37: {  	s15 =	sshra.s32 s19, $0x2;
	v1 =	vld [tilespmem:s18+$0xFFFFFFE0]  }
0x38: {  	s15 =	sadd.s32 s15, s16  }
0x39: {  	s18 =	sadd.s32 $0x40, s18;
	[tilespmem:s15+$0x1830 ss:$0x81] =	vst.msk $0xffff, v3  }
.Ltmp4:
0x3a: {  	_ = 	snop;
	(pc) =	sbr.rel .LBB1_4-.Ltmp4, $1  }
0x3b: {  	_ =	sdelay $0x3  }
.LBB1_6:
0x3c: {  	_ =	sfence.sel $0x180000  }
0x3d: {  	s2 =	simm.s32 $0x1;
	[bflag:$0x0] =	sbarrier.arrive $0xFFFF  }
0x3e: {  	s31 =	simm.s32 $0x2;
	[sflag:s2] =	ssyncpa.u1 $0x1  }
0x3f: {  	[sflag:s31] =	ssyncpa.u1 $0x1  }
0x40: {  	p0 =	sne.s32 s0, $0x0;
	_ =	strace $0x9000004A  }
0x41: {  	s0 =	sadd.s32 @!p0 $0x100000, s1;
	[bflag:$0x2] =	sbarrier.arrive $0xFFFF  }
0x42: {  	[sflag:s0] =	ssyncadd.tile.s32 @!p0 $0x1;
	_ =	shalt  }
.Lfunc_end1:
_tile_overlayer_lowered:
.L_overlay_start_2:
0x43: {  	(tag) =	ssettag $0x2  }
0x44: {  	s0 =	rddreg [dreg:$0x0];
	s2 =	stileid.u32  }
0x45: {  	s1 =	rddreg [dreg:$0x1];
	p0 =	sne.s32 s2, $0x0  }
0x46: {  	s3 =	rddreg [dreg:$0x2];
	[bflag:$0x3] =	sbarrier.arrive $0xFFFF;
	s2 =	simm.s32 @!p0 $0x1C01  }
0x47: {  	[timem:s3], [sflag:s2] =	dma.local @!p0 [hbm:s0], s1  }
0x48: {  	s0 =	simm.s32 @!p0 $0x1  }
0x49: {  	_ =	swait.ge @!p0 [sflag:s0], s1  }
0x4a: {  	s1 =	ssub.s32 @!p0 $0x0, s1;
	[sflag:s0] =	ssyncset.done @!p0 $0x0  }
0x4b: {  	[sflag:s0] =	ssyncadd.s32 @!p0 s1  }
0x4c: {  	[bflag:$0x3] =	sbarrier.arrive $0xFFFF  }
0x4d: {  	_ =	shalt  }

</sc_bundles>
